<compile_context>
chip_gen: v7x
topology: tpu7x:2x2x1
jax: 0.10.2.dev20260603
libtpu: 0.0.44.dev20260713+nightly
codegen_flags: <defaults>
</compile_context>

<pallas_src>
import functools

import jax
import jax.numpy as jnp
from jax import lax
from jax.experimental import pallas as pl
from jax.experimental.pallas import tpu as pltpu
from jax.experimental.pallas import tpu_sc as plsc

_C = 128
_NBUF = 2


@functools.cache
def _build(H, B, V, D):
    info = plsc.get_sparse_core_info()
    NC, NS, L = info.num_cores, info.num_subcores, info.num_lanes
    NW = NC * NS
    stripe = B // NW
    blocks_per_h = stripe // _C
    n_blocks = H * blocks_per_h
    assert n_blocks % _NBUF == 0
    G = _C // L

    mesh = plsc.VectorSubcoreMesh(core_axis_name="c", subcore_axis_name="s")

    @functools.partial(
        pl.kernel,
        mesh=mesh,
        out_type=jax.ShapeDtypeStruct((H, D, B), jnp.float32),
        scratch_types=[
            pltpu.VMEM((H, stripe), jnp.int32),
            pltpu.VMEM((_NBUF, _C), jnp.int32),
            pltpu.VMEM((_NBUF, _C), jnp.int32),
            pltpu.VMEM((_NBUF, _C, 137), jnp.float32),
            pltpu.VMEM((_NBUF, D, _C), jnp.float32),
            pltpu.SemaphoreType.DMA((_NBUF,)),
            pltpu.SemaphoreType.DMA((_NBUF,)),
        ],
        compiler_params=pltpu.CompilerParams(
            use_tc_tiling_on_sc=True,
            needs_layout_passes=False,
            disable_bounds_checks=True,
        ),
    )
    def gather_kernel(xt_hbm, w2_hbm, out_hbm, idx_all, idxg, vsel, gbuf,
                      out_t, gsems, ssems):
        wid = lax.axis_index("s") * NC + lax.axis_index("c")
        col_base = wid * stripe

        pltpu.sync_copy(xt_hbm.at[:, pl.ds(col_base, stripe)], idx_all)

        def prep_fire(b, s):
            h = s // blocks_per_h
            boff = (s % blocks_per_h) * _C
            for g in range(G):
                v = idx_all[h, pl.ds(boff + g * L, L)]
                idxg[b, pl.ds(g * L, L)] = lax.shift_right_logical(v, 1)
                vsel[b, pl.ds(g * L, L)] = lax.shift_left(
                    lax.bitwise_and(v, 1), 6
                )
            pltpu.async_copy(
                w2_hbm.at[idxg.at[b]],
                gbuf.at[b, :, pl.ds(0, 128)],
                gsems.at[b],
            )

        def wait_gather(b):
            pltpu.make_async_copy(
                w2_hbm.at[pl.ds(0, _C)],
                gbuf.at[b, :, pl.ds(0, 128)],
                gsems.at[b],
            ).wait()

        def transpose(b):
            rows_l = [
                jnp.arange(L, dtype=jnp.int32) + (g * L) for g in range(G)
            ]
            sel_l = [vsel[b, pl.ds(g * L, L)] for g in range(G)]

            @plsc.parallel_loop(0, D, 1, unroll=8)
            def _(d):
                for g in range(G):
                    vals = plsc.load_gather(
                        gbuf.at[b], [rows_l[g], sel_l[g] + d]
                    )
                    out_t[b, d, pl.ds(g * L, L)] = vals

        def store_start(b, s):
            h = s // blocks_per_h
            col0 = col_base + (s % blocks_per_h) * _C
            pltpu.async_copy(
                out_t.at[b], out_hbm.at[h, :, pl.ds(col0, _C)], ssems.at[b]
            )

        def wait_store(b):
            pltpu.make_async_copy(
                out_t.at[b], out_hbm.at[0, :, pl.ds(0, _C)], ssems.at[b]
            ).wait()

        prep_fire(0, 0)

        def body(i, carry):
            for b in range(_NBUF):
                s = i * _NBUF + b
                nxt = s + 1
                bf = (b + 1) % _NBUF

                @pl.when(s >= 1)
                def _():
                    wait_store(bf)

                @pl.when(nxt < n_blocks)
                def _():
                    prep_fire(bf, nxt)

                wait_gather(b)
                transpose(b)
                store_start(b, s)
            return carry

        lax.fori_loop(0, n_blocks // _NBUF, body, 0)
        wait_store((n_blocks - 1) % _NBUF)

    return gather_kernel


def kernel(x, weight):
    B, H = x.shape
    V, D = weight.shape
    xt = x.T
    w2 = weight.reshape(V // 2, 2 * D)
    out3 = _build(H, B, V, D)(xt, w2)
    return out3.transpose(2, 0, 1)

# --- scband reference (transcript-rebuilt; emitter-appended) ---
"""Pipeline reference for scband-decomposed-embedding-28363964023613 (READ-ONLY COPY).

The authoritative reference and input builder live on the scoring server;
editing this copy changes nothing except your own understanding.
"""

import jax, jax.numpy as jnp
import numpy as np

VOCAB = 1000000
DIM = 64
HALF = VOCAB // 2
BATCH = 16384
HIST = 50


def setup_inputs(seed: int = 0) -> dict:
    key = jax.random.key(seed)
    k1, k2 = jax.random.split(key)
    x = jax.random.randint(k1, (BATCH, HIST), 0, VOCAB, dtype=jnp.int32)
    weight = jax.random.normal(k2, (VOCAB, DIM), dtype=jnp.float32) * 0.02
    return {"x": x, "weight": weight}


def reference(x, weight):
    # Faithful translation of DecomposedEmbedding.forward.
    # Note: mask/x1/x2 are computed in the original forward but do not
    # affect the returned value; we reproduce them for faithfulness.
    mask = (x < HALF).astype(jnp.int32)
    x1 = x * mask
    x2 = (x - HALF) * (1 - mask)
    _ = (x1, x2)
    flat = x.reshape(-1)
    out = jnp.take(weight, flat, axis=0)
    return out.reshape(x.shape + (DIM,))

if __name__ == "__main__":
    import jax
    _d = setup_inputs()
    print(jax.jit(kernel)(*tuple(_d.values())))

</pallas_src>

<mosaic_0001>
#map = affine_map<(d0, d1) -> (0, 0)>
#map1 = affine_map<(d0, d1) -> (0, 0, 0)>
module attributes {stable_mosaic.version = 14 : i64} {
  func.func @gather_kernel(%arg0: i32, %arg1: i32, %arg2: memref<50x16384xi32, #tpu.memory_space<hbm>>, %arg3: memref<500000x128xf32, #tpu.memory_space<hbm>>, %arg4: memref<50x64x16384xf32, #tpu.memory_space<hbm>>, %arg5: memref<50x512xi32, #tpu.memory_space<vmem>>, %arg6: memref<2x128xi32, #tpu.memory_space<vmem>>, %arg7: memref<2x128xi32, #tpu.memory_space<vmem>>, %arg8: memref<2x128x137xf32, #tpu.memory_space<vmem>>, %arg9: memref<2x64x128xf32, #tpu.memory_space<vmem>>, %arg10: memref<2x!tpu.dma_semaphore, #tpu.memory_space<semaphore_mem>>, %arg11: memref<2x!tpu.dma_semaphore, #tpu.memory_space<semaphore_mem>>) attributes {dimension_semantics = [#tpu.dimension_semantics<core_parallel>, #tpu.dimension_semantics<subcore_parallel>], iteration_bounds = array<i64: 2, 16>, scalar_prefetch = 0 : i64, scratch_operands = 7 : i64, tpu.core_type = #tpu.core_type<sc_vector_subcore>, window_params = [{transform_indices = #map}, {transform_indices = #map}, {transform_indices = #map1}]} {
    %mul3A = arith.constant 2 : i32
    %mul3A_0 = arith.muli %arg1, %mul3A : i32
    %add3A = arith.addi %mul3A_0, %arg0 : i32
    %mul3A_1 = arith.constant 512 : i32
    %mul3A_2 = arith.muli %add3A, %mul3A_1 : i32
    "tpu.region"() ({
      %run_scoped3A = tpu.sem_alloc : memref<!tpu.dma_semaphore, #tpu.memory_space<semaphore_mem>>
      %dma_start3A_205 = arith.constant 0 : i32
      %dma_start3A_206 = tpu.memref_slice %arg2[%dma_start3A_205, %mul3A_2] : memref<50x16384xi32, #tpu.memory_space<hbm>> -> memref<50x512xi32, #tpu.memory_space<hbm>>
      %dma_start3A_207 = arith.constant 0 : i32
      %dma_start3A_208 = tpu.memref_slice %arg2[%dma_start3A_207, %mul3A_2] : memref<50x16384xi32, #tpu.memory_space<hbm>> -> memref<50x512xi32, #tpu.memory_space<hbm>>
      tpu.enqueue_dma source(%dma_start3A_208 : memref<50x512xi32, #tpu.memory_space<hbm>>) target(%arg5 : memref<50x512xi32, #tpu.memory_space<vmem>>) target_semaphore(%run_scoped3A : memref<!tpu.dma_semaphore, #tpu.memory_space<semaphore_mem>>)
      %dma_wait3A_209 = arith.constant 0 : i32
      %dma_wait3A_210 = tpu.memref_slice %arg2[%dma_wait3A_209, %mul3A_2] : memref<50x16384xi32, #tpu.memory_space<hbm>> -> memref<50x512xi32, #tpu.memory_space<hbm>>
      %dma_wait3A_211 = arith.constant 0 : i32
      %dma_wait3A_212 = tpu.memref_slice %arg2[%dma_wait3A_211, %mul3A_2] : memref<50x16384xi32, #tpu.memory_space<hbm>> -> memref<50x512xi32, #tpu.memory_space<hbm>>
      tpu.wait_dma2 semaphore(%run_scoped3A : memref<!tpu.dma_semaphore, #tpu.memory_space<semaphore_mem>>) src(%dma_wait3A_212 : memref<50x512xi32, #tpu.memory_space<hbm>>) dst(%arg5 : memref<50x512xi32, #tpu.memory_space<vmem>>)
      tpu.yield
    }) : () -> ()
    %get3A = arith.constant 0 : i32
    %get3A_3 = arith.index_cast %get3A : i32 to index
    %get3A_4 = arith.constant 0 : index
    %get3A_5 = tpu.vector_load %arg5[%get3A_3, %get3A_4] {strides = array<i32>} : memref<50x512xi32, #tpu.memory_space<vmem>>, vector<16xi32>,
    %shift_right_logical3A = arith.constant 1 : i32
    %shift_right_logical3A_6 = vector.broadcast %shift_right_logical3A : i32 to vector<16xi32>
    %shift_right_logical3A_7 = arith.shrui %get3A_5, %shift_right_logical3A_6 : vector<16xi32>
    %swap3A = arith.constant 0 : i32
    %swap3A_8 = arith.index_cast %swap3A : i32 to index
    %swap3A_9 = arith.constant 0 : index
    %swap3A_10 = tpu.vector_load %arg6[%swap3A_8, %swap3A_9] {strides = array<i32>} : memref<2x128xi32, #tpu.memory_space<vmem>>, vector<16xi32>,
    tpu.vector_store %arg6[%swap3A_8, %swap3A_9], %shift_right_logical3A_7 {strides = array<i32>} : memref<2x128xi32, #tpu.memory_space<vmem>>, vector<16xi32>,
    %and3A = arith.constant 1 : i32
    %and3A_11 = vector.broadcast %and3A : i32 to vector<16xi32>
    %and3A_12 = arith.andi %get3A_5, %and3A_11 : vector<16xi32>
    %shift_left3A = arith.constant 6 : i32
    %shift_left3A_13 = vector.broadcast %shift_left3A : i32 to vector<16xi32>
    %shift_left3A_14 = arith.shli %and3A_12, %shift_left3A_13 : vector<16xi32>
    %swap3A_15 = arith.constant 0 : i32
    %swap3A_16 = arith.index_cast %swap3A_15 : i32 to index
    %swap3A_17 = arith.constant 0 : index
    %swap3A_18 = tpu.vector_load %arg7[%swap3A_16, %swap3A_17] {strides = array<i32>} : memref<2x128xi32, #tpu.memory_space<vmem>>, vector<16xi32>,
    tpu.vector_store %arg7[%swap3A_16, %swap3A_17], %shift_left3A_14 {strides = array<i32>} : memref<2x128xi32, #tpu.memory_space<vmem>>, vector<16xi32>,
    %get3A_19 = arith.constant 0 : i32
    %get3A_20 = arith.index_cast %get3A_19 : i32 to index
    %get3A_21 = arith.constant 16 : index
    %get3A_22 = tpu.vector_load %arg5[%get3A_20, %get3A_21] {strides = array<i32>} : memref<50x512xi32, #tpu.memory_space<vmem>>, vector<16xi32>,
    %shift_right_logical3A_23 = arith.constant 1 : i32
    %shift_right_logical3A_24 = vector.broadcast %shift_right_logical3A_23 : i32 to vector<16xi32>
    %shift_right_logical3A_25 = arith.shrui %get3A_22, %shift_right_logical3A_24 : vector<16xi32>
    %swap3A_26 = arith.constant 0 : i32
    %swap3A_27 = arith.index_cast %swap3A_26 : i32 to index
    %swap3A_28 = arith.constant 16 : index
    %swap3A_29 = tpu.vector_load %arg6[%swap3A_27, %swap3A_28] {strides = array<i32>} : memref<2x128xi32, #tpu.memory_space<vmem>>, vector<16xi32>,
    tpu.vector_store %arg6[%swap3A_27, %swap3A_28], %shift_right_logical3A_25 {strides = array<i32>} : memref<2x128xi32, #tpu.memory_space<vmem>>, vector<16xi32>,
    %and3A_30 = arith.constant 1 : i32
    %and3A_31 = vector.broadcast %and3A_30 : i32 to vector<16xi32>
    %and3A_32 = arith.andi %get3A_22, %and3A_31 : vector<16xi32>
    %shift_left3A_33 = arith.constant 6 : i32
    %shift_left3A_34 = vector.broadcast %shift_left3A_33 : i32 to vector<16xi32>
    %shift_left3A_35 = arith.shli %and3A_32, %shift_left3A_34 : vector<16xi32>
    %swap3A_36 = arith.constant 0 : i32
    %swap3A_37 = arith.index_cast %swap3A_36 : i32 to index
    %swap3A_38 = arith.constant 16 : index
    %swap3A_39 = tpu.vector_load %arg7[%swap3A_37, %swap3A_38] {strides = array<i32>} : memref<2x128xi32, #tpu.memory_space<vmem>>, vector<16xi32>,
    tpu.vector_store %arg7[%swap3A_37, %swap3A_38], %shift_left3A_35 {strides = array<i32>} : memref<2x128xi32, #tpu.memory_space<vmem>>, vector<16xi32>,
    %get3A_40 = arith.constant 0 : i32
    %get3A_41 = arith.index_cast %get3A_40 : i32 to index
    %get3A_42 = arith.constant 32 : index
    %get3A_43 = tpu.vector_load %arg5[%get3A_41, %get3A_42] {strides = array<i32>} : memref<50x512xi32, #tpu.memory_space<vmem>>, vector<16xi32>,
    %shift_right_logical3A_44 = arith.constant 1 : i32
    %shift_right_logical3A_45 = vector.broadcast %shift_right_logical3A_44 : i32 to vector<16xi32>
    %shift_right_logical3A_46 = arith.shrui %get3A_43, %shift_right_logical3A_45 : vector<16xi32>
    %swap3A_47 = arith.constant 0 : i32
    %swap3A_48 = arith.index_cast %swap3A_47 : i32 to index
    %swap3A_49 = arith.constant 32 : index
    %swap3A_50 = tpu.vector_load %arg6[%swap3A_48, %swap3A_49] {strides = array<i32>} : memref<2x128xi32, #tpu.memory_space<vmem>>, vector<16xi32>,
    tpu.vector_store %arg6[%swap3A_48, %swap3A_49], %shift_right_logical3A_46 {strides = array<i32>} : memref<2x128xi32, #tpu.memory_space<vmem>>, vector<16xi32>,
    %and3A_51 = arith.constant 1 : i32
    %and3A_52 = vector.broadcast %and3A_51 : i32 to vector<16xi32>
    %and3A_53 = arith.andi %get3A_43, %and3A_52 : vector<16xi32>
    %shift_left3A_54 = arith.constant 6 : i32
    %shift_left3A_55 = vector.broadcast %shift_left3A_54 : i32 to vector<16xi32>
    %shift_left3A_56 = arith.shli %and3A_53, %shift_left3A_55 : vector<16xi32>
    %swap3A_57 = arith.constant 0 : i32
    %swap3A_58 = arith.index_cast %swap3A_57 : i32 to index
    %swap3A_59 = arith.constant 32 : index
    %swap3A_60 = tpu.vector_load %arg7[%swap3A_58, %swap3A_59] {strides = array<i32>} : memref<2x128xi32, #tpu.memory_space<vmem>>, vector<16xi32>,
    tpu.vector_store %arg7[%swap3A_58, %swap3A_59], %shift_left3A_56 {strides = array<i32>} : memref<2x128xi32, #tpu.memory_space<vmem>>, vector<16xi32>,
    %get3A_61 = arith.constant 0 : i32
    %get3A_62 = arith.index_cast %get3A_61 : i32 to index
    %get3A_63 = arith.constant 48 : index
    %get3A_64 = tpu.vector_load %arg5[%get3A_62, %get3A_63] {strides = array<i32>} : memref<50x512xi32, #tpu.memory_space<vmem>>, vector<16xi32>,
    %shift_right_logical3A_65 = arith.constant 1 : i32
    %shift_right_logical3A_66 = vector.broadcast %shift_right_logical3A_65 : i32 to vector<16xi32>
    %shift_right_logical3A_67 = arith.shrui %get3A_64, %shift_right_logical3A_66 : vector<16xi32>
    %swap3A_68 = arith.constant 0 : i32
    %swap3A_69 = arith.index_cast %swap3A_68 : i32 to index
    %swap3A_70 = arith.constant 48 : index
    %swap3A_71 = tpu.vector_load %arg6[%swap3A_69, %swap3A_70] {strides = array<i32>} : memref<2x128xi32, #tpu.memory_space<vmem>>, vector<16xi32>,
    tpu.vector_store %arg6[%swap3A_69, %swap3A_70], %shift_right_logical3A_67 {strides = array<i32>} : memref<2x128xi32, #tpu.memory_space<vmem>>, vector<16xi32>,
    %and3A_72 = arith.constant 1 : i32
    %and3A_73 = vector.broadcast %and3A_72 : i32 to vector<16xi32>
    %and3A_74 = arith.andi %get3A_64, %and3A_73 : vector<16xi32>
    %shift_left3A_75 = arith.constant 6 : i32
    %shift_left3A_76 = vector.broadcast %shift_left3A_75 : i32 to vector<16xi32>
    %shift_left3A_77 = arith.shli %and3A_74, %shift_left3A_76 : vector<16xi32>
    %swap3A_78 = arith.constant 0 : i32
    %swap3A_79 = arith.index_cast %swap3A_78 : i32 to index
    %swap3A_80 = arith.constant 48 : index
    %swap3A_81 = tpu.vector_load %arg7[%swap3A_79, %swap3A_80] {strides = array<i32>} : memref<2x128xi32, #tpu.memory_space<vmem>>, vector<16xi32>,
    tpu.vector_store %arg7[%swap3A_79, %swap3A_80], %shift_left3A_77 {strides = array<i32>} : memref<2x128xi32, #tpu.memory_space<vmem>>, vector<16xi32>,
    %get3A_82 = arith.constant 0 : i32
    %get3A_83 = arith.index_cast %get3A_82 : i32 to index
    %get3A_84 = arith.constant 64 : index
    %get3A_85 = tpu.vector_load %arg5[%get3A_83, %get3A_84] {strides = array<i32>} : memref<50x512xi32, #tpu.memory_space<vmem>>, vector<16xi32>,
    %shift_right_logical3A_86 = arith.constant 1 : i32
    %shift_right_logical3A_87 = vector.broadcast %shift_right_logical3A_86 : i32 to vector<16xi32>
    %shift_right_logical3A_88 = arith.shrui %get3A_85, %shift_right_logical3A_87 : vector<16xi32>
    %swap3A_89 = arith.constant 0 : i32
    %swap3A_90 = arith.index_cast %swap3A_89 : i32 to index
    %swap3A_91 = arith.constant 64 : index
    %swap3A_92 = tpu.vector_load %arg6[%swap3A_90, %swap3A_91] {strides = array<i32>} : memref<2x128xi32, #tpu.memory_space<vmem>>, vector<16xi32>,
    tpu.vector_store %arg6[%swap3A_90, %swap3A_91], %shift_right_logical3A_88 {strides = array<i32>} : memref<2x128xi32, #tpu.memory_space<vmem>>, vector<16xi32>,
    %and3A_93 = arith.constant 1 : i32
    %and3A_94 = vector.broadcast %and3A_93 : i32 to vector<16xi32>
    %and3A_95 = arith.andi %get3A_85, %and3A_94 : vector<16xi32>
    %shift_left3A_96 = arith.constant 6 : i32
    %shift_left3A_97 = vector.broadcast %shift_left3A_96 : i32 to vector<16xi32>
    %shift_left3A_98 = arith.shli %and3A_95, %shift_left3A_97 : vector<16xi32>
    %swap3A_99 = arith.constant 0 : i32
    %swap3A_100 = arith.index_cast %swap3A_99 : i32 to index
    %swap3A_101 = arith.constant 64 : index
    %swap3A_102 = tpu.vector_load %arg7[%swap3A_100, %swap3A_101] {strides = array<i32>} : memref<2x128xi32, #tpu.memory_space<vmem>>, vector<16xi32>,
    tpu.vector_store %arg7[%swap3A_100, %swap3A_101], %shift_left3A_98 {strides = array<i32>} : memref<2x128xi32, #tpu.memory_space<vmem>>, vector<16xi32>,
    %get3A_103 = arith.constant 0 : i32
    %get3A_104 = arith.index_cast %get3A_103 : i32 to index
    %get3A_105 = arith.constant 80 : index
    %get3A_106 = tpu.vector_load %arg5[%get3A_104, %get3A_105] {strides = array<i32>} : memref<50x512xi32, #tpu.memory_space<vmem>>, vector<16xi32>,
    %shift_right_logical3A_107 = arith.constant 1 : i32
    %shift_right_logical3A_108 = vector.broadcast %shift_right_logical3A_107 : i32 to vector<16xi32>
    %shift_right_logical3A_109 = arith.shrui %get3A_106, %shift_right_logical3A_108 : vector<16xi32>
    %swap3A_110 = arith.constant 0 : i32
    %swap3A_111 = arith.index_cast %swap3A_110 : i32 to index
    %swap3A_112 = arith.constant 80 : index
    %swap3A_113 = tpu.vector_load %arg6[%swap3A_111, %swap3A_112] {strides = array<i32>} : memref<2x128xi32, #tpu.memory_space<vmem>>, vector<16xi32>,
    tpu.vector_store %arg6[%swap3A_111, %swap3A_112], %shift_right_logical3A_109 {strides = array<i32>} : memref<2x128xi32, #tpu.memory_space<vmem>>, vector<16xi32>,
    %and3A_114 = arith.constant 1 : i32
    %and3A_115 = vector.broadcast %and3A_114 : i32 to vector<16xi32>
    %and3A_116 = arith.andi %get3A_106, %and3A_115 : vector<16xi32>
    %shift_left3A_117 = arith.constant 6 : i32
    %shift_left3A_118 = vector.broadcast %shift_left3A_117 : i32 to vector<16xi32>
    %shift_left3A_119 = arith.shli %and3A_116, %shift_left3A_118 : vector<16xi32>
    %swap3A_120 = arith.constant 0 : i32
    %swap3A_121 = arith.index_cast %swap3A_120 : i32 to index
    %swap3A_122 = arith.constant 80 : index
    %swap3A_123 = tpu.vector_load %arg7[%swap3A_121, %swap3A_122] {strides = array<i32>} : memref<2x128xi32, #tpu.memory_space<vmem>>, vector<16xi32>,
    tpu.vector_store %arg7[%swap3A_121, %swap3A_122], %shift_left3A_119 {strides = array<i32>} : memref<2x128xi32, #tpu.memory_space<vmem>>, vector<16xi32>,
    %get3A_124 = arith.constant 0 : i32
    %get3A_125 = arith.index_cast %get3A_124 : i32 to index
    %get3A_126 = arith.constant 96 : index
    %get3A_127 = tpu.vector_load %arg5[%get3A_125, %get3A_126] {strides = array<i32>} : memref<50x512xi32, #tpu.memory_space<vmem>>, vector<16xi32>,
    %shift_right_logical3A_128 = arith.constant 1 : i32
    %shift_right_logical3A_129 = vector.broadcast %shift_right_logical3A_128 : i32 to vector<16xi32>
    %shift_right_logical3A_130 = arith.shrui %get3A_127, %shift_right_logical3A_129 : vector<16xi32>
    %swap3A_131 = arith.constant 0 : i32
    %swap3A_132 = arith.index_cast %swap3A_131 : i32 to index
    %swap3A_133 = arith.constant 96 : index
    %swap3A_134 = tpu.vector_load %arg6[%swap3A_132, %swap3A_133] {strides = array<i32>} : memref<2x128xi32, #tpu.memory_space<vmem>>, vector<16xi32>,
    tpu.vector_store %arg6[%swap3A_132, %swap3A_133], %shift_right_logical3A_130 {strides = array<i32>} : memref<2x128xi32, #tpu.memory_space<vmem>>, vector<16xi32>,
    %and3A_135 = arith.constant 1 : i32
    %and3A_136 = vector.broadcast %and3A_135 : i32 to vector<16xi32>
    %and3A_137 = arith.andi %get3A_127, %and3A_136 : vector<16xi32>
    %shift_left3A_138 = arith.constant 6 : i32
    %shift_left3A_139 = vector.broadcast %shift_left3A_138 : i32 to vector<16xi32>
    %shift_left3A_140 = arith.shli %and3A_137, %shift_left3A_139 : vector<16xi32>
    %swap3A_141 = arith.constant 0 : i32
    %swap3A_142 = arith.index_cast %swap3A_141 : i32 to index
    %swap3A_143 = arith.constant 96 : index
    %swap3A_144 = tpu.vector_load %arg7[%swap3A_142, %swap3A_143] {strides = array<i32>} : memref<2x128xi32, #tpu.memory_space<vmem>>, vector<16xi32>,
    tpu.vector_store %arg7[%swap3A_142, %swap3A_143], %shift_left3A_140 {strides = array<i32>} : memref<2x128xi32, #tpu.memory_space<vmem>>, vector<16xi32>,
    %get3A_145 = arith.constant 0 : i32
    %get3A_146 = arith.index_cast %get3A_145 : i32 to index
    %get3A_147 = arith.constant 112 : index
    %get3A_148 = tpu.vector_load %arg5[%get3A_146, %get3A_147] {strides = array<i32>} : memref<50x512xi32, #tpu.memory_space<vmem>>, vector<16xi32>,
    %shift_right_logical3A_149 = arith.constant 1 : i32
    %shift_right_logical3A_150 = vector.broadcast %shift_right_logical3A_149 : i32 to vector<16xi32>
    %shift_right_logical3A_151 = arith.shrui %get3A_148, %shift_right_logical3A_150 : vector<16xi32>
    %swap3A_152 = arith.constant 0 : i32
    %swap3A_153 = arith.index_cast %swap3A_152 : i32 to index
    %swap3A_154 = arith.constant 112 : index
    %swap3A_155 = tpu.vector_load %arg6[%swap3A_153, %swap3A_154] {strides = array<i32>} : memref<2x128xi32, #tpu.memory_space<vmem>>, vector<16xi32>,
    tpu.vector_store %arg6[%swap3A_153, %swap3A_154], %shift_right_logical3A_151 {strides = array<i32>} : memref<2x128xi32, #tpu.memory_space<vmem>>, vector<16xi32>,
    %and3A_156 = arith.constant 1 : i32
    %and3A_157 = vector.broadcast %and3A_156 : i32 to vector<16xi32>
    %and3A_158 = arith.andi %get3A_148, %and3A_157 : vector<16xi32>
    %shift_left3A_159 = arith.constant 6 : i32
    %shift_left3A_160 = vector.broadcast %shift_left3A_159 : i32 to vector<16xi32>
    %shift_left3A_161 = arith.shli %and3A_158, %shift_left3A_160 : vector<16xi32>
    %swap3A_162 = arith.constant 0 : i32
    %swap3A_163 = arith.index_cast %swap3A_162 : i32 to index
    %swap3A_164 = arith.constant 112 : index
    %swap3A_165 = tpu.vector_load %arg7[%swap3A_163, %swap3A_164] {strides = array<i32>} : memref<2x128xi32, #tpu.memory_space<vmem>>, vector<16xi32>,
    tpu.vector_store %arg7[%swap3A_163, %swap3A_164], %shift_left3A_161 {strides = array<i32>} : memref<2x128xi32, #tpu.memory_space<vmem>>, vector<16xi32>,
    %dma_start3A = arith.constant 0 : i32
    %dma_start3A_166 = arith.constant 0 : i32
    %dma_start3A_167 = arith.constant 0 : i32
    %dma_start3A_168 = arith.constant 0 : i32
    %dma_start3A_169 = arith.constant 0 : i32
    %dma_start3A_170 = tpu.memref_slice %arg8[%dma_start3A_166, %dma_start3A_168, %dma_start3A_169] : memref<2x128x137xf32, #tpu.memory_space<vmem>> -> memref<1x128x128xf32, #tpu.memory_space<vmem>>
    %dma_start3A_171 = tpu.memref_squeeze %dma_start3A_170 : memref<1x128x128xf32, #tpu.memory_space<vmem>> -> memref<128x128xf32, #tpu.memory_space<vmem>>
    %dma_start3A_172 = arith.constant 0 : i32
    %dma_start3A_173 = tpu.memref_slice %arg6[%dma_start3A, %dma_start3A_172] : memref<2x128xi32, #tpu.memory_space<vmem>> -> memref<1x128xi32, #tpu.memory_space<vmem>>
    %dma_start3A_174 = tpu.memref_squeeze %dma_start3A_173 : memref<1x128xi32, #tpu.memory_space<vmem>> -> memref<128xi32, #tpu.memory_space<vmem>>
    %dma_start3A_175 = arith.constant 0 : i32
    %dma_start3A_176 = arith.constant 0 : i32
    %dma_start3A_177 = tpu.memref_slice %arg3[%dma_start3A_175, %dma_start3A_176] : memref<500000x128xf32, #tpu.memory_space<hbm>> -> memref<500000x128xf32, #tpu.memory_space<hbm>>
    %dma_start3A_178 = tpu.memref_slice %arg10[%dma_start3A_167] : memref<2x!tpu.dma_semaphore, #tpu.memory_space<semaphore_mem>> -> memref<1x!tpu.dma_semaphore, #tpu.memory_space<semaphore_mem>>
    %dma_start3A_179 = tpu.memref_squeeze %dma_start3A_178 : memref<1x!tpu.dma_semaphore, #tpu.memory_space<semaphore_mem>> -> memref<!tpu.dma_semaphore, #tpu.memory_space<semaphore_mem>>
    tpu.enqueue_indirect_dma source(%dma_start3A_177 : memref<500000x128xf32, #tpu.memory_space<hbm>>) target(%dma_start3A_171 : memref<128x128xf32, #tpu.memory_space<vmem>>) offsets(%dma_start3A_174 : memref<128xi32, #tpu.memory_space<vmem>>) semaphore(%dma_start3A_179 : memref<!tpu.dma_semaphore, #tpu.memory_space<semaphore_mem>>)
    %scan3A = arith.constant 0 : i32
    %scan3A_180 = arith.constant 0 : i32
    %scan3A_181 = arith.constant 100 : i32
    %scan3A_182 = arith.addi %scan3A_180, %scan3A_181 : i32
    %scan3A_183 = arith.constant 1 : i32
    scf.for %scan3A_205 = %scan3A_180 to %scan3A_182 step %scan3A_183  : i32 {
      %mul3A_206 = arith.constant 2 : i32
      %mul3A_207 = arith.muli %scan3A_205, %mul3A_206 : i32
      %add3A_208 = arith.constant 0 : i32
      %add3A_209 = arith.addi %mul3A_207, %add3A_208 : i32
      %add3A_210 = arith.constant 1 : i32
      %add3A_211 = arith.addi %add3A_209, %add3A_210 : i32
      %ge3A = arith.constant 1 : i32
      %ge3A_212 = arith.cmpi sge, %add3A_209, %ge3A : i32
      %convert_element_type3A = arith.extui %ge3A_212 : i1 to i32
      %cond3A = arith.constant 0 : i32
      %cond3A_213 = arith.cmpi ne, %convert_element_type3A, %cond3A : i32
      scf.if %cond3A_213 {
        %dma_wait3A_516 = arith.constant 1 : i32
        %dma_wait3A_517 = arith.constant 0 : i32
        %dma_wait3A_518 = arith.constant 1 : i32
        %dma_wait3A_519 = arith.constant 0 : i32
        %dma_wait3A_520 = arith.constant 0 : i32
        %dma_wait3A_521 = tpu.memref_slice %arg9[%dma_wait3A_516, %dma_wait3A_519, %dma_wait3A_520] : memref<2x64x128xf32, #tpu.memory_space<vmem>> -> memref<1x64x128xf32, #tpu.memory_space<vmem>>
        %dma_wait3A_522 = tpu.memref_squeeze %dma_wait3A_521 : memref<1x64x128xf32, #tpu.memory_space<vmem>> -> memref<64x128xf32, #tpu.memory_space<vmem>>
        %dma_wait3A_523 = arith.constant 0 : i32
        %dma_wait3A_524 = arith.constant 0 : i32
        %dma_wait3A_525 = tpu.memref_slice %arg4[%dma_wait3A_517, %dma_wait3A_523, %dma_wait3A_524] : memref<50x64x16384xf32, #tpu.memory_space<hbm>> -> memref<1x64x128xf32, #tpu.memory_space<hbm>>
        %dma_wait3A_526 = tpu.memref_squeeze %dma_wait3A_525 : memref<1x64x128xf32, #tpu.memory_space<hbm>> -> memref<64x128xf32, #tpu.memory_space<hbm>>
        %dma_wait3A_527 = tpu.memref_slice %arg11[%dma_wait3A_518] : memref<2x!tpu.dma_semaphore, #tpu.memory_space<semaphore_mem>> -> memref<1x!tpu.dma_semaphore, #tpu.memory_space<semaphore_mem>>
        %dma_wait3A_528 = tpu.memref_squeeze %dma_wait3A_527 : memref<1x!tpu.dma_semaphore, #tpu.memory_space<semaphore_mem>> -> memref<!tpu.dma_semaphore, #tpu.memory_space<semaphore_mem>>
        %dma_wait3A_529 = arith.constant 0 : i32
        %dma_wait3A_530 = arith.constant 0 : i32
        %dma_wait3A_531 = tpu.memref_slice %arg4[%dma_wait3A_517, %dma_wait3A_529, %dma_wait3A_530] : memref<50x64x16384xf32, #tpu.memory_space<hbm>> -> memref<1x64x128xf32, #tpu.memory_space<hbm>>
        %dma_wait3A_532 = tpu.memref_squeeze %dma_wait3A_531 : memref<1x64x128xf32, #tpu.memory_space<hbm>> -> memref<64x128xf32, #tpu.memory_space<hbm>>
        %dma_wait3A_533 = arith.constant 0 : i32
        %dma_wait3A_534 = arith.constant 0 : i32
        %dma_wait3A_535 = tpu.memref_slice %arg9[%dma_wait3A_516, %dma_wait3A_533, %dma_wait3A_534] : memref<2x64x128xf32, #tpu.memory_space<vmem>> -> memref<1x64x128xf32, #tpu.memory_space<vmem>>
        %dma_wait3A_536 = tpu.memref_squeeze %dma_wait3A_535 : memref<1x64x128xf32, #tpu.memory_space<vmem>> -> memref<64x128xf32, #tpu.memory_space<vmem>>
        tpu.wait_dma2 semaphore(%dma_wait3A_528 : memref<!tpu.dma_semaphore, #tpu.memory_space<semaphore_mem>>) src(%dma_wait3A_536 : memref<64x128xf32, #tpu.memory_space<vmem>>) dst(%dma_wait3A_532 : memref<64x128xf32, #tpu.memory_space<hbm>>)
      } else {
      }
      %lt3A = arith.constant 200 : i32
      %lt3A_214 = arith.cmpi slt, %add3A_211, %lt3A : i32
      %convert_element_type3A_215 = arith.extui %lt3A_214 : i1 to i32
      %cond3A_216 = arith.constant 0 : i32
      %cond3A_217 = arith.cmpi ne, %convert_element_type3A_215, %cond3A_216 : i32
      scf.if %cond3A_217 {
        %jit3A_516 = arith.constant 4 : i32
        %div3A_517 = arith.divsi %add3A_211, %jit3A_516 : i32
        %sign3A_518 = arith.constant 0 : i32
        %sign3A_519 = arith.cmpi sgt, %add3A_211, %sign3A_518 : i32
        %sign3A_520 = arith.extui %sign3A_519 : i1 to i32
        %sign3A_521 = arith.constant 0 : i32
        %sign3A_522 = arith.cmpi slt, %add3A_211, %sign3A_521 : i32
        %sign3A_523 = arith.extui %sign3A_522 : i1 to i32
        %sign3A_524 = arith.subi %sign3A_520, %sign3A_523 : i32
        %sign3A_525 = arith.constant 0 : i32
        %sign3A_526 = arith.cmpi sgt, %jit3A_516, %sign3A_525 : i32
        %sign3A_527 = arith.extui %sign3A_526 : i1 to i32
        %sign3A_528 = arith.constant 0 : i32
        %sign3A_529 = arith.cmpi slt, %jit3A_516, %sign3A_528 : i32
        %sign3A_530 = arith.extui %sign3A_529 : i1 to i32
        %sign3A_531 = arith.subi %sign3A_527, %sign3A_530 : i32
        %ne3A_532 = arith.cmpi ne, %sign3A_524, %sign3A_531 : i32
        %rem3A_533 = arith.remsi %add3A_211, %jit3A_516 : i32
        %ne3A_534 = arith.constant 0 : i32
        %ne3A_535 = arith.cmpi ne, %rem3A_533, %ne3A_534 : i32
        %and3A_536 = arith.andi %ne3A_532, %ne3A_535 : i1
        %sub3A_537 = arith.constant 1 : i32
        %sub3A_538 = arith.subi %div3A_517, %sub3A_537 : i32
        %select_n3A_539 = arith.select %and3A_536, %sub3A_538, %div3A_517 : i32
        %jit3A_540 = arith.constant 4 : i32
        %eq3A_541 = arith.constant 0 : i32
        %eq3A_542 = arith.cmpi eq, %jit3A_540, %eq3A_541 : i32
        %jit3A_543 = arith.constant 1 : i32
        %select_n3A_544 = arith.select %eq3A_542, %jit3A_543, %jit3A_540 : i32
        %rem3A_545 = arith.remsi %add3A_211, %select_n3A_544 : i32
        %ne3A_546 = arith.constant 0 : i32
        %ne3A_547 = arith.cmpi ne, %rem3A_545, %ne3A_546 : i32
        %lt3A_548 = arith.constant 0 : i32
        %lt3A_549 = arith.cmpi slt, %rem3A_545, %lt3A_548 : i32
        %lt3A_550 = arith.constant 0 : i32
        %lt3A_551 = arith.cmpi slt, %select_n3A_544, %lt3A_550 : i32
        %ne3A_552 = arith.xori %lt3A_549, %lt3A_551 : i1
        %and3A_553 = arith.andi %ne3A_552, %ne3A_547 : i1
        %add3A_554 = arith.addi %rem3A_545, %select_n3A_544 : i32
        %select_n3A_555 = arith.select %and3A_553, %add3A_554, %rem3A_545 : i32
        %mul3A_556 = arith.constant 128 : i32
        %mul3A_557 = arith.muli %select_n3A_555, %mul3A_556 : i32
        %add3A_558 = arith.constant 0 : i32
        %add3A_559 = arith.addi %mul3A_557, %add3A_558 : i32
        %get3A_560 = arith.index_cast %select_n3A_539 : i32 to index
        %get3A_561 = arith.index_cast %add3A_559 : i32 to index
        %get3A_562 = tpu.vector_load %arg5[%get3A_560, %get3A_561] {strides = array<i32>} : memref<50x512xi32, #tpu.memory_space<vmem>>, vector<16xi32>,
        %shift_right_logical3A_563 = arith.constant 1 : i32
        %shift_right_logical3A_564 = vector.broadcast %shift_right_logical3A_563 : i32 to vector<16xi32>
        %shift_right_logical3A_565 = arith.shrui %get3A_562, %shift_right_logical3A_564 : vector<16xi32>
        %swap3A_566 = arith.constant 1 : i32
        %swap3A_567 = arith.index_cast %swap3A_566 : i32 to index
        %swap3A_568 = arith.constant 0 : index
        %swap3A_569 = tpu.vector_load %arg6[%swap3A_567, %swap3A_568] {strides = array<i32>} : memref<2x128xi32, #tpu.memory_space<vmem>>, vector<16xi32>,
        tpu.vector_store %arg6[%swap3A_567, %swap3A_568], %shift_right_logical3A_565 {strides = array<i32>} : memref<2x128xi32, #tpu.memory_space<vmem>>, vector<16xi32>,
        %and3A_570 = arith.constant 1 : i32
        %and3A_571 = vector.broadcast %and3A_570 : i32 to vector<16xi32>
        %and3A_572 = arith.andi %get3A_562, %and3A_571 : vector<16xi32>
        %shift_left3A_573 = arith.constant 6 : i32
        %shift_left3A_574 = vector.broadcast %shift_left3A_573 : i32 to vector<16xi32>
        %shift_left3A_575 = arith.shli %and3A_572, %shift_left3A_574 : vector<16xi32>
        %swap3A_576 = arith.constant 1 : i32
        %swap3A_577 = arith.index_cast %swap3A_576 : i32 to index
        %swap3A_578 = arith.constant 0 : index
        %swap3A_579 = tpu.vector_load %arg7[%swap3A_577, %swap3A_578] {strides = array<i32>} : memref<2x128xi32, #tpu.memory_space<vmem>>, vector<16xi32>,
        tpu.vector_store %arg7[%swap3A_577, %swap3A_578], %shift_left3A_575 {strides = array<i32>} : memref<2x128xi32, #tpu.memory_space<vmem>>, vector<16xi32>,
        %add3A_580 = arith.constant 16 : i32
        %add3A_581 = arith.addi %mul3A_557, %add3A_580 : i32
        %get3A_582 = arith.index_cast %select_n3A_539 : i32 to index
        %get3A_583 = arith.index_cast %add3A_581 : i32 to index
        %get3A_584 = tpu.vector_load %arg5[%get3A_582, %get3A_583] {strides = array<i32>} : memref<50x512xi32, #tpu.memory_space<vmem>>, vector<16xi32>,
        %shift_right_logical3A_585 = arith.constant 1 : i32
        %shift_right_logical3A_586 = vector.broadcast %shift_right_logical3A_585 : i32 to vector<16xi32>
        %shift_right_logical3A_587 = arith.shrui %get3A_584, %shift_right_logical3A_586 : vector<16xi32>
        %swap3A_588 = arith.constant 1 : i32
        %swap3A_589 = arith.index_cast %swap3A_588 : i32 to index
        %swap3A_590 = arith.constant 16 : index
        %swap3A_591 = tpu.vector_load %arg6[%swap3A_589, %swap3A_590] {strides = array<i32>} : memref<2x128xi32, #tpu.memory_space<vmem>>, vector<16xi32>,
        tpu.vector_store %arg6[%swap3A_589, %swap3A_590], %shift_right_logical3A_587 {strides = array<i32>} : memref<2x128xi32, #tpu.memory_space<vmem>>, vector<16xi32>,
        %and3A_592 = arith.constant 1 : i32
        %and3A_593 = vector.broadcast %and3A_592 : i32 to vector<16xi32>
        %and3A_594 = arith.andi %get3A_584, %and3A_593 : vector<16xi32>
        %shift_left3A_595 = arith.constant 6 : i32
        %shift_left3A_596 = vector.broadcast %shift_left3A_595 : i32 to vector<16xi32>
        %shift_left3A_597 = arith.shli %and3A_594, %shift_left3A_596 : vector<16xi32>
        %swap3A_598 = arith.constant 1 : i32
        %swap3A_599 = arith.index_cast %swap3A_598 : i32 to index
        %swap3A_600 = arith.constant 16 : index
        %swap3A_601 = tpu.vector_load %arg7[%swap3A_599, %swap3A_600] {strides = array<i32>} : memref<2x128xi32, #tpu.memory_space<vmem>>, vector<16xi32>,
        tpu.vector_store %arg7[%swap3A_599, %swap3A_600], %shift_left3A_597 {strides = array<i32>} : memref<2x128xi32, #tpu.memory_space<vmem>>, vector<16xi32>,
        %add3A_602 = arith.constant 32 : i32
        %add3A_603 = arith.addi %mul3A_557, %add3A_602 : i32
        %get3A_604 = arith.index_cast %select_n3A_539 : i32 to index
        %get3A_605 = arith.index_cast %add3A_603 : i32 to index
        %get3A_606 = tpu.vector_load %arg5[%get3A_604, %get3A_605] {strides = array<i32>} : memref<50x512xi32, #tpu.memory_space<vmem>>, vector<16xi32>,
        %shift_right_logical3A_607 = arith.constant 1 : i32
        %shift_right_logical3A_608 = vector.broadcast %shift_right_logical3A_607 : i32 to vector<16xi32>
        %shift_right_logical3A_609 = arith.shrui %get3A_606, %shift_right_logical3A_608 : vector<16xi32>
        %swap3A_610 = arith.constant 1 : i32
        %swap3A_611 = arith.index_cast %swap3A_610 : i32 to index
        %swap3A_612 = arith.constant 32 : index
        %swap3A_613 = tpu.vector_load %arg6[%swap3A_611, %swap3A_612] {strides = array<i32>} : memref<2x128xi32, #tpu.memory_space<vmem>>, vector<16xi32>,
        tpu.vector_store %arg6[%swap3A_611, %swap3A_612], %shift_right_logical3A_609 {strides = array<i32>} : memref<2x128xi32, #tpu.memory_space<vmem>>, vector<16xi32>,
        %and3A_614 = arith.constant 1 : i32
        %and3A_615 = vector.broadcast %and3A_614 : i32 to vector<16xi32>
        %and3A_616 = arith.andi %get3A_606, %and3A_615 : vector<16xi32>
        %shift_left3A_617 = arith.constant 6 : i32
        %shift_left3A_618 = vector.broadcast %shift_left3A_617 : i32 to vector<16xi32>
        %shift_left3A_619 = arith.shli %and3A_616, %shift_left3A_618 : vector<16xi32>
        %swap3A_620 = arith.constant 1 : i32
        %swap3A_621 = arith.index_cast %swap3A_620 : i32 to index
        %swap3A_622 = arith.constant 32 : index
        %swap3A_623 = tpu.vector_load %arg7[%swap3A_621, %swap3A_622] {strides = array<i32>} : memref<2x128xi32, #tpu.memory_space<vmem>>, vector<16xi32>,
        tpu.vector_store %arg7[%swap3A_621, %swap3A_622], %shift_left3A_619 {strides = array<i32>} : memref<2x128xi32, #tpu.memory_space<vmem>>, vector<16xi32>,
        %add3A_624 = arith.constant 48 : i32
        %add3A_625 = arith.addi %mul3A_557, %add3A_624 : i32
        %get3A_626 = arith.index_cast %select_n3A_539 : i32 to index
        %get3A_627 = arith.index_cast %add3A_625 : i32 to index
        %get3A_628 = tpu.vector_load %arg5[%get3A_626, %get3A_627] {strides = array<i32>} : memref<50x512xi32, #tpu.memory_space<vmem>>, vector<16xi32>,
        %shift_right_logical3A_629 = arith.constant 1 : i32
        %shift_right_logical3A_630 = vector.broadcast %shift_right_logical3A_629 : i32 to vector<16xi32>
        %shift_right_logical3A_631 = arith.shrui %get3A_628, %shift_right_logical3A_630 : vector<16xi32>
        %swap3A_632 = arith.constant 1 : i32
        %swap3A_633 = arith.index_cast %swap3A_632 : i32 to index
        %swap3A_634 = arith.constant 48 : index
        %swap3A_635 = tpu.vector_load %arg6[%swap3A_633, %swap3A_634] {strides = array<i32>} : memref<2x128xi32, #tpu.memory_space<vmem>>, vector<16xi32>,
        tpu.vector_store %arg6[%swap3A_633, %swap3A_634], %shift_right_logical3A_631 {strides = array<i32>} : memref<2x128xi32, #tpu.memory_space<vmem>>, vector<16xi32>,
        %and3A_636 = arith.constant 1 : i32
        %and3A_637 = vector.broadcast %and3A_636 : i32 to vector<16xi32>
        %and3A_638 = arith.andi %get3A_628, %and3A_637 : vector<16xi32>
        %shift_left3A_639 = arith.constant 6 : i32
        %shift_left3A_640 = vector.broadcast %shift_left3A_639 : i32 to vector<16xi32>
        %shift_left3A_641 = arith.shli %and3A_638, %shift_left3A_640 : vector<16xi32>
        %swap3A_642 = arith.constant 1 : i32
        %swap3A_643 = arith.index_cast %swap3A_642 : i32 to index
        %swap3A_644 = arith.constant 48 : index
        %swap3A_645 = tpu.vector_load %arg7[%swap3A_643, %swap3A_644] {strides = array<i32>} : memref<2x128xi32, #tpu.memory_space<vmem>>, vector<16xi32>,
        tpu.vector_store %arg7[%swap3A_643, %swap3A_644], %shift_left3A_641 {strides = array<i32>} : memref<2x128xi32, #tpu.memory_space<vmem>>, vector<16xi32>,
        %add3A_646 = arith.constant 64 : i32
        %add3A_647 = arith.addi %mul3A_557, %add3A_646 : i32
        %get3A_648 = arith.index_cast %select_n3A_539 : i32 to index
        %get3A_649 = arith.index_cast %add3A_647 : i32 to index
        %get3A_650 = tpu.vector_load %arg5[%get3A_648, %get3A_649] {strides = array<i32>} : memref<50x512xi32, #tpu.memory_space<vmem>>, vector<16xi32>,
        %shift_right_logical3A_651 = arith.constant 1 : i32
        %shift_right_logical3A_652 = vector.broadcast %shift_right_logical3A_651 : i32 to vector<16xi32>
        %shift_right_logical3A_653 = arith.shrui %get3A_650, %shift_right_logical3A_652 : vector<16xi32>
        %swap3A_654 = arith.constant 1 : i32
        %swap3A_655 = arith.index_cast %swap3A_654 : i32 to index
        %swap3A_656 = arith.constant 64 : index
        %swap3A_657 = tpu.vector_load %arg6[%swap3A_655, %swap3A_656] {strides = array<i32>} : memref<2x128xi32, #tpu.memory_space<vmem>>, vector<16xi32>,
        tpu.vector_store %arg6[%swap3A_655, %swap3A_656], %shift_right_logical3A_653 {strides = array<i32>} : memref<2x128xi32, #tpu.memory_space<vmem>>, vector<16xi32>,
        %and3A_658 = arith.constant 1 : i32
        %and3A_659 = vector.broadcast %and3A_658 : i32 to vector<16xi32>
        %and3A_660 = arith.andi %get3A_650, %and3A_659 : vector<16xi32>
        %shift_left3A_661 = arith.constant 6 : i32
        %shift_left3A_662 = vector.broadcast %shift_left3A_661 : i32 to vector<16xi32>
        %shift_left3A_663 = arith.shli %and3A_660, %shift_left3A_662 : vector<16xi32>
        %swap3A_664 = arith.constant 1 : i32
        %swap3A_665 = arith.index_cast %swap3A_664 : i32 to index
        %swap3A_666 = arith.constant 64 : index
        %swap3A_667 = tpu.vector_load %arg7[%swap3A_665, %swap3A_666] {strides = array<i32>} : memref<2x128xi32, #tpu.memory_space<vmem>>, vector<16xi32>,
        tpu.vector_store %arg7[%swap3A_665, %swap3A_666], %shift_left3A_663 {strides = array<i32>} : memref<2x128xi32, #tpu.memory_space<vmem>>, vector<16xi32>,
        %add3A_668 = arith.constant 80 : i32
        %add3A_669 = arith.addi %mul3A_557, %add3A_668 : i32
        %get3A_670 = arith.index_cast %select_n3A_539 : i32 to index
        %get3A_671 = arith.index_cast %add3A_669 : i32 to index
        %get3A_672 = tpu.vector_load %arg5[%get3A_670, %get3A_671] {strides = array<i32>} : memref<50x512xi32, #tpu.memory_space<vmem>>, vector<16xi32>,
        %shift_right_logical3A_673 = arith.constant 1 : i32
        %shift_right_logical3A_674 = vector.broadcast %shift_right_logical3A_673 : i32 to vector<16xi32>
        %shift_right_logical3A_675 = arith.shrui %get3A_672, %shift_right_logical3A_674 : vector<16xi32>
        %swap3A_676 = arith.constant 1 : i32
        %swap3A_677 = arith.index_cast %swap3A_676 : i32 to index
        %swap3A_678 = arith.constant 80 : index
        %swap3A_679 = tpu.vector_load %arg6[%swap3A_677, %swap3A_678] {strides = array<i32>} : memref<2x128xi32, #tpu.memory_space<vmem>>, vector<16xi32>,
        tpu.vector_store %arg6[%swap3A_677, %swap3A_678], %shift_right_logical3A_675 {strides = array<i32>} : memref<2x128xi32, #tpu.memory_space<vmem>>, vector<16xi32>,
        %and3A_680 = arith.constant 1 : i32
        %and3A_681 = vector.broadcast %and3A_680 : i32 to vector<16xi32>
        %and3A_682 = arith.andi %get3A_672, %and3A_681 : vector<16xi32>
        %shift_left3A_683 = arith.constant 6 : i32
        %shift_left3A_684 = vector.broadcast %shift_left3A_683 : i32 to vector<16xi32>
        %shift_left3A_685 = arith.shli %and3A_682, %shift_left3A_684 : vector<16xi32>
        %swap3A_686 = arith.constant 1 : i32
        %swap3A_687 = arith.index_cast %swap3A_686 : i32 to index
        %swap3A_688 = arith.constant 80 : index
        %swap3A_689 = tpu.vector_load %arg7[%swap3A_687, %swap3A_688] {strides = array<i32>} : memref<2x128xi32, #tpu.memory_space<vmem>>, vector<16xi32>,
        tpu.vector_store %arg7[%swap3A_687, %swap3A_688], %shift_left3A_685 {strides = array<i32>} : memref<2x128xi32, #tpu.memory_space<vmem>>, vector<16xi32>,
        %add3A_690 = arith.constant 96 : i32
        %add3A_691 = arith.addi %mul3A_557, %add3A_690 : i32
        %get3A_692 = arith.index_cast %select_n3A_539 : i32 to index
        %get3A_693 = arith.index_cast %add3A_691 : i32 to index
        %get3A_694 = tpu.vector_load %arg5[%get3A_692, %get3A_693] {strides = array<i32>} : memref<50x512xi32, #tpu.memory_space<vmem>>, vector<16xi32>,
        %shift_right_logical3A_695 = arith.constant 1 : i32
        %shift_right_logical3A_696 = vector.broadcast %shift_right_logical3A_695 : i32 to vector<16xi32>
        %shift_right_logical3A_697 = arith.shrui %get3A_694, %shift_right_logical3A_696 : vector<16xi32>
        %swap3A_698 = arith.constant 1 : i32
        %swap3A_699 = arith.index_cast %swap3A_698 : i32 to index
        %swap3A_700 = arith.constant 96 : index
        %swap3A_701 = tpu.vector_load %arg6[%swap3A_699, %swap3A_700] {strides = array<i32>} : memref<2x128xi32, #tpu.memory_space<vmem>>, vector<16xi32>,
        tpu.vector_store %arg6[%swap3A_699, %swap3A_700], %shift_right_logical3A_697 {strides = array<i32>} : memref<2x128xi32, #tpu.memory_space<vmem>>, vector<16xi32>,
        %and3A_702 = arith.constant 1 : i32
        %and3A_703 = vector.broadcast %and3A_702 : i32 to vector<16xi32>
        %and3A_704 = arith.andi %get3A_694, %and3A_703 : vector<16xi32>
        %shift_left3A_705 = arith.constant 6 : i32
        %shift_left3A_706 = vector.broadcast %shift_left3A_705 : i32 to vector<16xi32>
        %shift_left3A_707 = arith.shli %and3A_704, %shift_left3A_706 : vector<16xi32>
        %swap3A_708 = arith.constant 1 : i32
        %swap3A_709 = arith.index_cast %swap3A_708 : i32 to index
        %swap3A_710 = arith.constant 96 : index
        %swap3A_711 = tpu.vector_load %arg7[%swap3A_709, %swap3A_710] {strides = array<i32>} : memref<2x128xi32, #tpu.memory_space<vmem>>, vector<16xi32>,
        tpu.vector_store %arg7[%swap3A_709, %swap3A_710], %shift_left3A_707 {strides = array<i32>} : memref<2x128xi32, #tpu.memory_space<vmem>>, vector<16xi32>,
        %add3A_712 = arith.constant 112 : i32
        %add3A_713 = arith.addi %mul3A_557, %add3A_712 : i32
        %get3A_714 = arith.index_cast %select_n3A_539 : i32 to index
        %get3A_715 = arith.index_cast %add3A_713 : i32 to index
        %get3A_716 = tpu.vector_load %arg5[%get3A_714, %get3A_715] {strides = array<i32>} : memref<50x512xi32, #tpu.memory_space<vmem>>, vector<16xi32>,
        %shift_right_logical3A_717 = arith.constant 1 : i32
        %shift_right_logical3A_718 = vector.broadcast %shift_right_logical3A_717 : i32 to vector<16xi32>
        %shift_right_logical3A_719 = arith.shrui %get3A_716, %shift_right_logical3A_718 : vector<16xi32>
        %swap3A_720 = arith.constant 1 : i32
        %swap3A_721 = arith.index_cast %swap3A_720 : i32 to index
        %swap3A_722 = arith.constant 112 : index
        %swap3A_723 = tpu.vector_load %arg6[%swap3A_721, %swap3A_722] {strides = array<i32>} : memref<2x128xi32, #tpu.memory_space<vmem>>, vector<16xi32>,
        tpu.vector_store %arg6[%swap3A_721, %swap3A_722], %shift_right_logical3A_719 {strides = array<i32>} : memref<2x128xi32, #tpu.memory_space<vmem>>, vector<16xi32>,
        %and3A_724 = arith.constant 1 : i32
        %and3A_725 = vector.broadcast %and3A_724 : i32 to vector<16xi32>
        %and3A_726 = arith.andi %get3A_716, %and3A_725 : vector<16xi32>
        %shift_left3A_727 = arith.constant 6 : i32
        %shift_left3A_728 = vector.broadcast %shift_left3A_727 : i32 to vector<16xi32>
        %shift_left3A_729 = arith.shli %and3A_726, %shift_left3A_728 : vector<16xi32>
        %swap3A_730 = arith.constant 1 : i32
        %swap3A_731 = arith.index_cast %swap3A_730 : i32 to index
        %swap3A_732 = arith.constant 112 : index
        %swap3A_733 = tpu.vector_load %arg7[%swap3A_731, %swap3A_732] {strides = array<i32>} : memref<2x128xi32, #tpu.memory_space<vmem>>, vector<16xi32>,
        tpu.vector_store %arg7[%swap3A_731, %swap3A_732], %shift_left3A_729 {strides = array<i32>} : memref<2x128xi32, #tpu.memory_space<vmem>>, vector<16xi32>,
        %dma_start3A_734 = arith.constant 1 : i32
        %dma_start3A_735 = arith.constant 1 : i32
        %dma_start3A_736 = arith.constant 1 : i32
        %dma_start3A_737 = arith.constant 0 : i32
        %dma_start3A_738 = arith.constant 0 : i32
        %dma_start3A_739 = tpu.memref_slice %arg8[%dma_start3A_735, %dma_start3A_737, %dma_start3A_738] : memref<2x128x137xf32, #tpu.memory_space<vmem>> -> memref<1x128x128xf32, #tpu.memory_space<vmem>>
        %dma_start3A_740 = tpu.memref_squeeze %dma_start3A_739 : memref<1x128x128xf32, #tpu.memory_space<vmem>> -> memref<128x128xf32, #tpu.memory_space<vmem>>
        %dma_start3A_741 = arith.constant 0 : i32
        %dma_start3A_742 = tpu.memref_slice %arg6[%dma_start3A_734, %dma_start3A_741] : memref<2x128xi32, #tpu.memory_space<vmem>> -> memref<1x128xi32, #tpu.memory_space<vmem>>
        %dma_start3A_743 = tpu.memref_squeeze %dma_start3A_742 : memref<1x128xi32, #tpu.memory_space<vmem>> -> memref<128xi32, #tpu.memory_space<vmem>>
        %dma_start3A_744 = arith.constant 0 : i32
        %dma_start3A_745 = arith.constant 0 : i32
        %dma_start3A_746 = tpu.memref_slice %arg3[%dma_start3A_744, %dma_start3A_745] : memref<500000x128xf32, #tpu.memory_space<hbm>> -> memref<500000x128xf32, #tpu.memory_space<hbm>>
        %dma_start3A_747 = tpu.memref_slice %arg10[%dma_start3A_736] : memref<2x!tpu.dma_semaphore, #tpu.memory_space<semaphore_mem>> -> memref<1x!tpu.dma_semaphore, #tpu.memory_space<semaphore_mem>>
        %dma_start3A_748 = tpu.memref_squeeze %dma_start3A_747 : memref<1x!tpu.dma_semaphore, #tpu.memory_space<semaphore_mem>> -> memref<!tpu.dma_semaphore, #tpu.memory_space<semaphore_mem>>
        tpu.enqueue_indirect_dma source(%dma_start3A_746 : memref<500000x128xf32, #tpu.memory_space<hbm>>) target(%dma_start3A_740 : memref<128x128xf32, #tpu.memory_space<vmem>>) offsets(%dma_start3A_743 : memref<128xi32, #tpu.memory_space<vmem>>) semaphore(%dma_start3A_748 : memref<!tpu.dma_semaphore, #tpu.memory_space<semaphore_mem>>)
      } else {
      }
      %dma_wait3A_218 = arith.constant 0 : i32
      %dma_wait3A_219 = arith.constant 0 : i32
      %dma_wait3A_220 = arith.constant 0 : i32
      %dma_wait3A_221 = arith.constant 0 : i32
      %dma_wait3A_222 = tpu.memref_slice %arg8[%dma_wait3A_218, %dma_wait3A_220, %dma_wait3A_221] : memref<2x128x137xf32, #tpu.memory_space<vmem>> -> memref<1x128x128xf32, #tpu.memory_space<vmem>>
      %dma_wait3A_223 = tpu.memref_squeeze %dma_wait3A_222 : memref<1x128x128xf32, #tpu.memory_space<vmem>> -> memref<128x128xf32, #tpu.memory_space<vmem>>
      %dma_wait3A_224 = arith.constant 0 : i32
      %dma_wait3A_225 = arith.constant 0 : i32
      %dma_wait3A_226 = tpu.memref_slice %arg3[%dma_wait3A_224, %dma_wait3A_225] : memref<500000x128xf32, #tpu.memory_space<hbm>> -> memref<128x128xf32, #tpu.memory_space<hbm>>
      %dma_wait3A_227 = tpu.memref_slice %arg10[%dma_wait3A_219] : memref<2x!tpu.dma_semaphore, #tpu.memory_space<semaphore_mem>> -> memref<1x!tpu.dma_semaphore, #tpu.memory_space<semaphore_mem>>
      %dma_wait3A_228 = tpu.memref_squeeze %dma_wait3A_227 : memref<1x!tpu.dma_semaphore, #tpu.memory_space<semaphore_mem>> -> memref<!tpu.dma_semaphore, #tpu.memory_space<semaphore_mem>>
      %dma_wait3A_229 = arith.constant 0 : i32
      %dma_wait3A_230 = arith.constant 0 : i32
      %dma_wait3A_231 = tpu.memref_slice %arg8[%dma_wait3A_218, %dma_wait3A_229, %dma_wait3A_230] : memref<2x128x137xf32, #tpu.memory_space<vmem>> -> memref<1x128x128xf32, #tpu.memory_space<vmem>>
      %dma_wait3A_232 = tpu.memref_squeeze %dma_wait3A_231 : memref<1x128x128xf32, #tpu.memory_space<vmem>> -> memref<128x128xf32, #tpu.memory_space<vmem>>
      %dma_wait3A_233 = arith.constant 0 : i32
      %dma_wait3A_234 = arith.constant 0 : i32
      %dma_wait3A_235 = tpu.memref_slice %arg3[%dma_wait3A_233, %dma_wait3A_234] : memref<500000x128xf32, #tpu.memory_space<hbm>> -> memref<128x128xf32, #tpu.memory_space<hbm>>
      tpu.wait_dma2 semaphore(%dma_wait3A_228 : memref<!tpu.dma_semaphore, #tpu.memory_space<semaphore_mem>>) src(%dma_wait3A_235 : memref<128x128xf32, #tpu.memory_space<hbm>>) dst(%dma_wait3A_232 : memref<128x128xf32, #tpu.memory_space<vmem>>)
      %iota3A = tpu.iota {dimensions = array<i32: 0>} : vector<16xi32>
      %add3A_236 = arith.constant 0 : i32
      %add3A_237 = vector.broadcast %add3A_236 : i32 to vector<16xi32>
      %add3A_238 = arith.addi %iota3A, %add3A_237 : vector<16xi32>
      %iota3A_239 = tpu.iota {dimensions = array<i32: 0>} : vector<16xi32>
      %add3A_240 = arith.constant 16 : i32
      %add3A_241 = vector.broadcast %add3A_240 : i32 to vector<16xi32>
      %add3A_242 = arith.addi %iota3A_239, %add3A_241 : vector<16xi32>
      %iota3A_243 = tpu.iota {dimensions = array<i32: 0>} : vector<16xi32>
      %add3A_244 = arith.constant 32 : i32
      %add3A_245 = vector.broadcast %add3A_244 : i32 to vector<16xi32>
      %add3A_246 = arith.addi %iota3A_243, %add3A_245 : vector<16xi32>
      %iota3A_247 = tpu.iota {dimensions = array<i32: 0>} : vector<16xi32>
      %add3A_248 = arith.constant 48 : i32
      %add3A_249 = vector.broadcast %add3A_248 : i32 to vector<16xi32>
      %add3A_250 = arith.addi %iota3A_247, %add3A_249 : vector<16xi32>
      %iota3A_251 = tpu.iota {dimensions = array<i32: 0>} : vector<16xi32>
      %add3A_252 = arith.constant 64 : i32
      %add3A_253 = vector.broadcast %add3A_252 : i32 to vector<16xi32>
      %add3A_254 = arith.addi %iota3A_251, %add3A_253 : vector<16xi32>
      %iota3A_255 = tpu.iota {dimensions = array<i32: 0>} : vector<16xi32>
      %add3A_256 = arith.constant 80 : i32
      %add3A_257 = vector.broadcast %add3A_256 : i32 to vector<16xi32>
      %add3A_258 = arith.addi %iota3A_255, %add3A_257 : vector<16xi32>
      %iota3A_259 = tpu.iota {dimensions = array<i32: 0>} : vector<16xi32>
      %add3A_260 = arith.constant 96 : i32
      %add3A_261 = vector.broadcast %add3A_260 : i32 to vector<16xi32>
      %add3A_262 = arith.addi %iota3A_259, %add3A_261 : vector<16xi32>
      %iota3A_263 = tpu.iota {dimensions = array<i32: 0>} : vector<16xi32>
      %add3A_264 = arith.constant 112 : i32
      %add3A_265 = vector.broadcast %add3A_264 : i32 to vector<16xi32>
      %add3A_266 = arith.addi %iota3A_263, %add3A_265 : vector<16xi32>
      %get3A_267 = arith.constant 0 : i32
      %get3A_268 = arith.index_cast %get3A_267 : i32 to index
      %get3A_269 = arith.constant 0 : index
      %get3A_270 = tpu.vector_load %arg7[%get3A_268, %get3A_269] {strides = array<i32>} : memref<2x128xi32, #tpu.memory_space<vmem>>, vector<16xi32>,
      %get3A_271 = arith.constant 0 : i32
      %get3A_272 = arith.index_cast %get3A_271 : i32 to index
      %get3A_273 = arith.constant 16 : index
      %get3A_274 = tpu.vector_load %arg7[%get3A_272, %get3A_273] {strides = array<i32>} : memref<2x128xi32, #tpu.memory_space<vmem>>, vector<16xi32>,
      %get3A_275 = arith.constant 0 : i32
      %get3A_276 = arith.index_cast %get3A_275 : i32 to index
      %get3A_277 = arith.constant 32 : index
      %get3A_278 = tpu.vector_load %arg7[%get3A_276, %get3A_277] {strides = array<i32>} : memref<2x128xi32, #tpu.memory_space<vmem>>, vector<16xi32>,
      %get3A_279 = arith.constant 0 : i32
      %get3A_280 = arith.index_cast %get3A_279 : i32 to index
      %get3A_281 = arith.constant 48 : index
      %get3A_282 = tpu.vector_load %arg7[%get3A_280, %get3A_281] {strides = array<i32>} : memref<2x128xi32, #tpu.memory_space<vmem>>, vector<16xi32>,
      %get3A_283 = arith.constant 0 : i32
      %get3A_284 = arith.index_cast %get3A_283 : i32 to index
      %get3A_285 = arith.constant 64 : index
      %get3A_286 = tpu.vector_load %arg7[%get3A_284, %get3A_285] {strides = array<i32>} : memref<2x128xi32, #tpu.memory_space<vmem>>, vector<16xi32>,
      %get3A_287 = arith.constant 0 : i32
      %get3A_288 = arith.index_cast %get3A_287 : i32 to index
      %get3A_289 = arith.constant 80 : index
      %get3A_290 = tpu.vector_load %arg7[%get3A_288, %get3A_289] {strides = array<i32>} : memref<2x128xi32, #tpu.memory_space<vmem>>, vector<16xi32>,
      %get3A_291 = arith.constant 0 : i32
      %get3A_292 = arith.index_cast %get3A_291 : i32 to index
      %get3A_293 = arith.constant 96 : index
      %get3A_294 = tpu.vector_load %arg7[%get3A_292, %get3A_293] {strides = array<i32>} : memref<2x128xi32, #tpu.memory_space<vmem>>, vector<16xi32>,
      %get3A_295 = arith.constant 0 : i32
      %get3A_296 = arith.index_cast %get3A_295 : i32 to index
      %get3A_297 = arith.constant 112 : index
      %get3A_298 = tpu.vector_load %arg7[%get3A_296, %get3A_297] {strides = array<i32>} : memref<2x128xi32, #tpu.memory_space<vmem>>, vector<16xi32>,
      %parallel_loop3A = arith.constant 0 : i32
      %parallel_loop3A_299 = arith.constant 64 : i32
      %parallel_loop3A_300 = arith.constant 1 : i32
      scf.for %parallel_loop3A_516 = %parallel_loop3A to %parallel_loop3A_299 step %parallel_loop3A_300  : i32 {
        %parallel_loop3A_517 = vector.broadcast %parallel_loop3A_516 : i32 to vector<16xi32>
        %parallel_loop3A_518 = arith.addi %get3A_270, %parallel_loop3A_517 : vector<16xi32>
        %parallel_loop3A_519 = arith.constant 0 : i32
        %parallel_loop3A_520 = arith.constant 0 : i32
        %parallel_loop3A_521 = arith.constant 0 : i32
        %parallel_loop3A_522 = tpu.memref_slice %arg8[%parallel_loop3A_519, %parallel_loop3A_520, %parallel_loop3A_521] : memref<2x128x137xf32, #tpu.memory_space<vmem>> -> memref<1x128x137xf32, #tpu.memory_space<vmem>>
        %parallel_loop3A_523 = tpu.memref_squeeze %parallel_loop3A_522 : memref<1x128x137xf32, #tpu.memory_space<vmem>> -> memref<128x137xf32, #tpu.memory_space<vmem>>
        %parallel_loop3A_524 = tpu.vector_load_idx %parallel_loop3A_523[%add3A_238, %parallel_loop3A_518] : memref<128x137xf32, #tpu.memory_space<vmem>>[vector<16xi32>, vector<16xi32>], vector<16xf32>,
        %parallel_loop3A_525 = arith.constant 0 : i32
        %parallel_loop3A_526 = arith.index_cast %parallel_loop3A_525 : i32 to index
        %parallel_loop3A_527 = arith.index_cast %parallel_loop3A_516 : i32 to index
        %parallel_loop3A_528 = arith.constant 0 : index
        %parallel_loop3A_529 = tpu.vector_load %arg9[%parallel_loop3A_526, %parallel_loop3A_527, %parallel_loop3A_528] {strides = array<i32>} : memref<2x64x128xf32, #tpu.memory_space<vmem>>, vector<16xf32>,
        tpu.vector_store %arg9[%parallel_loop3A_526, %parallel_loop3A_527, %parallel_loop3A_528], %parallel_loop3A_524 {strides = array<i32>} : memref<2x64x128xf32, #tpu.memory_space<vmem>>, vector<16xf32>,
        %parallel_loop3A_530 = vector.broadcast %parallel_loop3A_516 : i32 to vector<16xi32>
        %parallel_loop3A_531 = arith.addi %get3A_274, %parallel_loop3A_530 : vector<16xi32>
        %parallel_loop3A_532 = arith.constant 0 : i32
        %parallel_loop3A_533 = arith.constant 0 : i32
        %parallel_loop3A_534 = arith.constant 0 : i32
        %parallel_loop3A_535 = tpu.memref_slice %arg8[%parallel_loop3A_532, %parallel_loop3A_533, %parallel_loop3A_534] : memref<2x128x137xf32, #tpu.memory_space<vmem>> -> memref<1x128x137xf32, #tpu.memory_space<vmem>>
        %parallel_loop3A_536 = tpu.memref_squeeze %parallel_loop3A_535 : memref<1x128x137xf32, #tpu.memory_space<vmem>> -> memref<128x137xf32, #tpu.memory_space<vmem>>
        %parallel_loop3A_537 = tpu.vector_load_idx %parallel_loop3A_536[%add3A_242, %parallel_loop3A_531] : memref<128x137xf32, #tpu.memory_space<vmem>>[vector<16xi32>, vector<16xi32>], vector<16xf32>,
        %parallel_loop3A_538 = arith.constant 0 : i32
        %parallel_loop3A_539 = arith.index_cast %parallel_loop3A_538 : i32 to index
        %parallel_loop3A_540 = arith.index_cast %parallel_loop3A_516 : i32 to index
        %parallel_loop3A_541 = arith.constant 16 : index
        %parallel_loop3A_542 = tpu.vector_load %arg9[%parallel_loop3A_539, %parallel_loop3A_540, %parallel_loop3A_541] {strides = array<i32>} : memref<2x64x128xf32, #tpu.memory_space<vmem>>, vector<16xf32>,
        tpu.vector_store %arg9[%parallel_loop3A_539, %parallel_loop3A_540, %parallel_loop3A_541], %parallel_loop3A_537 {strides = array<i32>} : memref<2x64x128xf32, #tpu.memory_space<vmem>>, vector<16xf32>,
        %parallel_loop3A_543 = vector.broadcast %parallel_loop3A_516 : i32 to vector<16xi32>
        %parallel_loop3A_544 = arith.addi %get3A_278, %parallel_loop3A_543 : vector<16xi32>
        %parallel_loop3A_545 = arith.constant 0 : i32
        %parallel_loop3A_546 = arith.constant 0 : i32
        %parallel_loop3A_547 = arith.constant 0 : i32
        %parallel_loop3A_548 = tpu.memref_slice %arg8[%parallel_loop3A_545, %parallel_loop3A_546, %parallel_loop3A_547] : memref<2x128x137xf32, #tpu.memory_space<vmem>> -> memref<1x128x137xf32, #tpu.memory_space<vmem>>
        %parallel_loop3A_549 = tpu.memref_squeeze %parallel_loop3A_548 : memref<1x128x137xf32, #tpu.memory_space<vmem>> -> memref<128x137xf32, #tpu.memory_space<vmem>>
        %parallel_loop3A_550 = tpu.vector_load_idx %parallel_loop3A_549[%add3A_246, %parallel_loop3A_544] : memref<128x137xf32, #tpu.memory_space<vmem>>[vector<16xi32>, vector<16xi32>], vector<16xf32>,
        %parallel_loop3A_551 = arith.constant 0 : i32
        %parallel_loop3A_552 = arith.index_cast %parallel_loop3A_551 : i32 to index
        %parallel_loop3A_553 = arith.index_cast %parallel_loop3A_516 : i32 to index
        %parallel_loop3A_554 = arith.constant 32 : index
        %parallel_loop3A_555 = tpu.vector_load %arg9[%parallel_loop3A_552, %parallel_loop3A_553, %parallel_loop3A_554] {strides = array<i32>} : memref<2x64x128xf32, #tpu.memory_space<vmem>>, vector<16xf32>,
        tpu.vector_store %arg9[%parallel_loop3A_552, %parallel_loop3A_553, %parallel_loop3A_554], %parallel_loop3A_550 {strides = array<i32>} : memref<2x64x128xf32, #tpu.memory_space<vmem>>, vector<16xf32>,
        %parallel_loop3A_556 = vector.broadcast %parallel_loop3A_516 : i32 to vector<16xi32>
        %parallel_loop3A_557 = arith.addi %get3A_282, %parallel_loop3A_556 : vector<16xi32>
        %parallel_loop3A_558 = arith.constant 0 : i32
        %parallel_loop3A_559 = arith.constant 0 : i32
        %parallel_loop3A_560 = arith.constant 0 : i32
        %parallel_loop3A_561 = tpu.memref_slice %arg8[%parallel_loop3A_558, %parallel_loop3A_559, %parallel_loop3A_560] : memref<2x128x137xf32, #tpu.memory_space<vmem>> -> memref<1x128x137xf32, #tpu.memory_space<vmem>>
        %parallel_loop3A_562 = tpu.memref_squeeze %parallel_loop3A_561 : memref<1x128x137xf32, #tpu.memory_space<vmem>> -> memref<128x137xf32, #tpu.memory_space<vmem>>
        %parallel_loop3A_563 = tpu.vector_load_idx %parallel_loop3A_562[%add3A_250, %parallel_loop3A_557] : memref<128x137xf32, #tpu.memory_space<vmem>>[vector<16xi32>, vector<16xi32>], vector<16xf32>,
        %parallel_loop3A_564 = arith.constant 0 : i32
        %parallel_loop3A_565 = arith.index_cast %parallel_loop3A_564 : i32 to index
        %parallel_loop3A_566 = arith.index_cast %parallel_loop3A_516 : i32 to index
        %parallel_loop3A_567 = arith.constant 48 : index
        %parallel_loop3A_568 = tpu.vector_load %arg9[%parallel_loop3A_565, %parallel_loop3A_566, %parallel_loop3A_567] {strides = array<i32>} : memref<2x64x128xf32, #tpu.memory_space<vmem>>, vector<16xf32>,
        tpu.vector_store %arg9[%parallel_loop3A_565, %parallel_loop3A_566, %parallel_loop3A_567], %parallel_loop3A_563 {strides = array<i32>} : memref<2x64x128xf32, #tpu.memory_space<vmem>>, vector<16xf32>,
        %parallel_loop3A_569 = vector.broadcast %parallel_loop3A_516 : i32 to vector<16xi32>
        %parallel_loop3A_570 = arith.addi %get3A_286, %parallel_loop3A_569 : vector<16xi32>
        %parallel_loop3A_571 = arith.constant 0 : i32
        %parallel_loop3A_572 = arith.constant 0 : i32
        %parallel_loop3A_573 = arith.constant 0 : i32
        %parallel_loop3A_574 = tpu.memref_slice %arg8[%parallel_loop3A_571, %parallel_loop3A_572, %parallel_loop3A_573] : memref<2x128x137xf32, #tpu.memory_space<vmem>> -> memref<1x128x137xf32, #tpu.memory_space<vmem>>
        %parallel_loop3A_575 = tpu.memref_squeeze %parallel_loop3A_574 : memref<1x128x137xf32, #tpu.memory_space<vmem>> -> memref<128x137xf32, #tpu.memory_space<vmem>>
        %parallel_loop3A_576 = tpu.vector_load_idx %parallel_loop3A_575[%add3A_254, %parallel_loop3A_570] : memref<128x137xf32, #tpu.memory_space<vmem>>[vector<16xi32>, vector<16xi32>], vector<16xf32>,
        %parallel_loop3A_577 = arith.constant 0 : i32
        %parallel_loop3A_578 = arith.index_cast %parallel_loop3A_577 : i32 to index
        %parallel_loop3A_579 = arith.index_cast %parallel_loop3A_516 : i32 to index
        %parallel_loop3A_580 = arith.constant 64 : index
        %parallel_loop3A_581 = tpu.vector_load %arg9[%parallel_loop3A_578, %parallel_loop3A_579, %parallel_loop3A_580] {strides = array<i32>} : memref<2x64x128xf32, #tpu.memory_space<vmem>>, vector<16xf32>,
        tpu.vector_store %arg9[%parallel_loop3A_578, %parallel_loop3A_579, %parallel_loop3A_580], %parallel_loop3A_576 {strides = array<i32>} : memref<2x64x128xf32, #tpu.memory_space<vmem>>, vector<16xf32>,
        %parallel_loop3A_582 = vector.broadcast %parallel_loop3A_516 : i32 to vector<16xi32>
        %parallel_loop3A_583 = arith.addi %get3A_290, %parallel_loop3A_582 : vector<16xi32>
        %parallel_loop3A_584 = arith.constant 0 : i32
        %parallel_loop3A_585 = arith.constant 0 : i32
        %parallel_loop3A_586 = arith.constant 0 : i32
        %parallel_loop3A_587 = tpu.memref_slice %arg8[%parallel_loop3A_584, %parallel_loop3A_585, %parallel_loop3A_586] : memref<2x128x137xf32, #tpu.memory_space<vmem>> -> memref<1x128x137xf32, #tpu.memory_space<vmem>>
        %parallel_loop3A_588 = tpu.memref_squeeze %parallel_loop3A_587 : memref<1x128x137xf32, #tpu.memory_space<vmem>> -> memref<128x137xf32, #tpu.memory_space<vmem>>
        %parallel_loop3A_589 = tpu.vector_load_idx %parallel_loop3A_588[%add3A_258, %parallel_loop3A_583] : memref<128x137xf32, #tpu.memory_space<vmem>>[vector<16xi32>, vector<16xi32>], vector<16xf32>,
        %parallel_loop3A_590 = arith.constant 0 : i32
        %parallel_loop3A_591 = arith.index_cast %parallel_loop3A_590 : i32 to index
        %parallel_loop3A_592 = arith.index_cast %parallel_loop3A_516 : i32 to index
        %parallel_loop3A_593 = arith.constant 80 : index
        %parallel_loop3A_594 = tpu.vector_load %arg9[%parallel_loop3A_591, %parallel_loop3A_592, %parallel_loop3A_593] {strides = array<i32>} : memref<2x64x128xf32, #tpu.memory_space<vmem>>, vector<16xf32>,
        tpu.vector_store %arg9[%parallel_loop3A_591, %parallel_loop3A_592, %parallel_loop3A_593], %parallel_loop3A_589 {strides = array<i32>} : memref<2x64x128xf32, #tpu.memory_space<vmem>>, vector<16xf32>,
        %parallel_loop3A_595 = vector.broadcast %parallel_loop3A_516 : i32 to vector<16xi32>
        %parallel_loop3A_596 = arith.addi %get3A_294, %parallel_loop3A_595 : vector<16xi32>
        %parallel_loop3A_597 = arith.constant 0 : i32
        %parallel_loop3A_598 = arith.constant 0 : i32
        %parallel_loop3A_599 = arith.constant 0 : i32
        %parallel_loop3A_600 = tpu.memref_slice %arg8[%parallel_loop3A_597, %parallel_loop3A_598, %parallel_loop3A_599] : memref<2x128x137xf32, #tpu.memory_space<vmem>> -> memref<1x128x137xf32, #tpu.memory_space<vmem>>
        %parallel_loop3A_601 = tpu.memref_squeeze %parallel_loop3A_600 : memref<1x128x137xf32, #tpu.memory_space<vmem>> -> memref<128x137xf32, #tpu.memory_space<vmem>>
        %parallel_loop3A_602 = tpu.vector_load_idx %parallel_loop3A_601[%add3A_262, %parallel_loop3A_596] : memref<128x137xf32, #tpu.memory_space<vmem>>[vector<16xi32>, vector<16xi32>], vector<16xf32>,
        %parallel_loop3A_603 = arith.constant 0 : i32
        %parallel_loop3A_604 = arith.index_cast %parallel_loop3A_603 : i32 to index
        %parallel_loop3A_605 = arith.index_cast %parallel_loop3A_516 : i32 to index
        %parallel_loop3A_606 = arith.constant 96 : index
        %parallel_loop3A_607 = tpu.vector_load %arg9[%parallel_loop3A_604, %parallel_loop3A_605, %parallel_loop3A_606] {strides = array<i32>} : memref<2x64x128xf32, #tpu.memory_space<vmem>>, vector<16xf32>,
        tpu.vector_store %arg9[%parallel_loop3A_604, %parallel_loop3A_605, %parallel_loop3A_606], %parallel_loop3A_602 {strides = array<i32>} : memref<2x64x128xf32, #tpu.memory_space<vmem>>, vector<16xf32>,
        %parallel_loop3A_608 = vector.broadcast %parallel_loop3A_516 : i32 to vector<16xi32>
        %parallel_loop3A_609 = arith.addi %get3A_298, %parallel_loop3A_608 : vector<16xi32>
        %parallel_loop3A_610 = arith.constant 0 : i32
        %parallel_loop3A_611 = arith.constant 0 : i32
        %parallel_loop3A_612 = arith.constant 0 : i32
        %parallel_loop3A_613 = tpu.memref_slice %arg8[%parallel_loop3A_610, %parallel_loop3A_611, %parallel_loop3A_612] : memref<2x128x137xf32, #tpu.memory_space<vmem>> -> memref<1x128x137xf32, #tpu.memory_space<vmem>>
        %parallel_loop3A_614 = tpu.memref_squeeze %parallel_loop3A_613 : memref<1x128x137xf32, #tpu.memory_space<vmem>> -> memref<128x137xf32, #tpu.memory_space<vmem>>
        %parallel_loop3A_615 = tpu.vector_load_idx %parallel_loop3A_614[%add3A_266, %parallel_loop3A_609] : memref<128x137xf32, #tpu.memory_space<vmem>>[vector<16xi32>, vector<16xi32>], vector<16xf32>,
        %parallel_loop3A_616 = arith.constant 0 : i32
        %parallel_loop3A_617 = arith.index_cast %parallel_loop3A_616 : i32 to index
        %parallel_loop3A_618 = arith.index_cast %parallel_loop3A_516 : i32 to index
        %parallel_loop3A_619 = arith.constant 112 : index
        %parallel_loop3A_620 = tpu.vector_load %arg9[%parallel_loop3A_617, %parallel_loop3A_618, %parallel_loop3A_619] {strides = array<i32>} : memref<2x64x128xf32, #tpu.memory_space<vmem>>, vector<16xf32>,
        tpu.vector_store %arg9[%parallel_loop3A_617, %parallel_loop3A_618, %parallel_loop3A_619], %parallel_loop3A_615 {strides = array<i32>} : memref<2x64x128xf32, #tpu.memory_space<vmem>>, vector<16xf32>,
      } {sc.loop_unroll_factor = 8 : i64, sc.parallel_access}
      %jit3A = arith.constant 4 : i32
      %div3A = arith.divsi %add3A_209, %jit3A : i32
      %sign3A = arith.constant 0 : i32
      %sign3A_301 = arith.cmpi sgt, %add3A_209, %sign3A : i32
      %sign3A_302 = arith.extui %sign3A_301 : i1 to i32
      %sign3A_303 = arith.constant 0 : i32
      %sign3A_304 = arith.cmpi slt, %add3A_209, %sign3A_303 : i32
      %sign3A_305 = arith.extui %sign3A_304 : i1 to i32
      %sign3A_306 = arith.subi %sign3A_302, %sign3A_305 : i32
      %sign3A_307 = arith.constant 0 : i32
      %sign3A_308 = arith.cmpi sgt, %jit3A, %sign3A_307 : i32
      %sign3A_309 = arith.extui %sign3A_308 : i1 to i32
      %sign3A_310 = arith.constant 0 : i32
      %sign3A_311 = arith.cmpi slt, %jit3A, %sign3A_310 : i32
      %sign3A_312 = arith.extui %sign3A_311 : i1 to i32
      %sign3A_313 = arith.subi %sign3A_309, %sign3A_312 : i32
      %ne3A = arith.cmpi ne, %sign3A_306, %sign3A_313 : i32
      %rem3A = arith.remsi %add3A_209, %jit3A : i32
      %ne3A_314 = arith.constant 0 : i32
      %ne3A_315 = arith.cmpi ne, %rem3A, %ne3A_314 : i32
      %and3A_316 = arith.andi %ne3A, %ne3A_315 : i1
      %sub3A = arith.constant 1 : i32
      %sub3A_317 = arith.subi %div3A, %sub3A : i32
      %select_n3A = arith.select %and3A_316, %sub3A_317, %div3A : i32
      %jit3A_318 = arith.constant 4 : i32
      %eq3A = arith.constant 0 : i32
      %eq3A_319 = arith.cmpi eq, %jit3A_318, %eq3A : i32
      %jit3A_320 = arith.constant 1 : i32
      %select_n3A_321 = arith.select %eq3A_319, %jit3A_320, %jit3A_318 : i32
      %rem3A_322 = arith.remsi %add3A_209, %select_n3A_321 : i32
      %ne3A_323 = arith.constant 0 : i32
      %ne3A_324 = arith.cmpi ne, %rem3A_322, %ne3A_323 : i32
      %lt3A_325 = arith.constant 0 : i32
      %lt3A_326 = arith.cmpi slt, %rem3A_322, %lt3A_325 : i32
      %lt3A_327 = arith.constant 0 : i32
      %lt3A_328 = arith.cmpi slt, %select_n3A_321, %lt3A_327 : i32
      %ne3A_329 = arith.xori %lt3A_326, %lt3A_328 : i1
      %and3A_330 = arith.andi %ne3A_329, %ne3A_324 : i1
      %add3A_331 = arith.addi %rem3A_322, %select_n3A_321 : i32
      %select_n3A_332 = arith.select %and3A_330, %add3A_331, %rem3A_322 : i32
      %mul3A_333 = arith.constant 128 : i32
      %mul3A_334 = arith.muli %select_n3A_332, %mul3A_333 : i32
      %add3A_335 = arith.addi %mul3A_2, %mul3A_334 : i32
      %dma_start3A_336 = arith.constant 0 : i32
      %dma_start3A_337 = arith.constant 0 : i32
      %dma_start3A_338 = arith.constant 0 : i32
      %dma_start3A_339 = arith.constant 0 : i32
      %dma_start3A_340 = tpu.memref_slice %arg9[%dma_start3A_336, %dma_start3A_338, %dma_start3A_339] : memref<2x64x128xf32, #tpu.memory_space<vmem>> -> memref<1x64x128xf32, #tpu.memory_space<vmem>>
      %dma_start3A_341 = tpu.memref_squeeze %dma_start3A_340 : memref<1x64x128xf32, #tpu.memory_space<vmem>> -> memref<64x128xf32, #tpu.memory_space<vmem>>
      %dma_start3A_342 = arith.constant 0 : i32
      %dma_start3A_343 = tpu.memref_slice %arg4[%select_n3A, %dma_start3A_342, %add3A_335] : memref<50x64x16384xf32, #tpu.memory_space<hbm>> -> memref<1x64x128xf32, #tpu.memory_space<hbm>>
      %dma_start3A_344 = tpu.memref_squeeze %dma_start3A_343 : memref<1x64x128xf32, #tpu.memory_space<hbm>> -> memref<64x128xf32, #tpu.memory_space<hbm>>
      %dma_start3A_345 = tpu.memref_slice %arg11[%dma_start3A_337] : memref<2x!tpu.dma_semaphore, #tpu.memory_space<semaphore_mem>> -> memref<1x!tpu.dma_semaphore, #tpu.memory_space<semaphore_mem>>
      %dma_start3A_346 = tpu.memref_squeeze %dma_start3A_345 : memref<1x!tpu.dma_semaphore, #tpu.memory_space<semaphore_mem>> -> memref<!tpu.dma_semaphore, #tpu.memory_space<semaphore_mem>>
      %dma_start3A_347 = arith.constant 0 : i32
      %dma_start3A_348 = tpu.memref_slice %arg4[%select_n3A, %dma_start3A_347, %add3A_335] : memref<50x64x16384xf32, #tpu.memory_space<hbm>> -> memref<1x64x128xf32, #tpu.memory_space<hbm>>
      %dma_start3A_349 = tpu.memref_squeeze %dma_start3A_348 : memref<1x64x128xf32, #tpu.memory_space<hbm>> -> memref<64x128xf32, #tpu.memory_space<hbm>>
      %dma_start3A_350 = arith.constant 0 : i32
      %dma_start3A_351 = arith.constant 0 : i32
      %dma_start3A_352 = tpu.memref_slice %arg9[%dma_start3A_336, %dma_start3A_350, %dma_start3A_351] : memref<2x64x128xf32, #tpu.memory_space<vmem>> -> memref<1x64x128xf32, #tpu.memory_space<vmem>>
      %dma_start3A_353 = tpu.memref_squeeze %dma_start3A_352 : memref<1x64x128xf32, #tpu.memory_space<vmem>> -> memref<64x128xf32, #tpu.memory_space<vmem>>
      tpu.enqueue_dma source(%dma_start3A_353 : memref<64x128xf32, #tpu.memory_space<vmem>>) target(%dma_start3A_349 : memref<64x128xf32, #tpu.memory_space<hbm>>) target_semaphore(%dma_start3A_346 : memref<!tpu.dma_semaphore, #tpu.memory_space<semaphore_mem>>)
      %mul3A_354 = arith.constant 2 : i32
      %mul3A_355 = arith.muli %scan3A_205, %mul3A_354 : i32
      %add3A_356 = arith.constant 1 : i32
      %add3A_357 = arith.addi %mul3A_355, %add3A_356 : i32
      %add3A_358 = arith.constant 1 : i32
      %add3A_359 = arith.addi %add3A_357, %add3A_358 : i32
      %ge3A_360 = arith.constant 1 : i32
      %ge3A_361 = arith.cmpi sge, %add3A_357, %ge3A_360 : i32
      %convert_element_type3A_362 = arith.extui %ge3A_361 : i1 to i32
      %cond3A_363 = arith.constant 0 : i32
      %cond3A_364 = arith.cmpi ne, %convert_element_type3A_362, %cond3A_363 : i32
      scf.if %cond3A_364 {
        %dma_wait3A_516 = arith.constant 0 : i32
        %dma_wait3A_517 = arith.constant 0 : i32
        %dma_wait3A_518 = arith.constant 0 : i32
        %dma_wait3A_519 = arith.constant 0 : i32
        %dma_wait3A_520 = arith.constant 0 : i32
        %dma_wait3A_521 = tpu.memref_slice %arg9[%dma_wait3A_516, %dma_wait3A_519, %dma_wait3A_520] : memref<2x64x128xf32, #tpu.memory_space<vmem>> -> memref<1x64x128xf32, #tpu.memory_space<vmem>>
        %dma_wait3A_522 = tpu.memref_squeeze %dma_wait3A_521 : memref<1x64x128xf32, #tpu.memory_space<vmem>> -> memref<64x128xf32, #tpu.memory_space<vmem>>
        %dma_wait3A_523 = arith.constant 0 : i32
        %dma_wait3A_524 = arith.constant 0 : i32
        %dma_wait3A_525 = tpu.memref_slice %arg4[%dma_wait3A_517, %dma_wait3A_523, %dma_wait3A_524] : memref<50x64x16384xf32, #tpu.memory_space<hbm>> -> memref<1x64x128xf32, #tpu.memory_space<hbm>>
        %dma_wait3A_526 = tpu.memref_squeeze %dma_wait3A_525 : memref<1x64x128xf32, #tpu.memory_space<hbm>> -> memref<64x128xf32, #tpu.memory_space<hbm>>
        %dma_wait3A_527 = tpu.memref_slice %arg11[%dma_wait3A_518] : memref<2x!tpu.dma_semaphore, #tpu.memory_space<semaphore_mem>> -> memref<1x!tpu.dma_semaphore, #tpu.memory_space<semaphore_mem>>
        %dma_wait3A_528 = tpu.memref_squeeze %dma_wait3A_527 : memref<1x!tpu.dma_semaphore, #tpu.memory_space<semaphore_mem>> -> memref<!tpu.dma_semaphore, #tpu.memory_space<semaphore_mem>>
        %dma_wait3A_529 = arith.constant 0 : i32
        %dma_wait3A_530 = arith.constant 0 : i32
        %dma_wait3A_531 = tpu.memref_slice %arg4[%dma_wait3A_517, %dma_wait3A_529, %dma_wait3A_530] : memref<50x64x16384xf32, #tpu.memory_space<hbm>> -> memref<1x64x128xf32, #tpu.memory_space<hbm>>
        %dma_wait3A_532 = tpu.memref_squeeze %dma_wait3A_531 : memref<1x64x128xf32, #tpu.memory_space<hbm>> -> memref<64x128xf32, #tpu.memory_space<hbm>>
        %dma_wait3A_533 = arith.constant 0 : i32
        %dma_wait3A_534 = arith.constant 0 : i32
        %dma_wait3A_535 = tpu.memref_slice %arg9[%dma_wait3A_516, %dma_wait3A_533, %dma_wait3A_534] : memref<2x64x128xf32, #tpu.memory_space<vmem>> -> memref<1x64x128xf32, #tpu.memory_space<vmem>>
        %dma_wait3A_536 = tpu.memref_squeeze %dma_wait3A_535 : memref<1x64x128xf32, #tpu.memory_space<vmem>> -> memref<64x128xf32, #tpu.memory_space<vmem>>
        tpu.wait_dma2 semaphore(%dma_wait3A_528 : memref<!tpu.dma_semaphore, #tpu.memory_space<semaphore_mem>>) src(%dma_wait3A_536 : memref<64x128xf32, #tpu.memory_space<vmem>>) dst(%dma_wait3A_532 : memref<64x128xf32, #tpu.memory_space<hbm>>)
      } else {
      }
      %lt3A_365 = arith.constant 200 : i32
      %lt3A_366 = arith.cmpi slt, %add3A_359, %lt3A_365 : i32
      %convert_element_type3A_367 = arith.extui %lt3A_366 : i1 to i32
      %cond3A_368 = arith.constant 0 : i32
      %cond3A_369 = arith.cmpi ne, %convert_element_type3A_367, %cond3A_368 : i32
      scf.if %cond3A_369 {
        %jit3A_516 = arith.constant 4 : i32
        %div3A_517 = arith.divsi %add3A_359, %jit3A_516 : i32
        %sign3A_518 = arith.constant 0 : i32
        %sign3A_519 = arith.cmpi sgt, %add3A_359, %sign3A_518 : i32
        %sign3A_520 = arith.extui %sign3A_519 : i1 to i32
        %sign3A_521 = arith.constant 0 : i32
        %sign3A_522 = arith.cmpi slt, %add3A_359, %sign3A_521 : i32
        %sign3A_523 = arith.extui %sign3A_522 : i1 to i32
        %sign3A_524 = arith.subi %sign3A_520, %sign3A_523 : i32
        %sign3A_525 = arith.constant 0 : i32
        %sign3A_526 = arith.cmpi sgt, %jit3A_516, %sign3A_525 : i32
        %sign3A_527 = arith.extui %sign3A_526 : i1 to i32
        %sign3A_528 = arith.constant 0 : i32
        %sign3A_529 = arith.cmpi slt, %jit3A_516, %sign3A_528 : i32
        %sign3A_530 = arith.extui %sign3A_529 : i1 to i32
        %sign3A_531 = arith.subi %sign3A_527, %sign3A_530 : i32
        %ne3A_532 = arith.cmpi ne, %sign3A_524, %sign3A_531 : i32
        %rem3A_533 = arith.remsi %add3A_359, %jit3A_516 : i32
        %ne3A_534 = arith.constant 0 : i32
        %ne3A_535 = arith.cmpi ne, %rem3A_533, %ne3A_534 : i32
        %and3A_536 = arith.andi %ne3A_532, %ne3A_535 : i1
        %sub3A_537 = arith.constant 1 : i32
        %sub3A_538 = arith.subi %div3A_517, %sub3A_537 : i32
        %select_n3A_539 = arith.select %and3A_536, %sub3A_538, %div3A_517 : i32
        %jit3A_540 = arith.constant 4 : i32
        %eq3A_541 = arith.constant 0 : i32
        %eq3A_542 = arith.cmpi eq, %jit3A_540, %eq3A_541 : i32
        %jit3A_543 = arith.constant 1 : i32
        %select_n3A_544 = arith.select %eq3A_542, %jit3A_543, %jit3A_540 : i32
        %rem3A_545 = arith.remsi %add3A_359, %select_n3A_544 : i32
        %ne3A_546 = arith.constant 0 : i32
        %ne3A_547 = arith.cmpi ne, %rem3A_545, %ne3A_546 : i32
        %lt3A_548 = arith.constant 0 : i32
        %lt3A_549 = arith.cmpi slt, %rem3A_545, %lt3A_548 : i32
        %lt3A_550 = arith.constant 0 : i32
        %lt3A_551 = arith.cmpi slt, %select_n3A_544, %lt3A_550 : i32
        %ne3A_552 = arith.xori %lt3A_549, %lt3A_551 : i1
        %and3A_553 = arith.andi %ne3A_552, %ne3A_547 : i1
        %add3A_554 = arith.addi %rem3A_545, %select_n3A_544 : i32
        %select_n3A_555 = arith.select %and3A_553, %add3A_554, %rem3A_545 : i32
        %mul3A_556 = arith.constant 128 : i32
        %mul3A_557 = arith.muli %select_n3A_555, %mul3A_556 : i32
        %add3A_558 = arith.constant 0 : i32
        %add3A_559 = arith.addi %mul3A_557, %add3A_558 : i32
        %get3A_560 = arith.index_cast %select_n3A_539 : i32 to index
        %get3A_561 = arith.index_cast %add3A_559 : i32 to index
        %get3A_562 = tpu.vector_load %arg5[%get3A_560, %get3A_561] {strides = array<i32>} : memref<50x512xi32, #tpu.memory_space<vmem>>, vector<16xi32>,
        %shift_right_logical3A_563 = arith.constant 1 : i32
        %shift_right_logical3A_564 = vector.broadcast %shift_right_logical3A_563 : i32 to vector<16xi32>
        %shift_right_logical3A_565 = arith.shrui %get3A_562, %shift_right_logical3A_564 : vector<16xi32>
        %swap3A_566 = arith.constant 0 : i32
        %swap3A_567 = arith.index_cast %swap3A_566 : i32 to index
        %swap3A_568 = arith.constant 0 : index
        %swap3A_569 = tpu.vector_load %arg6[%swap3A_567, %swap3A_568] {strides = array<i32>} : memref<2x128xi32, #tpu.memory_space<vmem>>, vector<16xi32>,
        tpu.vector_store %arg6[%swap3A_567, %swap3A_568], %shift_right_logical3A_565 {strides = array<i32>} : memref<2x128xi32, #tpu.memory_space<vmem>>, vector<16xi32>,
        %and3A_570 = arith.constant 1 : i32
        %and3A_571 = vector.broadcast %and3A_570 : i32 to vector<16xi32>
        %and3A_572 = arith.andi %get3A_562, %and3A_571 : vector<16xi32>
        %shift_left3A_573 = arith.constant 6 : i32
        %shift_left3A_574 = vector.broadcast %shift_left3A_573 : i32 to vector<16xi32>
        %shift_left3A_575 = arith.shli %and3A_572, %shift_left3A_574 : vector<16xi32>
        %swap3A_576 = arith.constant 0 : i32
        %swap3A_577 = arith.index_cast %swap3A_576 : i32 to index
        %swap3A_578 = arith.constant 0 : index
        %swap3A_579 = tpu.vector_load %arg7[%swap3A_577, %swap3A_578] {strides = array<i32>} : memref<2x128xi32, #tpu.memory_space<vmem>>, vector<16xi32>,
        tpu.vector_store %arg7[%swap3A_577, %swap3A_578], %shift_left3A_575 {strides = array<i32>} : memref<2x128xi32, #tpu.memory_space<vmem>>, vector<16xi32>,
        %add3A_580 = arith.constant 16 : i32
        %add3A_581 = arith.addi %mul3A_557, %add3A_580 : i32
        %get3A_582 = arith.index_cast %select_n3A_539 : i32 to index
        %get3A_583 = arith.index_cast %add3A_581 : i32 to index
        %get3A_584 = tpu.vector_load %arg5[%get3A_582, %get3A_583] {strides = array<i32>} : memref<50x512xi32, #tpu.memory_space<vmem>>, vector<16xi32>,
        %shift_right_logical3A_585 = arith.constant 1 : i32
        %shift_right_logical3A_586 = vector.broadcast %shift_right_logical3A_585 : i32 to vector<16xi32>
        %shift_right_logical3A_587 = arith.shrui %get3A_584, %shift_right_logical3A_586 : vector<16xi32>
        %swap3A_588 = arith.constant 0 : i32
        %swap3A_589 = arith.index_cast %swap3A_588 : i32 to index
        %swap3A_590 = arith.constant 16 : index
        %swap3A_591 = tpu.vector_load %arg6[%swap3A_589, %swap3A_590] {strides = array<i32>} : memref<2x128xi32, #tpu.memory_space<vmem>>, vector<16xi32>,
        tpu.vector_store %arg6[%swap3A_589, %swap3A_590], %shift_right_logical3A_587 {strides = array<i32>} : memref<2x128xi32, #tpu.memory_space<vmem>>, vector<16xi32>,
        %and3A_592 = arith.constant 1 : i32
        %and3A_593 = vector.broadcast %and3A_592 : i32 to vector<16xi32>
        %and3A_594 = arith.andi %get3A_584, %and3A_593 : vector<16xi32>
        %shift_left3A_595 = arith.constant 6 : i32
        %shift_left3A_596 = vector.broadcast %shift_left3A_595 : i32 to vector<16xi32>
        %shift_left3A_597 = arith.shli %and3A_594, %shift_left3A_596 : vector<16xi32>
        %swap3A_598 = arith.constant 0 : i32
        %swap3A_599 = arith.index_cast %swap3A_598 : i32 to index
        %swap3A_600 = arith.constant 16 : index
        %swap3A_601 = tpu.vector_load %arg7[%swap3A_599, %swap3A_600] {strides = array<i32>} : memref<2x128xi32, #tpu.memory_space<vmem>>, vector<16xi32>,
        tpu.vector_store %arg7[%swap3A_599, %swap3A_600], %shift_left3A_597 {strides = array<i32>} : memref<2x128xi32, #tpu.memory_space<vmem>>, vector<16xi32>,
        %add3A_602 = arith.constant 32 : i32
        %add3A_603 = arith.addi %mul3A_557, %add3A_602 : i32
        %get3A_604 = arith.index_cast %select_n3A_539 : i32 to index
        %get3A_605 = arith.index_cast %add3A_603 : i32 to index
        %get3A_606 = tpu.vector_load %arg5[%get3A_604, %get3A_605] {strides = array<i32>} : memref<50x512xi32, #tpu.memory_space<vmem>>, vector<16xi32>,
        %shift_right_logical3A_607 = arith.constant 1 : i32
        %shift_right_logical3A_608 = vector.broadcast %shift_right_logical3A_607 : i32 to vector<16xi32>
        %shift_right_logical3A_609 = arith.shrui %get3A_606, %shift_right_logical3A_608 : vector<16xi32>
        %swap3A_610 = arith.constant 0 : i32
        %swap3A_611 = arith.index_cast %swap3A_610 : i32 to index
        %swap3A_612 = arith.constant 32 : index
        %swap3A_613 = tpu.vector_load %arg6[%swap3A_611, %swap3A_612] {strides = array<i32>} : memref<2x128xi32, #tpu.memory_space<vmem>>, vector<16xi32>,
        tpu.vector_store %arg6[%swap3A_611, %swap3A_612], %shift_right_logical3A_609 {strides = array<i32>} : memref<2x128xi32, #tpu.memory_space<vmem>>, vector<16xi32>,
        %and3A_614 = arith.constant 1 : i32
        %and3A_615 = vector.broadcast %and3A_614 : i32 to vector<16xi32>
        %and3A_616 = arith.andi %get3A_606, %and3A_615 : vector<16xi32>
        %shift_left3A_617 = arith.constant 6 : i32
        %shift_left3A_618 = vector.broadcast %shift_left3A_617 : i32 to vector<16xi32>
        %shift_left3A_619 = arith.shli %and3A_616, %shift_left3A_618 : vector<16xi32>
        %swap3A_620 = arith.constant 0 : i32
        %swap3A_621 = arith.index_cast %swap3A_620 : i32 to index
        %swap3A_622 = arith.constant 32 : index
        %swap3A_623 = tpu.vector_load %arg7[%swap3A_621, %swap3A_622] {strides = array<i32>} : memref<2x128xi32, #tpu.memory_space<vmem>>, vector<16xi32>,
        tpu.vector_store %arg7[%swap3A_621, %swap3A_622], %shift_left3A_619 {strides = array<i32>} : memref<2x128xi32, #tpu.memory_space<vmem>>, vector<16xi32>,
        %add3A_624 = arith.constant 48 : i32
        %add3A_625 = arith.addi %mul3A_557, %add3A_624 : i32
        %get3A_626 = arith.index_cast %select_n3A_539 : i32 to index
        %get3A_627 = arith.index_cast %add3A_625 : i32 to index
        %get3A_628 = tpu.vector_load %arg5[%get3A_626, %get3A_627] {strides = array<i32>} : memref<50x512xi32, #tpu.memory_space<vmem>>, vector<16xi32>,
        %shift_right_logical3A_629 = arith.constant 1 : i32
        %shift_right_logical3A_630 = vector.broadcast %shift_right_logical3A_629 : i32 to vector<16xi32>
        %shift_right_logical3A_631 = arith.shrui %get3A_628, %shift_right_logical3A_630 : vector<16xi32>
        %swap3A_632 = arith.constant 0 : i32
        %swap3A_633 = arith.index_cast %swap3A_632 : i32 to index
        %swap3A_634 = arith.constant 48 : index
        %swap3A_635 = tpu.vector_load %arg6[%swap3A_633, %swap3A_634] {strides = array<i32>} : memref<2x128xi32, #tpu.memory_space<vmem>>, vector<16xi32>,
        tpu.vector_store %arg6[%swap3A_633, %swap3A_634], %shift_right_logical3A_631 {strides = array<i32>} : memref<2x128xi32, #tpu.memory_space<vmem>>, vector<16xi32>,
        %and3A_636 = arith.constant 1 : i32
        %and3A_637 = vector.broadcast %and3A_636 : i32 to vector<16xi32>
        %and3A_638 = arith.andi %get3A_628, %and3A_637 : vector<16xi32>
        %shift_left3A_639 = arith.constant 6 : i32
        %shift_left3A_640 = vector.broadcast %shift_left3A_639 : i32 to vector<16xi32>
        %shift_left3A_641 = arith.shli %and3A_638, %shift_left3A_640 : vector<16xi32>
        %swap3A_642 = arith.constant 0 : i32
        %swap3A_643 = arith.index_cast %swap3A_642 : i32 to index
        %swap3A_644 = arith.constant 48 : index
        %swap3A_645 = tpu.vector_load %arg7[%swap3A_643, %swap3A_644] {strides = array<i32>} : memref<2x128xi32, #tpu.memory_space<vmem>>, vector<16xi32>,
        tpu.vector_store %arg7[%swap3A_643, %swap3A_644], %shift_left3A_641 {strides = array<i32>} : memref<2x128xi32, #tpu.memory_space<vmem>>, vector<16xi32>,
        %add3A_646 = arith.constant 64 : i32
        %add3A_647 = arith.addi %mul3A_557, %add3A_646 : i32
        %get3A_648 = arith.index_cast %select_n3A_539 : i32 to index
        %get3A_649 = arith.index_cast %add3A_647 : i32 to index
        %get3A_650 = tpu.vector_load %arg5[%get3A_648, %get3A_649] {strides = array<i32>} : memref<50x512xi32, #tpu.memory_space<vmem>>, vector<16xi32>,
        %shift_right_logical3A_651 = arith.constant 1 : i32
        %shift_right_logical3A_652 = vector.broadcast %shift_right_logical3A_651 : i32 to vector<16xi32>
        %shift_right_logical3A_653 = arith.shrui %get3A_650, %shift_right_logical3A_652 : vector<16xi32>
        %swap3A_654 = arith.constant 0 : i32
        %swap3A_655 = arith.index_cast %swap3A_654 : i32 to index
        %swap3A_656 = arith.constant 64 : index
        %swap3A_657 = tpu.vector_load %arg6[%swap3A_655, %swap3A_656] {strides = array<i32>} : memref<2x128xi32, #tpu.memory_space<vmem>>, vector<16xi32>,
        tpu.vector_store %arg6[%swap3A_655, %swap3A_656], %shift_right_logical3A_653 {strides = array<i32>} : memref<2x128xi32, #tpu.memory_space<vmem>>, vector<16xi32>,
        %and3A_658 = arith.constant 1 : i32
        %and3A_659 = vector.broadcast %and3A_658 : i32 to vector<16xi32>
        %and3A_660 = arith.andi %get3A_650, %and3A_659 : vector<16xi32>
        %shift_left3A_661 = arith.constant 6 : i32
        %shift_left3A_662 = vector.broadcast %shift_left3A_661 : i32 to vector<16xi32>
        %shift_left3A_663 = arith.shli %and3A_660, %shift_left3A_662 : vector<16xi32>
        %swap3A_664 = arith.constant 0 : i32
        %swap3A_665 = arith.index_cast %swap3A_664 : i32 to index
        %swap3A_666 = arith.constant 64 : index
        %swap3A_667 = tpu.vector_load %arg7[%swap3A_665, %swap3A_666] {strides = array<i32>} : memref<2x128xi32, #tpu.memory_space<vmem>>, vector<16xi32>,
        tpu.vector_store %arg7[%swap3A_665, %swap3A_666], %shift_left3A_663 {strides = array<i32>} : memref<2x128xi32, #tpu.memory_space<vmem>>, vector<16xi32>,
        %add3A_668 = arith.constant 80 : i32
        %add3A_669 = arith.addi %mul3A_557, %add3A_668 : i32
        %get3A_670 = arith.index_cast %select_n3A_539 : i32 to index
        %get3A_671 = arith.index_cast %add3A_669 : i32 to index
        %get3A_672 = tpu.vector_load %arg5[%get3A_670, %get3A_671] {strides = array<i32>} : memref<50x512xi32, #tpu.memory_space<vmem>>, vector<16xi32>,
        %shift_right_logical3A_673 = arith.constant 1 : i32
        %shift_right_logical3A_674 = vector.broadcast %shift_right_logical3A_673 : i32 to vector<16xi32>
        %shift_right_logical3A_675 = arith.shrui %get3A_672, %shift_right_logical3A_674 : vector<16xi32>
        %swap3A_676 = arith.constant 0 : i32
        %swap3A_677 = arith.index_cast %swap3A_676 : i32 to index
        %swap3A_678 = arith.constant 80 : index
        %swap3A_679 = tpu.vector_load %arg6[%swap3A_677, %swap3A_678] {strides = array<i32>} : memref<2x128xi32, #tpu.memory_space<vmem>>, vector<16xi32>,
        tpu.vector_store %arg6[%swap3A_677, %swap3A_678], %shift_right_logical3A_675 {strides = array<i32>} : memref<2x128xi32, #tpu.memory_space<vmem>>, vector<16xi32>,
        %and3A_680 = arith.constant 1 : i32
        %and3A_681 = vector.broadcast %and3A_680 : i32 to vector<16xi32>
        %and3A_682 = arith.andi %get3A_672, %and3A_681 : vector<16xi32>
        %shift_left3A_683 = arith.constant 6 : i32
        %shift_left3A_684 = vector.broadcast %shift_left3A_683 : i32 to vector<16xi32>
        %shift_left3A_685 = arith.shli %and3A_682, %shift_left3A_684 : vector<16xi32>
        %swap3A_686 = arith.constant 0 : i32
        %swap3A_687 = arith.index_cast %swap3A_686 : i32 to index
        %swap3A_688 = arith.constant 80 : index
        %swap3A_689 = tpu.vector_load %arg7[%swap3A_687, %swap3A_688] {strides = array<i32>} : memref<2x128xi32, #tpu.memory_space<vmem>>, vector<16xi32>,
        tpu.vector_store %arg7[%swap3A_687, %swap3A_688], %shift_left3A_685 {strides = array<i32>} : memref<2x128xi32, #tpu.memory_space<vmem>>, vector<16xi32>,
        %add3A_690 = arith.constant 96 : i32
        %add3A_691 = arith.addi %mul3A_557, %add3A_690 : i32
        %get3A_692 = arith.index_cast %select_n3A_539 : i32 to index
        %get3A_693 = arith.index_cast %add3A_691 : i32 to index
        %get3A_694 = tpu.vector_load %arg5[%get3A_692, %get3A_693] {strides = array<i32>} : memref<50x512xi32, #tpu.memory_space<vmem>>, vector<16xi32>,
        %shift_right_logical3A_695 = arith.constant 1 : i32
        %shift_right_logical3A_696 = vector.broadcast %shift_right_logical3A_695 : i32 to vector<16xi32>
        %shift_right_logical3A_697 = arith.shrui %get3A_694, %shift_right_logical3A_696 : vector<16xi32>
        %swap3A_698 = arith.constant 0 : i32
        %swap3A_699 = arith.index_cast %swap3A_698 : i32 to index
        %swap3A_700 = arith.constant 96 : index
        %swap3A_701 = tpu.vector_load %arg6[%swap3A_699, %swap3A_700] {strides = array<i32>} : memref<2x128xi32, #tpu.memory_space<vmem>>, vector<16xi32>,
        tpu.vector_store %arg6[%swap3A_699, %swap3A_700], %shift_right_logical3A_697 {strides = array<i32>} : memref<2x128xi32, #tpu.memory_space<vmem>>, vector<16xi32>,
        %and3A_702 = arith.constant 1 : i32
        %and3A_703 = vector.broadcast %and3A_702 : i32 to vector<16xi32>
        %and3A_704 = arith.andi %get3A_694, %and3A_703 : vector<16xi32>
        %shift_left3A_705 = arith.constant 6 : i32
        %shift_left3A_706 = vector.broadcast %shift_left3A_705 : i32 to vector<16xi32>
        %shift_left3A_707 = arith.shli %and3A_704, %shift_left3A_706 : vector<16xi32>
        %swap3A_708 = arith.constant 0 : i32
        %swap3A_709 = arith.index_cast %swap3A_708 : i32 to index
        %swap3A_710 = arith.constant 96 : index
        %swap3A_711 = tpu.vector_load %arg7[%swap3A_709, %swap3A_710] {strides = array<i32>} : memref<2x128xi32, #tpu.memory_space<vmem>>, vector<16xi32>,
        tpu.vector_store %arg7[%swap3A_709, %swap3A_710], %shift_left3A_707 {strides = array<i32>} : memref<2x128xi32, #tpu.memory_space<vmem>>, vector<16xi32>,
        %add3A_712 = arith.constant 112 : i32
        %add3A_713 = arith.addi %mul3A_557, %add3A_712 : i32
        %get3A_714 = arith.index_cast %select_n3A_539 : i32 to index
        %get3A_715 = arith.index_cast %add3A_713 : i32 to index
        %get3A_716 = tpu.vector_load %arg5[%get3A_714, %get3A_715] {strides = array<i32>} : memref<50x512xi32, #tpu.memory_space<vmem>>, vector<16xi32>,
        %shift_right_logical3A_717 = arith.constant 1 : i32
        %shift_right_logical3A_718 = vector.broadcast %shift_right_logical3A_717 : i32 to vector<16xi32>
        %shift_right_logical3A_719 = arith.shrui %get3A_716, %shift_right_logical3A_718 : vector<16xi32>
        %swap3A_720 = arith.constant 0 : i32
        %swap3A_721 = arith.index_cast %swap3A_720 : i32 to index
        %swap3A_722 = arith.constant 112 : index
        %swap3A_723 = tpu.vector_load %arg6[%swap3A_721, %swap3A_722] {strides = array<i32>} : memref<2x128xi32, #tpu.memory_space<vmem>>, vector<16xi32>,
        tpu.vector_store %arg6[%swap3A_721, %swap3A_722], %shift_right_logical3A_719 {strides = array<i32>} : memref<2x128xi32, #tpu.memory_space<vmem>>, vector<16xi32>,
        %and3A_724 = arith.constant 1 : i32
        %and3A_725 = vector.broadcast %and3A_724 : i32 to vector<16xi32>
        %and3A_726 = arith.andi %get3A_716, %and3A_725 : vector<16xi32>
        %shift_left3A_727 = arith.constant 6 : i32
        %shift_left3A_728 = vector.broadcast %shift_left3A_727 : i32 to vector<16xi32>
        %shift_left3A_729 = arith.shli %and3A_726, %shift_left3A_728 : vector<16xi32>
        %swap3A_730 = arith.constant 0 : i32
        %swap3A_731 = arith.index_cast %swap3A_730 : i32 to index
        %swap3A_732 = arith.constant 112 : index
        %swap3A_733 = tpu.vector_load %arg7[%swap3A_731, %swap3A_732] {strides = array<i32>} : memref<2x128xi32, #tpu.memory_space<vmem>>, vector<16xi32>,
        tpu.vector_store %arg7[%swap3A_731, %swap3A_732], %shift_left3A_729 {strides = array<i32>} : memref<2x128xi32, #tpu.memory_space<vmem>>, vector<16xi32>,
        %dma_start3A_734 = arith.constant 0 : i32
        %dma_start3A_735 = arith.constant 0 : i32
        %dma_start3A_736 = arith.constant 0 : i32
        %dma_start3A_737 = arith.constant 0 : i32
        %dma_start3A_738 = arith.constant 0 : i32
        %dma_start3A_739 = tpu.memref_slice %arg8[%dma_start3A_735, %dma_start3A_737, %dma_start3A_738] : memref<2x128x137xf32, #tpu.memory_space<vmem>> -> memref<1x128x128xf32, #tpu.memory_space<vmem>>
        %dma_start3A_740 = tpu.memref_squeeze %dma_start3A_739 : memref<1x128x128xf32, #tpu.memory_space<vmem>> -> memref<128x128xf32, #tpu.memory_space<vmem>>
        %dma_start3A_741 = arith.constant 0 : i32
        %dma_start3A_742 = tpu.memref_slice %arg6[%dma_start3A_734, %dma_start3A_741] : memref<2x128xi32, #tpu.memory_space<vmem>> -> memref<1x128xi32, #tpu.memory_space<vmem>>
        %dma_start3A_743 = tpu.memref_squeeze %dma_start3A_742 : memref<1x128xi32, #tpu.memory_space<vmem>> -> memref<128xi32, #tpu.memory_space<vmem>>
        %dma_start3A_744 = arith.constant 0 : i32
        %dma_start3A_745 = arith.constant 0 : i32
        %dma_start3A_746 = tpu.memref_slice %arg3[%dma_start3A_744, %dma_start3A_745] : memref<500000x128xf32, #tpu.memory_space<hbm>> -> memref<500000x128xf32, #tpu.memory_space<hbm>>
        %dma_start3A_747 = tpu.memref_slice %arg10[%dma_start3A_736] : memref<2x!tpu.dma_semaphore, #tpu.memory_space<semaphore_mem>> -> memref<1x!tpu.dma_semaphore, #tpu.memory_space<semaphore_mem>>
        %dma_start3A_748 = tpu.memref_squeeze %dma_start3A_747 : memref<1x!tpu.dma_semaphore, #tpu.memory_space<semaphore_mem>> -> memref<!tpu.dma_semaphore, #tpu.memory_space<semaphore_mem>>
        tpu.enqueue_indirect_dma source(%dma_start3A_746 : memref<500000x128xf32, #tpu.memory_space<hbm>>) target(%dma_start3A_740 : memref<128x128xf32, #tpu.memory_space<vmem>>) offsets(%dma_start3A_743 : memref<128xi32, #tpu.memory_space<vmem>>) semaphore(%dma_start3A_748 : memref<!tpu.dma_semaphore, #tpu.memory_space<semaphore_mem>>)
      } else {
      }
      %dma_wait3A_370 = arith.constant 1 : i32
      %dma_wait3A_371 = arith.constant 1 : i32
      %dma_wait3A_372 = arith.constant 0 : i32
      %dma_wait3A_373 = arith.constant 0 : i32
      %dma_wait3A_374 = tpu.memref_slice %arg8[%dma_wait3A_370, %dma_wait3A_372, %dma_wait3A_373] : memref<2x128x137xf32, #tpu.memory_space<vmem>> -> memref<1x128x128xf32, #tpu.memory_space<vmem>>
      %dma_wait3A_375 = tpu.memref_squeeze %dma_wait3A_374 : memref<1x128x128xf32, #tpu.memory_space<vmem>> -> memref<128x128xf32, #tpu.memory_space<vmem>>
      %dma_wait3A_376 = arith.constant 0 : i32
      %dma_wait3A_377 = arith.constant 0 : i32
      %dma_wait3A_378 = tpu.memref_slice %arg3[%dma_wait3A_376, %dma_wait3A_377] : memref<500000x128xf32, #tpu.memory_space<hbm>> -> memref<128x128xf32, #tpu.memory_space<hbm>>
      %dma_wait3A_379 = tpu.memref_slice %arg10[%dma_wait3A_371] : memref<2x!tpu.dma_semaphore, #tpu.memory_space<semaphore_mem>> -> memref<1x!tpu.dma_semaphore, #tpu.memory_space<semaphore_mem>>
      %dma_wait3A_380 = tpu.memref_squeeze %dma_wait3A_379 : memref<1x!tpu.dma_semaphore, #tpu.memory_space<semaphore_mem>> -> memref<!tpu.dma_semaphore, #tpu.memory_space<semaphore_mem>>
      %dma_wait3A_381 = arith.constant 0 : i32
      %dma_wait3A_382 = arith.constant 0 : i32
      %dma_wait3A_383 = tpu.memref_slice %arg8[%dma_wait3A_370, %dma_wait3A_381, %dma_wait3A_382] : memref<2x128x137xf32, #tpu.memory_space<vmem>> -> memref<1x128x128xf32, #tpu.memory_space<vmem>>
      %dma_wait3A_384 = tpu.memref_squeeze %dma_wait3A_383 : memref<1x128x128xf32, #tpu.memory_space<vmem>> -> memref<128x128xf32, #tpu.memory_space<vmem>>
      %dma_wait3A_385 = arith.constant 0 : i32
      %dma_wait3A_386 = arith.constant 0 : i32
      %dma_wait3A_387 = tpu.memref_slice %arg3[%dma_wait3A_385, %dma_wait3A_386] : memref<500000x128xf32, #tpu.memory_space<hbm>> -> memref<128x128xf32, #tpu.memory_space<hbm>>
      tpu.wait_dma2 semaphore(%dma_wait3A_380 : memref<!tpu.dma_semaphore, #tpu.memory_space<semaphore_mem>>) src(%dma_wait3A_387 : memref<128x128xf32, #tpu.memory_space<hbm>>) dst(%dma_wait3A_384 : memref<128x128xf32, #tpu.memory_space<vmem>>)
      %iota3A_388 = tpu.iota {dimensions = array<i32: 0>} : vector<16xi32>
      %add3A_389 = arith.constant 0 : i32
      %add3A_390 = vector.broadcast %add3A_389 : i32 to vector<16xi32>
      %add3A_391 = arith.addi %iota3A_388, %add3A_390 : vector<16xi32>
      %iota3A_392 = tpu.iota {dimensions = array<i32: 0>} : vector<16xi32>
      %add3A_393 = arith.constant 16 : i32
      %add3A_394 = vector.broadcast %add3A_393 : i32 to vector<16xi32>
      %add3A_395 = arith.addi %iota3A_392, %add3A_394 : vector<16xi32>
      %iota3A_396 = tpu.iota {dimensions = array<i32: 0>} : vector<16xi32>
      %add3A_397 = arith.constant 32 : i32
      %add3A_398 = vector.broadcast %add3A_397 : i32 to vector<16xi32>
      %add3A_399 = arith.addi %iota3A_396, %add3A_398 : vector<16xi32>
      %iota3A_400 = tpu.iota {dimensions = array<i32: 0>} : vector<16xi32>
      %add3A_401 = arith.constant 48 : i32
      %add3A_402 = vector.broadcast %add3A_401 : i32 to vector<16xi32>
      %add3A_403 = arith.addi %iota3A_400, %add3A_402 : vector<16xi32>
      %iota3A_404 = tpu.iota {dimensions = array<i32: 0>} : vector<16xi32>
      %add3A_405 = arith.constant 64 : i32
      %add3A_406 = vector.broadcast %add3A_405 : i32 to vector<16xi32>
      %add3A_407 = arith.addi %iota3A_404, %add3A_406 : vector<16xi32>
      %iota3A_408 = tpu.iota {dimensions = array<i32: 0>} : vector<16xi32>
      %add3A_409 = arith.constant 80 : i32
      %add3A_410 = vector.broadcast %add3A_409 : i32 to vector<16xi32>
      %add3A_411 = arith.addi %iota3A_408, %add3A_410 : vector<16xi32>
      %iota3A_412 = tpu.iota {dimensions = array<i32: 0>} : vector<16xi32>
      %add3A_413 = arith.constant 96 : i32
      %add3A_414 = vector.broadcast %add3A_413 : i32 to vector<16xi32>
      %add3A_415 = arith.addi %iota3A_412, %add3A_414 : vector<16xi32>
      %iota3A_416 = tpu.iota {dimensions = array<i32: 0>} : vector<16xi32>
      %add3A_417 = arith.constant 112 : i32
      %add3A_418 = vector.broadcast %add3A_417 : i32 to vector<16xi32>
      %add3A_419 = arith.addi %iota3A_416, %add3A_418 : vector<16xi32>
      %get3A_420 = arith.constant 1 : i32
      %get3A_421 = arith.index_cast %get3A_420 : i32 to index
      %get3A_422 = arith.constant 0 : index
      %get3A_423 = tpu.vector_load %arg7[%get3A_421, %get3A_422] {strides = array<i32>} : memref<2x128xi32, #tpu.memory_space<vmem>>, vector<16xi32>,
      %get3A_424 = arith.constant 1 : i32
      %get3A_425 = arith.index_cast %get3A_424 : i32 to index
      %get3A_426 = arith.constant 16 : index
      %get3A_427 = tpu.vector_load %arg7[%get3A_425, %get3A_426] {strides = array<i32>} : memref<2x128xi32, #tpu.memory_space<vmem>>, vector<16xi32>,
      %get3A_428 = arith.constant 1 : i32
      %get3A_429 = arith.index_cast %get3A_428 : i32 to index
      %get3A_430 = arith.constant 32 : index
      %get3A_431 = tpu.vector_load %arg7[%get3A_429, %get3A_430] {strides = array<i32>} : memref<2x128xi32, #tpu.memory_space<vmem>>, vector<16xi32>,
      %get3A_432 = arith.constant 1 : i32
      %get3A_433 = arith.index_cast %get3A_432 : i32 to index
      %get3A_434 = arith.constant 48 : index
      %get3A_435 = tpu.vector_load %arg7[%get3A_433, %get3A_434] {strides = array<i32>} : memref<2x128xi32, #tpu.memory_space<vmem>>, vector<16xi32>,
      %get3A_436 = arith.constant 1 : i32
      %get3A_437 = arith.index_cast %get3A_436 : i32 to index
      %get3A_438 = arith.constant 64 : index
      %get3A_439 = tpu.vector_load %arg7[%get3A_437, %get3A_438] {strides = array<i32>} : memref<2x128xi32, #tpu.memory_space<vmem>>, vector<16xi32>,
      %get3A_440 = arith.constant 1 : i32
      %get3A_441 = arith.index_cast %get3A_440 : i32 to index
      %get3A_442 = arith.constant 80 : index
      %get3A_443 = tpu.vector_load %arg7[%get3A_441, %get3A_442] {strides = array<i32>} : memref<2x128xi32, #tpu.memory_space<vmem>>, vector<16xi32>,
      %get3A_444 = arith.constant 1 : i32
      %get3A_445 = arith.index_cast %get3A_444 : i32 to index
      %get3A_446 = arith.constant 96 : index
      %get3A_447 = tpu.vector_load %arg7[%get3A_445, %get3A_446] {strides = array<i32>} : memref<2x128xi32, #tpu.memory_space<vmem>>, vector<16xi32>,
      %get3A_448 = arith.constant 1 : i32
      %get3A_449 = arith.index_cast %get3A_448 : i32 to index
      %get3A_450 = arith.constant 112 : index
      %get3A_451 = tpu.vector_load %arg7[%get3A_449, %get3A_450] {strides = array<i32>} : memref<2x128xi32, #tpu.memory_space<vmem>>, vector<16xi32>,
      %parallel_loop3A_452 = arith.constant 0 : i32
      %parallel_loop3A_453 = arith.constant 64 : i32
      %parallel_loop3A_454 = arith.constant 1 : i32
      scf.for %parallel_loop3A_516 = %parallel_loop3A_452 to %parallel_loop3A_453 step %parallel_loop3A_454  : i32 {
        %parallel_loop3A_517 = vector.broadcast %parallel_loop3A_516 : i32 to vector<16xi32>
        %parallel_loop3A_518 = arith.addi %get3A_423, %parallel_loop3A_517 : vector<16xi32>
        %parallel_loop3A_519 = arith.constant 1 : i32
        %parallel_loop3A_520 = arith.constant 0 : i32
        %parallel_loop3A_521 = arith.constant 0 : i32
        %parallel_loop3A_522 = tpu.memref_slice %arg8[%parallel_loop3A_519, %parallel_loop3A_520, %parallel_loop3A_521] : memref<2x128x137xf32, #tpu.memory_space<vmem>> -> memref<1x128x137xf32, #tpu.memory_space<vmem>>
        %parallel_loop3A_523 = tpu.memref_squeeze %parallel_loop3A_522 : memref<1x128x137xf32, #tpu.memory_space<vmem>> -> memref<128x137xf32, #tpu.memory_space<vmem>>
        %parallel_loop3A_524 = tpu.vector_load_idx %parallel_loop3A_523[%add3A_391, %parallel_loop3A_518] : memref<128x137xf32, #tpu.memory_space<vmem>>[vector<16xi32>, vector<16xi32>], vector<16xf32>,
        %parallel_loop3A_525 = arith.constant 1 : i32
        %parallel_loop3A_526 = arith.index_cast %parallel_loop3A_525 : i32 to index
        %parallel_loop3A_527 = arith.index_cast %parallel_loop3A_516 : i32 to index
        %parallel_loop3A_528 = arith.constant 0 : index
        %parallel_loop3A_529 = tpu.vector_load %arg9[%parallel_loop3A_526, %parallel_loop3A_527, %parallel_loop3A_528] {strides = array<i32>} : memref<2x64x128xf32, #tpu.memory_space<vmem>>, vector<16xf32>,
        tpu.vector_store %arg9[%parallel_loop3A_526, %parallel_loop3A_527, %parallel_loop3A_528], %parallel_loop3A_524 {strides = array<i32>} : memref<2x64x128xf32, #tpu.memory_space<vmem>>, vector<16xf32>,
        %parallel_loop3A_530 = vector.broadcast %parallel_loop3A_516 : i32 to vector<16xi32>
        %parallel_loop3A_531 = arith.addi %get3A_427, %parallel_loop3A_530 : vector<16xi32>
        %parallel_loop3A_532 = arith.constant 1 : i32
        %parallel_loop3A_533 = arith.constant 0 : i32
        %parallel_loop3A_534 = arith.constant 0 : i32
        %parallel_loop3A_535 = tpu.memref_slice %arg8[%parallel_loop3A_532, %parallel_loop3A_533, %parallel_loop3A_534] : memref<2x128x137xf32, #tpu.memory_space<vmem>> -> memref<1x128x137xf32, #tpu.memory_space<vmem>>
        %parallel_loop3A_536 = tpu.memref_squeeze %parallel_loop3A_535 : memref<1x128x137xf32, #tpu.memory_space<vmem>> -> memref<128x137xf32, #tpu.memory_space<vmem>>
        %parallel_loop3A_537 = tpu.vector_load_idx %parallel_loop3A_536[%add3A_395, %parallel_loop3A_531] : memref<128x137xf32, #tpu.memory_space<vmem>>[vector<16xi32>, vector<16xi32>], vector<16xf32>,
        %parallel_loop3A_538 = arith.constant 1 : i32
        %parallel_loop3A_539 = arith.index_cast %parallel_loop3A_538 : i32 to index
        %parallel_loop3A_540 = arith.index_cast %parallel_loop3A_516 : i32 to index
        %parallel_loop3A_541 = arith.constant 16 : index
        %parallel_loop3A_542 = tpu.vector_load %arg9[%parallel_loop3A_539, %parallel_loop3A_540, %parallel_loop3A_541] {strides = array<i32>} : memref<2x64x128xf32, #tpu.memory_space<vmem>>, vector<16xf32>,
        tpu.vector_store %arg9[%parallel_loop3A_539, %parallel_loop3A_540, %parallel_loop3A_541], %parallel_loop3A_537 {strides = array<i32>} : memref<2x64x128xf32, #tpu.memory_space<vmem>>, vector<16xf32>,
        %parallel_loop3A_543 = vector.broadcast %parallel_loop3A_516 : i32 to vector<16xi32>
        %parallel_loop3A_544 = arith.addi %get3A_431, %parallel_loop3A_543 : vector<16xi32>
        %parallel_loop3A_545 = arith.constant 1 : i32
        %parallel_loop3A_546 = arith.constant 0 : i32
        %parallel_loop3A_547 = arith.constant 0 : i32
        %parallel_loop3A_548 = tpu.memref_slice %arg8[%parallel_loop3A_545, %parallel_loop3A_546, %parallel_loop3A_547] : memref<2x128x137xf32, #tpu.memory_space<vmem>> -> memref<1x128x137xf32, #tpu.memory_space<vmem>>
        %parallel_loop3A_549 = tpu.memref_squeeze %parallel_loop3A_548 : memref<1x128x137xf32, #tpu.memory_space<vmem>> -> memref<128x137xf32, #tpu.memory_space<vmem>>
        %parallel_loop3A_550 = tpu.vector_load_idx %parallel_loop3A_549[%add3A_399, %parallel_loop3A_544] : memref<128x137xf32, #tpu.memory_space<vmem>>[vector<16xi32>, vector<16xi32>], vector<16xf32>,
        %parallel_loop3A_551 = arith.constant 1 : i32
        %parallel_loop3A_552 = arith.index_cast %parallel_loop3A_551 : i32 to index
        %parallel_loop3A_553 = arith.index_cast %parallel_loop3A_516 : i32 to index
        %parallel_loop3A_554 = arith.constant 32 : index
        %parallel_loop3A_555 = tpu.vector_load %arg9[%parallel_loop3A_552, %parallel_loop3A_553, %parallel_loop3A_554] {strides = array<i32>} : memref<2x64x128xf32, #tpu.memory_space<vmem>>, vector<16xf32>,
        tpu.vector_store %arg9[%parallel_loop3A_552, %parallel_loop3A_553, %parallel_loop3A_554], %parallel_loop3A_550 {strides = array<i32>} : memref<2x64x128xf32, #tpu.memory_space<vmem>>, vector<16xf32>,
        %parallel_loop3A_556 = vector.broadcast %parallel_loop3A_516 : i32 to vector<16xi32>
        %parallel_loop3A_557 = arith.addi %get3A_435, %parallel_loop3A_556 : vector<16xi32>
        %parallel_loop3A_558 = arith.constant 1 : i32
        %parallel_loop3A_559 = arith.constant 0 : i32
        %parallel_loop3A_560 = arith.constant 0 : i32
        %parallel_loop3A_561 = tpu.memref_slice %arg8[%parallel_loop3A_558, %parallel_loop3A_559, %parallel_loop3A_560] : memref<2x128x137xf32, #tpu.memory_space<vmem>> -> memref<1x128x137xf32, #tpu.memory_space<vmem>>
        %parallel_loop3A_562 = tpu.memref_squeeze %parallel_loop3A_561 : memref<1x128x137xf32, #tpu.memory_space<vmem>> -> memref<128x137xf32, #tpu.memory_space<vmem>>
        %parallel_loop3A_563 = tpu.vector_load_idx %parallel_loop3A_562[%add3A_403, %parallel_loop3A_557] : memref<128x137xf32, #tpu.memory_space<vmem>>[vector<16xi32>, vector<16xi32>], vector<16xf32>,
        %parallel_loop3A_564 = arith.constant 1 : i32
        %parallel_loop3A_565 = arith.index_cast %parallel_loop3A_564 : i32 to index
        %parallel_loop3A_566 = arith.index_cast %parallel_loop3A_516 : i32 to index
        %parallel_loop3A_567 = arith.constant 48 : index
        %parallel_loop3A_568 = tpu.vector_load %arg9[%parallel_loop3A_565, %parallel_loop3A_566, %parallel_loop3A_567] {strides = array<i32>} : memref<2x64x128xf32, #tpu.memory_space<vmem>>, vector<16xf32>,
        tpu.vector_store %arg9[%parallel_loop3A_565, %parallel_loop3A_566, %parallel_loop3A_567], %parallel_loop3A_563 {strides = array<i32>} : memref<2x64x128xf32, #tpu.memory_space<vmem>>, vector<16xf32>,
        %parallel_loop3A_569 = vector.broadcast %parallel_loop3A_516 : i32 to vector<16xi32>
        %parallel_loop3A_570 = arith.addi %get3A_439, %parallel_loop3A_569 : vector<16xi32>
        %parallel_loop3A_571 = arith.constant 1 : i32
        %parallel_loop3A_572 = arith.constant 0 : i32
        %parallel_loop3A_573 = arith.constant 0 : i32
        %parallel_loop3A_574 = tpu.memref_slice %arg8[%parallel_loop3A_571, %parallel_loop3A_572, %parallel_loop3A_573] : memref<2x128x137xf32, #tpu.memory_space<vmem>> -> memref<1x128x137xf32, #tpu.memory_space<vmem>>
        %parallel_loop3A_575 = tpu.memref_squeeze %parallel_loop3A_574 : memref<1x128x137xf32, #tpu.memory_space<vmem>> -> memref<128x137xf32, #tpu.memory_space<vmem>>
        %parallel_loop3A_576 = tpu.vector_load_idx %parallel_loop3A_575[%add3A_407, %parallel_loop3A_570] : memref<128x137xf32, #tpu.memory_space<vmem>>[vector<16xi32>, vector<16xi32>], vector<16xf32>,
        %parallel_loop3A_577 = arith.constant 1 : i32
        %parallel_loop3A_578 = arith.index_cast %parallel_loop3A_577 : i32 to index
        %parallel_loop3A_579 = arith.index_cast %parallel_loop3A_516 : i32 to index
        %parallel_loop3A_580 = arith.constant 64 : index
        %parallel_loop3A_581 = tpu.vector_load %arg9[%parallel_loop3A_578, %parallel_loop3A_579, %parallel_loop3A_580] {strides = array<i32>} : memref<2x64x128xf32, #tpu.memory_space<vmem>>, vector<16xf32>,
        tpu.vector_store %arg9[%parallel_loop3A_578, %parallel_loop3A_579, %parallel_loop3A_580], %parallel_loop3A_576 {strides = array<i32>} : memref<2x64x128xf32, #tpu.memory_space<vmem>>, vector<16xf32>,
        %parallel_loop3A_582 = vector.broadcast %parallel_loop3A_516 : i32 to vector<16xi32>
        %parallel_loop3A_583 = arith.addi %get3A_443, %parallel_loop3A_582 : vector<16xi32>
        %parallel_loop3A_584 = arith.constant 1 : i32
        %parallel_loop3A_585 = arith.constant 0 : i32
        %parallel_loop3A_586 = arith.constant 0 : i32
        %parallel_loop3A_587 = tpu.memref_slice %arg8[%parallel_loop3A_584, %parallel_loop3A_585, %parallel_loop3A_586] : memref<2x128x137xf32, #tpu.memory_space<vmem>> -> memref<1x128x137xf32, #tpu.memory_space<vmem>>
        %parallel_loop3A_588 = tpu.memref_squeeze %parallel_loop3A_587 : memref<1x128x137xf32, #tpu.memory_space<vmem>> -> memref<128x137xf32, #tpu.memory_space<vmem>>
        %parallel_loop3A_589 = tpu.vector_load_idx %parallel_loop3A_588[%add3A_411, %parallel_loop3A_583] : memref<128x137xf32, #tpu.memory_space<vmem>>[vector<16xi32>, vector<16xi32>], vector<16xf32>,
        %parallel_loop3A_590 = arith.constant 1 : i32
        %parallel_loop3A_591 = arith.index_cast %parallel_loop3A_590 : i32 to index
        %parallel_loop3A_592 = arith.index_cast %parallel_loop3A_516 : i32 to index
        %parallel_loop3A_593 = arith.constant 80 : index
        %parallel_loop3A_594 = tpu.vector_load %arg9[%parallel_loop3A_591, %parallel_loop3A_592, %parallel_loop3A_593] {strides = array<i32>} : memref<2x64x128xf32, #tpu.memory_space<vmem>>, vector<16xf32>,
        tpu.vector_store %arg9[%parallel_loop3A_591, %parallel_loop3A_592, %parallel_loop3A_593], %parallel_loop3A_589 {strides = array<i32>} : memref<2x64x128xf32, #tpu.memory_space<vmem>>, vector<16xf32>,
        %parallel_loop3A_595 = vector.broadcast %parallel_loop3A_516 : i32 to vector<16xi32>
        %parallel_loop3A_596 = arith.addi %get3A_447, %parallel_loop3A_595 : vector<16xi32>
        %parallel_loop3A_597 = arith.constant 1 : i32
        %parallel_loop3A_598 = arith.constant 0 : i32
        %parallel_loop3A_599 = arith.constant 0 : i32
        %parallel_loop3A_600 = tpu.memref_slice %arg8[%parallel_loop3A_597, %parallel_loop3A_598, %parallel_loop3A_599] : memref<2x128x137xf32, #tpu.memory_space<vmem>> -> memref<1x128x137xf32, #tpu.memory_space<vmem>>
        %parallel_loop3A_601 = tpu.memref_squeeze %parallel_loop3A_600 : memref<1x128x137xf32, #tpu.memory_space<vmem>> -> memref<128x137xf32, #tpu.memory_space<vmem>>
        %parallel_loop3A_602 = tpu.vector_load_idx %parallel_loop3A_601[%add3A_415, %parallel_loop3A_596] : memref<128x137xf32, #tpu.memory_space<vmem>>[vector<16xi32>, vector<16xi32>], vector<16xf32>,
        %parallel_loop3A_603 = arith.constant 1 : i32
        %parallel_loop3A_604 = arith.index_cast %parallel_loop3A_603 : i32 to index
        %parallel_loop3A_605 = arith.index_cast %parallel_loop3A_516 : i32 to index
        %parallel_loop3A_606 = arith.constant 96 : index
        %parallel_loop3A_607 = tpu.vector_load %arg9[%parallel_loop3A_604, %parallel_loop3A_605, %parallel_loop3A_606] {strides = array<i32>} : memref<2x64x128xf32, #tpu.memory_space<vmem>>, vector<16xf32>,
        tpu.vector_store %arg9[%parallel_loop3A_604, %parallel_loop3A_605, %parallel_loop3A_606], %parallel_loop3A_602 {strides = array<i32>} : memref<2x64x128xf32, #tpu.memory_space<vmem>>, vector<16xf32>,
        %parallel_loop3A_608 = vector.broadcast %parallel_loop3A_516 : i32 to vector<16xi32>
        %parallel_loop3A_609 = arith.addi %get3A_451, %parallel_loop3A_608 : vector<16xi32>
        %parallel_loop3A_610 = arith.constant 1 : i32
        %parallel_loop3A_611 = arith.constant 0 : i32
        %parallel_loop3A_612 = arith.constant 0 : i32
        %parallel_loop3A_613 = tpu.memref_slice %arg8[%parallel_loop3A_610, %parallel_loop3A_611, %parallel_loop3A_612] : memref<2x128x137xf32, #tpu.memory_space<vmem>> -> memref<1x128x137xf32, #tpu.memory_space<vmem>>
        %parallel_loop3A_614 = tpu.memref_squeeze %parallel_loop3A_613 : memref<1x128x137xf32, #tpu.memory_space<vmem>> -> memref<128x137xf32, #tpu.memory_space<vmem>>
        %parallel_loop3A_615 = tpu.vector_load_idx %parallel_loop3A_614[%add3A_419, %parallel_loop3A_609] : memref<128x137xf32, #tpu.memory_space<vmem>>[vector<16xi32>, vector<16xi32>], vector<16xf32>,
        %parallel_loop3A_616 = arith.constant 1 : i32
        %parallel_loop3A_617 = arith.index_cast %parallel_loop3A_616 : i32 to index
        %parallel_loop3A_618 = arith.index_cast %parallel_loop3A_516 : i32 to index
        %parallel_loop3A_619 = arith.constant 112 : index
        %parallel_loop3A_620 = tpu.vector_load %arg9[%parallel_loop3A_617, %parallel_loop3A_618, %parallel_loop3A_619] {strides = array<i32>} : memref<2x64x128xf32, #tpu.memory_space<vmem>>, vector<16xf32>,
        tpu.vector_store %arg9[%parallel_loop3A_617, %parallel_loop3A_618, %parallel_loop3A_619], %parallel_loop3A_615 {strides = array<i32>} : memref<2x64x128xf32, #tpu.memory_space<vmem>>, vector<16xf32>,
      } {sc.loop_unroll_factor = 8 : i64, sc.parallel_access}
      %jit3A_455 = arith.constant 4 : i32
      %div3A_456 = arith.divsi %add3A_357, %jit3A_455 : i32
      %sign3A_457 = arith.constant 0 : i32
      %sign3A_458 = arith.cmpi sgt, %add3A_357, %sign3A_457 : i32
      %sign3A_459 = arith.extui %sign3A_458 : i1 to i32
      %sign3A_460 = arith.constant 0 : i32
      %sign3A_461 = arith.cmpi slt, %add3A_357, %sign3A_460 : i32
      %sign3A_462 = arith.extui %sign3A_461 : i1 to i32
      %sign3A_463 = arith.subi %sign3A_459, %sign3A_462 : i32
      %sign3A_464 = arith.constant 0 : i32
      %sign3A_465 = arith.cmpi sgt, %jit3A_455, %sign3A_464 : i32
      %sign3A_466 = arith.extui %sign3A_465 : i1 to i32
      %sign3A_467 = arith.constant 0 : i32
      %sign3A_468 = arith.cmpi slt, %jit3A_455, %sign3A_467 : i32
      %sign3A_469 = arith.extui %sign3A_468 : i1 to i32
      %sign3A_470 = arith.subi %sign3A_466, %sign3A_469 : i32
      %ne3A_471 = arith.cmpi ne, %sign3A_463, %sign3A_470 : i32
      %rem3A_472 = arith.remsi %add3A_357, %jit3A_455 : i32
      %ne3A_473 = arith.constant 0 : i32
      %ne3A_474 = arith.cmpi ne, %rem3A_472, %ne3A_473 : i32
      %and3A_475 = arith.andi %ne3A_471, %ne3A_474 : i1
      %sub3A_476 = arith.constant 1 : i32
      %sub3A_477 = arith.subi %div3A_456, %sub3A_476 : i32
      %select_n3A_478 = arith.select %and3A_475, %sub3A_477, %div3A_456 : i32
      %jit3A_479 = arith.constant 4 : i32
      %eq3A_480 = arith.constant 0 : i32
      %eq3A_481 = arith.cmpi eq, %jit3A_479, %eq3A_480 : i32
      %jit3A_482 = arith.constant 1 : i32
      %select_n3A_483 = arith.select %eq3A_481, %jit3A_482, %jit3A_479 : i32
      %rem3A_484 = arith.remsi %add3A_357, %select_n3A_483 : i32
      %ne3A_485 = arith.constant 0 : i32
      %ne3A_486 = arith.cmpi ne, %rem3A_484, %ne3A_485 : i32
      %lt3A_487 = arith.constant 0 : i32
      %lt3A_488 = arith.cmpi slt, %rem3A_484, %lt3A_487 : i32
      %lt3A_489 = arith.constant 0 : i32
      %lt3A_490 = arith.cmpi slt, %select_n3A_483, %lt3A_489 : i32
      %ne3A_491 = arith.xori %lt3A_488, %lt3A_490 : i1
      %and3A_492 = arith.andi %ne3A_491, %ne3A_486 : i1
      %add3A_493 = arith.addi %rem3A_484, %select_n3A_483 : i32
      %select_n3A_494 = arith.select %and3A_492, %add3A_493, %rem3A_484 : i32
      %mul3A_495 = arith.constant 128 : i32
      %mul3A_496 = arith.muli %select_n3A_494, %mul3A_495 : i32
      %add3A_497 = arith.addi %mul3A_2, %mul3A_496 : i32
      %dma_start3A_498 = arith.constant 1 : i32
      %dma_start3A_499 = arith.constant 1 : i32
      %dma_start3A_500 = arith.constant 0 : i32
      %dma_start3A_501 = arith.constant 0 : i32
      %dma_start3A_502 = tpu.memref_slice %arg9[%dma_start3A_498, %dma_start3A_500, %dma_start3A_501] : memref<2x64x128xf32, #tpu.memory_space<vmem>> -> memref<1x64x128xf32, #tpu.memory_space<vmem>>
      %dma_start3A_503 = tpu.memref_squeeze %dma_start3A_502 : memref<1x64x128xf32, #tpu.memory_space<vmem>> -> memref<64x128xf32, #tpu.memory_space<vmem>>
      %dma_start3A_504 = arith.constant 0 : i32
      %dma_start3A_505 = tpu.memref_slice %arg4[%select_n3A_478, %dma_start3A_504, %add3A_497] : memref<50x64x16384xf32, #tpu.memory_space<hbm>> -> memref<1x64x128xf32, #tpu.memory_space<hbm>>
      %dma_start3A_506 = tpu.memref_squeeze %dma_start3A_505 : memref<1x64x128xf32, #tpu.memory_space<hbm>> -> memref<64x128xf32, #tpu.memory_space<hbm>>
      %dma_start3A_507 = tpu.memref_slice %arg11[%dma_start3A_499] : memref<2x!tpu.dma_semaphore, #tpu.memory_space<semaphore_mem>> -> memref<1x!tpu.dma_semaphore, #tpu.memory_space<semaphore_mem>>
      %dma_start3A_508 = tpu.memref_squeeze %dma_start3A_507 : memref<1x!tpu.dma_semaphore, #tpu.memory_space<semaphore_mem>> -> memref<!tpu.dma_semaphore, #tpu.memory_space<semaphore_mem>>
      %dma_start3A_509 = arith.constant 0 : i32
      %dma_start3A_510 = tpu.memref_slice %arg4[%select_n3A_478, %dma_start3A_509, %add3A_497] : memref<50x64x16384xf32, #tpu.memory_space<hbm>> -> memref<1x64x128xf32, #tpu.memory_space<hbm>>
      %dma_start3A_511 = tpu.memref_squeeze %dma_start3A_510 : memref<1x64x128xf32, #tpu.memory_space<hbm>> -> memref<64x128xf32, #tpu.memory_space<hbm>>
      %dma_start3A_512 = arith.constant 0 : i32
      %dma_start3A_513 = arith.constant 0 : i32
      %dma_start3A_514 = tpu.memref_slice %arg9[%dma_start3A_498, %dma_start3A_512, %dma_start3A_513] : memref<2x64x128xf32, #tpu.memory_space<vmem>> -> memref<1x64x128xf32, #tpu.memory_space<vmem>>
      %dma_start3A_515 = tpu.memref_squeeze %dma_start3A_514 : memref<1x64x128xf32, #tpu.memory_space<vmem>> -> memref<64x128xf32, #tpu.memory_space<vmem>>
      tpu.enqueue_dma source(%dma_start3A_515 : memref<64x128xf32, #tpu.memory_space<vmem>>) target(%dma_start3A_511 : memref<64x128xf32, #tpu.memory_space<hbm>>) target_semaphore(%dma_start3A_508 : memref<!tpu.dma_semaphore, #tpu.memory_space<semaphore_mem>>)
    }
    %scan3A_184 = arith.constant 100 : i32
    %dma_wait3A = arith.constant 1 : i32
    %dma_wait3A_185 = arith.constant 0 : i32
    %dma_wait3A_186 = arith.constant 1 : i32
    %dma_wait3A_187 = arith.constant 0 : i32
    %dma_wait3A_188 = arith.constant 0 : i32
    %dma_wait3A_189 = tpu.memref_slice %arg9[%dma_wait3A, %dma_wait3A_187, %dma_wait3A_188] : memref<2x64x128xf32, #tpu.memory_space<vmem>> -> memref<1x64x128xf32, #tpu.memory_space<vmem>>
    %dma_wait3A_190 = tpu.memref_squeeze %dma_wait3A_189 : memref<1x64x128xf32, #tpu.memory_space<vmem>> -> memref<64x128xf32, #tpu.memory_space<vmem>>
    %dma_wait3A_191 = arith.constant 0 : i32
    %dma_wait3A_192 = arith.constant 0 : i32
    %dma_wait3A_193 = tpu.memref_slice %arg4[%dma_wait3A_185, %dma_wait3A_191, %dma_wait3A_192] : memref<50x64x16384xf32, #tpu.memory_space<hbm>> -> memref<1x64x128xf32, #tpu.memory_space<hbm>>
    %dma_wait3A_194 = tpu.memref_squeeze %dma_wait3A_193 : memref<1x64x128xf32, #tpu.memory_space<hbm>> -> memref<64x128xf32, #tpu.memory_space<hbm>>
    %dma_wait3A_195 = tpu.memref_slice %arg11[%dma_wait3A_186] : memref<2x!tpu.dma_semaphore, #tpu.memory_space<semaphore_mem>> -> memref<1x!tpu.dma_semaphore, #tpu.memory_space<semaphore_mem>>
    %dma_wait3A_196 = tpu.memref_squeeze %dma_wait3A_195 : memref<1x!tpu.dma_semaphore, #tpu.memory_space<semaphore_mem>> -> memref<!tpu.dma_semaphore, #tpu.memory_space<semaphore_mem>>
    %dma_wait3A_197 = arith.constant 0 : i32
    %dma_wait3A_198 = arith.constant 0 : i32
    %dma_wait3A_199 = tpu.memref_slice %arg4[%dma_wait3A_185, %dma_wait3A_197, %dma_wait3A_198] : memref<50x64x16384xf32, #tpu.memory_space<hbm>> -> memref<1x64x128xf32, #tpu.memory_space<hbm>>
    %dma_wait3A_200 = tpu.memref_squeeze %dma_wait3A_199 : memref<1x64x128xf32, #tpu.memory_space<hbm>> -> memref<64x128xf32, #tpu.memory_space<hbm>>
    %dma_wait3A_201 = arith.constant 0 : i32
    %dma_wait3A_202 = arith.constant 0 : i32
    %dma_wait3A_203 = tpu.memref_slice %arg9[%dma_wait3A, %dma_wait3A_201, %dma_wait3A_202] : memref<2x64x128xf32, #tpu.memory_space<vmem>> -> memref<1x64x128xf32, #tpu.memory_space<vmem>>
    %dma_wait3A_204 = tpu.memref_squeeze %dma_wait3A_203 : memref<1x64x128xf32, #tpu.memory_space<vmem>> -> memref<64x128xf32, #tpu.memory_space<vmem>>
    tpu.wait_dma2 semaphore(%dma_wait3A_196 : memref<!tpu.dma_semaphore, #tpu.memory_space<semaphore_mem>>) src(%dma_wait3A_204 : memref<64x128xf32, #tpu.memory_space<vmem>>) dst(%dma_wait3A_200 : memref<64x128xf32, #tpu.memory_space<hbm>>)
    return
  }
}

</mosaic_0001>

<sc_bundles>
// kernel: kernel.3.cloned.1.call-start
scs
__scs_entry_jumppad:
0x0: {  	(pc) =	sbr.rel $0x88, $3  }
0x1: {  	(tag) =	ssettag $0x0;
	lr =	simm.s32 $0x1  }
0x2: {  	[smem:$0x3F9F] =	sst lr;
	_ =	strace $0xD0000000  }
0x3: {  	_ = 	snop  }
0x4: {  	_ = 	snop  }
0x5: {  	_ = 	snop  }
0x6: {  	_ = 	snop  }
0x7: {  	_ = 	snop  }
__scs_overlays_trampoline_lowered:
0x8: {  	[smem:$0x3FAE] =	sst s0  }
0x9: {  	[smem:$0x3FAF] =	sst s1  }
0xa: {  	[smem:$0x3FB0] =	sst s2  }
0xb: {  	[smem:$0x3FB1] =	sst s3  }
0xc: {  	[smem:$0x3FB2] =	sst s4  }
0xd: {  	[smem:$0x3FB3] =	sst s5  }
0xe: {  	[smem:$0x3FB4] =	sst s6  }
0xf: {  	[smem:$0x3FB5] =	sst s7  }
0x10: {  	[smem:$0x3FB6] =	sst s8  }
0x11: {  	[smem:$0x3FB7] =	sst s9;
	s0 =	simm.s32 @!p0 $0x0  }
0x12: {  	s1 =	sld [smem:$0x3F9D];
	s0 =	simm.s32 @p0 $0x1  }
0x13: {  	[smem:$0x3FB8] =	sst s0;
	s0 =	simm.s32 @!p1 $0x0  }
0x14: {  	s2 =	sld [smem:$0x3F9C];
	s0 =	simm.s32 @p1 $0x1  }
0x15: {  	[smem:$0x3FB9] =	sst s0;
	s0 =	simm.s32 @!p2 $0x0  }
0x16: {  	s3 =	sld [smem:$0x3FDB];
	s0 =	simm.s32 @p2 $0x1  }
0x17: {  	s4 =	simm.s32 $0x1BF5;
	[smem:$0x3FBB] =	sst s0  }
0x18: {  	s0 =	sld [smem:$0x3F9E];
	_ =	swait.ge [sflag:s4], $0x0  }
0x19: {  	s7 =	sld [smem:$0x3F9F]  }
0x1a: {  	s8 =	sadd.s32 $0xFFFFE003, lr  }
0x1b: {  	s9 =	sadd.s32 $0xFFFFFEF7, lr;
	s5 =	simm.s32 $0xFFFFFFFF;
	p2 =	slt.u32 s8, $0xFFFFF086  }
0x1c: {  	p1 =	slt.u32 s9, $0xF7A;
	s5 =	simm.s32 @!p2 $0x0  }
0x1d: {  	s5 =	simm.s32 @p1 $0x1;
	p0 =	seq.s32 s7, s2  }
0x1e: {  	s7 =	smul.u32 @!p0 $0xF7A, s2;
	p2 =	seq.s32 @!p0 s5, $0x0  }
0x1f: {  	s9 =	smul.u32 $0xF7A, s1;
	s8 =	simm.s32 @!p0 $0x1BF5;
	p2 =	por !p2, p0  }
0x20: {  	[sflag:s8] =	ssyncset.s32 @!p0 $0xFFFFF086;
	s6 =	sadd.s32 @!p0 s3, s7;
	s7 =	simm.s32 @!p0 $0x108  }
0x21: {  	s3 =	sadd.s32 s3, s9;
	s6 =	sadd.s32 @!p0 $0x88, s6;
	s7 =	simm.s32 @p2 $0x1082  }
0x22: {  	[simem:s7], [sflag:s8] =	dma.local @!p0 [hbm:s6], $0xF7A  }
0x23: {  	s9 =	sor.u32 $0xD0000000, s2;
	s6 =	simm.s32 $0x108;
	_ =	swait.ge @!p0 [sflag:s8], $0x0  }
0x24: {  	s3 =	sadd.s32 $0x88, s3;
	s6 =	simm.s32 @!p1 $0x1082;
	[sflag:s4] =	ssyncset.s32 $0xFFFFF086  }
0x25: {  	[simem:s6], [sflag:s4] =	dma.local [hbm:s3], $0xF7A  }
0x26: {  	[smem:$0x3F9F] =	sst s1;
	(tag) =	ssettag s2;
	_ =	strace s9  }
0x27: {  	s1 =	sld [smem:$0x3FAF]  }
0x28: {  	s2 =	sld [smem:$0x3FB0]  }
0x29: {  	s4 =	sld [smem:$0x3FB2]  }
0x2a: {  	p0 =	seq.s32 s5, $0x0;
	s5 =	sld [smem:$0x3FB3]  }
0x2b: {  	s6 =	sld [smem:$0x3FB4]  }
0x2c: {  	s7 =	sld [smem:$0x3FB5]  }
0x2d: {  	s3 =	simm.s32 $0x108;
	s8 =	sld [smem:$0x3FB6]  }
0x2e: {  	s3 =	simm.s32 @!p0 $0x1082;
	s9 =	sld [smem:$0x3FB7]  }
0x2f: {  	lr =	sadd.s32 s0, s3;
	s0 =	sld [smem:$0x3FAE]  }
0x30: {  	s3 =	sld [smem:$0x3FB1]  }
0x31: {  	[smem:$0x3FBA] =	sst s10  }
0x32: {  	s10 =	sld [smem:$0x3FB8];
	_ =	sdelay $0x3  }
0x33: {  	p0 =	seq.s32 s10, $0x1;
	s10 =	sld [smem:$0x3FBA];
	_ =	sdelay $0x3  }
0x34: {  	[smem:$0x3FBA] =	sst s10  }
0x35: {  	s10 =	sld [smem:$0x3FB9];
	_ =	sdelay $0x3  }
0x36: {  	p1 =	seq.s32 s10, $0x1;
	s10 =	sld [smem:$0x3FBA];
	_ =	sdelay $0x3  }
0x37: {  	[smem:$0x3FBA] =	sst s10  }
0x38: {  	s10 =	sld [smem:$0x3FBB]  }
0x39: {  	_ = 	snop;
	(pc) =	sbr.ind lr, $3  }
0x3a: {  	_ = 	snop  }
0x3b: {  	_ = 	snop  }
0x3c: {  	p2 =	seq.s32 s10, $0x1;
	s10 =	sld [smem:$0x3FBA]  }
0x3d: {  	_ =	shalt  }
0x3e: {  	_ =	shalt  }
0x3f: {  	_ =	shalt  }
0x40: {  	_ =	shalt  }
0x41: {  	_ =	shalt  }
0x42: {  	_ =	shalt  }
0x43: {  	_ =	shalt  }
0x44: {  	_ =	shalt  }
0x45: {  	_ =	shalt  }
0x46: {  	_ =	shalt  }
0x47: {  	_ =	shalt  }
0x48: {  	_ =	shalt  }
0x49: {  	_ =	shalt  }
0x4a: {  	_ =	shalt  }
0x4b: {  	_ =	shalt  }
0x4c: {  	_ =	shalt  }
0x4d: {  	_ =	shalt  }
0x4e: {  	_ =	shalt  }
0x4f: {  	_ =	shalt  }
0x50: {  	_ =	shalt  }
0x51: {  	_ =	shalt  }
0x52: {  	_ =	shalt  }
0x53: {  	_ =	shalt  }
0x54: {  	_ =	shalt  }
0x55: {  	_ =	shalt  }
0x56: {  	_ =	shalt  }
0x57: {  	_ =	shalt  }
0x58: {  	_ =	shalt  }
0x59: {  	_ =	shalt  }
0x5a: {  	_ =	shalt  }
0x5b: {  	_ =	shalt  }
0x5c: {  	_ =	shalt  }
0x5d: {  	_ =	shalt  }
0x5e: {  	_ =	shalt  }
0x5f: {  	_ =	shalt  }
0x60: {  	_ =	shalt  }
0x61: {  	_ =	shalt  }
0x62: {  	_ =	shalt  }
0x63: {  	_ =	shalt  }
0x64: {  	_ =	shalt  }
0x65: {  	_ =	shalt  }
0x66: {  	_ =	shalt  }
0x67: {  	_ =	shalt  }
0x68: {  	_ =	shalt  }
0x69: {  	_ =	shalt  }
0x6a: {  	_ =	shalt  }
0x6b: {  	_ =	shalt  }
0x6c: {  	_ =	shalt  }
0x6d: {  	_ =	shalt  }
0x6e: {  	_ =	shalt  }
0x6f: {  	_ =	shalt  }
0x70: {  	_ =	shalt  }
0x71: {  	_ =	shalt  }
0x72: {  	_ =	shalt  }
0x73: {  	_ =	shalt  }
0x74: {  	_ =	shalt  }
0x75: {  	_ =	shalt  }
0x76: {  	_ =	shalt  }
0x77: {  	_ =	shalt  }
0x78: {  	_ =	shalt  }
0x79: {  	_ =	shalt  }
0x7a: {  	_ =	shalt  }
0x7b: {  	_ =	shalt  }
0x7c: {  	_ =	shalt  }
0x7d: {  	_ =	shalt  }
0x7e: {  	_ =	shalt  }
0x7f: {  	_ =	shalt  }
0x80: {  	_ =	shalt  }
0x81: {  	_ =	shalt  }
0x82: {  	_ =	shalt  }
0x83: {  	_ =	shalt  }
0x84: {  	_ =	shalt  }
0x85: {  	_ =	shalt  }
0x86: {  	_ =	shalt  }
0x87: {  	_ =	shalt  }
.Lfunc_end0:
.L_simem_size_0:
called_computation_lowered:
.L_overlay_start_0:
0x88: {  	s2 =	sld [smem:$0x3FD9]  }
0x89: {  	s3 =	sld [smem:$0x3FFE];
	_ =	sdelay $0x1  }
0x8a: {  	s1 =	srdreg.scid  }
0x8b: {  	s0 =	sand.u32 $0x1, s1  }
0x8c: {  	s17 =	sshll.u32 s0, $0xA;
	s2 =	sadd.s32 s3, s2  }
0x8d: {  	s2 =	sadd.s32 s2, s17  }
0x8e: {  	[smem:$0x3FC6] =	sst s2  }
0x8f: {  	_ = 	snop  }
0x90: {  	s2 =	sld [smem:$0x3FC9]  }
0x91: {  	s18 =	sld [smem:$0x3FD0];
	(tm) =	ssettm $0x1  }
0x92: {  	s4 =	sld [smem:$0x3FFB];
	_ =	sdelay $0x3  }
0x93: {  	_ =	strace s4  }
0x94: {  	s4 =	sld [smem:$0x3FFC];
	_ =	sdelay $0x3  }
0x95: {  	_ =	strace s4  }
0x96: {  	s4 =	sld [smem:$0x3FFD];
	_ =	sdelay $0x3  }
0x97: {  	_ =	strace s4  }
0x98: {  	_ =	strace $0x8FFFFFFF  }
0x99: {  	s19 =	sld [smem:$0x3FDB];
	_ =	sdelay $0x1  }
0x9a: {  	s5 =	simm.s32 $_scs_section_size  }
0x9b: {  	s6 =	simm.s32 $_size__tile_overlayer_lowered;
	s7 =	simm.s32 $_tile_overlayer_lowered  }
0x9c: {  	s22 =	simm.s32 $0x1BFF;
	s21 =	sshll.u32 s7, $0x1;
	s4 =	sadd.s32 s5, s19  }
0x9d: {  	s8 =	simm.s32 $0x0;
	s20 =	sshll.u32 s6, $0x1;
	s6 =	sadd.s32 s21, s4  }
0x9e: {  	[timem:s8], [sflag:s22] =	dma.local [hbm:s6], s20  }
0x9f: {  	_ =	swait.ge [sflag:s22], s20  }
0xa0: {  	s5 =	ssub.s32 $0x0, s20;
	[sflag:s22] =	ssyncset.done $0x0  }
0xa1: {  	[sflag:s22] =	ssyncadd.s32 s5;
	_ =	sdelay $0x1  }
0xa2: {  	s23 =	simm.s32 $0x1B8B  }
0xa3: {  	_ =	swait.ge [sflag:s23], $0x1  }
0xa4: {  	[sflag:s23] =	ssyncset.done $0x0  }
0xa5: {  	s25 =	simm.s32 $0x1B8E;
	s24 =	sld [smem:$0x3FFE];
	[sflag:s23] =	ssyncadd.s32 $0xFFFFFFFF  }
0xa6: {  	s26 =	simm.s32 $execute0_lowered;
	[smem:$0x3FD2] =	sst s25  }
0xa7: {  	s6 =	sshll.u32 s26, $0x1;
	_ =	strace $0x80000046;
	[dreg:$0x1] =	wrdreg $0xFFFFFFFF  }
0xa8: {  	s28 =	simm.s32 $_size_execute0_lowered;
	s4 =	sadd.s32 s4, s6;
	[dreg:$0x0] =	wrdreg $0x0  }
0xa9: {  	s6 =	sshll.u32 s28, $0x1;
	[dreg:$0x2] =	wrdreg s4  }
0xaa: {  	[dreg:$0x3] =	wrdreg s6  }
0xab: {  	[dreg:$0x4] =	wrdreg $0xC0  }
0xac: {  	_ =	task [dreg:s8], $0x5FFFF  }
0xad: {  	[dreg:$0x1] =	wrdreg $0xFFFFFFFF  }
0xae: {  	[dreg:$0x0] =	wrdreg $0x60  }
0xaf: {  	[dreg:$0x2] =	wrdreg s2  }
0xb0: {  	[dreg:$0x3] =	wrdreg s24  }
0xb1: {  	[dreg:$0x4] =	wrdreg s18  }
0xb2: {  	[dreg:$0x5] =	wrdreg $0x9  }
0xb3: {  	_ =	task.clear_ibuf [dreg:s8], $0x6FFFF;
	_ =	strace $0x90000046  }
0xb4: {  	s29 =	simm.s32 $0x9;
	_ =	strace $0x80000048  }
0xb5: {  	_ =	swait.ge [sflag:s29], $0x1  }
0xb6: {  	[sflag:s29] =	ssyncadd.s32 $0xFFFFFFFF  }
0xb7: {  	_ =	strace $0x90000048  }
0xb8: {  	_ =	sfence  }
0xb9: {  	s30 =	sld [smem:$0x0];
	_ =	sdelay $0x2  }
0xba: {  	s31 =	sshll.u32 s1, $0xD;
	s1 =	sshrl.u32 s1, $0x2  }
0xbb: {  	s3 =	sand.u32 $0x4000, s31;
	s1 =	sadd.s32 s1, s30  }
0xbc: {  	s0 =	sor.u32 s3, s0;
	s1 =	sshll.u32 s1, $0x11  }
0xbd: {  	s0 =	sor.u32 s1, s0  }
0xbe: {  	s0 =	sadd.s32 $0x8F2B, s0  }
0xbf: {  	[sflag:s0] =	ssyncadd.remote.s32 $0x1  }
0xc0: {  	_ =	sfence.sel $0xFFFF  }
0xc1: {  	[dreg:$0x0] =	wrdreg $0xFFFFFFFF;
	(pc) =	sbr.abs _section_cstart, $3  }
0xc2: {  	[dreg:$0x1] =	wrdreg $0xFFFFFFFF  }
0xc3: {  	_ =	task.clear_ibuf [dreg:s8], $0x2FFFF;
	_ =	strace $0x9FFFFFFF  }
0xc4: {  	(tm) =	ssettm $0x7FFFFFFF  }
0xc5: {  	_ =	shalt  }
tec
execute0_lowered:
.L_overlay_start_1:
0x0: {  	(tag) =	ssettag $0x1  }
0x1: {  	v0 =	vlaneseq.u32;
	v56 =	vimm.s32 $0xB80  }
0x2: {  	vm15 =	vcmask $0x300;
	v57 =	vimm.s32 $0x1B80;
	vm14 =	vcmask $0x704  }
0x3: {  	vm13 =	vcmask $0xB08;
	vm12 =	vcmask $0xF0C;
	vm11 =	vcmask $0x1310  }
0x4: {  	vm10 =	vcmask $0x1714;
	vm8 =	vcmask $0x1B18;
	vm9 =	vcmask $0x1F1C  }
0x5: {  	vm7 =	vcmask $0x2320;
	vm6 =	vcmask $0x2724;
	vm5 =	vcmask $0x2B28  }
0x6: {  	vm4 =	vcmask $0x2F2C;
	vm3 =	vcmask $0x3330;
	v1 =	vshrl.u32 v0, $0x3  }
0x7: {  	vm2 =	vcmask $0x3734;
	v2 =	vand.u32 $0x7, v0;
	v1 =	vmul.u32 $0x8, v1  }
0x8: {  	vm1 =	vcmask $0x3B38;
	v58 =	vimm.s32 $0x2B80;
	[tilespmem:$0x1FF50] =	vst v2;
	v2 =	vsel vm15, $0x1000, v57  }
0x9: {  	v59 =	vimm.s32 $0x3B80;
	v2 =	vsel vm14, $0x1080, v2;
	[tilespmem:$0x1FF60] =	vst v1;
	v1 =	vsel vm15, $0x0, v56  }
0xa: {  	v60 =	vimm.s32 $0x4B80;
	v2 =	vsel vm13, $0x1100, v2;
	v1 =	vsel vm14, $0x80, v1  }
0xb: {  	v61 =	vimm.s32 $0x5B80;
	v2 =	vsel vm12, $0x1180, v2;
	v1 =	vsel vm13, $0x100, v1  }
0xc: {  	v62 =	vimm.s32 $0x6B80;
	v2 =	vsel vm11, $0x1200, v2;
	v1 =	vsel vm12, $0x180, v1  }
0xd: {  	v63 =	vimm.s32 $0x7B80;
	v2 =	vsel vm10, $0x1280, v2;
	v1 =	vsel vm11, $0x200, v1  }
0xe: {  	v0 =	vor.u32 $0x8, v0;
	v2 =	vsel vm8, $0x1300, v2;
	v1 =	vsel vm10, $0x280, v1  }
0xf: {  	[tilespmem:$0x1FF70] =	vst v0;
	v0 =	vsel vm15, $0x2000, v58;
	v2 =	vsel vm9, $0x1380, v2;
	v1 =	vsel vm8, $0x300, v1  }
0x10: {  	v0 =	vsel vm14, $0x2080, v0;
	v2 =	vsel vm7, $0x1800, v2;
	v1 =	vsel vm9, $0x380, v1  }
0x11: {  	v0 =	vsel vm13, $0x2100, v0;
	v2 =	vsel vm6, $0x1880, v2;
	v1 =	vsel vm7, $0x800, v1  }
0x12: {  	v0 =	vsel vm12, $0x2180, v0;
	v2 =	vsel vm5, $0x1900, v2;
	v1 =	vsel vm6, $0x880, v1  }
0x13: {  	v0 =	vsel vm11, $0x2200, v0;
	v2 =	vsel vm4, $0x1980, v2;
	v1 =	vsel vm5, $0x900, v1  }
0x14: {  	v0 =	vsel vm10, $0x2280, v0;
	v2 =	vsel vm3, $0x1A00, v2;
	v1 =	vsel vm4, $0x980, v1  }
0x15: {  	v0 =	vsel vm8, $0x2300, v0;
	v2 =	vsel vm2, $0x1A80, v2;
	v1 =	vsel vm3, $0xA00, v1  }
0x16: {  	v11 =	vsel vm1, $0x1B00, v2;
	v2 =	vsel vm15, $0x4000, v60;
	v1 =	vsel vm2, $0xA80, v1  }
0x17: {  	v2 =	vsel vm14, $0x4080, v2;
	v28 =	vsel vm1, $0xB00, v1;
	v1 =	vsel vm15, $0x3000, v59  }
0x18: {  	v0 =	vsel vm9, $0x2380, v0;
	v2 =	vsel vm13, $0x4100, v2;
	v1 =	vsel vm14, $0x3080, v1  }
0x19: {  	v0 =	vsel vm7, $0x2800, v0;
	v2 =	vsel vm12, $0x4180, v2;
	v1 =	vsel vm13, $0x3100, v1  }
0x1a: {  	v0 =	vsel vm6, $0x2880, v0;
	v2 =	vsel vm11, $0x4200, v2;
	v1 =	vsel vm12, $0x3180, v1  }
0x1b: {  	v0 =	vsel vm5, $0x2900, v0;
	v2 =	vsel vm10, $0x4280, v2;
	v1 =	vsel vm11, $0x3200, v1  }
0x1c: {  	v0 =	vsel vm4, $0x2980, v0;
	v2 =	vsel vm8, $0x4300, v2;
	v1 =	vsel vm10, $0x3280, v1  }
0x1d: {  	v0 =	vsel vm3, $0x2A00, v0;
	v2 =	vsel vm9, $0x4380, v2;
	v1 =	vsel vm8, $0x3300, v1  }
0x1e: {  	v0 =	vsel vm2, $0x2A80, v0;
	v2 =	vsel vm7, $0x4800, v2;
	v1 =	vsel vm9, $0x3380, v1  }
0x1f: {  	v30 =	vsel vm1, $0x2B00, v0;
	v2 =	vsel vm6, $0x4880, v2;
	v1 =	vsel vm7, $0x3800, v1  }
0x20: {  	v0 =	vsel vm15, $0x5000, v61;
	v2 =	vsel vm5, $0x4900, v2;
	v1 =	vsel vm6, $0x3880, v1  }
0x21: {  	v0 =	vsel vm14, $0x5080, v0;
	v2 =	vsel vm4, $0x4980, v2;
	v1 =	vsel vm5, $0x3900, v1  }
0x22: {  	v0 =	vsel vm13, $0x5100, v0;
	v2 =	vsel vm3, $0x4A00, v2;
	v1 =	vsel vm4, $0x3980, v1  }
0x23: {  	v0 =	vsel vm12, $0x5180, v0;
	v2 =	vsel vm2, $0x4A80, v2;
	v1 =	vsel vm3, $0x3A00, v1  }
0x24: {  	v37 =	vsel vm1, $0x4B00, v2;
	v2 =	vsel vm15, $0x7000, v63;
	v1 =	vsel vm2, $0x3A80, v1  }
0x25: {  	v2 =	vsel vm14, $0x7080, v2;
	v35 =	vsel vm1, $0x3B00, v1;
	v1 =	vsel vm15, $0x6000, v62  }
0x26: {  	v0 =	vsel vm11, $0x5200, v0;
	v2 =	vsel vm13, $0x7100, v2;
	v1 =	vsel vm14, $0x6080, v1  }
0x27: {  	s0 =	rddreg [dreg:$0x0];
	v0 =	vsel vm10, $0x5280, v0;
	v2 =	vsel vm12, $0x7180, v2;
	v1 =	vsel vm13, $0x6100, v1  }
0x28: {  	s2 =	rddreg [dreg:$0x1];
	v0 =	vsel vm8, $0x5300, v0;
	v2 =	vsel vm11, $0x7200, v2;
	v1 =	vsel vm12, $0x6180, v1  }
0x29: {  	s4 =	rddreg [dreg:$0x2];
	s1 =	simm.s32 $0x0;
	s8 =	simm.s32 $0x20000;
	v0 =	vsel vm9, $0x5380, v0;
	v2 =	vsel vm10, $0x7280, v2;
	v1 =	vsel vm11, $0x6200, v1  }
0x2a: {  	s10 =	simm.s32 $0x7200;
	s26 =	simm.s32 $0xF200;
	s9 =	simm.s32 $0x14200;
	v0 =	vsel vm7, $0x5800, v0;
	v2 =	vsel vm8, $0x7300, v2;
	v1 =	vsel vm10, $0x6280, v1  }
0x2b: {  	s11 =	simm.s32 $0x14A00;
	s12 =	simm.s32 $0x15200;
	s13 =	simm.s32 $0x15A00;
	v0 =	vsel vm6, $0x5880, v0;
	v2 =	vsel vm9, $0x7380, v2;
	v1 =	vsel vm8, $0x6300, v1  }
0x2c: {  	s14 =	simm.s32 $0x16200;
	s15 =	simm.s32 $0x16A00;
	[smem:$0x7FF] =	sst s1;
	v0 =	vsel vm5, $0x5900, v0;
	v2 =	vsel vm7, $0x7800, v2;
	v1 =	vsel vm9, $0x6380, v1  }
0x2d: {  	s3 =	srdreg.scid;
	s6 =	stileid.u32;
	_ =	strace $0x80000047;
	[tilespmem:$0x1FF90] =	vst v11;
	v0 =	vsel vm4, $0x5980, v0;
	v2 =	vsel vm6, $0x7880, v2;
	v1 =	vsel vm7, $0x6800, v1  }
0x2e: {  	s16 =	simm.s32 $0x1;
	s17 =	simm.s32 $0x400;
	s18 =	simm.s32 $0x17200;
	[tilespmem:$0x1FFA0] =	vst v30;
	v0 =	vsel vm3, $0x5A00, v0;
	v2 =	vsel vm5, $0x7900, v2;
	v1 =	vsel vm6, $0x6880, v1  }
0x2f: {  	s19 =	simm.s32 $0x3;
	s20 =	simm.s32 $0x2;
	s3 =	sand.u32 $0x1, s3;
	[tilespmem:$0x1FF80] =	vst v28;
	v0 =	vsel vm2, $0x5A80, v0;
	v2 =	vsel vm4, $0x7980, v2;
	v1 =	vsel vm5, $0x6900, v1  }
0x30: {  	s6 =	sshll.u32 s6, $0xA;
	s5 =	ssub.s32 $0x2, s3;
	s3 =	sshll.u32 s3, $0x9;
	v39 =	vsel vm1, $0x5B00, v0;
	[tilespmem:$0x1FFC0] =	vst v37;
	v2 =	vsel vm3, $0x7A00, v2;
	v1 =	vsel vm4, $0x6980, v1  }
0x31: {  	s21 =	simm.s32 $0x19200;
	s7 =	sshrl.u32 s5, $0x1;
	s6 =	sor.u32 s3, s6;
	[tilespmem:$0x1FFD0] =	vst v39;
	v2 =	vsel vm2, $0x7A80, v2;
	v1 =	vsel vm3, $0x6A00, v1  }
0x32: {  	s3 =	sadd.s32 $0xF42800, s2;
	s30 =	ssub.s32 s5, s7;
	s0 =	sadd.s32 s0, s6;
	[tilespmem:$0x1FFB0] =	vst v35;
	v41 =	vsel vm1, $0x7B00, v2;
	v1 =	vsel vm2, $0x6A80, v1  }
0x33: {  	s5 =	sadd.s32 s4, s6;
	[dreg:$0x4] =	wrdreg s0;
	s31 =	smax.u32 s30, $0x1;
	[tilespmem:$0x1FFF0] =	vst v41;
	v24 =	vsel vm1, $0x6B00, v1  }
0x34: {  	vm0 =	vmmov $0xff;
	s6 =	simm.s32 $0x13A00;
	s4 =	simm.s32 $0x0;
	[dreg:$0x5] =	wrdreg s31;
	[tilespmem:$0x1FFE0] =	vst v24  }
.LBB2_1:
0x35: {  	[dreg:$0x6] =	wrdreg s4  }
0x36: {  	s0 =	rddreg [dreg:$0x4];
	s2 =	simm.s32 $0x1000;
	s25 =	simm.s32 $0x5  }
0x37: {  	[tilespmem:s1], [sflag:$0x5] =	stream.strided.gather [hbm4b:s0+s2], $0x7000, s8, s2, $0x38;
	[tilespmem:$0x1B200] =	vst v63  }
0x38: {  	_ =	swait.ge [sflag:s25], $0x7000  }
0x39: {  	[sflag:s25] =	ssyncset.done $0x0  }
0x3a: {  	[sflag:s25] =	ssyncadd.s32 $0xFFFF9000  }
0x3b: {  	v0 =	vld [tilespmem:$0x0]  }
0x3c: {  	v1 =	vld [tilespmem:$0x10]  }
0x3d: {  	v2 =	vld [tilespmem:$0x20]  }
0x3e: {  	v26 =	vld [tilespmem:$0x30]  }
0x3f: {  	v34 =	vld [tilespmem:$0x40]  }
0x40: {  	v4 =	vld [tilespmem:$0x50];
	v3 =	vshrl.u32 v0, $0x1  }
0x41: {  	v5 =	vld [tilespmem:$0x60];
	v32 =	vshrl.u32 v1, $0x1;
	[tilespmem:$0x7000] =	vst v3  }
0x42: {  	v46 =	vld [tilespmem:$0x70];
	v36 =	vshrl.u32 v2, $0x1;
	[tilespmem:$0x7010] =	vst v32  }
0x43: {  	v42 =	vshrl.u32 v26, $0x1;
	[tilespmem:$0x7020] =	vst v36  }
0x44: {  	v6 =	vld [tilespmem:$0x1FF50];
	v44 =	vshrl.u32 v34, $0x1;
	[tilespmem:$0x7030] =	vst v42  }
0x45: {  	v47 =	vshrl.u32 v4, $0x1;
	[tilespmem:$0x7040] =	vst v44;
	v40 =	vld [tilespmem:$0x7000]  }
0x46: {  	v53 =	vld [tilespmem:$0x1FF60];
	v51 =	vshrl.u32 v5, $0x1;
	[tilespmem:$0x7050] =	vst v47  }
0x47: {  	v7 =	vld [tilespmem:$0x1FF70];
	v0 =	vshll.u32 v0, $0x6;
	v54 =	vshrl.u32 v46, $0x1;
	[tilespmem:$0x7060] =	vst v51  }
0x48: {  	v1 =	vshll.u32 v1, $0x6;
	v0 =	vand.u32 $0x40, v0;
	[tilespmem:$0x7070] =	vst v54  }
0x49: {  	v2 =	vshll.u32 v2, $0x6;
	v33 =	vand.u32 $0x40, v1;
	[tilespmem:$0x7100] =	vst v0  }
0x4a: {  	v48 =	vshll.u32 v4, $0x6;
	v38 =	vand.u32 $0x40, v2;
	[tilespmem:$0x7110] =	vst v33;
	v49 =	vperm.xlane v40, v6  }
0x4b: {  	v3 =	vshll.u32 v26, $0x6;
	v1 =	vshll.u32 v34, $0x6;
	v50 =	vand.u32 $0x40, v48;
	[tilespmem:$0x7120] =	vst v38  }
0x4c: {  	v43 =	vand.u32 $0x40, v3;
	[tilespmem:$0x7150] =	vst v50;
	v2 =	vperm.xlane v40, v7;
	v4 =	vadd.s32 v53, v49  }
0x4d: {  	v52 =	vshll.u32 v5, $0x6;
	v45 =	vand.u32 $0x40, v1;
	[tilespmem:$0x7130] =	vst v43  }
0x4e: {  	v0 =	vand.u32 $0x40, v52;
	v1 =	vshll.u32 v46, $0x6;
	[tilespmem:$0x7140] =	vst v45;
	v2 =	vadd.s32 v53, v2  }
0x4f: {  	[tilespmem:$0x7160] =	vst v0;
	v55 =	vand.u32 $0x40, v1  }
0x50: {  	[tilespmem:$0x7170] =	vst v55  }
0x51: {  	[tilespmem:s10], [sflag:$0x1] =	stream.indirect_vreg.gather [hbm4b:s3+s1], $0x80, v4, vm0, $0xb8;
	[tilespmem:$0x1B200] =	vst v63  }
0x52: {  	s28 =	simm.s32 $0x7A00  }
0x53: {  	[tilespmem:s28], [sflag:$0x1] =	stream.indirect_vreg.gather [hbm4b:s3+s1], $0x80, v2, vm0, $0xb8;
	[tilespmem:$0x1B200] =	vst v63  }
0x54: {  	v56 =	vld [tilespmem:$0x7010];
	_ =	sdelay $0x4  }
0x55: {  	v57 =	vperm.xlane v56, v6;
	_ =	sdelay $0x1  }
0x56: {  	v0 =	vperm.xlane v56, v7;
	v1 =	vadd.s32 v53, v57;
	_ =	sdelay $0x1  }
0x57: {  	v0 =	vadd.s32 v53, v0;
	_ =	sdelay $0x1  }
0x58: {  	s29 =	simm.s32 $0x8200  }
0x59: {  	[tilespmem:s29], [sflag:$0x1] =	stream.indirect_vreg.gather [hbm4b:s3+s1], $0x80, v1, vm0, $0xb8;
	[tilespmem:$0x1B200] =	vst v63  }
0x5a: {  	s30 =	simm.s32 $0x8A00  }
0x5b: {  	[tilespmem:s30], [sflag:$0x1] =	stream.indirect_vreg.gather [hbm4b:s3+s1], $0x80, v0, vm0, $0xb8;
	[tilespmem:$0x1B200] =	vst v63  }
0x5c: {  	v0 =	vld [tilespmem:$0x7020];
	_ =	sdelay $0x4  }
0x5d: {  	v58 =	vperm.xlane v0, v6;
	_ =	sdelay $0x1  }
0x5e: {  	v0 =	vperm.xlane v0, v7;
	v1 =	vadd.s32 v53, v58;
	_ =	sdelay $0x1  }
0x5f: {  	v0 =	vadd.s32 v53, v0;
	_ =	sdelay $0x1  }
0x60: {  	s31 =	simm.s32 $0x9200  }
0x61: {  	[tilespmem:s31], [sflag:$0x1] =	stream.indirect_vreg.gather [hbm4b:s3+s1], $0x80, v1, vm0, $0xb8;
	[tilespmem:$0x1B200] =	vst v63  }
0x62: {  	s2 =	simm.s32 $0x9A00  }
0x63: {  	[tilespmem:s2], [sflag:$0x1] =	stream.indirect_vreg.gather [hbm4b:s3+s1], $0x80, v0, vm0, $0xb8;
	[tilespmem:$0x1B200] =	vst v63  }
0x64: {  	v0 =	vld [tilespmem:$0x7030];
	_ =	sdelay $0x4  }
0x65: {  	v59 =	vperm.xlane v0, v6;
	_ =	sdelay $0x1  }
0x66: {  	v0 =	vperm.xlane v0, v7;
	v1 =	vadd.s32 v53, v59;
	_ =	sdelay $0x1  }
0x67: {  	v0 =	vadd.s32 v53, v0;
	_ =	sdelay $0x1  }
0x68: {  	s4 =	simm.s32 $0xA200  }
0x69: {  	[tilespmem:s4], [sflag:$0x1] =	stream.indirect_vreg.gather [hbm4b:s3+s1], $0x80, v1, vm0, $0xb8;
	[tilespmem:$0x1B200] =	vst v63  }
0x6a: {  	s7 =	simm.s32 $0xAA00  }
0x6b: {  	[tilespmem:s7], [sflag:$0x1] =	stream.indirect_vreg.gather [hbm4b:s3+s1], $0x80, v0, vm0, $0xb8;
	[tilespmem:$0x1B200] =	vst v63  }
0x6c: {  	v0 =	vld [tilespmem:$0x7040];
	_ =	sdelay $0x4  }
0x6d: {  	v60 =	vperm.xlane v0, v6;
	_ =	sdelay $0x1  }
0x6e: {  	v0 =	vperm.xlane v0, v7;
	v1 =	vadd.s32 v53, v60;
	_ =	sdelay $0x1  }
0x6f: {  	v0 =	vadd.s32 v53, v0;
	_ =	sdelay $0x1  }
0x70: {  	s22 =	simm.s32 $0xB200  }
0x71: {  	[tilespmem:s22], [sflag:$0x1] =	stream.indirect_vreg.gather [hbm4b:s3+s1], $0x80, v1, vm0, $0xb8;
	[tilespmem:$0x1B200] =	vst v63  }
0x72: {  	s23 =	simm.s32 $0xBA00  }
0x73: {  	[tilespmem:s23], [sflag:$0x1] =	stream.indirect_vreg.gather [hbm4b:s3+s1], $0x80, v0, vm0, $0xb8;
	[tilespmem:$0x1B200] =	vst v63  }
0x74: {  	v0 =	vld [tilespmem:$0x7050];
	_ =	sdelay $0x4  }
0x75: {  	v61 =	vperm.xlane v0, v6;
	_ =	sdelay $0x1  }
0x76: {  	v0 =	vperm.xlane v0, v7;
	v1 =	vadd.s32 v53, v61;
	_ =	sdelay $0x1  }
0x77: {  	v0 =	vadd.s32 v53, v0;
	_ =	sdelay $0x1  }
0x78: {  	s24 =	simm.s32 $0xC200  }
0x79: {  	[tilespmem:s24], [sflag:$0x1] =	stream.indirect_vreg.gather [hbm4b:s3+s1], $0x80, v1, vm0, $0xb8;
	[tilespmem:$0x1B200] =	vst v63  }
0x7a: {  	s25 =	simm.s32 $0xCA00  }
0x7b: {  	[tilespmem:s25], [sflag:$0x1] =	stream.indirect_vreg.gather [hbm4b:s3+s1], $0x80, v0, vm0, $0xb8;
	[tilespmem:$0x1B200] =	vst v63  }
0x7c: {  	v0 =	vld [tilespmem:$0x7060];
	_ =	sdelay $0x4  }
0x7d: {  	v62 =	vperm.xlane v0, v6;
	_ =	sdelay $0x1  }
0x7e: {  	v0 =	vperm.xlane v0, v7;
	v1 =	vadd.s32 v53, v62;
	_ =	sdelay $0x1  }
0x7f: {  	v0 =	vadd.s32 v53, v0;
	_ =	sdelay $0x1  }
0x80: {  	s28 =	simm.s32 $0xD200  }
0x81: {  	[tilespmem:s28], [sflag:$0x1] =	stream.indirect_vreg.gather [hbm4b:s3+s1], $0x80, v1, vm0, $0xb8;
	[tilespmem:$0x1B200] =	vst v63  }
0x82: {  	s29 =	simm.s32 $0xDA00  }
0x83: {  	[tilespmem:s29], [sflag:$0x1] =	stream.indirect_vreg.gather [hbm4b:s3+s1], $0x80, v0, vm0, $0xb8;
	[tilespmem:$0x1B200] =	vst v63  }
0x84: {  	v0 =	vld [tilespmem:$0x7070];
	_ =	sdelay $0x4  }
0x85: {  	v63 =	vperm.xlane v0, v6;
	_ =	sdelay $0x1  }
0x86: {  	v0 =	vperm.xlane v0, v7;
	v1 =	vadd.s32 v53, v63;
	_ =	sdelay $0x1  }
0x87: {  	v0 =	vadd.s32 v53, v0;
	_ =	sdelay $0x1  }
0x88: {  	s30 =	simm.s32 $0xE200  }
0x89: {  	[tilespmem:s30], [sflag:$0x1] =	stream.indirect_vreg.gather [hbm4b:s3+s1], $0x80, v1, vm0, $0xb8;
	[tilespmem:$0x1B200] =	vst v63  }
0x8a: {  	s31 =	simm.s32 $0xEA00;
	s22 =	simm.s32 $0x0  }
0x8b: {  	[tilespmem:s31], [sflag:$0x1] =	stream.indirect_vreg.gather [hbm4b:s3+s1], $0x80, v0, vm0, $0xb8;
	[tilespmem:$0x1B200] =	vst v63  }
.LBB2_2:
0x8c: {  	s0 =	sshll.u32 s22, $0x8  }
0x8d: {  	p0 =	seq.s32 s22, $0x0;
	s25 =	sand.u32 $0x100, s0  }
0x8e: {  	s4 =	sshll.u32 s22, $0x6;
	s2 =	simm.s32 @!p0 $0x4;
	s23 =	sor.u32 $0x80, s25  }
0x8f: {  	s0 =	sand.u32 $0x7000, s0;
	_ =	swait.ge @!p0 [sflag:s2], $0x2000;
	s7 =	sshll.u32 s23, $0x3  }
0x90: {  	s4 =	sand.u32 $0x380, s4;
	[sflag:s2] =	ssyncset.done @!p0 $0x0;
	s0 =	sor.u32 s7, s0  }
0x91: {  	[sflag:s2] =	ssyncadd.s32 @!p0 $0xFFFFE000;
	s0 =	sor.u32 s4, s0  }
0x92: {  	v0 =	vld [tilespmem:s0+$0x0];
	_ =	sdelay $0x4  }
0x93: {  	v1 =	vshrl.u32 v0, $0x1;
	v0 =	vshll.u32 v0, $0x6  }
0x94: {  	[tilespmem:$0x7080] =	vst v1;
	v0 =	vand.u32 $0x40, v0  }
0x95: {  	[tilespmem:$0x7180] =	vst v0  }
0x96: {  	v0 =	vld [tilespmem:s0+$0x10];
	_ =	sdelay $0x4  }
0x97: {  	v1 =	vshrl.u32 v0, $0x1;
	v0 =	vshll.u32 v0, $0x6  }
0x98: {  	[tilespmem:$0x7090] =	vst v1;
	v0 =	vand.u32 $0x40, v0  }
0x99: {  	[tilespmem:$0x7190] =	vst v0  }
0x9a: {  	v0 =	vld [tilespmem:s0+$0x20];
	_ =	sdelay $0x4  }
0x9b: {  	v1 =	vshrl.u32 v0, $0x1;
	v0 =	vshll.u32 v0, $0x6  }
0x9c: {  	[tilespmem:$0x70A0] =	vst v1;
	v0 =	vand.u32 $0x40, v0  }
0x9d: {  	[tilespmem:$0x71A0] =	vst v0  }
0x9e: {  	v0 =	vld [tilespmem:s0+$0x30];
	_ =	sdelay $0x4  }
0x9f: {  	v1 =	vshrl.u32 v0, $0x1;
	v0 =	vshll.u32 v0, $0x6  }
0xa0: {  	[tilespmem:$0x70B0] =	vst v1;
	v0 =	vand.u32 $0x40, v0  }
0xa1: {  	[tilespmem:$0x71B0] =	vst v0  }
0xa2: {  	v0 =	vld [tilespmem:s0+$0x40];
	_ =	sdelay $0x4  }
0xa3: {  	v1 =	vshrl.u32 v0, $0x1;
	v0 =	vshll.u32 v0, $0x6  }
0xa4: {  	[tilespmem:$0x70C0] =	vst v1;
	v0 =	vand.u32 $0x40, v0  }
0xa5: {  	[tilespmem:$0x71C0] =	vst v0  }
0xa6: {  	v0 =	vld [tilespmem:s0+$0x50];
	_ =	sdelay $0x4  }
0xa7: {  	v1 =	vshrl.u32 v0, $0x1;
	v0 =	vshll.u32 v0, $0x6  }
0xa8: {  	[tilespmem:$0x70D0] =	vst v1;
	v0 =	vand.u32 $0x40, v0  }
0xa9: {  	[tilespmem:$0x71D0] =	vst v0  }
0xaa: {  	v0 =	vld [tilespmem:s0+$0x60];
	_ =	sdelay $0x2  }
0xab: {  	v4 =	vld [tilespmem:$0x1FF50]  }
0xac: {  	v1 =	vld [tilespmem:$0x7080]  }
0xad: {  	v5 =	vld [tilespmem:$0x1FF60];
	v2 =	vshrl.u32 v0, $0x1;
	v0 =	vshll.u32 v0, $0x6  }
0xae: {  	v6 =	vld [tilespmem:$0x1FF70];
	[tilespmem:$0x70E0] =	vst v2;
	v0 =	vand.u32 $0x40, v0  }
0xaf: {  	[tilespmem:$0x71E0] =	vst v0  }
0xb0: {  	v0 =	vld [tilespmem:s0+$0x70]  }
0xb1: {  	v2 =	vperm.xlane v1, v4;
	_ =	sdelay $0x1  }
0xb2: {  	v1 =	vperm.xlane v1, v6;
	v2 =	vadd.s32 v5, v2;
	_ =	sdelay $0x1  }
0xb3: {  	v1 =	vadd.s32 v5, v1;
	v3 =	vshrl.u32 v0, $0x1;
	v0 =	vshll.u32 v0, $0x6  }
0xb4: {  	[tilespmem:$0x70F0] =	vst v3;
	v0 =	vand.u32 $0x40, v0  }
0xb5: {  	s24 =	simm.s32 $0x0;
	[tilespmem:$0x71F0] =	vst v0  }
0xb6: {  	[tilespmem:s26], [sflag:$0x2] =	stream.indirect_vreg.gather [hbm4b:s3+s24], $0x80, v2, vm0, $0xb8;
	[tilespmem:$0x1B200] =	vst v63  }
0xb7: {  	s4 =	simm.s32 $0xFA00  }
0xb8: {  	[tilespmem:s4], [sflag:$0x2] =	stream.indirect_vreg.gather [hbm4b:s3+s24], $0x80, v1, vm0, $0xb8;
	[tilespmem:$0x1B200] =	vst v63  }
0xb9: {  	v0 =	vld [tilespmem:$0x7090];
	_ =	sdelay $0x4  }
0xba: {  	v1 =	vperm.xlane v0, v4;
	_ =	sdelay $0x1  }
0xbb: {  	v0 =	vperm.xlane v0, v6;
	v1 =	vadd.s32 v5, v1;
	_ =	sdelay $0x1  }
0xbc: {  	v0 =	vadd.s32 v5, v0;
	_ =	sdelay $0x1  }
0xbd: {  	s7 =	simm.s32 $0x10200  }
0xbe: {  	[tilespmem:s7], [sflag:$0x2] =	stream.indirect_vreg.gather [hbm4b:s3+s24], $0x80, v1, vm0, $0xb8;
	[tilespmem:$0x1B200] =	vst v63  }
0xbf: {  	s31 =	simm.s32 $0x10A00  }
0xc0: {  	[tilespmem:s31], [sflag:$0x2] =	stream.indirect_vreg.gather [hbm4b:s3+s24], $0x80, v0, vm0, $0xb8;
	[tilespmem:$0x1B200] =	vst v63  }
0xc1: {  	v0 =	vld [tilespmem:$0x70A0];
	_ =	sdelay $0x4  }
0xc2: {  	v1 =	vperm.xlane v0, v4;
	_ =	sdelay $0x1  }
0xc3: {  	v0 =	vperm.xlane v0, v6;
	v1 =	vadd.s32 v5, v1;
	_ =	sdelay $0x1  }
0xc4: {  	v0 =	vadd.s32 v5, v0;
	_ =	sdelay $0x1  }
0xc5: {  	s2 =	simm.s32 $0x11200  }
0xc6: {  	[tilespmem:s2], [sflag:$0x2] =	stream.indirect_vreg.gather [hbm4b:s3+s24], $0x80, v1, vm0, $0xb8;
	[tilespmem:$0x1B200] =	vst v63  }
0xc7: {  	s4 =	simm.s32 $0x11A00  }
0xc8: {  	[tilespmem:s4], [sflag:$0x2] =	stream.indirect_vreg.gather [hbm4b:s3+s24], $0x80, v0, vm0, $0xb8;
	[tilespmem:$0x1B200] =	vst v63  }
0xc9: {  	v0 =	vld [tilespmem:$0x70B0];
	_ =	sdelay $0x4  }
0xca: {  	v1 =	vperm.xlane v0, v4;
	_ =	sdelay $0x1  }
0xcb: {  	v0 =	vperm.xlane v0, v6;
	v1 =	vadd.s32 v5, v1;
	_ =	sdelay $0x1  }
0xcc: {  	v0 =	vadd.s32 v5, v0;
	_ =	sdelay $0x1  }
0xcd: {  	s7 =	simm.s32 $0x12200  }
0xce: {  	[tilespmem:s7], [sflag:$0x2] =	stream.indirect_vreg.gather [hbm4b:s3+s24], $0x80, v1, vm0, $0xb8;
	[tilespmem:$0x1B200] =	vst v63  }
0xcf: {  	s31 =	simm.s32 $0x12A00  }
0xd0: {  	[tilespmem:s31], [sflag:$0x2] =	stream.indirect_vreg.gather [hbm4b:s3+s24], $0x80, v0, vm0, $0xb8;
	[tilespmem:$0x1B200] =	vst v63  }
0xd1: {  	v0 =	vld [tilespmem:$0x70C0];
	_ =	sdelay $0x4  }
0xd2: {  	v1 =	vperm.xlane v0, v4;
	_ =	sdelay $0x1  }
0xd3: {  	v0 =	vperm.xlane v0, v6;
	v1 =	vadd.s32 v5, v1;
	_ =	sdelay $0x1  }
0xd4: {  	v0 =	vadd.s32 v5, v0;
	_ =	sdelay $0x1  }
0xd5: {  	s2 =	simm.s32 $0x13200  }
0xd6: {  	[tilespmem:s2], [sflag:$0x2] =	stream.indirect_vreg.gather [hbm4b:s3+s24], $0x80, v1, vm0, $0xb8;
	[tilespmem:$0x1B200] =	vst v63  }
0xd7: {  	_ = 	snop  }
0xd8: {  	[tilespmem:s6], [sflag:$0x2] =	stream.indirect_vreg.gather [hbm4b:s3+s24], $0x80, v0, vm0, $0xb8;
	[tilespmem:$0x1B200] =	vst v63  }
0xd9: {  	v0 =	vld [tilespmem:$0x70D0];
	_ =	sdelay $0x4  }
0xda: {  	v1 =	vperm.xlane v0, v4;
	_ =	sdelay $0x1  }
0xdb: {  	v0 =	vperm.xlane v0, v6;
	v1 =	vadd.s32 v5, v1;
	_ =	sdelay $0x1  }
0xdc: {  	v0 =	vadd.s32 v5, v0;
	_ =	sdelay $0x2  }
0xdd: {  	[tilespmem:s9], [sflag:$0x2] =	stream.indirect_vreg.gather [hbm4b:s3+s24], $0x80, v1, vm0, $0xb8;
	[tilespmem:$0x1B200] =	vst v63  }
0xde: {  	_ = 	snop  }
0xdf: {  	[tilespmem:s11], [sflag:$0x2] =	stream.indirect_vreg.gather [hbm4b:s3+s24], $0x80, v0, vm0, $0xb8;
	[tilespmem:$0x1B200] =	vst v63  }
0xe0: {  	v0 =	vld [tilespmem:$0x70E0];
	_ =	sdelay $0x4  }
0xe1: {  	v1 =	vperm.xlane v0, v4;
	_ =	sdelay $0x1  }
0xe2: {  	v0 =	vperm.xlane v0, v6;
	v1 =	vadd.s32 v5, v1;
	_ =	sdelay $0x1  }
0xe3: {  	v0 =	vadd.s32 v5, v0;
	_ =	sdelay $0x2  }
0xe4: {  	[tilespmem:s12], [sflag:$0x2] =	stream.indirect_vreg.gather [hbm4b:s3+s24], $0x80, v1, vm0, $0xb8;
	[tilespmem:$0x1B200] =	vst v63  }
0xe5: {  	_ = 	snop  }
0xe6: {  	[tilespmem:s13], [sflag:$0x2] =	stream.indirect_vreg.gather [hbm4b:s3+s24], $0x80, v0, vm0, $0xb8;
	[tilespmem:$0x1B200] =	vst v63  }
0xe7: {  	v0 =	vld [tilespmem:$0x70F0];
	_ =	sdelay $0x4  }
0xe8: {  	v1 =	vperm.xlane v0, v4;
	_ =	sdelay $0x1  }
0xe9: {  	v0 =	vperm.xlane v0, v6;
	v1 =	vadd.s32 v5, v1;
	_ =	sdelay $0x1  }
0xea: {  	v0 =	vadd.s32 v5, v0;
	_ =	sdelay $0x2  }
0xeb: {  	[tilespmem:s14], [sflag:$0x2] =	stream.indirect_vreg.gather [hbm4b:s3+s24], $0x80, v1, vm0, $0xb8;
	[tilespmem:$0x1B200] =	vst v63  }
0xec: {  	_ = 	snop  }
0xed: {  	[tilespmem:s15], [sflag:$0x2] =	stream.indirect_vreg.gather [hbm4b:s3+s24], $0x80, v0, vm0, $0xb8;
	[tilespmem:$0x1B200] =	vst v63  }
0xee: {  	_ =	swait.ge [sflag:s16], $0x4000  }
0xef: {  	[sflag:s16] =	ssyncset.done $0x0  }
0xf0: {  	[sflag:s16] =	ssyncadd.s32 $0xFFFFC000  }
0xf1: {  	v54 =	vld [tilespmem:$0x7100]  }
0xf2: {  	v46 =	vld [tilespmem:$0x7110]  }
0xf3: {  	v40 =	vld [tilespmem:$0x7120]  }
0xf4: {  	v32 =	vld [tilespmem:$0x7130]  }
0xf5: {  	v22 =	vld [tilespmem:$0x7150]  }
0xf6: {  	v27 =	vld [tilespmem:$0x7140]  }
0xf7: {  	v12 =	vld [tilespmem:$0x7160];
	_ =	sdelay $0x2  }
0xf8: {  	v1 =	vadd.s32 s24, v22;
	v5 =	vadd.s32 s24, v40  }
0xf9: {  	s31 =	simm.s32 $0x1;
	v3 =	vadd.s32 s24, v32;
	v4 =	vadd.s32 s24, v27;
	v6 =	vadd.s32 s24, v54  }
0xfa: {  	s4 =	simm.s32 $0x7;
	v9 =	vadd.s32 s24, v46;
	v0 =	vadd.s32 s31, v12;
	v47 =	vadd.s32 s31, v22  }
0xfb: {  	v15 =	vadd.s32 s4, v54;
	v16 =	vadd.s32 s4, v46;
	v17 =	vadd.s32 s4, v40  }
0xfc: {  	s29 =	simm.s32 $0x3;
	s0 =	simm.s32 $0x2;
	v34 =	vadd.s32 s4, v32;
	v51 =	vadd.s32 s4, v27;
	v57 =	vadd.s32 s4, v22  }
0xfd: {  	s28 =	simm.s32 $0x4;
	v63 =	vadd.s32 s4, v12;
	v44 =	vadd.s32 s0, v22;
	v48 =	vadd.s32 s29, v22  }
0xfe: {  	s7 =	simm.s32 $0x5;
	v45 =	vadd.s32 s28, v22;
	v53 =	vadd.s32 s31, v27;
	v36 =	vadd.s32 s0, v27  }
0xff: {  	s30 =	simm.s32 $0x6;
	v55 =	vadd.s32 s29, v27;
	v58 =	vadd.s32 s28, v27;
	v52 =	vadd.s32 s7, v27  }
0x100: {  	v61 =	vadd.s32 s30, v27;
	v8 =	vadd.s32 s0, v32;
	v13 =	vadd.s32 s29, v32  }
0x101: {  	v25 =	vadd.s32 s28, v32;
	v33 =	vadd.s32 s7, v32;
	v56 =	vadd.s32 s30, v32  }
0x102: {  	v59 =	vadd.s32 s31, v40;
	v2 =	vadd.s32 s28, v40;
	v60 =	vadd.s32 s7, v40  }
0x103: {  	v26 =	vadd.s32 s31, v46;
	v38 =	vadd.s32 s0, v46;
	v42 =	vadd.s32 s29, v46  }
0x104: {  	v43 =	vadd.s32 s28, v46;
	v49 =	vadd.s32 s7, v46;
	v50 =	vadd.s32 s30, v46  }
0x105: {  	v29 =	vadd.s32 s31, v54;
	v31 =	vadd.s32 s0, v54;
	[tilespmem:$0x1F850] =	vst v0;
	v0 =	vadd.s32 s0, v12  }
0x106: {  	v10 =	vand.u32 $0x7F, v1;
	v14 =	vshll.u32 v1, $0x3;
	v18 =	vand.u32 $0x7F, v4  }
0x107: {  	v19 =	vshll.u32 v4, $0x3;
	v20 =	vand.u32 $0x7F, v3;
	v21 =	vshll.u32 v3, $0x3  }
0x108: {  	v4 =	vadd.s32 s31, v32;
	v23 =	vand.u32 $0x7F, v5;
	v5 =	vshll.u32 v5, $0x3  }
0x109: {  	v1 =	vadd.s32 s29, v40;
	v24 =	vand.u32 $0x7F, v9;
	v3 =	vadd.s32 s30, v40  }
0x10a: {  	v7 =	vmovc v28;
	v62 =	vld [tilespmem:$0x7170];
	v9 =	vshll.u32 v9, $0x3;
	v28 =	vand.u32 $0x7F, v6;
	v6 =	vshll.u32 v6, $0x3  }
0x10b: {  	[tilespmem:$0x1F880] =	vst v0;
	v0 =	vadd.s32 s29, v12;
	v14 =	vand.u32 $0xFFFFFC00, v14;
	v19 =	vand.u32 $0xFFFFFC00, v19  }
0x10c: {  	v5 =	vand.u32 $0xFFFFFC00, v5;
	v6 =	vand.u32 $0xFFFFFC00, v6;
	[tilespmem:$0x1F890] =	vst v0;
	v0 =	vadd.s32 s28, v12  }
0x10d: {  	v10 =	vor.u32 v10, v14;
	v14 =	vand.u32 $0xFFFFFC00, v21;
	v18 =	vor.u32 v18, v19;
	[tilespmem:$0x1F8A0] =	vst v0  }
0x10e: {  	v5 =	vor.u32 v23, v5;
	v19 =	vadd.s32 s30, v54;
	v21 =	vshll.u32 v29, $0x3;
	[tilespmem:$0x1FAA0] =	vst v10  }
0x10f: {  	v0 =	vadd.s32 s4, v62;
	v10 =	vadd.s32 s29, v54;
	v14 =	vor.u32 v20, v14;
	[tilespmem:$0x1FA20] =	vst v18  }
0x110: {  	v18 =	vadd.s32 s7, v54;
	[tilespmem:$0x1F9B0] =	vst v5;
	v5 =	vand.u32 $0xFFFFFC00, v9;
	v9 =	vshll.u32 v15, $0x3  }
0x111: {  	v15 =	vand.u32 $0x7F, v15;
	v20 =	vand.u32 $0x7F, v29;
	v21 =	vand.u32 $0xFFFFFC00, v21;
	[tilespmem:$0x1F870] =	vst v0  }
0x112: {  	v0 =	vadd.s32 s7, v22;
	[tilespmem:$0x1F9F0] =	vst v14;
	v14 =	vadd.s32 s28, v54;
	v5 =	vor.u32 v24, v5  }
0x113: {  	v9 =	vand.u32 $0xFFFFFC00, v9;
	v29 =	vor.u32 v20, v21;
	v20 =	vshll.u32 v10, $0x3;
	[tilespmem:$0x1F840] =	vst v0  }
0x114: {  	v10 =	vand.u32 $0x7F, v10;
	v0 =	vadd.s32 s30, v22;
	[tilespmem:$0x1F960] =	vst v5;
	v5 =	vor.u32 v28, v6  }
0x115: {  	v28 =	vor.u32 v15, v9;
	v9 =	vand.u32 $0x7F, v31;
	v15 =	vshll.u32 v31, $0x3  }
0x116: {  	v20 =	vand.u32 $0xFFFFFC00, v20;
	[tilespmem:$0x1F860] =	vst v0;
	v0 =	vadd.s32 s0, v40;
	v15 =	vand.u32 $0xFFFFFC00, v15  }
0x117: {  	v31 =	vor.u32 v9, v15;
	v9 =	vand.u32 $0x7F, v14;
	v14 =	vshll.u32 v14, $0x3  }
0x118: {  	v24 =	vor.u32 v10, v20;
	v10 =	vand.u32 $0x7F, v18;
	v14 =	vand.u32 $0xFFFFFC00, v14  }
0x119: {  	v15 =	vshll.u32 v18, $0x3;
	v18 =	vand.u32 $0x7F, v38;
	v6 =	vor.u32 v9, v14  }
0x11a: {  	v9 =	vshll.u32 v19, $0x3;
	v14 =	vand.u32 $0xFFFFFC00, v15;
	v15 =	vand.u32 $0x7F, v19  }
0x11b: {  	v9 =	vand.u32 $0xFFFFFC00, v9;
	v10 =	vor.u32 v10, v14;
	v14 =	vand.u32 $0x7F, v26  }
0x11c: {  	[tilespmem:$0x1F8E0] =	vst v5;
	v5 =	vor.u32 v15, v9;
	v9 =	vshll.u32 v16, $0x3;
	v15 =	vshll.u32 v26, $0x3  }
0x11d: {  	v16 =	vand.u32 $0x7F, v16;
	v9 =	vand.u32 $0xFFFFFC00, v9;
	v15 =	vand.u32 $0xFFFFFC00, v15  }
0x11e: {  	[tilespmem:$0x1F8D0] =	vst v5;
	v5 =	vor.u32 v16, v9;
	v16 =	vshll.u32 v38, $0x3;
	v9 =	vor.u32 v14, v15  }
0x11f: {  	v14 =	vand.u32 $0x7F, v42;
	v15 =	vshll.u32 v42, $0x3;
	v16 =	vand.u32 $0xFFFFFC00, v16  }
0x120: {  	[tilespmem:$0x1F8F0] =	vst v5;
	v15 =	vand.u32 $0xFFFFFC00, v15;
	v5 =	vor.u32 v18, v16;
	v18 =	vshll.u32 v43, $0x3  }
0x121: {  	v16 =	vand.u32 $0x7F, v43;
	[tilespmem:$0x1F900] =	vst v5;
	v5 =	vor.u32 v14, v15;
	v15 =	vand.u32 $0xFFFFFC00, v18  }
0x122: {  	v14 =	vand.u32 $0x7F, v49;
	v18 =	vshll.u32 v49, $0x3;
	[tilespmem:$0x1F910] =	vst v5;
	v5 =	vor.u32 v16, v15  }
0x123: {  	v15 =	vshll.u32 v50, $0x3;
	v16 =	vand.u32 $0x7F, v50;
	v18 =	vand.u32 $0xFFFFFC00, v18  }
0x124: {  	[tilespmem:$0x1F920] =	vst v5;
	v15 =	vand.u32 $0xFFFFFC00, v15;
	v5 =	vor.u32 v14, v18;
	v14 =	vshll.u32 v17, $0x3  }
0x125: {  	[tilespmem:$0x1F930] =	vst v5;
	v5 =	vor.u32 v16, v15;
	v15 =	vshll.u32 v59, $0x3;
	v16 =	vand.u32 $0x7F, v17  }
0x126: {  	v14 =	vand.u32 $0xFFFFFC00, v14;
	v17 =	vand.u32 $0x7F, v59;
	v15 =	vand.u32 $0xFFFFFC00, v15  }
0x127: {  	[tilespmem:$0x1F940] =	vst v5;
	v5 =	vor.u32 v16, v14;
	v14 =	vand.u32 $0x7F, v0;
	v16 =	vshll.u32 v0, $0x3  }
0x128: {  	v0 =	vor.u32 v17, v15;
	v15 =	vand.u32 $0x7F, v1;
	v16 =	vand.u32 $0xFFFFFC00, v16  }
0x129: {  	v17 =	vshll.u32 v1, $0x3;
	v1 =	vand.u32 $0x7F, v33;
	[tilespmem:$0x1F970] =	vst v0;
	v0 =	vor.u32 v14, v16  }
0x12a: {  	v14 =	vand.u32 $0x7F, v2;
	v16 =	vand.u32 $0xFFFFFC00, v17;
	v17 =	vshll.u32 v2, $0x3  }
0x12b: {  	v2 =	vand.u32 $0x7F, v34;
	[tilespmem:$0x1F980] =	vst v0;
	v0 =	vor.u32 v15, v16;
	v15 =	vshll.u32 v60, $0x3  }
0x12c: {  	[tilespmem:$0x1F950] =	vst v5;
	v16 =	vand.u32 $0x7F, v60;
	v17 =	vand.u32 $0xFFFFFC00, v17;
	v15 =	vand.u32 $0xFFFFFC00, v15  }
0x12d: {  	[tilespmem:$0x1F990] =	vst v0;
	v5 =	vor.u32 v14, v17;
	v14 =	vshll.u32 v34, $0x3;
	v0 =	vor.u32 v16, v15  }
0x12e: {  	v15 =	vshll.u32 v3, $0x3;
	v14 =	vand.u32 $0xFFFFFC00, v14;
	v16 =	vand.u32 $0x7F, v3  }
0x12f: {  	v3 =	vshll.u32 v8, $0x3;
	v19 =	vor.u32 v2, v14;
	v2 =	vand.u32 $0x7F, v4  }
0x130: {  	v4 =	vshll.u32 v4, $0x3;
	v14 =	vand.u32 $0x7F, v8;
	v3 =	vand.u32 $0xFFFFFC00, v3  }
0x131: {  	v4 =	vand.u32 $0xFFFFFC00, v4;
	v42 =	vor.u32 v14, v3;
	v3 =	vshll.u32 v25, $0x3  }
0x132: {  	v43 =	vor.u32 v2, v4;
	v2 =	vand.u32 $0x7F, v13;
	v4 =	vshll.u32 v13, $0x3  }
0x133: {  	v13 =	vand.u32 $0x7F, v25;
	v3 =	vand.u32 $0xFFFFFC00, v3;
	v4 =	vand.u32 $0xFFFFFC00, v4  }
0x134: {  	[tilespmem:$0x1F9A0] =	vst v0;
	v0 =	vor.u32 v13, v3;
	v3 =	vshll.u32 v33, $0x3;
	v49 =	vor.u32 v2, v4  }
0x135: {  	v2 =	vshll.u32 v51, $0x3;
	v4 =	vand.u32 $0x7F, v51;
	v3 =	vand.u32 $0xFFFFFC00, v3  }
0x136: {  	[tilespmem:$0x1F9C0] =	vst v0;
	v2 =	vand.u32 $0xFFFFFC00, v2;
	v0 =	vor.u32 v1, v3;
	v1 =	vshll.u32 v56, $0x3  }
0x137: {  	v3 =	vshll.u32 v53, $0x3;
	v51 =	vor.u32 v4, v2;
	v2 =	vand.u32 $0x7F, v53  }
0x138: {  	v4 =	vand.u32 $0x7F, v56;
	v1 =	vand.u32 $0xFFFFFC00, v1;
	v3 =	vand.u32 $0xFFFFFC00, v3  }
0x139: {  	[tilespmem:$0x1F9D0] =	vst v0;
	v0 =	vor.u32 v4, v1;
	v1 =	vand.u32 $0x7F, v36;
	v4 =	vshll.u32 v36, $0x3  }
0x13a: {  	v21 =	vor.u32 v2, v3;
	v2 =	vshll.u32 v55, $0x3;
	v4 =	vand.u32 $0xFFFFFC00, v4  }
0x13b: {  	v3 =	vand.u32 $0x7F, v55;
	[tilespmem:$0x1F9E0] =	vst v0;
	v2 =	vand.u32 $0xFFFFFC00, v2;
	v0 =	vor.u32 v1, v4  }
0x13c: {  	v1 =	vshll.u32 v57, $0x3;
	v4 =	vshll.u32 v58, $0x3;
	[tilespmem:$0x1FA00] =	vst v0;
	v0 =	vor.u32 v3, v2  }
0x13d: {  	v2 =	vand.u32 $0x7F, v58;
	v3 =	vand.u32 $0x7F, v57;
	v1 =	vand.u32 $0xFFFFFC00, v1  }
0x13e: {  	v4 =	vand.u32 $0xFFFFFC00, v4;
	v55 =	vor.u32 v3, v1;
	v1 =	vshll.u32 v52, $0x3  }
0x13f: {  	v3 =	vand.u32 $0x7F, v52;
	v59 =	vor.u32 v2, v4;
	v2 =	vshll.u32 v61, $0x3  }
0x140: {  	v4 =	vshll.u32 v47, $0x3;
	v1 =	vand.u32 $0xFFFFFC00, v1;
	v2 =	vand.u32 $0xFFFFFC00, v2  }
0x141: {  	v4 =	vand.u32 $0xFFFFFC00, v4;
	v60 =	vor.u32 v3, v1;
	v3 =	vand.u32 $0x7F, v61  }
0x142: {  	v1 =	vand.u32 $0x7F, v47;
	v56 =	vor.u32 v3, v2;
	v2 =	vshll.u32 v44, $0x3  }
0x143: {  	[tilespmem:$0x1FA10] =	vst v0;
	v3 =	vand.u32 $0x7F, v44;
	v0 =	vor.u32 v1, v4;
	v1 =	vshll.u32 v63, $0x3  }
0x144: {  	v4 =	vshll.u32 v48, $0x3;
	v2 =	vand.u32 $0xFFFFFC00, v2;
	v1 =	vand.u32 $0xFFFFFC00, v1  }
0x145: {  	[tilespmem:$0x1FA30] =	vst v0;
	v4 =	vand.u32 $0xFFFFFC00, v4;
	v0 =	vor.u32 v3, v2;
	v3 =	vand.u32 $0x7F, v63  }
0x146: {  	v2 =	vand.u32 $0x7F, v48;
	[tilespmem:$0x1FA40] =	vst v0;
	v0 =	vor.u32 v3, v1;
	v1 =	vshll.u32 v45, $0x3  }
0x147: {  	v3 =	vand.u32 $0x7F, v45;
	[tilespmem:$0x1FA50] =	vst v0;
	v1 =	vand.u32 $0xFFFFFC00, v1;
	v0 =	vor.u32 v2, v4;
	v4 =	vld [tilespmem:$0x1F840]  }
0x148: {  	[tilespmem:$0x1FA60] =	vst v0;
	v0 =	vor.u32 v3, v1  }
0x149: {  	[tilespmem:$0x1FA70] =	vst v0;
	v0 =	vld [tilespmem:$0x1F850];
	_ =	sdelay $0x2  }
0x14a: {  	v2 =	vshll.u32 v4, $0x3  }
0x14b: {  	v3 =	vand.u32 $0x7F, v4;
	v2 =	vand.u32 $0xFFFFFC00, v2  }
0x14c: {  	v1 =	vand.u32 $0x7F, v0;
	v4 =	vshll.u32 v0, $0x3;
	v0 =	vor.u32 v3, v2  }
0x14d: {  	[tilespmem:$0x1FA80] =	vst v0;
	v0 =	vld [tilespmem:$0x1F860];
	_ =	sdelay $0x4  }
0x14e: {  	v2 =	vshll.u32 v0, $0x3  }
0x14f: {  	v3 =	vand.u32 $0x7F, v0;
	v2 =	vand.u32 $0xFFFFFC00, v2  }
0x150: {  	v4 =	vand.u32 $0xFFFFFC00, v4;
	v0 =	vor.u32 v3, v2  }
0x151: {  	[tilespmem:$0x1FA90] =	vst v0;
	v0 =	vor.u32 v1, v4  }
0x152: {  	[tilespmem:$0x1FAB0] =	vst v0;
	v0 =	vld [tilespmem:$0x1F880];
	_ =	sdelay $0x2  }
0x153: {  	v3 =	vld [tilespmem:$0x1F870];
	_ =	sdelay $0x1  }
0x154: {  	v2 =	vand.u32 $0x7F, v0;
	v4 =	vshll.u32 v0, $0x3;
	v0 =	vld [tilespmem:$0x1F890];
	_ =	sdelay $0x2  }
0x155: {  	v1 =	vshll.u32 v3, $0x3  }
0x156: {  	v3 =	vand.u32 $0x7F, v3;
	v1 =	vand.u32 $0xFFFFFC00, v1  }
0x157: {  	v61 =	vor.u32 v3, v1;
	v1 =	vshll.u32 v0, $0x3;
	v3 =	vand.u32 $0x7F, v0;
	v0 =	vld [tilespmem:$0x1F8A0];
	_ =	sdelay $0x2  }
0x158: {  	v15 =	vand.u32 $0xFFFFFC00, v15  }
0x159: {  	v8 =	vadd.s32 s24, v12;
	v4 =	vand.u32 $0xFFFFFC00, v4;
	v1 =	vand.u32 $0xFFFFFC00, v1  }
0x15a: {  	v58 =	vor.u32 v2, v4;
	v53 =	vor.u32 v3, v1;
	v2 =	vshll.u32 v0, $0x3  }
0x15b: {  	v1 =	vadd.s32 s7, v12;
	v0 =	vand.u32 $0x7F, v0;
	v2 =	vand.u32 $0xFFFFFC00, v2  }
0x15c: {  	v63 =	vor.u32 v0, v2;
	v0 =	vadd.s32 s30, v12;
	v2 =	vand.u32 $0x7F, v1  }
0x15d: {  	v1 =	vshll.u32 v1, $0x3;
	v4 =	vand.u32 $0x7F, v0;
	v0 =	vshll.u32 v0, $0x3  }
0x15e: {  	v38 =	vor.u32 v16, v15;
	v1 =	vand.u32 $0xFFFFFC00, v1;
	v0 =	vand.u32 $0xFFFFFC00, v0  }
0x15f: {  	v48 =	vor.u32 v2, v1;
	v52 =	vor.u32 v4, v0;
	v0 =	vshll.u32 v8, $0x3  }
0x160: {  	v1 =	vand.u32 $0x7F, v8;
	v2 =	vadd.s32 s31, v62;
	v0 =	vand.u32 $0xFFFFFC00, v0  }
0x161: {  	v44 =	vor.u32 v1, v0;
	v0 =	vadd.s32 s0, v62;
	v1 =	vand.u32 $0x7F, v2  }
0x162: {  	v2 =	vshll.u32 v2, $0x3;
	v14 =	vand.u32 $0x7F, v0;
	v0 =	vshll.u32 v0, $0x3  }
0x163: {  	v15 =	vadd.s32 s29, v62;
	v2 =	vand.u32 $0xFFFFFC00, v2;
	v0 =	vand.u32 $0xFFFFFC00, v0  }
0x164: {  	v50 =	vor.u32 v1, v2;
	v26 =	vor.u32 v14, v0;
	v0 =	vshll.u32 v15, $0x3  }
0x165: {  	v1 =	vand.u32 $0x7F, v15;
	v14 =	vadd.s32 s28, v62;
	v0 =	vand.u32 $0xFFFFFC00, v0  }
0x166: {  	v15 =	vand.u32 $0x7F, v14;
	v23 =	vor.u32 v1, v0;
	v0 =	vadd.s32 s7, v62  }
0x167: {  	v14 =	vshll.u32 v14, $0x3;
	v16 =	vand.u32 $0x7F, v0;
	v0 =	vshll.u32 v0, $0x3  }
0x168: {  	v17 =	vadd.s32 s30, v62;
	v14 =	vand.u32 $0xFFFFFC00, v14;
	v0 =	vand.u32 $0xFFFFFC00, v0  }
0x169: {  	v8 =	vor.u32 v15, v14;
	v15 =	vor.u32 v16, v0;
	v0 =	vshll.u32 v17, $0x3  }
0x16a: {  	s31 =	simm.s32 $0x8;
	v16 =	vand.u32 $0x7F, v17;
	v0 =	vand.u32 $0xFFFFFC00, v0  }
0x16b: {  	v16 =	vor.u32 v16, v0;
	v0 =	vadd.s32 v7, v28;
	v28 =	vadd.s32 s31, v22  }
0x16c: {  	v25 =	vadd.s32 v7, v29;
	v47 =	vshll.u32 v28, $0x3  }
0x16d: {  	v28 =	vand.u32 $0x7F, v28;
	v33 =	vand.u32 $0xFFFFFC00, v47  }
0x16e: {  	v17 =	vadd.s32 s24, v62;
	v1 =	vor.u32 v28, v33  }
0x16f: {  	v18 =	vshll.u32 v17, $0x3;
	[tilespmem:$0x1F8B0] =	vst v1  }
0x170: {  	v57 =	vadd.s32 s31, v32;
	v17 =	vand.u32 $0x7F, v17;
	v18 =	vand.u32 $0xFFFFFC00, v18;
	v0 =	vld.idx.msk [tilespmem:v0+s10+$0x0], $0xffff  }
0x171: {  	v45 =	vshll.u32 v57, $0x3;
	v17 =	vor.u32 v17, v18;
	v18 =	vadd.s32 v7, v31;
	v25 =	vld.idx.msk [tilespmem:v25+s10+$0x0], $0xffff  }
0x172: {  	v47 =	vand.u32 $0x7F, v57;
	v33 =	vand.u32 $0xFFFFFC00, v45  }
0x173: {  	v1 =	vor.u32 v47, v33  }
0x174: {  	s24 =	simm.s32 $0x17400;
	[tilespmem:$0x1F8C0] =	vst v1  }
0x175: {  	[tilespmem:s24+$0x180] =	vst v0  }
0x176: {  	v29 =	vadd.s32 v7, v24;
	v18 =	vld.idx.msk [tilespmem:v18+s10+$0x0], $0xffff;
	[tilespmem:s24+$0xFFFFFE80] =	vst v25  }
0x177: {  	v2 =	vld [tilespmem:$0x1F8D0];
	_ =	sdelay $0x3  }
0x178: {  	v29 =	vld.idx.msk [tilespmem:v29+s10+$0x0], $0xffff;
	[tilespmem:s24+$0xFFFFFF00] =	vst v18  }
0x179: {  	v28 =	vadd.s32 v7, v10;
	v10 =	vadd.s32 v7, v2;
	v2 =	vld [tilespmem:$0x1F8F0]  }
0x17a: {  	v57 =	vadd.s32 s31, v27;
	v1 =	vadd.s32 s31, v46  }
0x17b: {  	v45 =	vand.u32 $0x7F, v57;
	v36 =	vshll.u32 v57, $0x3;
	v57 =	vshll.u32 v1, $0x3  }
0x17c: {  	v1 =	vand.u32 $0x7F, v1;
	v25 =	vand.u32 $0xFFFFFC00, v57  }
0x17d: {  	v31 =	vadd.s32 v7, v6;
	v25 =	vor.u32 v1, v25;
	v1 =	vld [tilespmem:$0x1F8E0];
	[tilespmem:s24+$0xFFFFFF80] =	vst v29  }
0x17e: {  	v6 =	vadd.s32 v11, v2;
	v2 =	vld [tilespmem:$0x1F900];
	_ =	sdelay $0x3  }
0x17f: {  	v31 =	vld.idx.msk [tilespmem:v31+s10+$0x0], $0xffff  }
0x180: {  	v18 =	vadd.s32 v11, v2;
	v2 =	vld [tilespmem:$0x1F910];
	_ =	sdelay $0x3  }
0x181: {  	[tilespmem:s24+$0x0] =	vst v31  }
0x182: {  	v29 =	vadd.s32 v11, v2;
	v2 =	vld [tilespmem:$0x1F920];
	_ =	sdelay $0x4  }
0x183: {  	v31 =	vadd.s32 v11, v2;
	v2 =	vld [tilespmem:$0x1F930];
	_ =	sdelay $0x3  }
0x184: {  	v28 =	vld.idx.msk [tilespmem:v28+s10+$0x0], $0xffff  }
0x185: {  	v24 =	vadd.s32 v11, v2;
	v2 =	vld [tilespmem:$0x1F940];
	_ =	sdelay $0x1  }
0x186: {  	v33 =	vadd.s32 s31, v40  }
0x187: {  	v47 =	vand.u32 $0x7F, v33;
	v33 =	vshll.u32 v33, $0x3  }
0x188: {  	v33 =	vand.u32 $0xFFFFFC00, v33;
	[tilespmem:s24+$0x80] =	vst v28  }
0x189: {  	v0 =	vor.u32 v47, v33;
	v33 =	vadd.s32 v11, v2;
	v2 =	vld [tilespmem:$0x1F950];
	_ =	sdelay $0x4  }
0x18a: {  	v57 =	vadd.s32 v30, v2;
	v2 =	vld [tilespmem:$0x1F960];
	_ =	sdelay $0x4  }
0x18b: {  	v34 =	vadd.s32 v11, v2;
	v2 =	vld [tilespmem:$0x1F970];
	_ =	sdelay $0x4  }
0x18c: {  	v3 =	vadd.s32 v30, v2;
	v2 =	vld [tilespmem:$0x1F980];
	_ =	sdelay $0x4  }
0x18d: {  	v4 =	vadd.s32 v30, v2;
	v2 =	vld [tilespmem:$0x1F990];
	_ =	sdelay $0x4  }
0x18e: {  	v47 =	vadd.s32 v30, v2;
	v2 =	vld [tilespmem:$0x1F9A0];
	_ =	sdelay $0x4  }
0x18f: {  	v28 =	vadd.s32 v30, v2;
	v2 =	vld [tilespmem:$0x1F9B0];
	_ =	sdelay $0x3  }
0x190: {  	v9 =	vadd.s32 v11, v9  }
0x191: {  	v13 =	vadd.s32 v30, v2;
	v2 =	vld [tilespmem:$0x1F9C0]  }
0x192: {  	v1 =	vadd.s32 v7, v1;
	v7 =	vld [tilespmem:$0x1F9D0];
	_ =	sdelay $0x2  }
0x193: {  	v14 =	vadd.s32 v35, v42;
	v42 =	vld.idx.msk [tilespmem:v9+s10+$0x0], $0xffff  }
0x194: {  	v9 =	vadd.s32 v35, v2;
	v2 =	vld.idx.msk [tilespmem:v18+s10+$0x0], $0xffff  }
0x195: {  	v18 =	vadd.s32 v35, v7;
	v7 =	vld [tilespmem:$0x1F9E0];
	_ =	sdelay $0x2  }
0x196: {  	v36 =	vand.u32 $0xFFFFFC00, v36  }
0x197: {  	v20 =	vor.u32 v45, v36;
	v10 =	vld.idx.msk [tilespmem:v10+s10+$0x0], $0xffff  }
0x198: {  	v36 =	vadd.s32 v30, v5;
	v5 =	vadd.s32 v35, v19;
	v19 =	vadd.s32 v35, v7;
	v7 =	vld [tilespmem:$0x1F9F0];
	_ =	sdelay $0x3  }
0x199: {  	v6 =	vld.idx.msk [tilespmem:v6+s10+$0x0], $0xffff;
	[tilespmem:s24+$0x100] =	vst v10  }
0x19a: {  	v43 =	vadd.s32 v35, v43;
	v49 =	vadd.s32 v35, v49;
	v35 =	vadd.s32 v35, v7;
	v7 =	vld [tilespmem:$0x1FA00]  }
0x19b: {  	v1 =	vld.idx.msk [tilespmem:v1+s10+$0x0], $0xffff;
	_ =	sdelay $0x3  }
0x19c: {  	v10 =	vadd.s32 v37, v7;
	v7 =	vld [tilespmem:$0x1FA10];
	[tilespmem:s24+$0x190] =	vst v6  }
0x19d: {  	[tilespmem:s24+$0xFFFFFE00] =	vst v1  }
0x19e: {  	v1 =	vld [tilespmem:$0x1FA20];
	_ =	sdelay $0x4  }
0x19f: {  	v6 =	vadd.s32 v37, v59;
	v59 =	vadd.s32 v37, v60;
	v60 =	vadd.s32 v37, v1;
	v1 =	vld [tilespmem:$0x1FA30];
	_ =	sdelay $0x3  }
0x1a0: {  	v51 =	vadd.s32 v37, v51;
	v21 =	vadd.s32 v37, v21;
	[tilespmem:s24+$0xFFFFFE90] =	vst v42  }
0x1a1: {  	v56 =	vadd.s32 v37, v56;
	v45 =	vadd.s32 v37, v7;
	v37 =	vadd.s32 v39, v1;
	v1 =	vld [tilespmem:$0x1FA40];
	_ =	sdelay $0x4  }
0x1a2: {  	v7 =	vld [tilespmem:$0x1FA50];
	v1 =	vadd.s32 v39, v1  }
0x1a3: {  	[tilespmem:$0x1FDA0] =	vst v1;
	v1 =	vld [tilespmem:$0x1FFE0];
	_ =	sdelay $0x4  }
0x1a4: {  	v42 =	vadd.s32 v1, v7;
	v1 =	vld [tilespmem:$0x1FA60];
	_ =	sdelay $0x4  }
0x1a5: {  	v1 =	vadd.s32 v39, v1  }
0x1a6: {  	[tilespmem:$0x1FDB0] =	vst v1  }
0x1a7: {  	[tilespmem:s24+$0xFFFFFF10] =	vst v2  }
0x1a8: {  	v1 =	vld [tilespmem:$0x1FA70];
	_ =	sdelay $0x4  }
0x1a9: {  	v1 =	vadd.s32 v39, v1  }
0x1aa: {  	[tilespmem:$0x1FDD0] =	vst v1;
	v1 =	vld [tilespmem:$0x1FA80];
	_ =	sdelay $0x4  }
0x1ab: {  	v1 =	vadd.s32 v39, v1  }
0x1ac: {  	[tilespmem:$0x1FE10] =	vst v1;
	v1 =	vld [tilespmem:$0x1FA90];
	_ =	sdelay $0x1  }
0x1ad: {  	v2 =	vld [tilespmem:$0x1FAA0];
	_ =	sdelay $0x2  }
0x1ae: {  	v1 =	vadd.s32 v39, v1  }
0x1af: {  	v7 =	vld [tilespmem:$0x1FAB0];
	[tilespmem:$0x1FE30] =	vst v1  }
0x1b0: {  	v2 =	vadd.s32 v39, v2;
	v1 =	vld.idx.msk [tilespmem:v29+s10+$0x0], $0xffff  }
0x1b1: {  	[tilespmem:$0x1FE40] =	vst v2;
	v2 =	vld [tilespmem:$0x1FFE0];
	_ =	sdelay $0x2  }
0x1b2: {  	v29 =	vld [tilespmem:$0x1FFE0];
	_ =	sdelay $0x1  }
0x1b3: {  	v2 =	vadd.s32 v2, v7  }
0x1b4: {  	[tilespmem:$0x1FE50] =	vst v2  }
0x1b5: {  	v2 =	vld.idx.msk [tilespmem:v31+s10+$0x0], $0xffff  }
0x1b6: {  	v31 =	vadd.s32 v29, v58;
	v29 =	vld [tilespmem:$0x1FFE0];
	_ =	sdelay $0x4  }
0x1b7: {  	v58 =	vadd.s32 v29, v53;
	v29 =	vld [tilespmem:$0x1FFE0];
	_ =	sdelay $0x4  }
0x1b8: {  	v7 =	vadd.s32 v29, v63;
	v63 =	vld [tilespmem:$0x1FFE0];
	_ =	sdelay $0x4  }
0x1b9: {  	[tilespmem:$0x1FE70] =	vst v7;
	v7 =	vadd.s32 v63, v48  }
0x1ba: {  	v24 =	vld.idx.msk [tilespmem:v24+s10+$0x0], $0xffff;
	[tilespmem:$0x1FE80] =	vst v7;
	v7 =	vadd.s32 v41, v23  }
0x1bb: {  	v23 =	vadd.s32 v41, v8;
	v8 =	vadd.s32 v41, v15;
	v11 =	vld.idx.msk [tilespmem:v57+s10+$0x0], $0xffff;
	[tilespmem:$0x1FEA0] =	vst v7  }
0x1bc: {  	v7 =	vld.idx.msk [tilespmem:v33+s10+$0x0], $0xffff;
	[tilespmem:$0x1FEB0] =	vst v8;
	v8 =	vadd.s32 v41, v16  }
0x1bd: {  	[tilespmem:$0x1FEC0] =	vst v8  }
0x1be: {  	v8 =	vadd.s32 s31, v62;
	[tilespmem:s24+$0xFFFFFF90] =	vst v1  }
0x1bf: {  	[tilespmem:s24+$0x10] =	vst v2;
	v2 =	vld.idx.msk [tilespmem:v3+s10+$0x0], $0xffff;
	v3 =	vand.u32 $0x7F, v8  }
0x1c0: {  	v15 =	vadd.s32 s31, v12;
	v1 =	vld.idx.msk [tilespmem:v34+s10+$0x0], $0xffff;
	[tilespmem:$0x1FAC0] =	vst v3;
	v3 =	vshll.u32 v8, $0x3  }
0x1c1: {  	[tilespmem:$0x1FAD0] =	vst v3;
	v3 =	vand.u32 $0x7F, v15  }
0x1c2: {  	[tilespmem:$0x1FAE0] =	vst v3  }
0x1c3: {  	s2 =	simm.s32 $0x9;
	v3 =	vshll.u32 v15, $0x3;
	[tilespmem:s24+$0x90] =	vst v24  }
0x1c4: {  	v16 =	vadd.s32 s2, v62;
	v8 =	vld.idx.msk [tilespmem:v4+s10+$0x0], $0xffff;
	[tilespmem:$0x1FAF0] =	vst v3  }
0x1c5: {  	v3 =	vand.u32 $0x7F, v16;
	[tilespmem:s24+$0x1A0] =	vst v11  }
0x1c6: {  	v38 =	vadd.s32 v30, v38;
	v11 =	vld.idx.msk [tilespmem:v47+s10+$0x0], $0xffff;
	[tilespmem:$0x1FB00] =	vst v3  }
0x1c7: {  	s4 =	simm.s32 $0xA;
	v57 =	vadd.s32 v41, v50;
	v15 =	vadd.s32 s31, v54;
	v3 =	vshll.u32 v16, $0x3;
	[tilespmem:s24+$0x110] =	vst v7  }
0x1c8: {  	v30 =	vand.u32 $0x7F, v15;
	v50 =	vshll.u32 v15, $0x3;
	v15 =	vadd.s32 s4, v62;
	v7 =	vld.idx.msk [tilespmem:v36+s10+$0x0], $0xffff;
	[tilespmem:$0x1FB10] =	vst v3  }
0x1c9: {  	s28 =	simm.s32 $0xB;
	v3 =	vand.u32 $0x7F, v15;
	[tilespmem:s24+$0xFFFFFE10] =	vst v1  }
0x1ca: {  	v16 =	vadd.s32 s28, v62;
	v1 =	vld.idx.msk [tilespmem:v5+s10+$0x0], $0xffff;
	[tilespmem:$0x1FB20] =	vst v3;
	v3 =	vshll.u32 v15, $0x3  }
0x1cb: {  	[tilespmem:$0x1FB30] =	vst v3;
	v3 =	vand.u32 $0x7F, v16  }
0x1cc: {  	[tilespmem:$0x1FB40] =	vst v3  }
0x1cd: {  	v3 =	vshll.u32 v16, $0x3;
	[tilespmem:s24+$0xFFFFFEA0] =	vst v2  }
0x1ce: {  	v15 =	vadd.s32 s2, v12;
	v2 =	vld.idx.msk [tilespmem:v28+s10+$0x0], $0xffff;
	[tilespmem:$0x1FB50] =	vst v3  }
0x1cf: {  	v16 =	vadd.s32 s4, v12;
	v3 =	vand.u32 $0x7F, v15;
	[tilespmem:s24+$0xFFFFFF20] =	vst v8  }
0x1d0: {  	v8 =	vld.idx.msk [tilespmem:v38+s10+$0x0], $0xffff;
	[tilespmem:$0x1FB60] =	vst v3;
	v3 =	vand.u32 $0x7F, v16  }
0x1d1: {  	[tilespmem:$0x1FB70] =	vst v3  }
0x1d2: {  	v3 =	vshll.u32 v16, $0x3;
	[tilespmem:s24+$0xFFFFFFA0] =	vst v11  }
0x1d3: {  	v28 =	vshll.u32 v15, $0x3;
	v15 =	vadd.s32 s28, v12;
	v11 =	vld.idx.msk [tilespmem:v13+s10+$0x0], $0xffff;
	[tilespmem:$0x1FB80] =	vst v3  }
0x1d4: {  	s7 =	simm.s32 $0xC;
	v3 =	vand.u32 $0x7F, v15;
	[tilespmem:s24+$0x20] =	vst v7  }
0x1d5: {  	v16 =	vadd.s32 s7, v12;
	v7 =	vld.idx.msk [tilespmem:v43+s10+$0x0], $0xffff;
	[tilespmem:$0x1FB90] =	vst v3;
	v3 =	vshll.u32 v15, $0x3  }
0x1d6: {  	[tilespmem:$0x1FBA0] =	vst v3;
	v3 =	vand.u32 $0x7F, v16  }
0x1d7: {  	[tilespmem:$0x1FBB0] =	vst v3  }
0x1d8: {  	v3 =	vshll.u32 v16, $0x3;
	[tilespmem:s24+$0x1B0] =	vst v1  }
0x1d9: {  	s29 =	simm.s32 $0xD;
	v1 =	vld.idx.msk [tilespmem:v14+s10+$0x0], $0xffff;
	[tilespmem:$0x1FBC0] =	vst v3  }
0x1da: {  	v15 =	vadd.s32 s29, v12;
	[tilespmem:$0x1FBD0] =	vst v12  }
0x1db: {  	s30 =	simm.s32 $0xE;
	v3 =	vand.u32 $0x7F, v15;
	[tilespmem:s24+$0xA0] =	vst v2  }
0x1dc: {  	v16 =	vadd.s32 s30, v12;
	v2 =	vld.idx.msk [tilespmem:v49+s10+$0x0], $0xffff;
	[tilespmem:$0x1FBE0] =	vst v3;
	v3 =	vshll.u32 v15, $0x3  }
0x1dd: {  	[tilespmem:$0x1FBF0] =	vst v3;
	v3 =	vand.u32 $0x7F, v16  }
0x1de: {  	[tilespmem:$0x1FC00] =	vst v3  }
0x1df: {  	v3 =	vshll.u32 v16, $0x3;
	[tilespmem:s24+$0x120] =	vst v8  }
0x1e0: {  	v15 =	vadd.s32 s2, v22;
	v8 =	vld.idx.msk [tilespmem:v51+s10+$0x0], $0xffff;
	[tilespmem:$0x1FC10] =	vst v3  }
0x1e1: {  	v3 =	vand.u32 $0x7F, v15;
	[tilespmem:s24+$0xFFFFFE20] =	vst v11  }
0x1e2: {  	v16 =	vadd.s32 s4, v22;
	v11 =	vld.idx.msk [tilespmem:v9+s10+$0x0], $0xffff;
	[tilespmem:$0x1FC20] =	vst v3;
	v3 =	vshll.u32 v15, $0x3  }
0x1e3: {  	[tilespmem:$0x1FEE0] =	vst v3;
	v3 =	vand.u32 $0x7F, v16  }
0x1e4: {  	[tilespmem:$0x1FC30] =	vst v3  }
0x1e5: {  	v4 =	vshll.u32 v16, $0x3;
	[tilespmem:s24+$0xFFFFFEB0] =	vst v7  }
0x1e6: {  	v3 =	vld.idx.msk [tilespmem:v18+s10+$0x0], $0xffff;
	v7 =	vadd.s32 s28, v22;
	[tilespmem:$0x1FC40] =	vst v4  }
0x1e7: {  	[tilespmem:s24+$0xFFFFFF30] =	vst v1;
	v1 =	vand.u32 $0x7F, v7  }
0x1e8: {  	v13 =	vadd.s32 s7, v22;
	v15 =	vld.idx.msk [tilespmem:v19+s10+$0x0], $0xffff;
	[tilespmem:$0x1FC50] =	vst v1;
	v1 =	vshll.u32 v7, $0x3  }
0x1e9: {  	[tilespmem:$0x1FC60] =	vst v1;
	v1 =	vand.u32 $0x7F, v13  }
0x1ea: {  	[tilespmem:$0x1FC70] =	vst v1  }
0x1eb: {  	v1 =	vshll.u32 v13, $0x3;
	[tilespmem:s24+$0xFFFFFFB0] =	vst v2  }
0x1ec: {  	v2 =	vld.idx.msk [tilespmem:v35+s10+$0x0], $0xffff;
	[tilespmem:$0x1FC80] =	vst v1  }
0x1ed: {  	v4 =	vadd.s32 s29, v22;
	[tilespmem:$0x1FC90] =	vst v22  }
0x1ee: {  	v1 =	vand.u32 $0x7F, v4;
	[tilespmem:s24+$0x1C0] =	vst v8  }
0x1ef: {  	v5 =	vadd.s32 s30, v22;
	v7 =	vld.idx.msk [tilespmem:v21+s10+$0x0], $0xffff;
	[tilespmem:$0x1FCA0] =	vst v1;
	v1 =	vshll.u32 v4, $0x3  }
0x1f0: {  	v55 =	vadd.s32 v39, v55;
	[tilespmem:$0x1FCB0] =	vst v1;
	v1 =	vand.u32 $0x7F, v5  }
0x1f1: {  	[tilespmem:$0x1FCC0] =	vst v1  }
0x1f2: {  	v1 =	vshll.u32 v5, $0x3;
	[tilespmem:s24+$0x30] =	vst v11  }
0x1f3: {  	v5 =	vadd.s32 s2, v27;
	v4 =	vld.idx.msk [tilespmem:v10+s10+$0x0], $0xffff;
	[tilespmem:$0x1FCD0] =	vst v1  }
0x1f4: {  	v8 =	vadd.s32 s4, v27;
	v1 =	vand.u32 $0x7F, v5;
	[tilespmem:s24+$0xB0] =	vst v3  }
0x1f5: {  	v3 =	vld.idx.msk [tilespmem:v55+s10+$0x0], $0xffff;
	[tilespmem:$0x1FCE0] =	vst v1;
	v1 =	vand.u32 $0x7F, v8  }
0x1f6: {  	[tilespmem:$0x1FCF0] =	vst v1  }
0x1f7: {  	v1 =	vshll.u32 v8, $0x3;
	[tilespmem:s24+$0x130] =	vst v15  }
0x1f8: {  	v13 =	vadd.s32 s28, v27;
	v33 =	vshll.u32 v5, $0x3;
	v5 =	vld.idx.msk [tilespmem:v45+s10+$0x0], $0xffff;
	[tilespmem:$0x1FD00] =	vst v1  }
0x1f9: {  	v1 =	vand.u32 $0x7F, v13;
	[tilespmem:s24+$0xFFFFFE30] =	vst v2  }
0x1fa: {  	v8 =	vadd.s32 s7, v27;
	v11 =	vld.idx.msk [tilespmem:v6+s10+$0x0], $0xffff;
	[tilespmem:$0x1FD10] =	vst v1;
	v1 =	vshll.u32 v13, $0x3  }
0x1fb: {  	[tilespmem:$0x1FD20] =	vst v1;
	v1 =	vand.u32 $0x7F, v8  }
0x1fc: {  	[tilespmem:$0x1FD30] =	vst v1  }
0x1fd: {  	v1 =	vshll.u32 v8, $0x3;
	[tilespmem:s24+$0xFFFFFEC0] =	vst v7  }
0x1fe: {  	v13 =	vld.idx.msk [tilespmem:v59+s10+$0x0], $0xffff;
	[tilespmem:$0x1FD40] =	vst v1  }
0x1ff: {  	v15 =	vadd.s32 s29, v27;
	[tilespmem:$0x1FD50] =	vst v27  }
0x200: {  	v1 =	vand.u32 $0x7F, v15;
	[tilespmem:s24+$0xFFFFFF40] =	vst v4  }
0x201: {  	v7 =	vadd.s32 s30, v27;
	v8 =	vld.idx.msk [tilespmem:v56+s10+$0x0], $0xffff;
	[tilespmem:$0x1FD60] =	vst v1;
	v1 =	vshll.u32 v15, $0x3  }
0x202: {  	[tilespmem:$0x1FD70] =	vst v1;
	v1 =	vand.u32 $0x7F, v7  }
0x203: {  	[tilespmem:$0x1FD80] =	vst v1  }
0x204: {  	v1 =	vshll.u32 v7, $0x3;
	[tilespmem:s24+$0x1D0] =	vst v3  }
0x205: {  	v3 =	vld.idx.msk [tilespmem:v60+s10+$0x0], $0xffff;
	[tilespmem:$0x1FD90] =	vst v1  }
0x206: {  	[tilespmem:s24+$0xFFFFFFC0] =	vst v5  }
0x207: {  	[tilespmem:s24+$0x40] =	vst v11  }
0x208: {  	[tilespmem:s24+$0xC0] =	vst v13  }
0x209: {  	v1 =	vld [tilespmem:$0x1FDA0];
	_ =	sdelay $0x7  }
0x20a: {  	[tilespmem:s24+$0x140] =	vst v8;
	v13 =	vld.idx.msk [tilespmem:v1+s10+$0x0], $0xffff  }
0x20b: {  	v1 =	vld [tilespmem:$0x1FDB0];
	_ =	sdelay $0x5  }
0x20c: {  	v15 =	vld.idx.msk [tilespmem:v37+s10+$0x0], $0xffff  }
0x20d: {  	v48 =	vadd.s32 v63, v52;
	v11 =	vld.idx.msk [tilespmem:v42+s10+$0x0], $0xffff  }
0x20e: {  	v52 =	vadd.s32 v41, v26;
	v26 =	vadd.s32 v41, v17;
	v17 =	vld.idx.msk [tilespmem:v1+s10+$0x0], $0xffff;
	[tilespmem:$0x1FDC0] =	vst v32  }
0x20f: {  	[tilespmem:s24+$0xFFFFFE40] =	vst v3  }
0x210: {  	v1 =	vld [tilespmem:$0x1FDD0];
	_ =	sdelay $0x2  }
0x211: {  	v9 =	vadd.s32 s4, v32  }
0x212: {  	v29 =	vshll.u32 v9, $0x3;
	v16 =	vadd.s32 s7, v32;
	v4 =	vadd.s32 s2, v32  }
0x213: {  	v19 =	vshll.u32 v4, $0x3;
	v7 =	vand.u32 $0x7F, v4;
	v4 =	vadd.s32 s28, v32  }
0x214: {  	v6 =	vand.u32 $0x7F, v9;
	v9 =	vshll.u32 v4, $0x3;
	v5 =	vand.u32 $0x7F, v4  }
0x215: {  	v4 =	vand.u32 $0x7F, v16;
	v8 =	vshll.u32 v16, $0x3;
	v16 =	vadd.s32 s29, v32  }
0x216: {  	v60 =	vld.idx.msk [tilespmem:v1+s10+$0x0], $0xffff;
	v1 =	vand.u32 $0x7F, v16  }
0x217: {  	v18 =	vadd.s32 s30, v32;
	[tilespmem:$0x1FDE0] =	vst v1;
	v1 =	vshll.u32 v16, $0x3  }
0x218: {  	[tilespmem:$0x1FDF0] =	vst v1;
	v1 =	vand.u32 $0x7F, v18  }
0x219: {  	[tilespmem:$0x1FE00] =	vst v1  }
0x21a: {  	[tilespmem:s24+$0xFFFFFED0] =	vst v15  }
0x21b: {  	v1 =	vld [tilespmem:$0x1FE10];
	_ =	sdelay $0x7  }
0x21c: {  	v15 =	vld.idx.msk [tilespmem:v1+s10+$0x0], $0xffff;
	v1 =	vshll.u32 v18, $0x3  }
0x21d: {  	[tilespmem:$0x1FE20] =	vst v1  }
0x21e: {  	[tilespmem:s24+$0x1E0] =	vst v11  }
0x21f: {  	v1 =	vld [tilespmem:$0x1FE30];
	[tilespmem:s24+$0xFFFFFF50] =	vst v13  }
0x220: {  	v2 =	vld [tilespmem:$0x1FE40];
	_ =	sdelay $0x6  }
0x221: {  	[tilespmem:s24+$0xFFFFFFD0] =	vst v17  }
0x222: {  	[tilespmem:s24+$0x50] =	vst v60;
	v11 =	vld.idx.msk [tilespmem:v2+s10+$0x0], $0xffff  }
0x223: {  	v2 =	vld [tilespmem:$0x1FE50];
	_ =	sdelay $0x1  }
0x224: {  	v61 =	vadd.s32 v41, v61;
	_ =	sdelay $0x2  }
0x225: {  	v10 =	vld.idx.msk [tilespmem:v1+s10+$0x0], $0xffff;
	_ =	sdelay $0x1  }
0x226: {  	v13 =	vadd.s32 s28, v40;
	v17 =	vld.idx.msk [tilespmem:v61+s10+$0x0], $0xffff  }
0x227: {  	v53 =	vadd.s32 v63, v44;
	v36 =	vand.u32 $0x7F, v13;
	v44 =	vshll.u32 v13, $0x3;
	v13 =	vld.idx.msk [tilespmem:v2+s10+$0x0], $0xffff;
	[tilespmem:$0x1FE60] =	vst v40  }
0x228: {  	[tilespmem:s24+$0xD0] =	vst v15  }
0x229: {  	[tilespmem:s24+$0x150] =	vst v10  }
0x22a: {  	[tilespmem:s24+$0xFFFFFE50] =	vst v11  }
0x22b: {  	v2 =	vld [tilespmem:$0x1FE70];
	_ =	sdelay $0x7  }
0x22c: {  	[tilespmem:s24+$0x1F0] =	vst v17;
	v47 =	vld.idx.msk [tilespmem:v2+s10+$0x0], $0xffff  }
0x22d: {  	v2 =	vld [tilespmem:$0x1FE80];
	_ =	sdelay $0x3  }
0x22e: {  	v15 =	vld.idx.msk [tilespmem:v31+s10+$0x0], $0xffff  }
0x22f: {  	v10 =	vld.idx.msk [tilespmem:v58+s10+$0x0], $0xffff;
	_ =	sdelay $0x2  }
0x230: {  	[tilespmem:s24+$0xFFFFFEE0] =	vst v13;
	v17 =	vld.idx.msk [tilespmem:v2+s10+$0x0], $0xffff  }
0x231: {  	v60 =	vld.idx.msk [tilespmem:v48+s10+$0x0], $0xffff;
	[tilespmem:s24+$0xFFFFFF60] =	vst v15  }
0x232: {  	v61 =	vld.idx.msk [tilespmem:v53+s10+$0x0], $0xffff;
	[tilespmem:s24+$0xFFFFFFE0] =	vst v10  }
0x233: {  	v10 =	vld.idx.msk [tilespmem:v57+s10+$0x0], $0xffff;
	[tilespmem:$0x1FE90] =	vst v46  }
0x234: {  	[tilespmem:s24+$0x60] =	vst v47  }
0x235: {  	[tilespmem:s24+$0xE0] =	vst v17  }
0x236: {  	v2 =	vld [tilespmem:$0x1FEA0];
	_ =	sdelay $0x6  }
0x237: {  	v16 =	vadd.s32 s2, v40;
	[tilespmem:s24+$0x160] =	vst v60  }
0x238: {  	v39 =	vand.u32 $0x7F, v16;
	v18 =	vadd.s32 s4, v40;
	[tilespmem:s24+$0xFFFFFE60] =	vst v61;
	v58 =	vld.idx.msk [tilespmem:v2+s10+$0x0], $0xffff  }
0x239: {  	v37 =	vand.u32 $0x7F, v18;
	v45 =	vshll.u32 v18, $0x3;
	v18 =	vadd.s32 s30, v40;
	v2 =	vld [tilespmem:$0x1FEB0]  }
0x23a: {  	v32 =	vshll.u32 v18, $0x3;
	v1 =	vshll.u32 v16, $0x3;
	v16 =	vadd.s32 s7, v40  }
0x23b: {  	v35 =	vand.u32 $0x7F, v16;
	v42 =	vshll.u32 v16, $0x3;
	v16 =	vadd.s32 s29, v40  }
0x23c: {  	v34 =	vand.u32 $0x7F, v16;
	v38 =	vshll.u32 v16, $0x3;
	v16 =	vadd.s32 s2, v46  }
0x23d: {  	v51 =	vand.u32 $0x7F, v16;
	v56 =	vshll.u32 v16, $0x3;
	v16 =	vadd.s32 s28, v46  }
0x23e: {  	v31 =	vand.u32 $0x7F, v18;
	v18 =	vadd.s32 s4, v46;
	v11 =	vand.u32 $0x7F, v16  }
0x23f: {  	v49 =	vand.u32 $0x7F, v18;
	v55 =	vshll.u32 v18, $0x3;
	v18 =	vadd.s32 s7, v46  }
0x240: {  	v13 =	vshll.u32 v16, $0x3;
	v16 =	vand.u32 $0xFFFFFC00, v50;
	v15 =	vadd.s32 s29, v46  }
0x241: {  	v50 =	vand.u32 $0x7F, v15;
	v53 =	vshll.u32 v15, $0x3;
	v15 =	vadd.s32 s30, v46;
	[tilespmem:s24+$0xFFFFFEF0] =	vst v10;
	v46 =	vld.idx.msk [tilespmem:v2+s10+$0x0], $0xffff  }
0x242: {  	v2 =	vld [tilespmem:$0x1FEC0];
	_ =	sdelay $0x2  }
0x243: {  	v57 =	vld.idx.msk [tilespmem:v52+s10+$0x0], $0xffff;
	_ =	sdelay $0x2  }
0x244: {  	v24 =	vld.idx.msk [tilespmem:v23+s10+$0x0], $0xffff;
	_ =	sdelay $0x1  }
0x245: {  	[tilespmem:s24+$0xFFFFFF70] =	vst v57;
	v3 =	vld.idx.msk [tilespmem:v2+s10+$0x0], $0xffff  }
0x246: {  	v14 =	vadd.s32 s28, v54;
	v21 =	vand.u32 $0xFFFFFC00, v33;
	v22 =	vld.idx.msk [tilespmem:v26+s10+$0x0], $0xffff;
	[tilespmem:$0x1FED0] =	vst v54  }
0x247: {  	v59 =	vand.u32 $0x7F, v14;
	v56 =	vand.u32 $0xFFFFFC00, v56;
	v48 =	vand.u32 $0x7F, v18;
	[tilespmem:s24+$0xFFFFFFF0] =	vst v58  }
0x248: {  	v12 =	vshll.u32 v18, $0x3;
	v18 =	vadd.s32 s4, v54;
	v55 =	vand.u32 $0xFFFFFC00, v55;
	v2 =	vld [tilespmem:$0x1FEE0];
	[tilespmem:s24+$0x70] =	vst v24  }
0x249: {  	v47 =	vand.u32 $0x7F, v15;
	v60 =	vshll.u32 v14, $0x3;
	v14 =	vadd.s32 s7, v54;
	[tilespmem:s24+$0xF0] =	vst v46  }
0x24a: {  	v52 =	vshll.u32 v15, $0x3;
	v41 =	vand.u32 $0x7F, v14;
	v10 =	vadd.s32 s29, v54;
	[tilespmem:s24+$0x170] =	vst v3  }
0x24b: {  	v43 =	vand.u32 $0x7F, v10;
	v57 =	vshll.u32 v10, $0x3;
	v10 =	vadd.s32 s30, v54;
	[tilespmem:$0x1FEF0] =	vst v62  }
0x24c: {  	v61 =	vshll.u32 v14, $0x3;
	v14 =	vand.u32 $0x7F, v10;
	v3 =	vadd.s32 s7, v62;
	[tilespmem:s24+$0xFFFFFE70] =	vst v22  }
0x24d: {  	v58 =	vshll.u32 v10, $0x3;
	v10 =	vand.u32 $0xFFFFFC00, v2;
	v2 =	vadd.s32 s29, v62;
	[tilespmem:$0x1FF00] =	vst v3  }
0x24e: {  	v15 =	vadd.s32 s2, v54;
	v54 =	vand.u32 $0xFFFFFC00, v1;
	v1 =	vadd.s32 s30, v62;
	[tilespmem:$0x1FF20] =	vst v2  }
0x24f: {  	v40 =	vand.u32 $0x7F, v15;
	v17 =	vshll.u32 v15, $0x3;
	v3 =	vand.u32 $0x7F, v3;
	[tilespmem:$0x1FF40] =	vst v1  }
0x250: {  	v15 =	vand.u32 $0x7F, v18;
	v18 =	vshll.u32 v18, $0x3;
	v2 =	vand.u32 $0x7F, v2;
	[tilespmem:$0x1FF10] =	vst v3  }
0x251: {  	s28 =	sshll.u32 s22, $0x1;
	s30 =	simm.s32 $0xF;
	v33 =	vand.u32 $0x7F, v1;
	v24 =	vand.u32 $0xFFFFFC00, v28;
	v46 =	vand.u32 $0xFFFFFC00, v19;
	s29 =	simm.s32 $0x10;
	[tilespmem:$0x1FF30] =	vst v2  }
.LBB2_3:
0x252: {  	v22 =	vmov v33;
	v33 =	vld [tilespmem:$0x1FED0];
	_ =	sdelay $0x2  }
0x253: {  	v16 =	vor.u32 v30, v16;
	v17 =	vand.u32 $0xFFFFFC00, v17;
	v1 =	vld [tilespmem:$0x1FF80]  }
0x254: {  	v18 =	vand.u32 $0xFFFFFC00, v18;
	v60 =	vand.u32 $0xFFFFFC00, v60;
	v61 =	vand.u32 $0xFFFFFC00, v61  }
0x255: {  	v17 =	vor.u32 v40, v17;
	v15 =	vor.u32 v15, v18;
	v30 =	vadd.s32 s30, v33  }
0x256: {  	v18 =	vand.u32 $0xFFFFFC00, v58;
	v60 =	vor.u32 v59, v60;
	v62 =	vshll.u32 v30, $0x3  }
0x257: {  	v41 =	vor.u32 v41, v61;
	v58 =	vld [tilespmem:$0x1FE90];
	v30 =	vand.u32 $0x7F, v30;
	v62 =	vand.u32 $0xFFFFFC00, v62  }
0x258: {  	v14 =	vor.u32 v14, v18;
	v16 =	vadd.s32 v1, v16;
	v30 =	vor.u32 v30, v62  }
0x259: {  	v17 =	vadd.s32 v1, v17;
	v62 =	vand.u32 $0xFFFFFC00, v57;
	v30 =	vadd.s32 v1, v30  }
0x25a: {  	v15 =	vadd.s32 v1, v15;
	v41 =	vadd.s32 v1, v41;
	v40 =	vor.u32 v43, v62  }
0x25b: {  	v14 =	vadd.s32 v1, v14;
	v57 =	vadd.s32 v1, v60;
	v40 =	vadd.s32 v1, v40;
	v1 =	vld [tilespmem:$0x1FF90]  }
0x25c: {  	v59 =	vand.u32 $0xFFFFFC00, v53;
	v62 =	vadd.s32 s30, v58  }
0x25d: {  	v61 =	vor.u32 v50, v59;
	v50 =	vld [tilespmem:$0x1FE60];
	v18 =	vshll.u32 v62, $0x3  }
0x25e: {  	v43 =	vand.u32 $0x7F, v62;
	v18 =	vand.u32 $0xFFFFFC00, v18;
	v30 =	vld.idx.msk [tilespmem:v30+s10+$0x0], $0xffff  }
0x25f: {  	v18 =	vor.u32 v43, v18  }
0x260: {  	v13 =	vand.u32 $0xFFFFFC00, v13;
	v2 =	vld [tilespmem:$0x1FFA0];
	v18 =	vadd.s32 v1, v18  }
0x261: {  	v11 =	vor.u32 v11, v13;
	v60 =	vld.idx.msk [tilespmem:v57+s10+$0x0], $0xffff  }
0x262: {  	s24 =	sadd.s32 $0x400, s24;
	v17 =	vld.idx.msk [tilespmem:v17+s10+$0x0], $0xffff;
	v62 =	vadd.s32 s30, v50;
	v11 =	vadd.s32 v1, v11  }
0x263: {  	v15 =	vld.idx.msk [tilespmem:v15+s10+$0x0], $0xffff;
	[tilespmem:s24+$0x180] =	vst v30;
	v30 =	vshll.u32 v62, $0x3  }
0x264: {  	v49 =	vor.u32 v49, v55;
	v13 =	vld.idx.msk [tilespmem:v41+s10+$0x0], $0xffff;
	v55 =	vand.u32 $0x7F, v62;
	v30 =	vand.u32 $0xFFFFFC00, v30  }
0x265: {  	v12 =	vand.u32 $0xFFFFFC00, v12;
	v39 =	vor.u32 v39, v54;
	v18 =	vld.idx.msk [tilespmem:v18+s10+$0x0], $0xffff;
	v30 =	vor.u32 v55, v30  }
0x266: {  	v44 =	vand.u32 $0xFFFFFC00, v44;
	v38 =	vand.u32 $0xFFFFFC00, v38;
	v16 =	vld.idx.msk [tilespmem:v16+s10+$0x0], $0xffff;
	[tilespmem:s24+$0xFFFFFF80] =	vst v60;
	v30 =	vadd.s32 v2, v30  }
0x267: {  	v32 =	vand.u32 $0xFFFFFC00, v32;
	v12 =	vor.u32 v48, v12;
	v36 =	vor.u32 v36, v44;
	[tilespmem:s24+$0xFFFFFE80] =	vst v17;
	v11 =	vld.idx.msk [tilespmem:v11+s10+$0x0], $0xffff  }
0x268: {  	v34 =	vor.u32 v34, v38;
	v31 =	vor.u32 v31, v32;
	v59 =	vadd.s32 v2, v39;
	[tilespmem:s24+$0xFFFFFF00] =	vst v15  }
0x269: {  	v0 =	vadd.s32 v2, v0;
	v17 =	vadd.s32 v1, v61;
	v15 =	vand.u32 $0xFFFFFC00, v45;
	[tilespmem:s24+$0x0] =	vst v13  }
0x26a: {  	v13 =	vand.u32 $0xFFFFFC00, v42;
	v61 =	vadd.s32 v2, v36;
	v15 =	vor.u32 v37, v15;
	[tilespmem:s24+$0x190] =	vst v18  }
0x26b: {  	[tilespmem:s24+$0xFFFFFE00] =	vst v16;
	v13 =	vor.u32 v35, v13;
	v15 =	vadd.s32 v2, v15;
	v16 =	vld.idx.msk [tilespmem:v30+s10+$0x0], $0xffff  }
0x26c: {  	v13 =	vadd.s32 v2, v13;
	[tilespmem:s24+$0xFFFFFF90] =	vst v11;
	v11 =	vadd.s32 v2, v31;
	v30 =	vadd.s32 v2, v34;
	v2 =	vld [tilespmem:$0x1FDF0]  }
0x26d: {  	v12 =	vadd.s32 v1, v12;
	_ =	sdelay $0x1  }
0x26e: {  	v49 =	vadd.s32 v1, v49;
	_ =	sdelay $0x1  }
0x26f: {  	v3 =	vand.u32 $0xFFFFFC00, v2;
	v2 =	vld [tilespmem:$0x1FDE0]  }
0x270: {  	v12 =	vld.idx.msk [tilespmem:v12+s10+$0x0], $0xffff  }
0x271: {  	v31 =	vld [tilespmem:$0x1FD50]  }
0x272: {  	v57 =	vld.idx.msk [tilespmem:v49+s10+$0x0], $0xffff;
	_ =	sdelay $0x1  }
0x273: {  	v3 =	vor.u32 v2, v3;
	v2 =	vld [tilespmem:$0x1FE20];
	_ =	sdelay $0x1  }
0x274: {  	v9 =	vand.u32 $0xFFFFFC00, v9;
	[tilespmem:s24+$0x10] =	vst v12;
	v12 =	vadd.s32 s30, v31  }
0x275: {  	v5 =	vor.u32 v5, v9;
	[tilespmem:s24+$0xFFFFFF10] =	vst v57;
	v9 =	vld.idx.msk [tilespmem:v13+s10+$0x0], $0xffff;
	v13 =	vshll.u32 v12, $0x3  }
0x276: {  	v15 =	vld.idx.msk [tilespmem:v15+s10+$0x0], $0xffff;
	v12 =	vand.u32 $0x7F, v12;
	v13 =	vand.u32 $0xFFFFFC00, v13  }
0x277: {  	v12 =	vor.u32 v12, v13;
	v13 =	vand.u32 $0xFFFFFC00, v2;
	v2 =	vld [tilespmem:$0x1FD00];
	_ =	sdelay $0x4  }
0x278: {  	[tilespmem:s24+$0xFFFFFF20] =	vst v15;
	v15 =	vand.u32 $0xFFFFFC00, v2;
	v2 =	vld [tilespmem:$0x1FE00];
	_ =	sdelay $0x1  }
0x279: {  	v56 =	vor.u32 v51, v56  }
0x27a: {  	v43 =	vadd.s32 v1, v56;
	v40 =	vld.idx.msk [tilespmem:v40+s10+$0x0], $0xffff  }
0x27b: {  	v14 =	vld.idx.msk [tilespmem:v14+s10+$0x0], $0xffff  }
0x27c: {  	v13 =	vor.u32 v2, v13;
	v2 =	vld [tilespmem:$0x1FCE0]  }
0x27d: {  	v60 =	vld [tilespmem:$0x1FDC0];
	_ =	sdelay $0x1  }
0x27e: {  	v43 =	vld.idx.msk [tilespmem:v43+s10+$0x0], $0xffff;
	[tilespmem:s24+$0x80] =	vst v40  }
0x27f: {  	v17 =	vld.idx.msk [tilespmem:v17+s10+$0x0], $0xffff  }
0x280: {  	v52 =	vand.u32 $0xFFFFFC00, v52;
	[tilespmem:s24+$0x1A0] =	vst v16;
	v16 =	vor.u32 v2, v21;
	v2 =	vld [tilespmem:$0x1FD20]  }
0x281: {  	v47 =	vor.u32 v47, v52;
	[tilespmem:s24+$0x100] =	vst v14;
	v14 =	vadd.s32 s30, v60  }
0x282: {  	v56 =	vadd.s32 v1, v47;
	v18 =	vshll.u32 v14, $0x3  }
0x283: {  	v25 =	vadd.s32 v1, v25;
	v1 =	vld [tilespmem:$0x1FFB0];
	v14 =	vand.u32 $0x7F, v14;
	[tilespmem:s24+$0xFFFFFE90] =	vst v43;
	v18 =	vand.u32 $0xFFFFFC00, v18  }
0x284: {  	v14 =	vor.u32 v14, v18;
	v18 =	vld.idx.msk [tilespmem:v59+s10+$0x0], $0xffff  }
0x285: {  	[tilespmem:s24+$0x90] =	vst v17;
	v17 =	vand.u32 $0xFFFFFC00, v2;
	v2 =	vld [tilespmem:$0x1F8C0]  }
0x286: {  	v29 =	vand.u32 $0xFFFFFC00, v29  }
0x287: {  	v7 =	vor.u32 v7, v46;
	v8 =	vand.u32 $0xFFFFFC00, v8;
	v6 =	vor.u32 v6, v29  }
0x288: {  	v4 =	vor.u32 v4, v8;
	v7 =	vadd.s32 v1, v7;
	v6 =	vadd.s32 v1, v6  }
0x289: {  	v25 =	vld.idx.msk [tilespmem:v25+s10+$0x0], $0xffff;
	v5 =	vadd.s32 v1, v5;
	v4 =	vadd.s32 v1, v4;
	v14 =	vadd.s32 v1, v14  }
0x28a: {  	[tilespmem:s24+$0xFFFFFEA0] =	vst v18;
	v3 =	vadd.s32 v1, v3;
	v13 =	vadd.s32 v1, v13;
	v18 =	vadd.s32 v1, v2;
	v1 =	vld [tilespmem:$0x1FCF0];
	_ =	sdelay $0x2  }
0x28b: {  	v62 =	vld.idx.msk [tilespmem:v56+s10+$0x0], $0xffff  }
0x28c: {  	v19 =	vld [tilespmem:$0x1FFC0]  }
0x28d: {  	[tilespmem:s24+$0xFFFFFE10] =	vst v25;
	v15 =	vor.u32 v1, v15;
	v1 =	vld [tilespmem:$0x1FD10]  }
0x28e: {  	v0 =	vld.idx.msk [tilespmem:v0+s10+$0x0], $0xffff  }
0x28f: {  	v26 =	vld [tilespmem:$0x1FC90]  }
0x290: {  	[tilespmem:s24+$0x110] =	vst v62;
	v29 =	vld.idx.msk [tilespmem:v61+s10+$0x0], $0xffff  }
0x291: {  	v11 =	vld.idx.msk [tilespmem:v11+s10+$0x0], $0xffff  }
0x292: {  	v17 =	vor.u32 v1, v17;
	v1 =	vld [tilespmem:$0x1FD40]  }
0x293: {  	[tilespmem:s24+$0xFFFFFE20] =	vst v0;
	v0 =	vld [tilespmem:$0x1FD30]  }
0x294: {  	v7 =	vld.idx.msk [tilespmem:v7+s10+$0x0], $0xffff  }
0x295: {  	v14 =	vld.idx.msk [tilespmem:v14+s10+$0x0], $0xffff  }
0x296: {  	v8 =	vld.idx.msk [tilespmem:v30+s10+$0x0], $0xffff;
	v12 =	vadd.s32 v19, v12  }
0x297: {  	[tilespmem:s24+$0xFFFFFFA0] =	vst v29;
	v6 =	vld.idx.msk [tilespmem:v6+s10+$0x0], $0xffff;
	v1 =	vand.u32 $0xFFFFFC00, v1  }
0x298: {  	[tilespmem:s24+$0x20] =	vst v9;
	v0 =	vor.u32 v0, v1;
	v1 =	vld [tilespmem:$0x1FD70]  }
0x299: {  	[tilespmem:s24+$0xFFFFFEB0] =	vst v7;
	v7 =	vld [tilespmem:$0x1FD60]  }
0x29a: {  	v9 =	vadd.s32 s30, v26;
	v5 =	vld.idx.msk [tilespmem:v5+s10+$0x0], $0xffff;
	[tilespmem:s24+$0x1B0] =	vst v14  }
0x29b: {  	[tilespmem:s24+$0xA0] =	vst v8;
	v14 =	vshll.u32 v9, $0x3;
	v8 =	vld.idx.msk [tilespmem:v12+s10+$0x0], $0xffff  }
0x29c: {  	[tilespmem:s24+$0x120] =	vst v11;
	v12 =	vand.u32 $0xFFFFFC00, v14;
	v14 =	vadd.s32 v19, v17;
	v17 =	vld [tilespmem:$0x1FFD0]  }
0x29d: {  	v2 =	vld.idx.msk [tilespmem:v13+s10+$0x0], $0xffff;
	v1 =	vand.u32 $0xFFFFFC00, v1  }
0x29e: {  	v1 =	vor.u32 v7, v1;
	v7 =	vld [tilespmem:$0x1FD90]  }
0x29f: {  	v9 =	vand.u32 $0x7F, v9;
	v16 =	vadd.s32 v19, v16;
	v13 =	vld [tilespmem:$0x1FD80]  }
0x2a0: {  	v9 =	vor.u32 v9, v12;
	v21 =	vld [tilespmem:$0x1FBD0]  }
0x2a1: {  	v4 =	vld.idx.msk [tilespmem:v4+s10+$0x0], $0xffff;
	v9 =	vadd.s32 v17, v9  }
0x2a2: {  	[tilespmem:s24+$0xFFFFFF30] =	vst v6;
	v6 =	vld [tilespmem:$0x1FC40]  }
0x2a3: {  	v3 =	vld.idx.msk [tilespmem:v3+s10+$0x0], $0xffff;
	v7 =	vand.u32 $0xFFFFFC00, v7  }
0x2a4: {  	[tilespmem:s24+$0xFFFFFFB0] =	vst v5;
	v12 =	vld.idx.msk [tilespmem:v16+s10+$0x0], $0xffff;
	v7 =	vor.u32 v13, v7  }
0x2a5: {  	[tilespmem:s24+$0x1C0] =	vst v8;
	v16 =	vld [tilespmem:$0x1FC30];
	v5 =	vadd.s32 v19, v7;
	v7 =	vadd.s32 s30, v21  }
0x2a6: {  	[tilespmem:s24+$0x30] =	vst v4;
	v4 =	vld.idx.msk [tilespmem:v9+s10+$0x0], $0xffff;
	v8 =	vshll.u32 v7, $0x3  }
0x2a7: {  	v9 =	vld [tilespmem:$0x1FC60];
	v7 =	vand.u32 $0x7F, v7;
	v8 =	vand.u32 $0xFFFFFC00, v8  }
0x2a8: {  	[tilespmem:s24+$0xB0] =	vst v3;
	v3 =	vor.u32 v7, v8;
	v7 =	vld [tilespmem:$0x1FC50]  }
0x2a9: {  	[tilespmem:s24+$0xFFFFFEC0] =	vst v12;
	v12 =	vld [tilespmem:$0x1FCC0]  }
0x2aa: {  	v11 =	vld.idx.msk [tilespmem:v18+s10+$0x0], $0xffff  }
0x2ab: {  	v14 =	vld.idx.msk [tilespmem:v14+s10+$0x0], $0xffff  }
0x2ac: {  	v0 =	vadd.s32 v19, v0;
	v9 =	vand.u32 $0xFFFFFC00, v9;
	v13 =	vld [tilespmem:$0x1FC20]  }
0x2ad: {  	v15 =	vadd.s32 v19, v15;
	v8 =	vld [tilespmem:$0x1FC80];
	v7 =	vor.u32 v7, v9  }
0x2ae: {  	[tilespmem:s24+$0x130] =	vst v2;
	v2 =	vadd.s32 v63, v3;
	v3 =	vadd.s32 v17, v7;
	v7 =	vld [tilespmem:$0x1FC70]  }
0x2af: {  	[tilespmem:s24+$0xFFFFFE30] =	vst v11;
	v11 =	vld [tilespmem:$0x1FCA0];
	v1 =	vadd.s32 v19, v1  }
0x2b0: {  	[tilespmem:s24+$0xFFFFFFC0] =	vst v14;
	v14 =	vld [tilespmem:$0x1FB80]  }
0x2b1: {  	v0 =	vld.idx.msk [tilespmem:v0+s10+$0x0], $0xffff  }
0x2b2: {  	v10 =	vor.u32 v13, v10;
	v13 =	vld.idx.msk [tilespmem:v15+s10+$0x0], $0xffff;
	v15 =	vadd.s32 v19, v20;
	v8 =	vand.u32 $0xFFFFFC00, v8  }
0x2b3: {  	v7 =	vor.u32 v7, v8;
	v8 =	vld [tilespmem:$0x1FCB0]  }
0x2b4: {  	v1 =	vld.idx.msk [tilespmem:v1+s10+$0x0], $0xffff  }
0x2b5: {  	v20 =	vld [tilespmem:$0x1FEF0]  }
0x2b6: {  	v6 =	vand.u32 $0xFFFFFC00, v6;
	v5 =	vld.idx.msk [tilespmem:v5+s10+$0x0], $0xffff  }
0x2b7: {  	v6 =	vor.u32 v16, v6;
	v10 =	vadd.s32 v17, v10;
	v9 =	vld.idx.msk [tilespmem:v15+s10+$0x0], $0xffff  }
0x2b8: {  	v6 =	vadd.s32 v17, v6;
	[tilespmem:s24+$0xFFFFFF40] =	vst v13;
	v13 =	vld [tilespmem:$0x1FB60];
	v8 =	vand.u32 $0xFFFFFC00, v8  }
0x2b9: {  	v8 =	vor.u32 v11, v8;
	v11 =	vld [tilespmem:$0x1FCD0]  }
0x2ba: {  	[tilespmem:s24+$0x1D0] =	vst v4;
	v15 =	vld [tilespmem:$0x1F8B0]  }
0x2bb: {  	v2 =	vld.idx.msk [tilespmem:v2+s10+$0x0], $0xffff  }
0x2bc: {  	v10 =	vld.idx.msk [tilespmem:v10+s10+$0x0], $0xffff  }
0x2bd: {  	v6 =	vld.idx.msk [tilespmem:v6+s10+$0x0], $0xffff  }
0x2be: {  	[tilespmem:s24+$0x140] =	vst v5;
	v5 =	vld [tilespmem:$0x1FBB0];
	v11 =	vand.u32 $0xFFFFFC00, v11  }
0x2bf: {  	v3 =	vld.idx.msk [tilespmem:v3+s10+$0x0], $0xffff;
	v11 =	vor.u32 v12, v11;
	v12 =	vadd.s32 s30, v20  }
0x2c0: {  	[tilespmem:s24+$0xFFFFFE40] =	vst v9;
	v9 =	vld [tilespmem:$0x1FBF0];
	v4 =	vshll.u32 v12, $0x3  }
0x2c1: {  	[tilespmem:s24+$0x1E0] =	vst v2;
	v2 =	vld [tilespmem:$0x1FAE0];
	v7 =	vadd.s32 v17, v7;
	v12 =	vand.u32 $0x7F, v12;
	v4 =	vand.u32 $0xFFFFFC00, v4  }
0x2c2: {  	[tilespmem:s24+$0x40] =	vst v0;
	v0 =	vor.u32 v12, v4;
	v4 =	vld [tilespmem:$0x1FB70]  }
0x2c3: {  	[tilespmem:s24+$0xFFFFFED0] =	vst v10;
	v10 =	vld [tilespmem:$0x1FBE0]  }
0x2c4: {  	v13 =	vor.u32 v13, v24;
	[tilespmem:s24+$0xFFFFFF50] =	vst v6;
	v6 =	vld [tilespmem:$0x1FF00]  }
0x2c5: {  	v13 =	vadd.s32 v63, v13;
	[tilespmem:s24+$0xFFFFFFD0] =	vst v3;
	v3 =	vld [tilespmem:$0x1FF20]  }
0x2c6: {  	v14 =	vand.u32 $0xFFFFFC00, v14;
	v7 =	vld.idx.msk [tilespmem:v7+s10+$0x0], $0xffff  }
0x2c7: {  	v8 =	vadd.s32 v17, v8;
	v12 =	vld [tilespmem:$0x1FBA0];
	v4 =	vor.u32 v4, v14  }
0x2c8: {  	[tilespmem:s24+$0xC0] =	vst v1;
	v9 =	vand.u32 $0xFFFFFC00, v9;
	v1 =	vadd.s32 v63, v4;
	v4 =	vld [tilespmem:$0x1FB90]  }
0x2c9: {  	v9 =	vor.u32 v10, v9;
	v10 =	vld [tilespmem:$0x1FC10]  }
0x2ca: {  	v13 =	vld.idx.msk [tilespmem:v13+s10+$0x0], $0xffff  }
0x2cb: {  	v15 =	vadd.s32 v17, v15;
	v11 =	vadd.s32 v17, v11;
	v17 =	vld [tilespmem:$0x1FFF0]  }
0x2cc: {  	v8 =	vld.idx.msk [tilespmem:v8+s10+$0x0], $0xffff;
	v12 =	vand.u32 $0xFFFFFC00, v12  }
0x2cd: {  	v9 =	vadd.s32 v63, v9;
	v4 =	vor.u32 v4, v12;
	v12 =	vld [tilespmem:$0x1FBC0]  }
0x2ce: {  	[tilespmem:s24+$0x50] =	vst v7;
	v7 =	vld [tilespmem:$0x1FF40]  }
0x2cf: {  	[tilespmem:s24+$0xFFFFFEE0] =	vst v13;
	v13 =	vld [tilespmem:$0x1FAC0]  }
0x2d0: {  	v0 =	vadd.s32 v17, v0;
	v14 =	vld [tilespmem:$0x1FAF0]  }
0x2d1: {  	[tilespmem:s24+$0xD0] =	vst v8;
	v11 =	vld.idx.msk [tilespmem:v11+s10+$0x0], $0xffff  }
0x2d2: {  	v9 =	vld.idx.msk [tilespmem:v9+s10+$0x0], $0xffff;
	v12 =	vand.u32 $0xFFFFFC00, v12  }
0x2d3: {  	v4 =	vadd.s32 v63, v4;
	v5 =	vor.u32 v5, v12;
	v12 =	vld.idx.msk [tilespmem:v15+s10+$0x0], $0xffff  }
0x2d4: {  	v15 =	vld [tilespmem:$0x1FC00]  }
0x2d5: {  	v0 =	vld.idx.msk [tilespmem:v0+s10+$0x0], $0xffff;
	v14 =	vand.u32 $0xFFFFFC00, v14  }
0x2d6: {  	s31 =	sadd.s32 $0x4, s29;
	v2 =	vor.u32 v2, v14;
	v14 =	vld [tilespmem:$0x1FB10]  }
0x2d7: {  	v49 =	vadd.s32 s31, v20;
	v1 =	vld.idx.msk [tilespmem:v1+s10+$0x0], $0xffff;
	v5 =	vadd.s32 v63, v5  }
0x2d8: {  	s7 =	sadd.s32 $0x5, s29;
	[tilespmem:$0x1FF00] =	vst v49;
	v10 =	vand.u32 $0xFFFFFC00, v10;
	v2 =	vadd.s32 v63, v2;
	v4 =	vld.idx.msk [tilespmem:v4+s10+$0x0], $0xffff  }
0x2d9: {  	v45 =	vadd.s32 s7, v20;
	v10 =	vor.u32 v15, v10;
	[tilespmem:s24+$0xFFFFFE50] =	vst v12;
	v12 =	vld [tilespmem:$0x1FF10]  }
0x2da: {  	s4 =	sadd.s32 $0x6, s29;
	[tilespmem:$0x1FF20] =	vst v45;
	v15 =	vld [tilespmem:$0x1FB00];
	v10 =	vadd.s32 v63, v10  }
0x2db: {  	s2 =	sadd.s32 $0x2, s29;
	v44 =	vadd.s32 s4, v20;
	[tilespmem:s24+$0x1F0] =	vst v0;
	v0 =	vld [tilespmem:$0x1FAD0]  }
0x2dc: {  	v23 =	vadd.s32 s31, v26;
	v52 =	vadd.s32 s2, v58;
	v6 =	vshll.u32 v6, $0x3;
	[tilespmem:$0x1FF40] =	vst v44;
	v5 =	vld.idx.msk [tilespmem:v5+s10+$0x0], $0xffff  }
0x2dd: {  	v48 =	vadd.s32 s4, v50;
	v41 =	vadd.s32 s2, v50;
	v6 =	vand.u32 $0xFFFFFC00, v6;
	[tilespmem:s24+$0x150] =	vst v11;
	v2 =	vld.idx.msk [tilespmem:v2+s10+$0x0], $0xffff  }
0x2de: {  	s0 =	sadd.s32 $0x1, s29;
	v14 =	vand.u32 $0xFFFFFC00, v14;
	[tilespmem:s24+$0xFFFFFFE0] =	vst v4;
	v4 =	vadd.s32 s29, v50;
	v6 =	vor.u32 v12, v6;
	v12 =	vld [tilespmem:$0x1FF30]  }
0x2df: {  	v18 =	vadd.s32 s0, v20;
	[tilespmem:s24+$0xE0] =	vst v9;
	v46 =	vand.u32 $0x7F, v4;
	v14 =	vor.u32 v15, v14;
	v10 =	vld.idx.msk [tilespmem:v10+s10+$0x0], $0xffff  }
0x2e0: {  	[tilespmem:s24+$0xFFFFFF60] =	vst v1;
	v39 =	vshll.u32 v4, $0x3;
	v4 =	vand.u32 $0x7F, v18;
	v14 =	vadd.s32 v17, v14  }
0x2e1: {  	v3 =	vshll.u32 v3, $0x3;
	v7 =	vshll.u32 v7, $0x3;
	v0 =	vand.u32 $0xFFFFFC00, v0;
	[tilespmem:$0x1FB00] =	vst v4  }
0x2e2: {  	v3 =	vand.u32 $0xFFFFFC00, v3;
	v7 =	vand.u32 $0xFFFFFC00, v7;
	v0 =	vor.u32 v13, v0;
	[tilespmem:s24+$0x60] =	vst v5  }
0x2e3: {  	v16 =	vld [tilespmem:$0x1FB20];
	v6 =	vadd.s32 v17, v6;
	[tilespmem:s24+$0xFFFFFE60] =	vst v2;
	v3 =	vor.u32 v12, v3;
	v12 =	vadd.s32 s29, v20  }
0x2e4: {  	v7 =	vor.u32 v22, v7;
	v0 =	vadd.s32 v17, v0;
	v15 =	vld [tilespmem:$0x1FB30];
	v9 =	vand.u32 $0x7F, v12;
	[tilespmem:s24+$0x160] =	vst v10  }
0x2e5: {  	v1 =	vadd.s32 v17, v7;
	v13 =	vld.idx.msk [tilespmem:v14+s10+$0x0], $0xffff;
	v14 =	vadd.s32 s29, v21;
	v10 =	vshll.u32 v12, $0x3;
	[tilespmem:$0x1FAC0] =	vst v9  }
0x2e6: {  	v47 =	vadd.s32 s7, v50;
	v40 =	vadd.s32 s0, v50;
	[tilespmem:$0x1FAD0] =	vst v10;
	v2 =	vand.u32 $0x7F, v14  }
0x2e7: {  	v56 =	vadd.s32 s7, v33;
	v9 =	vadd.s32 s2, v20;
	[tilespmem:$0x1FAE0] =	vst v2;
	v2 =	vshll.u32 v14, $0x3  }
0x2e8: {  	v32 =	vadd.s32 s0, v60;
	s30 =	sadd.s32 $0x3, s29;
	v7 =	vadd.s32 s29, v26;
	v6 =	vld.idx.msk [tilespmem:v6+s10+$0x0], $0xffff;
	v4 =	vand.u32 $0x7F, v9;
	[tilespmem:$0x1FAF0] =	vst v2  }
0x2e9: {  	v19 =	vadd.s32 s30, v20;
	v15 =	vand.u32 $0xFFFFFC00, v15;
	v2 =	vld.idx.msk [tilespmem:v0+s10+$0x0], $0xffff;
	v0 =	vand.u32 $0x7F, v7;
	[tilespmem:$0x1FB20] =	vst v4  }
0x2ea: {  	v36 =	vadd.s32 s31, v60;
	v15 =	vor.u32 v16, v15;
	v1 =	vld.idx.msk [tilespmem:v1+s10+$0x0], $0xffff;
	v4 =	vand.u32 $0x7F, v19;
	[tilespmem:$0x1F830] =	vst v0  }
0x2eb: {  	v37 =	vadd.s32 s7, v60;
	v3 =	vadd.s32 v17, v3;
	v8 =	vadd.s32 v17, v15;
	v15 =	vld [tilespmem:$0x1FB40];
	[tilespmem:$0x1FB40] =	vst v4  }
0x2ec: {  	v38 =	vadd.s32 s4, v60;
	v43 =	vadd.s32 s31, v50;
	v62 =	vadd.s32 s4, v58;
	[tilespmem:s24+$0xFFFFFEF0] =	vst v13  }
0x2ed: {  	v57 =	vadd.s32 s31, v33;
	v34 =	vadd.s32 s2, v60;
	v16 =	vld [tilespmem:$0x1FB50];
	v4 =	vand.u32 $0x7F, v49;
	[tilespmem:s24+$0x70] =	vst v6  }
0x2ee: {  	v59 =	vadd.s32 s31, v58;
	v27 =	vadd.s32 s2, v31;
	v28 =	vadd.s32 s31, v31;
	[tilespmem:$0x1FF10] =	vst v4  }
0x2ef: {  	v29 =	vadd.s32 s7, v31;
	v24 =	vadd.s32 s2, v33;
	v4 =	vand.u32 $0x7F, v45;
	[tilespmem:s24+$0x170] =	vst v1  }
0x2f0: {  	v35 =	vadd.s32 s30, v60;
	v42 =	vadd.s32 s30, v50;
	v3 =	vld.idx.msk [tilespmem:v3+s10+$0x0], $0xffff;
	[tilespmem:$0x1FF30] =	vst v4;
	v4 =	vshll.u32 v18, $0x3  }
0x2f1: {  	v53 =	vadd.s32 s30, v58;
	v54 =	vadd.s32 s30, v33;
	v22 =	vadd.s32 s30, v26;
	[tilespmem:$0x1FB10] =	vst v4  }
0x2f2: {  	v50 =	vadd.s32 s0, v58;
	v16 =	vand.u32 $0xFFFFFC00, v16;
	v8 =	vld.idx.msk [tilespmem:v8+s10+$0x0], $0xffff;
	v4 =	vshll.u32 v9, $0x3;
	[tilespmem:s24+$0xFFFFFE70] =	vst v2  }
0x2f3: {  	v51 =	vand.u32 $0x7F, v50;
	v15 =	vor.u32 v15, v16;
	[tilespmem:$0x1FB30] =	vst v4;
	v4 =	vshll.u32 v19, $0x3  }
0x2f4: {  	v5 =	vadd.s32 s29, v33;
	v12 =	vadd.s32 s0, v21;
	v11 =	vadd.s32 v17, v15;
	[tilespmem:$0x1FB50] =	vst v4  }
0x2f5: {  	v30 =	vand.u32 $0x7F, v5;
	v61 =	vshll.u32 v5, $0x3;
	v4 =	vand.u32 $0x7F, v12;
	[tilespmem:s24+$0xF0] =	vst v3  }
0x2f6: {  	v5 =	vand.u32 $0x7F, v35;
	v20 =	vadd.s32 s7, v21;
	v13 =	vadd.s32 s2, v21;
	[tilespmem:$0x1FB60] =	vst v4  }
0x2f7: {  	v10 =	vadd.s32 s0, v33;
	v14 =	vadd.s32 s30, v21;
	v4 =	vand.u32 $0x7F, v13;
	[tilespmem:s24+$0xFFFFFF70] =	vst v8  }
0x2f8: {  	v63 =	vshll.u32 v12, $0x3;
	v8 =	vadd.s32 s31, v21;
	[tilespmem:$0x1FB70] =	vst v4;
	v4 =	vand.u32 $0x7F, v14  }
0x2f9: {  	v7 =	vshll.u32 v7, $0x3;
	v49 =	vand.u32 $0x7F, v52;
	v11 =	vld.idx.msk [tilespmem:v11+s10+$0x0], $0xffff;
	[tilespmem:$0x1FB90] =	vst v4;
	v4 =	vand.u32 $0x7F, v8  }
0x2fa: {  	v6 =	vadd.s32 s2, v26;
	v21 =	vadd.s32 s4, v21;
	[tilespmem:$0x1FBB0] =	vst v4;
	v4 =	vand.u32 $0x7F, v20  }
0x2fb: {  	v45 =	vshll.u32 v41, $0x3;
	v16 =	vadd.s32 s29, v31;
	[tilespmem:$0x1FBE0] =	vst v4;
	v4 =	vand.u32 $0x7F, v21  }
0x2fc: {  	v18 =	vshll.u32 v24, $0x3;
	v15 =	vadd.s32 s29, v60;
	[tilespmem:$0x1FC00] =	vst v4;
	v4 =	vshll.u32 v13, $0x3  }
0x2fd: {  	v17 =	vadd.s32 s29, v58;
	v25 =	vand.u32 $0x7F, v16;
	v1 =	vshll.u32 v16, $0x3;
	[tilespmem:$0x1FB80] =	vst v4  }
0x2fe: {  	v16 =	vadd.s32 s0, v31;
	v60 =	vadd.s32 s7, v58;
	v4 =	vshll.u32 v14, $0x3;
	[tilespmem:s24+$0xFFFFFFF0] =	vst v11  }
0x2ff: {  	v58 =	vadd.s32 s4, v33;
	v33 =	vand.u32 $0x7F, v44;
	[tilespmem:$0x1FBA0] =	vst v4;
	v4 =	vshll.u32 v8, $0x3  }
0x300: {  	v9 =	vshll.u32 v35, $0x3;
	v35 =	vand.u32 $0x7F, v43;
	[tilespmem:$0x1FBC0] =	vst v4;
	v4 =	vshll.u32 v20, $0x3  }
0x301: {  	v44 =	vshll.u32 v42, $0x3;
	v11 =	vadd.s32 s0, v26;
	[tilespmem:$0x1FBF0] =	vst v4;
	v4 =	vshll.u32 v21, $0x3  }
0x302: {  	v2 =	vadd.s32 s30, v31;
	v0 =	vand.u32 $0x7F, v15;
	[tilespmem:$0x1FC10] =	vst v4;
	v4 =	vand.u32 $0x7F, v11  }
0x303: {  	v15 =	vshll.u32 v15, $0x3;
	v31 =	vadd.s32 s4, v31;
	[tilespmem:$0x1FC20] =	vst v4;
	v4 =	vand.u32 $0x7F, v6  }
0x304: {  	v55 =	vand.u32 $0x7F, v17;
	v17 =	vshll.u32 v17, $0x3;
	[tilespmem:$0x1FC30] =	vst v4;
	v4 =	vand.u32 $0x7F, v22  }
0x305: {  	v19 =	vand.u32 $0xFFFFFC00, v7;
	v3 =	vadd.s32 s7, v26;
	[tilespmem:$0x1FC50] =	vst v4;
	v4 =	vand.u32 $0x7F, v23  }
0x306: {  	v1 =	vand.u32 $0xFFFFFC00, v1;
	v7 =	vand.u32 $0x7F, v32;
	[tilespmem:$0x1FC70] =	vst v4;
	v4 =	vand.u32 $0x7F, v3  }
0x307: {  	v12 =	vshll.u32 v59, $0x3;
	v13 =	vshll.u32 v53, $0x3;
	v3 =	vshll.u32 v3, $0x3;
	[tilespmem:$0x1FCA0] =	vst v4  }
0x308: {  	v14 =	vand.u32 $0x7F, v58;
	v58 =	vshll.u32 v58, $0x3;
	v4 =	vshll.u32 v6, $0x3;
	[tilespmem:$0x1FCB0] =	vst v3  }
0x309: {  	v26 =	vadd.s32 s4, v26;
	v8 =	vshll.u32 v36, $0x3;
	v3 =	vand.u32 $0x7F, v16;
	[tilespmem:$0x1FC40] =	vst v4  }
0x30a: {  	v20 =	vshll.u32 v11, $0x3;
	v21 =	vshll.u32 v16, $0x3;
	v4 =	vand.u32 $0x7F, v26;
	[tilespmem:$0x1FCE0] =	vst v3  }
0x30b: {  	v11 =	vand.u32 $0x7F, v53;
	v53 =	vshll.u32 v60, $0x3;
	v3 =	vshll.u32 v26, $0x3;
	[tilespmem:$0x1FCC0] =	vst v4  }
0x30c: {  	v21 =	vand.u32 $0xFFFFFC00, v21;
	v6 =	vand.u32 $0x7F, v34;
	v4 =	vshll.u32 v22, $0x3;
	[tilespmem:$0x1FCD0] =	vst v3  }
0x30d: {  	v16 =	vand.u32 $0xFFFFFC00, v61;
	v61 =	vshll.u32 v57, $0x3;
	v3 =	vand.u32 $0x7F, v27;
	[tilespmem:$0x1FC60] =	vst v4  }
0x30e: {  	v26 =	vshll.u32 v40, $0x3;
	v22 =	vshll.u32 v32, $0x3;
	v4 =	vshll.u32 v23, $0x3;
	[tilespmem:$0x1FCF0] =	vst v3  }
0x30f: {  	v32 =	vshll.u32 v48, $0x3;
	v3 =	vand.u32 $0x7F, v2;
	v2 =	vshll.u32 v2, $0x3;
	[tilespmem:$0x1FC80] =	vst v4  }
0x310: {  	v23 =	vand.u32 $0xFFFFFC00, v39;
	v39 =	vand.u32 $0x7F, v40;
	v40 =	vand.u32 $0x7F, v10;
	[tilespmem:$0x1FD10] =	vst v3  }
0x311: {  	v3 =	vand.u32 $0x7F, v28;
	[tilespmem:$0x1FD20] =	vst v2;
	v2 =	vshll.u32 v28, $0x3;
	v4 =	vand.u32 $0x7F, v36  }
0x312: {  	v36 =	vand.u32 $0x7F, v42;
	v42 =	vshll.u32 v43, $0x3;
	v28 =	vshll.u32 v50, $0x3;
	[tilespmem:$0x1FD30] =	vst v3  }
0x313: {  	v50 =	vand.u32 $0x7F, v60;
	v43 =	vand.u32 $0x7F, v56;
	v3 =	vand.u32 $0x7F, v29;
	[tilespmem:$0x1FD40] =	vst v2  }
0x314: {  	v60 =	vshll.u32 v54, $0x3;
	v2 =	vand.u32 $0xFFFFFC00, v15;
	[tilespmem:$0x1FD60] =	vst v3;
	v3 =	vand.u32 $0x7F, v31  }
0x315: {  	v15 =	vand.u32 $0x7F, v24;
	v24 =	vand.u32 $0xFFFFFC00, v63;
	v0 =	vor.u32 v0, v2;
	[tilespmem:$0x1FD80] =	vst v3  }
0x316: {  	v3 =	vshll.u32 v27, $0x3;
	v27 =	vand.u32 $0xFFFFFC00, v17;
	v17 =	vshll.u32 v10, $0x3;
	[tilespmem:$0x1F8C0] =	vst v0  }
0x317: {  	v10 =	vld [tilespmem:$0x1F830];
	v0 =	vor.u32 v46, v23;
	v46 =	vand.u32 $0xFFFFFC00, v22;
	[tilespmem:$0x1FD00] =	vst v3;
	v3 =	vshll.u32 v29, $0x3  }
0x318: {  	v29 =	vshll.u32 v34, $0x3;
	v34 =	vand.u32 $0x7F, v47;
	[tilespmem:$0x1FD70] =	vst v3;
	v3 =	vshll.u32 v31, $0x3  }
0x319: {  	v31 =	vand.u32 $0x7F, v48;
	v48 =	vand.u32 $0x7F, v59;
	[tilespmem:$0x1FD90] =	vst v3;
	v3 =	vand.u32 $0x7F, v37  }
0x31a: {  	p0 =	slt.u32 s29, $0x38;
	v59 =	vand.u32 $0x7F, v54;
	v54 =	vand.u32 $0xFFFFFC00, v26;
	[tilespmem:$0x1FDE0] =	vst v3;
	v3 =	vand.u32 $0x7F, v38  }
.Ltmp0:
0x31b: {  	[tilespmem:$0x1FE00] =	vst v3;
	v3 =	vshll.u32 v37, $0x3;
	v37 =	vand.u32 $0x7F, v41;
	v41 =	vand.u32 $0x7F, v57;
	(pc) =	sbr.rel @p0 .LBB2_3-.Ltmp0, $4  }
0x31c: {  	v57 =	vshll.u32 v56, $0x3;
	v10 =	vor.u32 v10, v19;
	v56 =	vand.u32 $0xFFFFFC00, v28;
	[tilespmem:$0x1FDF0] =	vst v3  }
0x31d: {  	v3 =	vshll.u32 v38, $0x3;
	v38 =	vshll.u32 v47, $0x3;
	v47 =	vand.u32 $0x7F, v62;
	[tilespmem:$0x1F8B0] =	vst v10  }
0x31e: {  	v10 =	vand.u32 $0xFFFFFC00, v20;
	v20 =	vor.u32 v25, v1;
	[tilespmem:$0x1FE20] =	vst v3;
	v3 =	vshll.u32 v52, $0x3  }
0x31f: {  	s30 =	sadd.s32 $0x7, s29;
	s29 =	sadd.s32 $0x8, s29;
	v63 =	vld [tilespmem:$0x1FFE0];
	v25 =	vor.u32 v55, v27;
	v52 =	vshll.u32 v62, $0x3;
	v55 =	vand.u32 $0xFFFFFC00, v3  }
0x320: {  	v1 =	vld [tilespmem:$0x1FED0];
	v23 =	vand.u32 $0xFFFFFC00, v17  }
0x321: {  	v26 =	vor.u32 v40, v23;
	v23 =	vld [tilespmem:$0x1FF80];
	_ =	sdelay $0x2  }
0x322: {  	v2 =	vor.u32 v30, v16;
	v27 =	vand.u32 $0xFFFFFC00, v18;
	v28 =	vand.u32 $0xFFFFFC00, v60  }
0x323: {  	v30 =	vand.u32 $0xFFFFFC00, v61;
	v15 =	vor.u32 v15, v27;
	v16 =	vor.u32 v59, v28  }
0x324: {  	v17 =	vor.u32 v41, v30;
	v1 =	vadd.s32 s30, v1;
	v15 =	vadd.s32 v23, v15  }
0x325: {  	v40 =	vand.u32 $0xFFFFFC00, v57;
	v3 =	vshll.u32 v1, $0x3;
	v16 =	vadd.s32 v23, v16  }
0x326: {  	v19 =	vld [tilespmem:$0x1FE90];
	v1 =	vand.u32 $0x7F, v1;
	v17 =	vadd.s32 v23, v17;
	v3 =	vand.u32 $0xFFFFFC00, v3  }
0x327: {  	v27 =	vld [tilespmem:$0x1FF90];
	v18 =	vor.u32 v43, v40;
	v1 =	vor.u32 v1, v3;
	v3 =	vadd.s32 v23, v26  }
0x328: {  	v41 =	vand.u32 $0xFFFFFC00, v58;
	v57 =	vld [tilespmem:$0x1FE60];
	v43 =	vor.u32 v51, v56;
	v51 =	vadd.s32 v23, v18  }
0x329: {  	v14 =	vor.u32 v14, v41;
	v1 =	vadd.s32 v23, v1;
	v15 =	vld.idx.msk [tilespmem:v15+s10+$0x0], $0xffff  }
0x32a: {  	v13 =	vand.u32 $0xFFFFFC00, v13;
	v14 =	vadd.s32 v23, v14;
	v16 =	vld.idx.msk [tilespmem:v16+s10+$0x0], $0xffff  }
0x32b: {  	v11 =	vor.u32 v11, v13;
	v2 =	vadd.s32 v23, v2;
	v17 =	vld.idx.msk [tilespmem:v17+s10+$0x0], $0xffff  }
0x32c: {  	v19 =	vadd.s32 s30, v19;
	v11 =	vadd.s32 v27, v11;
	v3 =	vld.idx.msk [tilespmem:v3+s10+$0x0], $0xffff  }
0x32d: {  	v28 =	vor.u32 v49, v55;
	v30 =	vmovc v20;
	v22 =	vshll.u32 v19, $0x3;
	v20 =	vadd.s32 v27, v43;
	v13 =	vld.idx.msk [tilespmem:v51+s10+$0x0], $0xffff  }
0x32e: {  	s0 =	sadd.s32 $0x400, s24;
	v19 =	vand.u32 $0x7F, v19;
	v58 =	vadd.s32 v27, v28;
	v22 =	vand.u32 $0xFFFFFC00, v22;
	v1 =	vld.idx.msk [tilespmem:v1+s10+$0x0], $0xffff  }
0x32f: {  	v19 =	vor.u32 v19, v22;
	v14 =	vld.idx.msk [tilespmem:v14+s10+$0x0], $0xffff;
	[tilespmem:s0+$0xFFFFFF00] =	vst v15  }
0x330: {  	v19 =	vadd.s32 v27, v19;
	v2 =	vld.idx.msk [tilespmem:v2+s10+$0x0], $0xffff;
	[tilespmem:s0+$0xFFFFFF80] =	vst v16  }
0x331: {  	v11 =	vld.idx.msk [tilespmem:v11+s10+$0x0], $0xffff;
	[tilespmem:s0+$0xFFFFFE80] =	vst v3  }
0x332: {  	v12 =	vand.u32 $0xFFFFFC00, v12;
	[tilespmem:s0+$0x0] =	vst v17;
	v20 =	vld.idx.msk [tilespmem:v20+s10+$0x0], $0xffff  }
0x333: {  	v55 =	vand.u32 $0xFFFFFC00, v53;
	v12 =	vor.u32 v48, v12;
	[tilespmem:s0+$0x180] =	vst v1;
	v1 =	vld.idx.msk [tilespmem:v58+s10+$0x0], $0xffff  }
0x334: {  	v18 =	vor.u32 v50, v55;
	v12 =	vadd.s32 v27, v12;
	v43 =	vld [tilespmem:$0x1FFA0];
	[tilespmem:s0+$0x80] =	vst v13  }
0x335: {  	v56 =	vand.u32 $0xFFFFFC00, v52;
	v18 =	vadd.s32 v27, v18;
	v23 =	vadd.s32 s30, v57;
	v19 =	vld.idx.msk [tilespmem:v19+s10+$0x0], $0xffff;
	[tilespmem:s0+$0x100] =	vst v14  }
0x336: {  	v22 =	vor.u32 v47, v56;
	v26 =	vshll.u32 v23, $0x3;
	v50 =	vld [tilespmem:$0x1FDC0];
	[tilespmem:s0+$0xFFFFFE00] =	vst v2  }
0x337: {  	v47 =	vadd.s32 v27, v22;
	v59 =	vand.u32 $0x7F, v23;
	v60 =	vand.u32 $0xFFFFFC00, v26;
	[tilespmem:s0+$0xFFFFFF90] =	vst v11  }
0x338: {  	v62 =	vor.u32 v39, v54;
	v48 =	vadd.s32 v27, v25;
	v61 =	vor.u32 v59, v60;
	[tilespmem:s0+$0xFFFFFE90] =	vst v20  }
0x339: {  	v49 =	vand.u32 $0xFFFFFC00, v38;
	v28 =	vand.u32 $0xFFFFFC00, v45;
	v12 =	vld.idx.msk [tilespmem:v12+s10+$0x0], $0xffff;
	[tilespmem:s0+$0xFFFFFF10] =	vst v1;
	v3 =	vadd.s32 v43, v61  }
0x33a: {  	v40 =	vand.u32 $0xFFFFFC00, v44;
	v39 =	vor.u32 v37, v28;
	v53 =	vld.idx.msk [tilespmem:v18+s10+$0x0], $0xffff;
	[tilespmem:s0+$0x190] =	vst v19;
	v15 =	vadd.s32 v43, v62  }
0x33b: {  	v44 =	vand.u32 $0xFFFFFC00, v42;
	v41 =	vor.u32 v36, v40;
	v52 =	vadd.s32 v43, v39;
	v20 =	vld [tilespmem:$0x1FFB0]  }
0x33c: {  	v45 =	vor.u32 v35, v44;
	v57 =	vld.idx.msk [tilespmem:v47+s10+$0x0], $0xffff;
	v17 =	vadd.s32 v43, v41;
	v23 =	vadd.s32 s30, v50  }
0x33d: {  	v22 =	vor.u32 v34, v49;
	v58 =	vld.idx.msk [tilespmem:v48+s10+$0x0], $0xffff;
	v13 =	vadd.s32 v43, v45;
	v51 =	vshll.u32 v23, $0x3  }
0x33e: {  	v60 =	vadd.s32 v43, v22;
	v54 =	vand.u32 $0x7F, v23;
	v19 =	vand.u32 $0xFFFFFC00, v51;
	v3 =	vld.idx.msk [tilespmem:v3+s10+$0x0], $0xffff  }
0x33f: {  	v18 =	vor.u32 v54, v19;
	v61 =	vld.idx.msk [tilespmem:v15+s10+$0x0], $0xffff  }
0x340: {  	v55 =	vand.u32 $0xFFFFFC00, v32;
	v2 =	vld.idx.msk [tilespmem:v52+s10+$0x0], $0xffff;
	v18 =	vadd.s32 v20, v18  }
0x341: {  	v56 =	vor.u32 v31, v55;
	[tilespmem:s0+$0x10] =	vst v12;
	v62 =	vld.idx.msk [tilespmem:v17+s10+$0x0], $0xffff  }
0x342: {  	v1 =	vadd.s32 v43, v56;
	[tilespmem:s0+$0x90] =	vst v53;
	v22 =	vld.idx.msk [tilespmem:v13+s10+$0x0], $0xffff  }
0x343: {  	v0 =	vadd.s32 v43, v0;
	v12 =	vld.idx.msk [tilespmem:v60+s10+$0x0], $0xffff;
	[tilespmem:s0+$0x1A0] =	vst v3  }
0x344: {  	v17 =	vld [tilespmem:$0x1FD50];
	[tilespmem:s0+$0x110] =	vst v57  }
0x345: {  	v7 =	vor.u32 v7, v46;
	[tilespmem:s0+$0xFFFFFE10] =	vst v58;
	v25 =	vld.idx.msk [tilespmem:v18+s10+$0x0], $0xffff  }
0x346: {  	v7 =	vadd.s32 v20, v7;
	v26 =	vld [tilespmem:$0x1FDF0]  }
0x347: {  	v59 =	vand.u32 $0xFFFFFC00, v29;
	v1 =	vld.idx.msk [tilespmem:v1+s10+$0x0], $0xffff  }
0x348: {  	v6 =	vor.u32 v6, v59;
	[tilespmem:s0+$0xFFFFFEA0] =	vst v61;
	v0 =	vld.idx.msk [tilespmem:v0+s10+$0x0], $0xffff  }
0x349: {  	v6 =	vadd.s32 v20, v6;
	v27 =	vld [tilespmem:$0x1FDE0]  }
0x34a: {  	v14 =	vld [tilespmem:$0x1FE20]  }
0x34b: {  	v9 =	vand.u32 $0xFFFFFC00, v9;
	[tilespmem:s0+$0xFFFFFF20] =	vst v2;
	v7 =	vld.idx.msk [tilespmem:v7+s10+$0x0], $0xffff  }
0x34c: {  	v5 =	vor.u32 v5, v9;
	v2 =	vld [tilespmem:$0x1FE00]  }
0x34d: {  	v5 =	vadd.s32 v20, v5;
	v28 =	vld [tilespmem:$0x1FCE0]  }
0x34e: {  	[tilespmem:s0+$0xFFFFFFA0] =	vst v62;
	v6 =	vld.idx.msk [tilespmem:v6+s10+$0x0], $0xffff  }
0x34f: {  	v8 =	vand.u32 $0xFFFFFC00, v8;
	v16 =	vld [tilespmem:$0x1FFC0]  }
0x350: {  	v4 =	vor.u32 v4, v8;
	v31 =	vld [tilespmem:$0x1FD00]  }
0x351: {  	v4 =	vadd.s32 v20, v4;
	v32 =	vld [tilespmem:$0x1FCF0];
	[tilespmem:s0+$0x20] =	vst v22  }
0x352: {  	v5 =	vld.idx.msk [tilespmem:v5+s10+$0x0], $0xffff;
	[tilespmem:s0+$0x1B0] =	vst v25  }
0x353: {  	v11 =	vld [tilespmem:$0x1FD20]  }
0x354: {  	v35 =	vld [tilespmem:$0x1FC90]  }
0x355: {  	v36 =	vld [tilespmem:$0x1FD10];
	[tilespmem:s0+$0xA0] =	vst v12  }
0x356: {  	v4 =	vld.idx.msk [tilespmem:v4+s10+$0x0], $0xffff;
	[tilespmem:s0+$0x120] =	vst v1  }
0x357: {  	v1 =	vld [tilespmem:$0x1F8C0];
	[tilespmem:s0+$0xFFFFFE20] =	vst v0  }
0x358: {  	v39 =	vld [tilespmem:$0x1FD40]  }
0x359: {  	v40 =	vld [tilespmem:$0x1FD30];
	[tilespmem:s0+$0xFFFFFEB0] =	vst v7  }
0x35a: {  	v8 =	vadd.s32 s30, v17;
	v42 =	vld [tilespmem:$0x1FD70]  }
0x35b: {  	v23 =	vshll.u32 v8, $0x3;
	v43 =	vld [tilespmem:$0x1FD60];
	[tilespmem:s0+$0xFFFFFF30] =	vst v6  }
0x35c: {  	v8 =	vand.u32 $0x7F, v8;
	v13 =	vand.u32 $0xFFFFFC00, v23;
	v45 =	vld [tilespmem:$0x1FFD0]  }
0x35d: {  	v15 =	vand.u32 $0xFFFFFC00, v26;
	v8 =	vor.u32 v8, v13;
	v47 =	vld [tilespmem:$0x1FD90]  }
0x35e: {  	v14 =	vand.u32 $0xFFFFFC00, v14;
	v13 =	vor.u32 v27, v15;
	v29 =	vadd.s32 v16, v8;
	v48 =	vld [tilespmem:$0x1FD80]  }
0x35f: {  	v2 =	vor.u32 v2, v14;
	v14 =	vor.u32 v28, v21;
	v34 =	vadd.s32 v20, v13;
	v49 =	vld [tilespmem:$0x1FC20];
	[tilespmem:s0+$0xFFFFFFB0] =	vst v5  }
0x360: {  	v8 =	vand.u32 $0xFFFFFC00, v31;
	v2 =	vadd.s32 v20, v2;
	v38 =	vadd.s32 v16, v14;
	v51 =	vld [tilespmem:$0x1FC40]  }
0x361: {  	v8 =	vor.u32 v32, v8;
	v11 =	vand.u32 $0xFFFFFC00, v11;
	v13 =	vadd.s32 s30, v35;
	v52 =	vld [tilespmem:$0x1FBD0]  }
0x362: {  	v41 =	vadd.s32 v16, v8;
	v53 =	vld [tilespmem:$0x1FC30];
	v11 =	vor.u32 v36, v11;
	v37 =	vshll.u32 v13, $0x3  }
0x363: {  	v1 =	vadd.s32 v20, v1;
	v13 =	vand.u32 $0x7F, v13;
	v12 =	vand.u32 $0xFFFFFC00, v37;
	v3 =	vld.idx.msk [tilespmem:v29+s10+$0x0], $0xffff  }
0x364: {  	v11 =	vadd.s32 v16, v11;
	v12 =	vor.u32 v13, v12;
	v44 =	vld.idx.msk [tilespmem:v34+s10+$0x0], $0xffff  }
0x365: {  	v2 =	vld.idx.msk [tilespmem:v2+s10+$0x0], $0xffff;
	v46 =	vadd.s32 v45, v12  }
0x366: {  	v0 =	vld.idx.msk [tilespmem:v38+s10+$0x0], $0xffff  }
0x367: {  	v13 =	vand.u32 $0xFFFFFC00, v39;
	v55 =	vld.idx.msk [tilespmem:v41+s10+$0x0], $0xffff  }
0x368: {  	[tilespmem:s0+$0x30] =	vst v4;
	v8 =	vand.u32 $0xFFFFFC00, v42;
	v13 =	vor.u32 v40, v13;
	v1 =	vld.idx.msk [tilespmem:v1+s10+$0x0], $0xffff  }
0x369: {  	v8 =	vor.u32 v43, v8;
	v12 =	vand.u32 $0xFFFFFC00, v47;
	v50 =	vadd.s32 v16, v13;
	v61 =	vld.idx.msk [tilespmem:v11+s10+$0x0], $0xffff;
	[tilespmem:s0+$0x1C0] =	vst v3  }
0x36a: {  	v12 =	vor.u32 v48, v12;
	v8 =	vadd.s32 v16, v8;
	[tilespmem:s0+$0xB0] =	vst v44;
	v9 =	vld.idx.msk [tilespmem:v46+s10+$0x0], $0xffff  }
0x36b: {  	v56 =	vadd.s32 v16, v12;
	v59 =	vld [tilespmem:$0x1FC60]  }
0x36c: {  	v60 =	vld [tilespmem:$0x1FC50];
	[tilespmem:s0+$0x130] =	vst v2  }
0x36d: {  	v62 =	vld [tilespmem:$0x1FC80]  }
0x36e: {  	v58 =	vadd.s32 v16, v30;
	v5 =	vld.idx.msk [tilespmem:v50+s10+$0x0], $0xffff  }
0x36f: {  	v8 =	vld.idx.msk [tilespmem:v8+s10+$0x0], $0xffff  }
0x370: {  	v10 =	vor.u32 v49, v10;
	[tilespmem:s0+$0xFFFFFE30] =	vst v1;
	v7 =	vld.idx.msk [tilespmem:v56+s10+$0x0], $0xffff  }
0x371: {  	v14 =	vadd.s32 s30, v52;
	v10 =	vadd.s32 v45, v10;
	v1 =	vld [tilespmem:$0x1FC70]  }
0x372: {  	v54 =	vshll.u32 v14, $0x3;
	v57 =	vand.u32 $0x7F, v14;
	v14 =	vld [tilespmem:$0x1FCB0]  }
0x373: {  	v13 =	vand.u32 $0xFFFFFC00, v51;
	[tilespmem:s0+$0xFFFFFEC0] =	vst v0;
	v6 =	vld.idx.msk [tilespmem:v58+s10+$0x0], $0xffff  }
0x374: {  	v13 =	vor.u32 v53, v13;
	v3 =	vand.u32 $0xFFFFFC00, v54;
	v0 =	vld [tilespmem:$0x1FCA0]  }
0x375: {  	v16 =	vadd.s32 v45, v13;
	v3 =	vor.u32 v57, v3;
	v17 =	vld [tilespmem:$0x1FCD0]  }
0x376: {  	v3 =	vadd.s32 v63, v3;
	[tilespmem:s0+$0xFFFFFF40] =	vst v55;
	v21 =	vld.idx.msk [tilespmem:v10+s10+$0x0], $0xffff  }
0x377: {  	v4 =	vld [tilespmem:$0x1FCC0]  }
0x378: {  	v19 =	vld [tilespmem:$0x1FB60]  }
0x379: {  	v18 =	vld [tilespmem:$0x1FEF0];
	[tilespmem:s0+$0x1D0] =	vst v9  }
0x37a: {  	v12 =	vand.u32 $0xFFFFFC00, v59;
	[tilespmem:s0+$0xFFFFFFC0] =	vst v61;
	v26 =	vld.idx.msk [tilespmem:v16+s10+$0x0], $0xffff  }
0x37b: {  	v12 =	vor.u32 v60, v12;
	[tilespmem:s0+$0x40] =	vst v5;
	v3 =	vld.idx.msk [tilespmem:v3+s10+$0x0], $0xffff  }
0x37c: {  	v11 =	vand.u32 $0xFFFFFC00, v62;
	v12 =	vadd.s32 v45, v12;
	v25 =	vld [tilespmem:$0x1FB70]  }
0x37d: {  	v1 =	vor.u32 v1, v11;
	v11 =	vand.u32 $0xFFFFFC00, v14;
	v14 =	vor.u32 v19, v24;
	v24 =	vld [tilespmem:$0x1FB80];
	[tilespmem:s0+$0xC0] =	vst v8  }
0x37e: {  	v27 =	vld [tilespmem:$0x1F8B0]  }
0x37f: {  	v28 =	vld [tilespmem:$0x1FBA0]  }
0x380: {  	v29 =	vld [tilespmem:$0x1FB90]  }
0x381: {  	v1 =	vadd.s32 v45, v1;
	[tilespmem:s0+$0x140] =	vst v7;
	v30 =	vld.idx.msk [tilespmem:v12+s10+$0x0], $0xffff  }
0x382: {  	v31 =	vld [tilespmem:$0x1FFF0]  }
0x383: {  	v32 =	vld [tilespmem:$0x1FBC0];
	[tilespmem:s0+$0xFFFFFE40] =	vst v6  }
0x384: {  	v0 =	vor.u32 v0, v11;
	v6 =	vld [tilespmem:$0x1FBB0]  }
0x385: {  	v0 =	vadd.s32 v45, v0;
	v35 =	vld [tilespmem:$0x1FBF0]  }
0x386: {  	v13 =	vand.u32 $0xFFFFFC00, v17;
	[tilespmem:s0+$0xFFFFFED0] =	vst v21;
	v1 =	vld.idx.msk [tilespmem:v1+s10+$0x0], $0xffff  }
0x387: {  	v4 =	vor.u32 v4, v13;
	v2 =	vld [tilespmem:$0x1FBE0]  }
0x388: {  	v4 =	vadd.s32 v45, v4;
	v36 =	vld [tilespmem:$0x1FC10]  }
0x389: {  	v37 =	vld [tilespmem:$0x1FC00]  }
0x38a: {  	v34 =	vadd.s32 v63, v14;
	[tilespmem:s0+$0x1E0] =	vst v3;
	v0 =	vld.idx.msk [tilespmem:v0+s10+$0x0], $0xffff  }
0x38b: {  	v39 =	vld [tilespmem:$0x1FAF0]  }
0x38c: {  	v13 =	vadd.s32 s30, v18;
	v40 =	vld [tilespmem:$0x1FAE0]  }
0x38d: {  	v20 =	vshll.u32 v13, $0x3;
	[tilespmem:s0+$0xFFFFFF50] =	vst v26;
	v4 =	vld.idx.msk [tilespmem:v4+s10+$0x0], $0xffff  }
0x38e: {  	v22 =	vand.u32 $0x7F, v13;
	v9 =	vand.u32 $0xFFFFFC00, v20;
	v10 =	vadd.s32 v45, v27;
	v42 =	vld [tilespmem:$0x1FB10]  }
0x38f: {  	v23 =	vor.u32 v22, v9;
	v44 =	vld.idx.msk [tilespmem:v34+s10+$0x0], $0xffff;
	[tilespmem:s0+$0xFFFFFFD0] =	vst v30  }
0x390: {  	v5 =	vadd.s32 v31, v23;
	v7 =	vld [tilespmem:$0x1FB00]  }
0x391: {  	v9 =	vand.u32 $0xFFFFFC00, v24;
	v43 =	vld [tilespmem:$0x1FB30];
	[tilespmem:s0+$0x50] =	vst v1  }
0x392: {  	v9 =	vor.u32 v25, v9;
	v1 =	vld [tilespmem:$0x1FB20]  }
0x393: {  	v9 =	vadd.s32 v63, v9;
	[tilespmem:s0+$0xD0] =	vst v0;
	v41 =	vld.idx.msk [tilespmem:v10+s10+$0x0], $0xffff  }
0x394: {  	v0 =	vld [tilespmem:$0x1FF00]  }
0x395: {  	v5 =	vld.idx.msk [tilespmem:v5+s10+$0x0], $0xffff  }
0x396: {  	v11 =	vand.u32 $0xFFFFFC00, v28;
	v46 =	vld [tilespmem:$0x1FB50]  }
0x397: {  	v11 =	vor.u32 v29, v11;
	v47 =	vld [tilespmem:$0x1FB40];
	[tilespmem:s0+$0x150] =	vst v4  }
0x398: {  	v12 =	vand.u32 $0xFFFFFC00, v32;
	v38 =	vadd.s32 v63, v11;
	v9 =	vld.idx.msk [tilespmem:v9+s10+$0x0], $0xffff;
	[tilespmem:s0+$0xFFFFFE50] =	vst v41  }
0x399: {  	v6 =	vor.u32 v6, v12;
	v13 =	vand.u32 $0xFFFFFC00, v35;
	v49 =	vld [tilespmem:$0x1FF10]  }
0x39a: {  	v2 =	vor.u32 v2, v13;
	v13 =	vand.u32 $0xFFFFFC00, v36;
	v6 =	vadd.s32 v63, v6;
	v50 =	vld [tilespmem:$0x1FF20];
	[tilespmem:s0+$0x1F0] =	vst v5  }
0x39b: {  	v13 =	vor.u32 v37, v13;
	v11 =	vand.u32 $0xFFFFFC00, v39;
	v2 =	vadd.s32 v63, v2;
	v5 =	vld [tilespmem:$0x1FF40]  }
0x39c: {  	v11 =	vor.u32 v40, v11;
	v10 =	vand.u32 $0xFFFFFC00, v42;
	v45 =	vadd.s32 v63, v13;
	v52 =	vld [tilespmem:$0x1FF30];
	[tilespmem:s0+$0xFFFFFEE0] =	vst v44  }
0x39d: {  	v11 =	vadd.s32 v63, v11;
	v7 =	vor.u32 v7, v10;
	v10 =	vand.u32 $0xFFFFFC00, v43;
	v3 =	vld.idx.msk [tilespmem:v38+s10+$0x0], $0xffff;
	[tilespmem:s0+$0xFFFFFF60] =	vst v9  }
0x39e: {  	v48 =	vadd.s32 v31, v7;
	v1 =	vor.u32 v1, v10;
	v13 =	vand.u32 $0xFFFFFC00, v46;
	v55 =	vld [tilespmem:$0x1FAD0]  }
0x39f: {  	v0 =	vshll.u32 v0, $0x3;
	v1 =	vadd.s32 v31, v1;
	v13 =	vor.u32 v47, v13;
	v56 =	vld [tilespmem:$0x1FAC0]  }
0x3a0: {  	v6 =	vld.idx.msk [tilespmem:v6+s10+$0x0], $0xffff;
	v0 =	vand.u32 $0xFFFFFC00, v0;
	v51 =	vadd.s32 v31, v13;
	v7 =	vshll.u32 v50, $0x3  }
0x3a1: {  	v2 =	vld.idx.msk [tilespmem:v2+s10+$0x0], $0xffff;
	v0 =	vor.u32 v49, v0;
	v5 =	vshll.u32 v5, $0x3;
	v7 =	vand.u32 $0xFFFFFC00, v7  }
0x3a2: {  	v53 =	vld.idx.msk [tilespmem:v45+s10+$0x0], $0xffff;
	v0 =	vadd.s32 v31, v0;
	v7 =	vor.u32 v52, v7;
	v5 =	vand.u32 $0xFFFFFC00, v5  }
0x3a3: {  	v54 =	vld.idx.msk [tilespmem:v11+s10+$0x0], $0xffff;
	v11 =	vand.u32 $0xFFFFFC00, v55;
	v5 =	vor.u32 v33, v5;
	v7 =	vadd.s32 v31, v7  }
0x3a4: {  	[tilespmem:s0+$0xFFFFFFE0] =	vst v3;
	v57 =	vld.idx.msk [tilespmem:v48+s10+$0x0], $0xffff;
	v11 =	vor.u32 v56, v11;
	v58 =	vadd.s32 v31, v5  }
0x3a5: {  	[tilespmem:s0+$0x60] =	vst v6;
	v1 =	vld.idx.msk [tilespmem:v1+s10+$0x0], $0xffff;
	v59 =	vadd.s32 v31, v11  }
0x3a6: {  	[tilespmem:s0+$0xE0] =	vst v2;
	v60 =	vld.idx.msk [tilespmem:v51+s10+$0x0], $0xffff  }
0x3a7: {  	[tilespmem:s0+$0x160] =	vst v53;
	v0 =	vld.idx.msk [tilespmem:v0+s10+$0x0], $0xffff  }
0x3a8: {  	[tilespmem:s0+$0xFFFFFE60] =	vst v54;
	v61 =	vld.idx.msk [tilespmem:v7+s10+$0x0], $0xffff  }
0x3a9: {  	[tilespmem:s0+$0xFFFFFEF0] =	vst v57;
	v62 =	vld.idx.msk [tilespmem:v58+s10+$0x0], $0xffff  }
0x3aa: {  	[tilespmem:s0+$0xFFFFFF70] =	vst v1;
	v63 =	vld.idx.msk [tilespmem:v59+s10+$0x0], $0xffff  }
0x3ab: {  	[tilespmem:s0+$0xFFFFFFF0] =	vst v60  }
0x3ac: {  	s2 =	sshll.u32 s22, $0x10;
	[tilespmem:s0+$0x70] =	vst v0  }
0x3ad: {  	s24 =	sand.u32 $0x7E0000, s2;
	[tilespmem:s0+$0xF0] =	vst v61  }
0x3ae: {  	p0 =	seq.s32 s22, $0x63;
	s2 =	sor.u32 s24, s25;
	[tilespmem:s0+$0x170] =	vst v62  }
.Ltmp1:
0x3af: {  	s31 =	sadd.s32 s2, s5;
	[tilespmem:s0+$0xFFFFFE70] =	vst v63;
	(pc) =	sbr.rel @p0 .LBB2_6-.Ltmp1, $4  }
0x3b0: {  	[hbm4b:s31+s17] =	stream.strided.scatter [tilespmem:s18], [sflag:$0x3], $0x2000, s8, s17, $0x38;
	[tilespmem:$0x1B200] =	vst v63  }
0x3b1: {  	_ =	swait.ge [sflag:s19], $0x2000  }
0x3b2: {  	[sflag:s19] =	ssyncset.done $0x0  }
0x3b3: {  	[sflag:s19] =	ssyncadd.s32 $0xFFFFE000  }
0x3b4: {  	s0 =	sadd.s32 $0x2, s28  }
0x3b5: {  	s2 =	sshll.u32 s0, $0x7;
	s4 =	sshll.u32 s0, $0xA  }
0x3b6: {  	s0 =	sshll.u32 s0, $0x5;
	s2 =	sand.u32 $0xF000, s2;
	s4 =	sand.u32 $0x800, s4  }
0x3b7: {  	s0 =	sand.u32 $0x380, s0;
	s2 =	sor.u32 s4, s2  }
0x3b8: {  	s0 =	sor.u32 s0, s2  }
0x3b9: {  	v0 =	vld [tilespmem:s0+$0x0];
	_ =	sdelay $0x4  }
0x3ba: {  	v1 =	vshrl.u32 v0, $0x1;
	v0 =	vshll.u32 v0, $0x6  }
0x3bb: {  	[tilespmem:$0x7000] =	vst v1;
	v0 =	vand.u32 $0x40, v0  }
0x3bc: {  	[tilespmem:$0x7100] =	vst v0  }
0x3bd: {  	v0 =	vld [tilespmem:s0+$0x10];
	_ =	sdelay $0x4  }
0x3be: {  	v49 =	vshrl.u32 v0, $0x1;
	v0 =	vshll.u32 v0, $0x6  }
0x3bf: {  	[tilespmem:$0x7010] =	vst v49;
	v0 =	vand.u32 $0x40, v0  }
0x3c0: {  	[tilespmem:$0x7110] =	vst v0  }
0x3c1: {  	v0 =	vld [tilespmem:s0+$0x20];
	_ =	sdelay $0x4  }
0x3c2: {  	v50 =	vshrl.u32 v0, $0x1;
	v0 =	vshll.u32 v0, $0x6  }
0x3c3: {  	[tilespmem:$0x7020] =	vst v50;
	v0 =	vand.u32 $0x40, v0  }
0x3c4: {  	[tilespmem:$0x7120] =	vst v0  }
0x3c5: {  	v0 =	vld [tilespmem:s0+$0x30];
	_ =	sdelay $0x4  }
0x3c6: {  	v51 =	vshrl.u32 v0, $0x1;
	v0 =	vshll.u32 v0, $0x6  }
0x3c7: {  	[tilespmem:$0x7030] =	vst v51;
	v0 =	vand.u32 $0x40, v0  }
0x3c8: {  	[tilespmem:$0x7130] =	vst v0  }
0x3c9: {  	v0 =	vld [tilespmem:s0+$0x40];
	_ =	sdelay $0x4  }
0x3ca: {  	v52 =	vshrl.u32 v0, $0x1;
	v0 =	vshll.u32 v0, $0x6  }
0x3cb: {  	[tilespmem:$0x7040] =	vst v52;
	v0 =	vand.u32 $0x40, v0  }
0x3cc: {  	[tilespmem:$0x7140] =	vst v0  }
0x3cd: {  	v0 =	vld [tilespmem:s0+$0x50];
	_ =	sdelay $0x4  }
0x3ce: {  	v53 =	vshrl.u32 v0, $0x1;
	v0 =	vshll.u32 v0, $0x6  }
0x3cf: {  	[tilespmem:$0x7050] =	vst v53;
	v0 =	vand.u32 $0x40, v0  }
0x3d0: {  	[tilespmem:$0x7150] =	vst v0  }
0x3d1: {  	v0 =	vld [tilespmem:s0+$0x60];
	_ =	sdelay $0x2  }
0x3d2: {  	v4 =	vld [tilespmem:$0x1FF50]  }
0x3d3: {  	v54 =	vld [tilespmem:$0x7000]  }
0x3d4: {  	v5 =	vld [tilespmem:$0x1FF60];
	v2 =	vshrl.u32 v0, $0x1;
	v0 =	vshll.u32 v0, $0x6  }
0x3d5: {  	v6 =	vld [tilespmem:$0x1FF70];
	[tilespmem:$0x7060] =	vst v2;
	v0 =	vand.u32 $0x40, v0  }
0x3d6: {  	[tilespmem:$0x7160] =	vst v0  }
0x3d7: {  	v0 =	vld [tilespmem:s0+$0x70]  }
0x3d8: {  	v55 =	vperm.xlane v54, v4;
	_ =	sdelay $0x1  }
0x3d9: {  	v1 =	vperm.xlane v54, v6;
	v2 =	vadd.s32 v5, v55;
	_ =	sdelay $0x1  }
0x3da: {  	v1 =	vadd.s32 v5, v1;
	v3 =	vshrl.u32 v0, $0x1;
	v0 =	vshll.u32 v0, $0x6  }
0x3db: {  	[tilespmem:$0x7070] =	vst v3;
	v0 =	vand.u32 $0x40, v0  }
0x3dc: {  	[tilespmem:$0x7170] =	vst v0  }
0x3dd: {  	[tilespmem:s10], [sflag:$0x1] =	stream.indirect_vreg.gather [hbm4b:s3+s1], $0x80, v2, vm0, $0xb8;
	[tilespmem:$0x1B200] =	vst v63  }
0x3de: {  	s4 =	simm.s32 $0x7A00  }
0x3df: {  	[tilespmem:s4], [sflag:$0x1] =	stream.indirect_vreg.gather [hbm4b:s3+s1], $0x80, v1, vm0, $0xb8;
	[tilespmem:$0x1B200] =	vst v63  }
0x3e0: {  	v56 =	vld [tilespmem:$0x7010];
	_ =	sdelay $0x4  }
0x3e1: {  	v57 =	vperm.xlane v56, v4;
	_ =	sdelay $0x1  }
0x3e2: {  	v0 =	vperm.xlane v56, v6;
	v1 =	vadd.s32 v5, v57;
	_ =	sdelay $0x1  }
0x3e3: {  	v0 =	vadd.s32 v5, v0;
	_ =	sdelay $0x1  }
0x3e4: {  	s7 =	simm.s32 $0x8200  }
0x3e5: {  	[tilespmem:s7], [sflag:$0x1] =	stream.indirect_vreg.gather [hbm4b:s3+s1], $0x80, v1, vm0, $0xb8;
	[tilespmem:$0x1B200] =	vst v63  }
0x3e6: {  	s25 =	simm.s32 $0x8A00  }
0x3e7: {  	[tilespmem:s25], [sflag:$0x1] =	stream.indirect_vreg.gather [hbm4b:s3+s1], $0x80, v0, vm0, $0xb8;
	[tilespmem:$0x1B200] =	vst v63  }
0x3e8: {  	v0 =	vld [tilespmem:$0x7020];
	_ =	sdelay $0x4  }
0x3e9: {  	v58 =	vperm.xlane v0, v4;
	_ =	sdelay $0x1  }
0x3ea: {  	v0 =	vperm.xlane v0, v6;
	v1 =	vadd.s32 v5, v58;
	_ =	sdelay $0x1  }
0x3eb: {  	v0 =	vadd.s32 v5, v0;
	_ =	sdelay $0x1  }
0x3ec: {  	s28 =	simm.s32 $0x9200  }
0x3ed: {  	[tilespmem:s28], [sflag:$0x1] =	stream.indirect_vreg.gather [hbm4b:s3+s1], $0x80, v1, vm0, $0xb8;
	[tilespmem:$0x1B200] =	vst v63  }
0x3ee: {  	s29 =	simm.s32 $0x9A00  }
0x3ef: {  	[tilespmem:s29], [sflag:$0x1] =	stream.indirect_vreg.gather [hbm4b:s3+s1], $0x80, v0, vm0, $0xb8;
	[tilespmem:$0x1B200] =	vst v63  }
0x3f0: {  	v0 =	vld [tilespmem:$0x7030];
	_ =	sdelay $0x4  }
0x3f1: {  	v59 =	vperm.xlane v0, v4;
	_ =	sdelay $0x1  }
0x3f2: {  	v0 =	vperm.xlane v0, v6;
	v1 =	vadd.s32 v5, v59;
	_ =	sdelay $0x1  }
0x3f3: {  	v0 =	vadd.s32 v5, v0;
	_ =	sdelay $0x1  }
0x3f4: {  	s30 =	simm.s32 $0xA200  }
0x3f5: {  	[tilespmem:s30], [sflag:$0x1] =	stream.indirect_vreg.gather [hbm4b:s3+s1], $0x80, v1, vm0, $0xb8;
	[tilespmem:$0x1B200] =	vst v63  }
0x3f6: {  	s31 =	simm.s32 $0xAA00  }
0x3f7: {  	[tilespmem:s31], [sflag:$0x1] =	stream.indirect_vreg.gather [hbm4b:s3+s1], $0x80, v0, vm0, $0xb8;
	[tilespmem:$0x1B200] =	vst v63  }
0x3f8: {  	v0 =	vld [tilespmem:$0x7040];
	_ =	sdelay $0x4  }
0x3f9: {  	v60 =	vperm.xlane v0, v4;
	_ =	sdelay $0x1  }
0x3fa: {  	v0 =	vperm.xlane v0, v6;
	v1 =	vadd.s32 v5, v60;
	_ =	sdelay $0x1  }
0x3fb: {  	v0 =	vadd.s32 v5, v0;
	_ =	sdelay $0x1  }
0x3fc: {  	s2 =	simm.s32 $0xB200  }
0x3fd: {  	[tilespmem:s2], [sflag:$0x1] =	stream.indirect_vreg.gather [hbm4b:s3+s1], $0x80, v1, vm0, $0xb8;
	[tilespmem:$0x1B200] =	vst v63  }
0x3fe: {  	s4 =	simm.s32 $0xBA00  }
0x3ff: {  	[tilespmem:s4], [sflag:$0x1] =	stream.indirect_vreg.gather [hbm4b:s3+s1], $0x80, v0, vm0, $0xb8;
	[tilespmem:$0x1B200] =	vst v63  }
0x400: {  	v0 =	vld [tilespmem:$0x7050];
	_ =	sdelay $0x4  }
0x401: {  	v61 =	vperm.xlane v0, v4;
	_ =	sdelay $0x1  }
0x402: {  	v0 =	vperm.xlane v0, v6;
	v1 =	vadd.s32 v5, v61;
	_ =	sdelay $0x1  }
0x403: {  	v0 =	vadd.s32 v5, v0;
	_ =	sdelay $0x1  }
0x404: {  	s7 =	simm.s32 $0xC200  }
0x405: {  	[tilespmem:s7], [sflag:$0x1] =	stream.indirect_vreg.gather [hbm4b:s3+s1], $0x80, v1, vm0, $0xb8;
	[tilespmem:$0x1B200] =	vst v63  }
0x406: {  	s25 =	simm.s32 $0xCA00  }
0x407: {  	[tilespmem:s25], [sflag:$0x1] =	stream.indirect_vreg.gather [hbm4b:s3+s1], $0x80, v0, vm0, $0xb8;
	[tilespmem:$0x1B200] =	vst v63  }
0x408: {  	v0 =	vld [tilespmem:$0x7060];
	_ =	sdelay $0x4  }
0x409: {  	v62 =	vperm.xlane v0, v4;
	_ =	sdelay $0x1  }
0x40a: {  	v0 =	vperm.xlane v0, v6;
	v1 =	vadd.s32 v5, v62;
	_ =	sdelay $0x1  }
0x40b: {  	v0 =	vadd.s32 v5, v0;
	_ =	sdelay $0x1  }
0x40c: {  	s28 =	simm.s32 $0xD200  }
0x40d: {  	[tilespmem:s28], [sflag:$0x1] =	stream.indirect_vreg.gather [hbm4b:s3+s1], $0x80, v1, vm0, $0xb8;
	[tilespmem:$0x1B200] =	vst v63  }
0x40e: {  	s29 =	simm.s32 $0xDA00  }
0x40f: {  	[tilespmem:s29], [sflag:$0x1] =	stream.indirect_vreg.gather [hbm4b:s3+s1], $0x80, v0, vm0, $0xb8;
	[tilespmem:$0x1B200] =	vst v63  }
0x410: {  	v0 =	vld [tilespmem:$0x7070];
	_ =	sdelay $0x4  }
0x411: {  	v63 =	vperm.xlane v0, v4;
	_ =	sdelay $0x1  }
0x412: {  	v0 =	vperm.xlane v0, v6;
	v1 =	vadd.s32 v5, v63;
	_ =	sdelay $0x1  }
0x413: {  	v0 =	vadd.s32 v5, v0;
	_ =	sdelay $0x1  }
0x414: {  	s30 =	simm.s32 $0xE200  }
0x415: {  	[tilespmem:s30], [sflag:$0x1] =	stream.indirect_vreg.gather [hbm4b:s3+s1], $0x80, v1, vm0, $0xb8;
	[tilespmem:$0x1B200] =	vst v63  }
0x416: {  	s31 =	simm.s32 $0xEA00  }
0x417: {  	[tilespmem:s31], [sflag:$0x1] =	stream.indirect_vreg.gather [hbm4b:s3+s1], $0x80, v0, vm0, $0xb8;
	[tilespmem:$0x1B200] =	vst v63  }
.LBB2_6:
0x418: {  	_ =	swait.ge [sflag:s20], $0x4000  }
0x419: {  	[sflag:s20] =	ssyncset.done $0x0  }
0x41a: {  	[sflag:s20] =	ssyncadd.s32 $0xFFFFC000  }
0x41b: {  	v55 =	vld [tilespmem:$0x7180]  }
0x41c: {  	v46 =	vld [tilespmem:$0x7190]  }
0x41d: {  	v40 =	vld [tilespmem:$0x71A0]  }
0x41e: {  	v35 =	vld [tilespmem:$0x71B0]  }
0x41f: {  	v27 =	vld [tilespmem:$0x71D0]  }
0x420: {  	v32 =	vld [tilespmem:$0x71C0]  }
0x421: {  	v22 =	vld [tilespmem:$0x71E0];
	_ =	sdelay $0x1  }
0x422: {  	s25 =	simm.s32 $0x0  }
0x423: {  	v1 =	vadd.s32 s25, v27;
	v4 =	vadd.s32 s25, v40;
	v3 =	vadd.s32 s25, v35  }
0x424: {  	s31 =	simm.s32 $0x1;
	s0 =	simm.s32 $0x2;
	s29 =	simm.s32 $0x3;
	v62 =	vld [tilespmem:$0x71F0];
	v5 =	vadd.s32 s25, v32;
	v6 =	vadd.s32 s25, v55;
	v9 =	vadd.s32 s25, v46  }
0x425: {  	s28 =	simm.s32 $0x4;
	s2 =	simm.s32 $0x7;
	v63 =	vadd.s32 s31, v22;
	v8 =	vadd.s32 s0, v22;
	v34 =	vadd.s32 s29, v22  }
0x426: {  	v36 =	vadd.s32 s28, v22;
	v47 =	vadd.s32 s31, v27;
	v16 =	vadd.s32 s2, v55  }
0x427: {  	v17 =	vadd.s32 s2, v46;
	v18 =	vadd.s32 s2, v40;
	v2 =	vadd.s32 s2, v35  }
0x428: {  	v51 =	vadd.s32 s2, v32;
	v57 =	vadd.s32 s2, v27;
	v44 =	vadd.s32 s2, v22  }
0x429: {  	s7 =	simm.s32 $0x5;
	s30 =	simm.s32 $0x6;
	v25 =	vadd.s32 s2, v62;
	v11 =	vadd.s32 s0, v27;
	v48 =	vadd.s32 s29, v27  }
0x42a: {  	v45 =	vadd.s32 s28, v27;
	v33 =	vadd.s32 s7, v27;
	v39 =	vadd.s32 s30, v27  }
0x42b: {  	v53 =	vadd.s32 s31, v32;
	v54 =	vadd.s32 s0, v32;
	v7 =	vadd.s32 s29, v32  }
0x42c: {  	v58 =	vadd.s32 s28, v32;
	v12 =	vadd.s32 s7, v32;
	v61 =	vadd.s32 s30, v32  }
0x42d: {  	v14 =	vadd.s32 s31, v35;
	v0 =	vadd.s32 s29, v35;
	v13 =	vadd.s32 s28, v35  }
0x42e: {  	v56 =	vadd.s32 s30, v35;
	v52 =	vadd.s32 s31, v40;
	v30 =	vadd.s32 s0, v40  }
0x42f: {  	v59 =	vadd.s32 s29, v40;
	v60 =	vadd.s32 s28, v40;
	v26 =	vadd.s32 s31, v46  }
0x430: {  	v38 =	vadd.s32 s0, v46;
	v42 =	vadd.s32 s29, v46;
	v43 =	vadd.s32 s28, v46  }
0x431: {  	v29 =	vadd.s32 s31, v55;
	v31 =	vadd.s32 s0, v55;
	v10 =	vand.u32 $0x7F, v1  }
0x432: {  	v15 =	vshll.u32 v1, $0x3;
	v19 =	vand.u32 $0x7F, v5;
	v5 =	vshll.u32 v5, $0x3  }
0x433: {  	v20 =	vand.u32 $0x7F, v3;
	v21 =	vshll.u32 v3, $0x3;
	v23 =	vand.u32 $0x7F, v4  }
0x434: {  	v4 =	vshll.u32 v4, $0x3;
	v24 =	vand.u32 $0x7F, v9;
	v9 =	vshll.u32 v9, $0x3  }
0x435: {  	v28 =	vand.u32 $0x7F, v6;
	v6 =	vshll.u32 v6, $0x3;
	v15 =	vand.u32 $0xFFFFFC00, v15  }
0x436: {  	v5 =	vand.u32 $0xFFFFFC00, v5;
	v4 =	vand.u32 $0xFFFFFC00, v4;
	v6 =	vand.u32 $0xFFFFFC00, v6  }
0x437: {  	v10 =	vor.u32 v10, v15;
	v15 =	vand.u32 $0xFFFFFC00, v21;
	v5 =	vor.u32 v19, v5  }
0x438: {  	v19 =	vadd.s32 s7, v55;
	v4 =	vor.u32 v23, v4;
	v21 =	vand.u32 $0x7F, v29  }
0x439: {  	v23 =	vshll.u32 v29, $0x3;
	[tilespmem:$0x1F390] =	vst v10;
	v10 =	vadd.s32 s29, v55;
	v15 =	vor.u32 v20, v15  }
0x43a: {  	[tilespmem:$0x1F350] =	vst v5;
	v20 =	vadd.s32 s30, v55;
	v5 =	vand.u32 $0xFFFFFC00, v9;
	v9 =	vshll.u32 v16, $0x3  }
0x43b: {  	v16 =	vand.u32 $0x7F, v16;
	v23 =	vand.u32 $0xFFFFFC00, v23;
	[tilespmem:$0x1F320] =	vst v15;
	v15 =	vadd.s32 s28, v55  }
0x43c: {  	[tilespmem:$0x1F2E0] =	vst v4;
	v4 =	vor.u32 v24, v5;
	v5 =	vor.u32 v28, v6;
	v9 =	vand.u32 $0xFFFFFC00, v9  }
0x43d: {  	v28 =	vor.u32 v16, v9;
	v9 =	vand.u32 $0x7F, v31;
	v16 =	vshll.u32 v31, $0x3  }
0x43e: {  	[tilespmem:$0x1F2A0] =	vst v4;
	v4 =	vor.u32 v21, v23;
	v21 =	vshll.u32 v10, $0x3;
	v16 =	vand.u32 $0xFFFFFC00, v16  }
0x43f: {  	v10 =	vand.u32 $0x7F, v10;
	v21 =	vand.u32 $0xFFFFFC00, v21;
	v29 =	vor.u32 v9, v16  }
0x440: {  	v9 =	vand.u32 $0x7F, v15;
	v15 =	vshll.u32 v15, $0x3;
	v31 =	vor.u32 v10, v21  }
0x441: {  	v10 =	vand.u32 $0x7F, v19;
	v16 =	vshll.u32 v19, $0x3;
	v15 =	vand.u32 $0xFFFFFC00, v15  }
0x442: {  	[tilespmem:$0x1F210] =	vst v4;
	v4 =	vor.u32 v9, v15;
	v9 =	vshll.u32 v20, $0x3;
	v15 =	vand.u32 $0xFFFFFC00, v16  }
0x443: {  	v16 =	vand.u32 $0x7F, v20;
	v9 =	vand.u32 $0xFFFFFC00, v9;
	v6 =	vor.u32 v10, v15  }
0x444: {  	v15 =	vand.u32 $0x7F, v26;
	v10 =	vor.u32 v16, v9;
	v9 =	vshll.u32 v17, $0x3  }
0x445: {  	v16 =	vshll.u32 v26, $0x3;
	v17 =	vand.u32 $0x7F, v17;
	v9 =	vand.u32 $0xFFFFFC00, v9  }
0x446: {  	v16 =	vand.u32 $0xFFFFFC00, v16;
	v9 =	vor.u32 v17, v9;
	v17 =	vshll.u32 v38, $0x3  }
0x447: {  	v20 =	vand.u32 $0x7F, v38;
	[tilespmem:$0x1F250] =	vst v9;
	v17 =	vand.u32 $0xFFFFFC00, v17;
	v9 =	vor.u32 v15, v16  }
0x448: {  	v15 =	vand.u32 $0x7F, v42;
	v16 =	vshll.u32 v42, $0x3;
	v19 =	vor.u32 v20, v17  }
0x449: {  	v17 =	vand.u32 $0x7F, v43;
	v43 =	vshll.u32 v43, $0x3;
	v16 =	vand.u32 $0xFFFFFC00, v16  }
0x44a: {  	v49 =	vadd.s32 s7, v46;
	v15 =	vor.u32 v15, v16;
	v16 =	vand.u32 $0xFFFFFC00, v43  }
0x44b: {  	v50 =	vadd.s32 s30, v46;
	v24 =	vshll.u32 v49, $0x3;
	[tilespmem:$0x1F260] =	vst v15;
	v16 =	vor.u32 v17, v16  }
0x44c: {  	v24 =	vand.u32 $0xFFFFFC00, v24;
	v15 =	vand.u32 $0x7F, v49;
	[tilespmem:$0x1F270] =	vst v16;
	v16 =	vshll.u32 v50, $0x3  }
0x44d: {  	v17 =	vand.u32 $0x7F, v50;
	v15 =	vor.u32 v15, v24;
	v16 =	vand.u32 $0xFFFFFC00, v16  }
0x44e: {  	v37 =	vadd.s32 s7, v40;
	v41 =	vadd.s32 s30, v40;
	[tilespmem:$0x1F280] =	vst v15;
	v15 =	vor.u32 v17, v16  }
0x44f: {  	v16 =	vshll.u32 v52, $0x3;
	v17 =	vand.u32 $0x7F, v18;
	[tilespmem:$0x1F290] =	vst v15;
	v15 =	vshll.u32 v18, $0x3  }
0x450: {  	v18 =	vand.u32 $0x7F, v52;
	v16 =	vand.u32 $0xFFFFFC00, v16;
	v15 =	vand.u32 $0xFFFFFC00, v15  }
0x451: {  	v52 =	vor.u32 v17, v15;
	v15 =	vand.u32 $0x7F, v30;
	v17 =	vshll.u32 v30, $0x3  }
0x452: {  	v30 =	vor.u32 v18, v16;
	v18 =	vshll.u32 v59, $0x3;
	v17 =	vand.u32 $0xFFFFFC00, v17  }
0x453: {  	v16 =	vand.u32 $0x7F, v59;
	v15 =	vor.u32 v15, v17;
	v17 =	vand.u32 $0xFFFFFC00, v18  }
0x454: {  	v3 =	vadd.s32 s0, v35;
	v1 =	vadd.s32 s7, v35;
	[tilespmem:$0x1F2B0] =	vst v15;
	v16 =	vor.u32 v16, v17  }
0x455: {  	v18 =	vshll.u32 v60, $0x3;
	v15 =	vand.u32 $0x7F, v60;
	[tilespmem:$0x1F2C0] =	vst v16;
	v16 =	vshll.u32 v37, $0x3  }
0x456: {  	v17 =	vand.u32 $0x7F, v37;
	v18 =	vand.u32 $0xFFFFFC00, v18;
	v16 =	vand.u32 $0xFFFFFC00, v16  }
0x457: {  	v37 =	vor.u32 v15, v18;
	v15 =	vor.u32 v17, v16;
	v16 =	vshll.u32 v41, $0x3  }
0x458: {  	v17 =	vand.u32 $0x7F, v41;
	[tilespmem:$0x1F2D0] =	vst v15;
	v15 =	vshll.u32 v2, $0x3;
	v16 =	vand.u32 $0xFFFFFC00, v16  }
0x459: {  	v2 =	vand.u32 $0x7F, v2;
	v15 =	vand.u32 $0xFFFFFC00, v15;
	v38 =	vor.u32 v17, v16  }
0x45a: {  	v41 =	vor.u32 v2, v15;
	v2 =	vand.u32 $0x7F, v14;
	v14 =	vshll.u32 v14, $0x3  }
0x45b: {  	v15 =	vand.u32 $0x7F, v3;
	v3 =	vshll.u32 v3, $0x3;
	v14 =	vand.u32 $0xFFFFFC00, v14  }
0x45c: {  	v3 =	vand.u32 $0xFFFFFC00, v3;
	v43 =	vor.u32 v2, v14;
	v2 =	vand.u32 $0x7F, v0  }
0x45d: {  	v14 =	vshll.u32 v0, $0x3;
	v0 =	vor.u32 v15, v3;
	v3 =	vshll.u32 v13, $0x3  }
0x45e: {  	v15 =	vand.u32 $0x7F, v13;
	v13 =	vand.u32 $0xFFFFFC00, v14;
	v3 =	vand.u32 $0xFFFFFC00, v3  }
0x45f: {  	v14 =	vand.u32 $0x7F, v51;
	v13 =	vor.u32 v2, v13;
	v2 =	vshll.u32 v51, $0x3  }
0x460: {  	v50 =	vor.u32 v15, v3;
	v3 =	vshll.u32 v1, $0x3;
	v2 =	vand.u32 $0xFFFFFC00, v2  }
0x461: {  	v1 =	vand.u32 $0x7F, v1;
	v3 =	vand.u32 $0xFFFFFC00, v3;
	v51 =	vor.u32 v14, v2  }
0x462: {  	[tilespmem:$0x1F2F0] =	vst v0;
	v2 =	vand.u32 $0x7F, v53;
	v0 =	vor.u32 v1, v3;
	v1 =	vshll.u32 v56, $0x3  }
0x463: {  	v3 =	vshll.u32 v53, $0x3;
	v14 =	vand.u32 $0x7F, v56;
	v1 =	vand.u32 $0xFFFFFC00, v1  }
0x464: {  	[tilespmem:$0x1F300] =	vst v0;
	v3 =	vand.u32 $0xFFFFFC00, v3;
	v0 =	vor.u32 v14, v1;
	v1 =	vand.u32 $0x7F, v54  }
0x465: {  	v14 =	vshll.u32 v54, $0x3;
	v21 =	vor.u32 v2, v3;
	v2 =	vshll.u32 v7, $0x3  }
0x466: {  	v3 =	vand.u32 $0x7F, v7;
	v14 =	vand.u32 $0xFFFFFC00, v14;
	v2 =	vand.u32 $0xFFFFFC00, v2  }
0x467: {  	[tilespmem:$0x1F310] =	vst v0;
	v20 =	vor.u32 v1, v14;
	v0 =	vor.u32 v3, v2;
	v1 =	vshll.u32 v57, $0x3  }
0x468: {  	v2 =	vand.u32 $0x7F, v58;
	v3 =	vand.u32 $0x7F, v57;
	v1 =	vand.u32 $0xFFFFFC00, v1  }
0x469: {  	v14 =	vshll.u32 v58, $0x3;
	v26 =	vor.u32 v3, v1;
	v1 =	vshll.u32 v12, $0x3  }
0x46a: {  	v3 =	vand.u32 $0x7F, v12;
	v12 =	vand.u32 $0xFFFFFC00, v14;
	v14 =	vshll.u32 v48, $0x3  }
0x46b: {  	v1 =	vand.u32 $0xFFFFFC00, v1;
	v58 =	vor.u32 v2, v12;
	v2 =	vshll.u32 v61, $0x3  }
0x46c: {  	[tilespmem:$0x1F330] =	vst v0;
	v0 =	vor.u32 v3, v1;
	v3 =	vand.u32 $0x7F, v61;
	v2 =	vand.u32 $0xFFFFFC00, v2  }
0x46d: {  	v12 =	vshll.u32 v47, $0x3;
	v1 =	vand.u32 $0x7F, v47;
	v59 =	vor.u32 v3, v2  }
0x46e: {  	v2 =	vshll.u32 v11, $0x3;
	v3 =	vand.u32 $0x7F, v11;
	v11 =	vand.u32 $0xFFFFFC00, v12  }
0x46f: {  	v2 =	vand.u32 $0xFFFFFC00, v2;
	v54 =	vor.u32 v1, v11;
	v1 =	vshll.u32 v44, $0x3  }
0x470: {  	[tilespmem:$0x1F340] =	vst v0;
	v0 =	vor.u32 v3, v2;
	v3 =	vand.u32 $0x7F, v44;
	v1 =	vand.u32 $0xFFFFFC00, v1  }
0x471: {  	v14 =	vand.u32 $0xFFFFFC00, v14;
	v2 =	vand.u32 $0x7F, v48;
	[tilespmem:$0x1F360] =	vst v0;
	v0 =	vor.u32 v3, v1  }
0x472: {  	v1 =	vshll.u32 v45, $0x3;
	v3 =	vand.u32 $0x7F, v45;
	v56 =	vor.u32 v2, v14  }
0x473: {  	v2 =	vshll.u32 v33, $0x3;
	v14 =	vshll.u32 v63, $0x3;
	v1 =	vand.u32 $0xFFFFFC00, v1  }
0x474: {  	[tilespmem:$0x1F370] =	vst v0;
	v2 =	vand.u32 $0xFFFFFC00, v2;
	v0 =	vor.u32 v3, v1;
	v3 =	vand.u32 $0x7F, v33  }
0x475: {  	v14 =	vand.u32 $0xFFFFFC00, v14;
	v1 =	vand.u32 $0x7F, v63;
	v53 =	vor.u32 v3, v2  }
0x476: {  	v2 =	vshll.u32 v39, $0x3;
	v3 =	vand.u32 $0x7F, v39;
	v24 =	vor.u32 v1, v14  }
0x477: {  	[tilespmem:$0x1F380] =	vst v0;
	v1 =	vshll.u32 v25, $0x3;
	v0 =	vand.u32 $0x7F, v36;
	v2 =	vand.u32 $0xFFFFFC00, v2  }
0x478: {  	v1 =	vand.u32 $0xFFFFFC00, v1;
	v60 =	vor.u32 v3, v2;
	v3 =	vand.u32 $0x7F, v25  }
0x479: {  	v2 =	vand.u32 $0x7F, v8;
	v8 =	vshll.u32 v8, $0x3;
	v61 =	vor.u32 v3, v1  }
0x47a: {  	v1 =	vshll.u32 v34, $0x3;
	v3 =	vand.u32 $0x7F, v34;
	v7 =	vand.u32 $0xFFFFFC00, v8  }
0x47b: {  	v1 =	vand.u32 $0xFFFFFC00, v1;
	v47 =	vor.u32 v2, v7;
	v2 =	vshll.u32 v36, $0x3  }
0x47c: {  	v39 =	vor.u32 v3, v1;
	v1 =	vadd.s32 s7, v22;
	v2 =	vand.u32 $0xFFFFFC00, v2  }
0x47d: {  	v63 =	vor.u32 v0, v2;
	v0 =	vadd.s32 s30, v22;
	v2 =	vand.u32 $0x7F, v1  }
0x47e: {  	v1 =	vshll.u32 v1, $0x3;
	v8 =	vand.u32 $0x7F, v0;
	v0 =	vshll.u32 v0, $0x3  }
0x47f: {  	v14 =	vadd.s32 s25, v22;
	v1 =	vand.u32 $0xFFFFFC00, v1;
	v0 =	vand.u32 $0xFFFFFC00, v0  }
0x480: {  	v44 =	vor.u32 v2, v1;
	v42 =	vor.u32 v8, v0;
	v0 =	vshll.u32 v14, $0x3  }
0x481: {  	v1 =	vand.u32 $0x7F, v14;
	v14 =	vadd.s32 s31, v62;
	v0 =	vand.u32 $0xFFFFFC00, v0  }
0x482: {  	v23 =	vor.u32 v1, v0;
	v0 =	vadd.s32 s0, v62;
	v1 =	vand.u32 $0x7F, v14  }
0x483: {  	v14 =	vshll.u32 v14, $0x3;
	v15 =	vand.u32 $0x7F, v0;
	v0 =	vshll.u32 v0, $0x3  }
0x484: {  	v16 =	vadd.s32 s29, v62;
	v14 =	vand.u32 $0xFFFFFC00, v14;
	v0 =	vand.u32 $0xFFFFFC00, v0  }
0x485: {  	v49 =	vor.u32 v1, v14;
	v8 =	vor.u32 v15, v0;
	v0 =	vshll.u32 v16, $0x3  }
0x486: {  	v14 =	vand.u32 $0x7F, v16;
	v15 =	vadd.s32 s28, v62;
	v0 =	vand.u32 $0xFFFFFC00, v0  }
0x487: {  	v16 =	vand.u32 $0x7F, v15;
	v14 =	vor.u32 v14, v0;
	v0 =	vadd.s32 s7, v62  }
0x488: {  	v3 =	vld [tilespmem:$0x1FF80];
	v15 =	vshll.u32 v15, $0x3;
	v17 =	vand.u32 $0x7F, v0;
	v0 =	vshll.u32 v0, $0x3  }
0x489: {  	v15 =	vand.u32 $0xFFFFFC00, v15;
	v0 =	vand.u32 $0xFFFFFC00, v0  }
0x48a: {  	v18 =	vadd.s32 s30, v62;
	v11 =	vor.u32 v16, v15;
	v16 =	vor.u32 v17, v0  }
0x48b: {  	v1 =	vld [tilespmem:$0x1F210];
	v0 =	vshll.u32 v18, $0x3;
	v17 =	vand.u32 $0x7F, v18;
	v18 =	vadd.s32 s25, v62  }
0x48c: {  	v0 =	vand.u32 $0xFFFFFC00, v0;
	v25 =	vshll.u32 v18, $0x3;
	v18 =	vand.u32 $0x7F, v18  }
0x48d: {  	s31 =	simm.s32 $0x8;
	v17 =	vor.u32 v17, v0;
	v0 =	vadd.s32 v3, v28;
	v25 =	vand.u32 $0xFFFFFC00, v25  }
0x48e: {  	v18 =	vor.u32 v18, v25;
	v25 =	vadd.s32 v3, v29;
	v29 =	vadd.s32 s31, v27  }
0x48f: {  	v45 =	vshll.u32 v29, $0x3  }
0x490: {  	v28 =	vadd.s32 v3, v1;
	v29 =	vand.u32 $0x7F, v29;
	v36 =	vand.u32 $0xFFFFFC00, v45  }
0x491: {  	v48 =	vadd.s32 s31, v35;
	v1 =	vor.u32 v29, v36  }
0x492: {  	v45 =	vshll.u32 v48, $0x3;
	[tilespmem:$0x1F220] =	vst v1  }
0x493: {  	v31 =	vadd.s32 v3, v31;
	v48 =	vand.u32 $0x7F, v48;
	v34 =	vand.u32 $0xFFFFFC00, v45;
	v2 =	vld.idx.msk [tilespmem:v0+s26+$0x0], $0xffff  }
0x494: {  	v33 =	vadd.s32 v3, v4;
	v0 =	vor.u32 v48, v34  }
0x495: {  	v57 =	vadd.s32 s31, v32;
	v29 =	vadd.s32 v3, v6;
	v28 =	vld.idx.msk [tilespmem:v28+s26+$0x0], $0xffff;
	[tilespmem:$0x1F230] =	vst v0  }
0x496: {  	v48 =	vand.u32 $0x7F, v57;
	v57 =	vshll.u32 v57, $0x3;
	v25 =	vld.idx.msk [tilespmem:v25+s26+$0x0], $0xffff  }
0x497: {  	s25 =	simm.s32 $0x195F0;
	v57 =	vand.u32 $0xFFFFFC00, v57  }
0x498: {  	v31 =	vld.idx.msk [tilespmem:v31+s26+$0x0], $0xffff;
	[tilespmem:s25+$0xFFFFFF90] =	vst v2;
	v2 =	vor.u32 v48, v57  }
0x499: {  	v1 =	vadd.s32 s31, v46;
	v33 =	vld.idx.msk [tilespmem:v33+s26+$0x0], $0xffff;
	[tilespmem:$0x1F240] =	vst v2  }
0x49a: {  	v2 =	vld.idx.msk [tilespmem:v29+s26+$0x0], $0xffff;
	v29 =	vshll.u32 v1, $0x3;
	[tilespmem:s25+$0xFFFFFC90] =	vst v28  }
0x49b: {  	v1 =	vand.u32 $0x7F, v1;
	[tilespmem:s25+$0xFFFFFD10] =	vst v25;
	v28 =	vand.u32 $0xFFFFFC00, v29  }
0x49c: {  	v25 =	vor.u32 v1, v28;
	v1 =	vadd.s32 v3, v5;
	v5 =	vld [tilespmem:$0x1FF90]  }
0x49d: {  	v10 =	vadd.s32 v3, v10;
	v3 =	vld [tilespmem:$0x1F250];
	_ =	sdelay $0x3  }
0x49e: {  	[tilespmem:s25+$0xFFFFFD90] =	vst v31  }
0x49f: {  	v6 =	vadd.s32 v5, v3;
	v3 =	vld [tilespmem:$0x1F260];
	_ =	sdelay $0x3  }
0x4a0: {  	[tilespmem:s25+$0xFFFFFE10] =	vst v33  }
0x4a1: {  	v31 =	vadd.s32 v5, v3;
	v3 =	vld [tilespmem:$0x1F270];
	_ =	sdelay $0x3  }
0x4a2: {  	v4 =	vld [tilespmem:$0x1F290]  }
0x4a3: {  	v33 =	vadd.s32 v5, v3;
	v3 =	vld [tilespmem:$0x1F280];
	[tilespmem:s25+$0xFFFFFE90] =	vst v2  }
0x4a4: {  	v2 =	vld [tilespmem:$0x1FFA0];
	_ =	sdelay $0x4  }
0x4a5: {  	v57 =	vadd.s32 v5, v4;
	v4 =	vadd.s32 v2, v52;
	v52 =	vld.idx.msk [tilespmem:v1+s26+$0x0], $0xffff  }
0x4a6: {  	v1 =	vld [tilespmem:$0x1F2E0];
	_ =	sdelay $0x2  }
0x4a7: {  	v45 =	vadd.s32 s31, v40;
	v12 =	vld [tilespmem:$0x1F2D0]  }
0x4a8: {  	v34 =	vshll.u32 v45, $0x3;
	v0 =	vand.u32 $0x7F, v45;
	v45 =	vld [tilespmem:$0x1FFB0]  }
0x4a9: {  	v28 =	vadd.s32 v2, v1;
	v1 =	vld [tilespmem:$0x1F2F0];
	_ =	sdelay $0x3  }
0x4aa: {  	v9 =	vadd.s32 v5, v9  }
0x4ab: {  	v36 =	vadd.s32 v2, v37;
	v37 =	vadd.s32 v2, v12;
	v12 =	vadd.s32 v45, v1;
	v1 =	vld [tilespmem:$0x1F300];
	_ =	sdelay $0x2  }
0x4ac: {  	v7 =	vld [tilespmem:$0x1F2A0]  }
0x4ad: {  	v29 =	vld.idx.msk [tilespmem:v9+s26+$0x0], $0xffff  }
0x4ae: {  	v9 =	vadd.s32 v45, v1;
	v1 =	vld [tilespmem:$0x1F310]  }
0x4af: {  	v34 =	vand.u32 $0xFFFFFC00, v34  }
0x4b0: {  	v0 =	vor.u32 v0, v34;
	v10 =	vld.idx.msk [tilespmem:v10+s26+$0x0], $0xffff  }
0x4b1: {  	v19 =	vadd.s32 v5, v19;
	v3 =	vadd.s32 v5, v3;
	v34 =	vadd.s32 v5, v7;
	v5 =	vld [tilespmem:$0x1F2B0]  }
0x4b2: {  	v7 =	vld [tilespmem:$0x1F2C0]  }
0x4b3: {  	v15 =	vadd.s32 v45, v1;
	v1 =	vld [tilespmem:$0x1F320];
	_ =	sdelay $0x1  }
0x4b4: {  	v6 =	vld.idx.msk [tilespmem:v6+s26+$0x0], $0xffff  }
0x4b5: {  	v48 =	vld [tilespmem:$0x1FFC0];
	v30 =	vadd.s32 v2, v30;
	v38 =	vadd.s32 v2, v38  }
0x4b6: {  	v5 =	vadd.s32 v2, v5;
	v7 =	vadd.s32 v2, v7;
	v2 =	vld.idx.msk [tilespmem:v19+s26+$0x0], $0xffff;
	[tilespmem:s25+$0xFFFFFF10] =	vst v10  }
0x4b7: {  	v19 =	vadd.s32 v45, v1;
	v1 =	vld [tilespmem:$0x1F330];
	_ =	sdelay $0x3  }
0x4b8: {  	[tilespmem:s25+$0xFFFFFFA0] =	vst v6  }
0x4b9: {  	v10 =	vadd.s32 v48, v1;
	v1 =	vld [tilespmem:$0x1FFD0];
	_ =	sdelay $0x4  }
0x4ba: {  	v6 =	vadd.s32 v1, v26;
	v26 =	vadd.s32 v48, v58;
	v58 =	vld [tilespmem:$0x1F340];
	[tilespmem:s25+$0xFFFFFC10] =	vst v52  }
0x4bb: {  	v52 =	vld [tilespmem:$0x1F350];
	[tilespmem:s25+$0xFFFFFCA0] =	vst v29  }
0x4bc: {  	v29 =	vld [tilespmem:$0x1F360]  }
0x4bd: {  	v41 =	vadd.s32 v45, v41;
	v43 =	vadd.s32 v45, v43;
	v13 =	vadd.s32 v45, v13  }
0x4be: {  	v50 =	vadd.s32 v45, v50;
	v51 =	vadd.s32 v48, v51;
	v21 =	vadd.s32 v48, v21  }
0x4bf: {  	v20 =	vadd.s32 v48, v20;
	v59 =	vadd.s32 v48, v59;
	v56 =	vadd.s32 v1, v56  }
0x4c0: {  	[tilespmem:$0x1F680] =	vst v56;
	v45 =	vadd.s32 v48, v58;
	v48 =	vadd.s32 v48, v52;
	v52 =	vadd.s32 v1, v54;
	v54 =	vld [tilespmem:$0x1FFE0]  }
0x4c1: {  	v58 =	vadd.s32 v1, v29;
	v29 =	vld [tilespmem:$0x1F370];
	[tilespmem:s25+$0xFFFFFD20] =	vst v2  }
0x4c2: {  	v2 =	vld [tilespmem:$0x1F380];
	_ =	sdelay $0x4  }
0x4c3: {  	v2 =	vadd.s32 v1, v2  }
0x4c4: {  	[tilespmem:$0x1F6A0] =	vst v2;
	v2 =	vadd.s32 v1, v60  }
0x4c5: {  	[tilespmem:$0x1F6E0] =	vst v2;
	v2 =	vld [tilespmem:$0x1F390];
	_ =	sdelay $0x4  }
0x4c6: {  	v56 =	vadd.s32 v1, v53;
	v53 =	vld.idx.msk [tilespmem:v31+s26+$0x0], $0xffff;
	v31 =	vadd.s32 v1, v2;
	v1 =	vadd.s32 v54, v24  }
0x4c7: {  	[tilespmem:$0x1F6F0] =	vst v1;
	v1 =	vld [tilespmem:$0x1FFF0]  }
0x4c8: {  	v24 =	vadd.s32 v54, v39  }
0x4c9: {  	v2 =	vld.idx.msk [tilespmem:v33+s26+$0x0], $0xffff;
	[tilespmem:$0x1F710] =	vst v24;
	v24 =	vadd.s32 v54, v63  }
0x4ca: {  	[tilespmem:$0x1F720] =	vst v24  }
0x4cb: {  	v33 =	vld.idx.msk [tilespmem:v3+s26+$0x0], $0xffff  }
0x4cc: {  	v3 =	vld.idx.msk [tilespmem:v4+s26+$0x0], $0xffff;
	v4 =	vadd.s32 v1, v49  }
0x4cd: {  	[tilespmem:$0x1F730] =	vst v4;
	v4 =	vadd.s32 v1, v8  }
0x4ce: {  	[tilespmem:$0x1F750] =	vst v4;
	v4 =	vadd.s32 v1, v14  }
0x4cf: {  	[tilespmem:$0x1F760] =	vst v4;
	v4 =	vadd.s32 v1, v16  }
0x4d0: {  	v8 =	vld.idx.msk [tilespmem:v57+s26+$0x0], $0xffff;
	[tilespmem:$0x1F770] =	vst v4;
	v4 =	vadd.s32 v1, v17  }
0x4d1: {  	[tilespmem:$0x1F780] =	vst v4  }
0x4d2: {  	v60 =	vadd.s32 v1, v61;
	v57 =	vadd.s32 v1, v11;
	v1 =	vadd.s32 v1, v18;
	[tilespmem:s25+$0xFFFFFDA0] =	vst v53  }
0x4d3: {  	v11 =	vadd.s32 s31, v62;
	v4 =	vld.idx.msk [tilespmem:v34+s26+$0x0], $0xffff;
	[tilespmem:$0x1F790] =	vst v1  }
0x4d4: {  	v1 =	vand.u32 $0x7F, v11;
	[tilespmem:s25+$0xFFFFFE20] =	vst v2  }
0x4d5: {  	v14 =	vadd.s32 s31, v22;
	v2 =	vld.idx.msk [tilespmem:v30+s26+$0x0], $0xffff;
	[tilespmem:$0x1F3A0] =	vst v1;
	v1 =	vshll.u32 v11, $0x3  }
0x4d6: {  	[tilespmem:$0x1F3B0] =	vst v1;
	v1 =	vand.u32 $0x7F, v14  }
0x4d7: {  	[tilespmem:$0x1F3C0] =	vst v1  }
0x4d8: {  	s2 =	simm.s32 $0x9;
	v1 =	vshll.u32 v14, $0x3;
	[tilespmem:s25+$0xFFFFFEA0] =	vst v33  }
0x4d9: {  	v16 =	vadd.s32 s2, v62;
	v11 =	vld.idx.msk [tilespmem:v5+s26+$0x0], $0xffff;
	[tilespmem:$0x1F3D0] =	vst v1  }
0x4da: {  	v1 =	vand.u32 $0x7F, v16;
	[tilespmem:s25+$0xFFFFFFB0] =	vst v3  }
0x4db: {  	v3 =	vld.idx.msk [tilespmem:v7+s26+$0x0], $0xffff;
	[tilespmem:$0x1F3E0] =	vst v1  }
0x4dc: {  	s0 =	simm.s32 $0xA;
	v14 =	vadd.s32 s31, v55;
	v1 =	vshll.u32 v16, $0x3;
	[tilespmem:s25+$0xFFFFFF20] =	vst v8  }
0x4dd: {  	v30 =	vand.u32 $0x7F, v14;
	v53 =	vshll.u32 v14, $0x3;
	v14 =	vadd.s32 s0, v62;
	v8 =	vld.idx.msk [tilespmem:v36+s26+$0x0], $0xffff;
	[tilespmem:$0x1F3F0] =	vst v1  }
0x4de: {  	s28 =	simm.s32 $0xB;
	[tilespmem:s25+$0xFFFFFC20] =	vst v4;
	v4 =	vand.u32 $0x7F, v14  }
0x4df: {  	v16 =	vadd.s32 s28, v62;
	v1 =	vld.idx.msk [tilespmem:v41+s26+$0x0], $0xffff;
	[tilespmem:$0x1F400] =	vst v4;
	v4 =	vshll.u32 v14, $0x3  }
0x4e0: {  	[tilespmem:$0x1F410] =	vst v4;
	v4 =	vand.u32 $0x7F, v16  }
0x4e1: {  	[tilespmem:$0x1F420] =	vst v4  }
0x4e2: {  	v4 =	vshll.u32 v16, $0x3;
	[tilespmem:s25+$0xFFFFFCB0] =	vst v2  }
0x4e3: {  	v14 =	vadd.s32 s2, v22;
	v2 =	vld.idx.msk [tilespmem:v37+s26+$0x0], $0xffff;
	[tilespmem:$0x1F430] =	vst v4  }
0x4e4: {  	v4 =	vand.u32 $0x7F, v14;
	[tilespmem:s25+$0xFFFFFD30] =	vst v11  }
0x4e5: {  	v16 =	vadd.s32 s0, v22;
	v11 =	vld.idx.msk [tilespmem:v38+s26+$0x0], $0xffff;
	[tilespmem:$0x1F440] =	vst v4;
	v4 =	vshll.u32 v14, $0x3  }
0x4e6: {  	[tilespmem:$0x1F7B0] =	vst v4;
	v4 =	vand.u32 $0x7F, v16  }
0x4e7: {  	[tilespmem:$0x1F450] =	vst v4  }
0x4e8: {  	v4 =	vshll.u32 v16, $0x3;
	[tilespmem:s25+$0xFFFFFDB0] =	vst v3  }
0x4e9: {  	v16 =	vadd.s32 s28, v22;
	v3 =	vld.idx.msk [tilespmem:v28+s26+$0x0], $0xffff;
	[tilespmem:$0x1F460] =	vst v4  }
0x4ea: {  	s4 =	simm.s32 $0xC;
	v4 =	vand.u32 $0x7F, v16;
	[tilespmem:s25+$0xFFFFFE30] =	vst v8  }
0x4eb: {  	v17 =	vadd.s32 s4, v22;
	v8 =	vld.idx.msk [tilespmem:v43+s26+$0x0], $0xffff;
	[tilespmem:$0x1F470] =	vst v4;
	v4 =	vshll.u32 v16, $0x3  }
0x4ec: {  	[tilespmem:$0x1F480] =	vst v4;
	v4 =	vand.u32 $0x7F, v17  }
0x4ed: {  	[tilespmem:$0x1F490] =	vst v4  }
0x4ee: {  	v4 =	vshll.u32 v17, $0x3;
	[tilespmem:s25+$0xFFFFFFC0] =	vst v1  }
0x4ef: {  	s29 =	simm.s32 $0xD;
	v1 =	vld.idx.msk [tilespmem:v12+s26+$0x0], $0xffff;
	[tilespmem:$0x1F4A0] =	vst v4  }
0x4f0: {  	v16 =	vadd.s32 s29, v22;
	[tilespmem:$0x1F4B0] =	vst v22  }
0x4f1: {  	s7 =	simm.s32 $0xE;
	v4 =	vand.u32 $0x7F, v16;
	[tilespmem:s25+$0xFFFFFEB0] =	vst v2  }
0x4f2: {  	v17 =	vadd.s32 s7, v22;
	v2 =	vld.idx.msk [tilespmem:v13+s26+$0x0], $0xffff;
	[tilespmem:$0x1F4C0] =	vst v4;
	v4 =	vshll.u32 v16, $0x3  }
0x4f3: {  	[tilespmem:$0x1F4D0] =	vst v4;
	v4 =	vand.u32 $0x7F, v17  }
0x4f4: {  	[tilespmem:$0x1F4E0] =	vst v4  }
0x4f5: {  	v4 =	vshll.u32 v17, $0x3;
	[tilespmem:s25+$0xFFFFFF30] =	vst v11  }
0x4f6: {  	v13 =	vadd.s32 s2, v27;
	v11 =	vld.idx.msk [tilespmem:v51+s26+$0x0], $0xffff;
	[tilespmem:$0x1F4F0] =	vst v4  }
0x4f7: {  	v16 =	vadd.s32 s0, v27;
	v4 =	vand.u32 $0x7F, v13;
	[tilespmem:s25+$0xFFFFFC30] =	vst v3  }
0x4f8: {  	v3 =	vld.idx.msk [tilespmem:v50+s26+$0x0], $0xffff;
	[tilespmem:$0x1F500] =	vst v4;
	v4 =	vand.u32 $0x7F, v16  }
0x4f9: {  	[tilespmem:$0x1F510] =	vst v4  }
0x4fa: {  	v23 =	vadd.s32 v54, v23;
	v5 =	vshll.u32 v16, $0x3;
	[tilespmem:s25+$0xFFFFFCC0] =	vst v8  }
0x4fb: {  	v29 =	vadd.s32 v54, v29;
	v63 =	vadd.s32 v54, v44;
	v4 =	vld.idx.msk [tilespmem:v9+s26+$0x0], $0xffff;
	v8 =	vadd.s32 s28, v27;
	[tilespmem:$0x1F520] =	vst v5  }
0x4fc: {  	v61 =	vadd.s32 v54, v47;
	v47 =	vadd.s32 v54, v42;
	v5 =	vand.u32 $0x7F, v8;
	[tilespmem:s25+$0xFFFFFD40] =	vst v1  }
0x4fd: {  	v24 =	vmovc v54;
	v54 =	vshll.u32 v13, $0x3;
	v13 =	vadd.s32 s4, v27;
	v1 =	vld.idx.msk [tilespmem:v15+s26+$0x0], $0xffff;
	[tilespmem:$0x1F530] =	vst v5;
	v5 =	vshll.u32 v8, $0x3  }
0x4fe: {  	[tilespmem:$0x1F540] =	vst v5;
	v5 =	vand.u32 $0x7F, v13  }
0x4ff: {  	[tilespmem:$0x1F550] =	vst v5  }
0x500: {  	v5 =	vshll.u32 v13, $0x3;
	[tilespmem:s25+$0xFFFFFDC0] =	vst v2  }
0x501: {  	v2 =	vld.idx.msk [tilespmem:v19+s26+$0x0], $0xffff;
	[tilespmem:$0x1F560] =	vst v5  }
0x502: {  	v5 =	vadd.s32 s29, v27;
	[tilespmem:$0x1F570] =	vst v27  }
0x503: {  	[tilespmem:s25+$0xFFFFFFD0] =	vst v11;
	v9 =	vand.u32 $0x7F, v5  }
0x504: {  	v7 =	vadd.s32 s7, v27;
	v8 =	vld.idx.msk [tilespmem:v21+s26+$0x0], $0xffff;
	v5 =	vshll.u32 v5, $0x3;
	[tilespmem:$0x1F580] =	vst v9  }
0x505: {  	[tilespmem:$0x1F590] =	vst v5;
	v5 =	vand.u32 $0x7F, v7  }
0x506: {  	[tilespmem:$0x1F5A0] =	vst v5  }
0x507: {  	v5 =	vshll.u32 v7, $0x3;
	[tilespmem:s25+$0xFFFFFE40] =	vst v3  }
0x508: {  	v3 =	vld.idx.msk [tilespmem:v20+s26+$0x0], $0xffff;
	[tilespmem:$0x1F5B0] =	vst v5;
	v5 =	vadd.s32 s2, v32  }
0x509: {  	v7 =	vadd.s32 s0, v32;
	[tilespmem:s25+$0xFFFFFEC0] =	vst v4;
	v4 =	vld.idx.msk [tilespmem:v6+s26+$0x0], $0xffff;
	v6 =	vand.u32 $0x7F, v5  }
0x50a: {  	v33 =	vshll.u32 v5, $0x3;
	v5 =	vand.u32 $0x7F, v7;
	[tilespmem:$0x1F5C0] =	vst v6  }
0x50b: {  	[tilespmem:$0x1F5D0] =	vst v5  }
0x50c: {  	[tilespmem:s25+$0xFFFFFF40] =	vst v1;
	v1 =	vshll.u32 v7, $0x3  }
0x50d: {  	v13 =	vadd.s32 s28, v32;
	v5 =	vld.idx.msk [tilespmem:v10+s26+$0x0], $0xffff;
	[tilespmem:$0x1F5E0] =	vst v1  }
0x50e: {  	v1 =	vand.u32 $0x7F, v13;
	[tilespmem:s25+$0xFFFFFC40] =	vst v2  }
0x50f: {  	v7 =	vadd.s32 s4, v32;
	v11 =	vld.idx.msk [tilespmem:v26+s26+$0x0], $0xffff;
	[tilespmem:$0x1F5F0] =	vst v1;
	v1 =	vshll.u32 v13, $0x3  }
0x510: {  	[tilespmem:$0x1F600] =	vst v1;
	v1 =	vand.u32 $0x7F, v7  }
0x511: {  	[tilespmem:$0x1F610] =	vst v1  }
0x512: {  	v1 =	vshll.u32 v7, $0x3;
	[tilespmem:s25+$0xFFFFFCD0] =	vst v8  }
0x513: {  	v8 =	vld.idx.msk [tilespmem:v45+s26+$0x0], $0xffff;
	[tilespmem:$0x1F620] =	vst v1  }
0x514: {  	v13 =	vadd.s32 s29, v32;
	[tilespmem:$0x1F630] =	vst v32  }
0x515: {  	v1 =	vand.u32 $0x7F, v13;
	[tilespmem:s25+$0xFFFFFD50] =	vst v3  }
0x516: {  	v7 =	vadd.s32 s7, v32;
	v3 =	vld.idx.msk [tilespmem:v59+s26+$0x0], $0xffff;
	[tilespmem:$0x1F640] =	vst v1;
	v1 =	vshll.u32 v13, $0x3  }
0x517: {  	[tilespmem:$0x1F650] =	vst v1;
	v1 =	vand.u32 $0x7F, v7  }
0x518: {  	[tilespmem:$0x1F660] =	vst v1  }
0x519: {  	v1 =	vshll.u32 v7, $0x3;
	[tilespmem:s25+$0xFFFFFFE0] =	vst v4  }
0x51a: {  	v13 =	vld.idx.msk [tilespmem:v48+s26+$0x0], $0xffff;
	[tilespmem:$0x1F670] =	vst v1  }
0x51b: {  	[tilespmem:s25+$0xFFFFFDD0] =	vst v5  }
0x51c: {  	[tilespmem:s25+$0xFFFFFE50] =	vst v11  }
0x51d: {  	[tilespmem:s25+$0xFFFFFED0] =	vst v8  }
0x51e: {  	[tilespmem:s25+$0xFFFFFF50] =	vst v3  }
0x51f: {  	v1 =	vld [tilespmem:$0x1F680];
	_ =	sdelay $0x4  }
0x520: {  	v16 =	vld.idx.msk [tilespmem:v52+s26+$0x0], $0xffff  }
0x521: {  	v11 =	vld.idx.msk [tilespmem:v29+s26+$0x0], $0xffff  }
0x522: {  	v10 =	vld.idx.msk [tilespmem:v58+s26+$0x0], $0xffff  }
0x523: {  	v18 =	vld.idx.msk [tilespmem:v1+s26+$0x0], $0xffff;
	[tilespmem:$0x1F690] =	vst v35  }
0x524: {  	[tilespmem:s25+$0xFFFFFC50] =	vst v13  }
0x525: {  	v1 =	vld [tilespmem:$0x1F6A0];
	_ =	sdelay $0x3  }
0x526: {  	v17 =	vadd.s32 s4, v35;
	v9 =	vadd.s32 s0, v35;
	v4 =	vadd.s32 s2, v35  }
0x527: {  	v7 =	vand.u32 $0x7F, v4;
	v21 =	vshll.u32 v4, $0x3;
	v4 =	vadd.s32 s28, v35  }
0x528: {  	v6 =	vand.u32 $0x7F, v9;
	v29 =	vshll.u32 v9, $0x3;
	v5 =	vand.u32 $0x7F, v4  }
0x529: {  	v9 =	vshll.u32 v4, $0x3;
	v4 =	vand.u32 $0x7F, v17;
	v3 =	vadd.s32 s29, v35  }
0x52a: {  	v8 =	vshll.u32 v17, $0x3;
	v17 =	vadd.s32 s7, v35;
	v13 =	vld.idx.msk [tilespmem:v1+s26+$0x0], $0xffff;
	v1 =	vand.u32 $0x7F, v3  }
0x52b: {  	[tilespmem:$0x1F6B0] =	vst v1;
	v1 =	vand.u32 $0x7F, v17  }
0x52c: {  	[tilespmem:$0x1F6C0] =	vst v1  }
0x52d: {  	v1 =	vshll.u32 v17, $0x3;
	[tilespmem:s25+$0xFFFFFCE0] =	vst v16  }
0x52e: {  	v16 =	vld.idx.msk [tilespmem:v56+s26+$0x0], $0xffff;
	[tilespmem:$0x1F6D0] =	vst v1  }
0x52f: {  	[tilespmem:s25+$0xFFFFFFF0] =	vst v11  }
0x530: {  	v1 =	vld [tilespmem:$0x1F6E0];
	[tilespmem:s25+$0xFFFFFD60] =	vst v10  }
0x531: {  	[tilespmem:s25+$0xFFFFFDE0] =	vst v18  }
0x532: {  	[tilespmem:s25+$0xFFFFFE60] =	vst v13  }
0x533: {  	v2 =	vld [tilespmem:$0x1F6F0];
	_ =	sdelay $0x4  }
0x534: {  	v11 =	vld.idx.msk [tilespmem:v1+s26+$0x0], $0xffff  }
0x535: {  	v10 =	vld.idx.msk [tilespmem:v31+s26+$0x0], $0xffff  }
0x536: {  	v18 =	vld.idx.msk [tilespmem:v60+s26+$0x0], $0xffff  }
0x537: {  	v13 =	vld.idx.msk [tilespmem:v2+s26+$0x0], $0xffff;
	[tilespmem:$0x1F700] =	vst v40  }
0x538: {  	[tilespmem:s25+$0xFFFFFEE0] =	vst v16  }
0x539: {  	[tilespmem:s25+$0xFFFFFF60] =	vst v11  }
0x53a: {  	v2 =	vld [tilespmem:$0x1F710];
	_ =	sdelay $0x4  }
0x53b: {  	v17 =	vadd.s32 s2, v40  }
0x53c: {  	v39 =	vand.u32 $0x7F, v17;
	v1 =	vshll.u32 v17, $0x3;
	v17 =	vadd.s32 s28, v40  }
0x53d: {  	v36 =	vand.u32 $0x7F, v17;
	v44 =	vshll.u32 v17, $0x3;
	v17 =	vadd.s32 s29, v40;
	v16 =	vld.idx.msk [tilespmem:v61+s26+$0x0], $0xffff  }
0x53e: {  	v34 =	vand.u32 $0x7F, v17;
	v38 =	vshll.u32 v17, $0x3;
	v17 =	vld.idx.msk [tilespmem:v2+s26+$0x0], $0xffff  }
0x53f: {  	[tilespmem:s25+$0xFFFFFC60] =	vst v10  }
0x540: {  	v2 =	vld [tilespmem:$0x1F720];
	[tilespmem:s25+$0x0] =	vst v18  }
0x541: {  	[tilespmem:s25+$0xFFFFFCF0] =	vst v13  }
0x542: {  	[tilespmem:s25+$0xFFFFFD70] =	vst v16  }
0x543: {  	[tilespmem:s25+$0xFFFFFDF0] =	vst v17  }
0x544: {  	v17 =	vld [tilespmem:$0x1F730];
	_ =	sdelay $0x3  }
0x545: {  	v10 =	vld.idx.msk [tilespmem:v2+s26+$0x0], $0xffff  }
0x546: {  	v14 =	vld.idx.msk [tilespmem:v23+s26+$0x0], $0xffff  }
0x547: {  	v18 =	vld.idx.msk [tilespmem:v63+s26+$0x0], $0xffff  }
0x548: {  	v63 =	vld.idx.msk [tilespmem:v47+s26+$0x0], $0xffff  }
0x549: {  	v23 =	vld.idx.msk [tilespmem:v17+s26+$0x0], $0xffff;
	[tilespmem:$0x1F740] =	vst v46  }
0x54a: {  	[tilespmem:s25+$0xFFFFFE70] =	vst v10  }
0x54b: {  	v10 =	vld [tilespmem:$0x1F750];
	_ =	sdelay $0x7  }
0x54c: {  	v10 =	vld.idx.msk [tilespmem:v10+s26+$0x0], $0xffff  }
0x54d: {  	[tilespmem:s25+$0xFFFFFEF0] =	vst v18  }
0x54e: {  	v17 =	vld [tilespmem:$0x1F760];
	[tilespmem:s25+$0xFFFFFF70] =	vst v63  }
0x54f: {  	[tilespmem:s25+$0xFFFFFC70] =	vst v14  }
0x550: {  	v14 =	vld [tilespmem:$0x1F770];
	[tilespmem:s25+$0xFFFFFD00] =	vst v23  }
0x551: {  	v20 =	vld [tilespmem:$0x1F780];
	[tilespmem:s25+$0xFFFFFD80] =	vst v10  }
0x552: {  	v15 =	vadd.s32 s29, v46;
	v10 =	vld [tilespmem:$0x1F790]  }
0x553: {  	v12 =	vadd.s32 s28, v46;
	v50 =	vand.u32 $0x7F, v15  }
0x554: {  	v33 =	vand.u32 $0xFFFFFC00, v33;
	v59 =	vadd.s32 s7, v40;
	v58 =	vadd.s32 s4, v40  }
0x555: {  	v60 =	vadd.s32 s0, v46;
	v61 =	vadd.s32 s4, v46;
	v11 =	vadd.s32 s2, v46  }
0x556: {  	v16 =	vand.u32 $0xFFFFFC00, v53;
	v53 =	vshll.u32 v15, $0x3;
	v15 =	vadd.s32 s7, v46;
	v46 =	vld.idx.msk [tilespmem:v17+s26+$0x0], $0xffff  }
0x557: {  	v32 =	vshll.u32 v59, $0x3;
	v42 =	vshll.u32 v58, $0x3;
	v56 =	vadd.s32 s0, v40;
	v19 =	vld.idx.msk [tilespmem:v57+s26+$0x0], $0xffff  }
0x558: {  	v35 =	vand.u32 $0x7F, v58;
	v3 =	vshll.u32 v3, $0x3;
	v37 =	vand.u32 $0x7F, v56;
	v14 =	vld.idx.msk [tilespmem:v14+s26+$0x0], $0xffff  }
0x559: {  	v49 =	vand.u32 $0x7F, v60;
	v22 =	vshll.u32 v60, $0x3;
	v60 =	vadd.s32 s28, v55;
	v20 =	vld.idx.msk [tilespmem:v20+s26+$0x0], $0xffff  }
0x55a: {  	v45 =	vshll.u32 v56, $0x3;
	v31 =	vand.u32 $0x7F, v59;
	v59 =	vand.u32 $0x7F, v60;
	v23 =	vld.idx.msk [tilespmem:v10+s26+$0x0], $0xffff;
	[tilespmem:$0x1F7A0] =	vst v55  }
0x55b: {  	v60 =	vshll.u32 v60, $0x3;
	v48 =	vand.u32 $0x7F, v61;
	v51 =	vand.u32 $0x7F, v11;
	[tilespmem:s25+$0xFFFFFE00] =	vst v46  }
0x55c: {  	v13 =	vshll.u32 v12, $0x3;
	v47 =	vand.u32 $0x7F, v15;
	v52 =	vshll.u32 v15, $0x3;
	[tilespmem:s25+$0xFFFFFE80] =	vst v19  }
0x55d: {  	v15 =	vadd.s32 s2, v55;
	v2 =	vshll.u32 v11, $0x3;
	v11 =	vand.u32 $0x7F, v12;
	v19 =	vld [tilespmem:$0x1F7B0];
	[tilespmem:s25+$0xFFFFFF00] =	vst v14  }
0x55e: {  	v12 =	vshll.u32 v61, $0x3;
	v61 =	vadd.s32 s4, v55;
	v18 =	vadd.s32 s0, v55;
	[tilespmem:s25+$0xFFFFFF80] =	vst v20  }
0x55f: {  	v63 =	vadd.s32 s29, v55;
	v10 =	vadd.s32 s7, v55;
	v55 =	vand.u32 $0xFFFFFC00, v2;
	[tilespmem:$0x1F7C0] =	vst v62  }
0x560: {  	v2 =	vadd.s32 s29, v62;
	v58 =	vand.u32 $0x7F, v10;
	v56 =	vshll.u32 v10, $0x3;
	[tilespmem:s25+$0xFFFFFC80] =	vst v23  }
0x561: {  	v10 =	vand.u32 $0xFFFFFC00, v54;
	v54 =	vand.u32 $0xFFFFFC00, v1;
	v1 =	vadd.s32 s7, v62;
	[tilespmem:$0x1F7F0] =	vst v2  }
0x562: {  	v40 =	vand.u32 $0x7F, v15;
	v41 =	vand.u32 $0x7F, v61;
	v2 =	vand.u32 $0x7F, v2;
	[tilespmem:$0x1F810] =	vst v1  }
0x563: {  	v61 =	vshll.u32 v61, $0x3;
	v43 =	vand.u32 $0x7F, v63;
	v1 =	vand.u32 $0x7F, v1;
	[tilespmem:$0x1F800] =	vst v2  }
0x564: {  	v57 =	vshll.u32 v63, $0x3;
	v63 =	vand.u32 $0xFFFFFC00, v19;
	v19 =	vadd.s32 s4, v62;
	[tilespmem:$0x1F820] =	vst v1  }
0x565: {  	v17 =	vshll.u32 v15, $0x3;
	v15 =	vand.u32 $0x7F, v18;
	[tilespmem:$0x1F7D0] =	vst v19;
	v19 =	vand.u32 $0x7F, v19  }
0x566: {  	s28 =	simm.s32 $0x10;
	v18 =	vshll.u32 v18, $0x3;
	s29 =	simm.s32 $0xF;
	v46 =	vand.u32 $0xFFFFFC00, v21;
	v14 =	vand.u32 $0xFFFFFC00, v22;
	[tilespmem:$0x1F7E0] =	vst v19  }
.LBB2_7:
0x567: {  	v21 =	vmov v63;
	v63 =	vld [tilespmem:$0x1F7A0]  }
0x568: {  	v1 =	vld [tilespmem:$0x1FF80]  }
0x569: {  	v16 =	vor.u32 v30, v16;
	v17 =	vand.u32 $0xFFFFFC00, v17  }
0x56a: {  	v18 =	vand.u32 $0xFFFFFC00, v18;
	v60 =	vand.u32 $0xFFFFFC00, v60;
	v61 =	vand.u32 $0xFFFFFC00, v61  }
0x56b: {  	v23 =	vand.u32 $0xFFFFFC00, v57;
	v17 =	vor.u32 v40, v17;
	v15 =	vor.u32 v15, v18  }
0x56c: {  	v18 =	vand.u32 $0xFFFFFC00, v56;
	v41 =	vor.u32 v41, v61;
	v40 =	vor.u32 v43, v23  }
0x56d: {  	v18 =	vor.u32 v58, v18;
	v30 =	vadd.s32 s29, v63;
	v16 =	vadd.s32 v1, v16  }
0x56e: {  	v17 =	vadd.s32 v1, v17;
	v15 =	vadd.s32 v1, v15;
	v62 =	vshll.u32 v30, $0x3  }
0x56f: {  	v41 =	vadd.s32 v1, v41;
	v30 =	vand.u32 $0x7F, v30;
	v62 =	vand.u32 $0xFFFFFC00, v62  }
0x570: {  	v40 =	vadd.s32 v1, v40;
	v30 =	vor.u32 v30, v62;
	v62 =	vor.u32 v59, v60  }
0x571: {  	v18 =	vadd.s32 v1, v18;
	v30 =	vadd.s32 v1, v30;
	v56 =	vadd.s32 v1, v62;
	v1 =	vld [tilespmem:$0x1FF90];
	_ =	sdelay $0x1  }
0x572: {  	v2 =	vld [tilespmem:$0x1FFA0]  }
0x573: {  	v61 =	vld [tilespmem:$0x1F740]  }
0x574: {  	v13 =	vand.u32 $0xFFFFFC00, v13;
	v12 =	vand.u32 $0xFFFFFC00, v12;
	v14 =	vor.u32 v49, v14;
	v15 =	vld.idx.msk [tilespmem:v15+s26+$0x0], $0xffff  }
0x575: {  	v53 =	vand.u32 $0xFFFFFC00, v53;
	v11 =	vor.u32 v11, v13;
	v59 =	vld.idx.msk [tilespmem:v56+s26+$0x0], $0xffff;
	v14 =	vadd.s32 v1, v14  }
0x576: {  	v51 =	vor.u32 v51, v55;
	v60 =	vor.u32 v50, v53;
	v50 =	vld [tilespmem:$0x1F700];
	v11 =	vadd.s32 v1, v11  }
0x577: {  	v39 =	vor.u32 v39, v54;
	v55 =	vand.u32 $0xFFFFFC00, v44;
	v38 =	vand.u32 $0xFFFFFC00, v38;
	v13 =	vld.idx.msk [tilespmem:v41+s26+$0x0], $0xffff  }
0x578: {  	s25 =	sadd.s32 $0x400, s25;
	v32 =	vand.u32 $0xFFFFFC00, v32;
	v12 =	vor.u32 v48, v12;
	v36 =	vor.u32 v36, v55;
	v30 =	vld.idx.msk [tilespmem:v30+s26+$0x0], $0xffff  }
0x579: {  	v34 =	vor.u32 v34, v38;
	v58 =	vadd.s32 v2, v36;
	v22 =	vadd.s32 s29, v61;
	[tilespmem:s25+$0xFFFFFD10] =	vst v15  }
0x57a: {  	v34 =	vadd.s32 v2, v34;
	v0 =	vadd.s32 v2, v0;
	v23 =	vshll.u32 v22, $0x3;
	v14 =	vld.idx.msk [tilespmem:v14+s26+$0x0], $0xffff;
	[tilespmem:s25+$0xFFFFFD90] =	vst v59  }
0x57b: {  	v57 =	vand.u32 $0xFFFFFC00, v23;
	v62 =	vadd.s32 s29, v50;
	v12 =	vadd.s32 v1, v12;
	v11 =	vld.idx.msk [tilespmem:v11+s26+$0x0], $0xffff  }
0x57c: {  	v23 =	vand.u32 $0x7F, v62;
	v56 =	vadd.s32 v2, v39;
	v15 =	vand.u32 $0xFFFFFC00, v45;
	[tilespmem:s25+$0xFFFFFE10] =	vst v13  }
0x57d: {  	v13 =	vand.u32 $0xFFFFFC00, v42;
	v15 =	vor.u32 v37, v15;
	[tilespmem:s25+$0xFFFFFF90] =	vst v30;
	v30 =	vshll.u32 v62, $0x3  }
0x57e: {  	v13 =	vor.u32 v35, v13;
	v15 =	vadd.s32 v2, v15;
	v30 =	vand.u32 $0xFFFFFC00, v30  }
0x57f: {  	v30 =	vor.u32 v23, v30;
	[tilespmem:s25+$0xFFFFFD20] =	vst v14;
	v14 =	vand.u32 $0xFFFFFC00, v29;
	v29 =	vor.u32 v31, v32  }
0x580: {  	v13 =	vadd.s32 v2, v13;
	v30 =	vadd.s32 v2, v30;
	[tilespmem:s25+$0xFFFFFDA0] =	vst v11;
	v11 =	vadd.s32 v2, v29;
	v2 =	vld [tilespmem:$0x1F6B0]  }
0x581: {  	v12 =	vld.idx.msk [tilespmem:v12+s26+$0x0], $0xffff  }
0x582: {  	v62 =	vld [tilespmem:$0x1F630];
	_ =	sdelay $0x1  }
0x583: {  	v3 =	vand.u32 $0xFFFFFC00, v3  }
0x584: {  	v3 =	vor.u32 v2, v3;
	v2 =	vld [tilespmem:$0x1F6D0];
	_ =	sdelay $0x1  }
0x585: {  	v9 =	vand.u32 $0xFFFFFC00, v9;
	v17 =	vld.idx.msk [tilespmem:v17+s26+$0x0], $0xffff;
	[tilespmem:s25+$0xFFFFFE20] =	vst v12;
	v12 =	vadd.s32 s29, v62  }
0x586: {  	v5 =	vor.u32 v5, v9;
	v9 =	vld.idx.msk [tilespmem:v13+s26+$0x0], $0xffff;
	v13 =	vshll.u32 v12, $0x3  }
0x587: {  	v15 =	vld.idx.msk [tilespmem:v15+s26+$0x0], $0xffff;
	v12 =	vand.u32 $0x7F, v12;
	v13 =	vand.u32 $0xFFFFFC00, v13  }
0x588: {  	v12 =	vor.u32 v12, v13;
	v13 =	vand.u32 $0xFFFFFC00, v2;
	v2 =	vld [tilespmem:$0x1F5E0];
	_ =	sdelay $0x2  }
0x589: {  	v40 =	vld.idx.msk [tilespmem:v40+s26+$0x0], $0xffff  }
0x58a: {  	v43 =	vand.u32 $0x7F, v22;
	[tilespmem:s25+$0xFFFFFC90] =	vst v17;
	v17 =	vadd.s32 v1, v60  }
0x58b: {  	v43 =	vor.u32 v43, v57;
	[tilespmem:s25+$0xFFFFFD30] =	vst v15;
	v15 =	vand.u32 $0xFFFFFC00, v2;
	v2 =	vld [tilespmem:$0x1F6C0]  }
0x58c: {  	v43 =	vadd.s32 v1, v43  }
0x58d: {  	v57 =	vld [tilespmem:$0x1F690]  }
0x58e: {  	v18 =	vld.idx.msk [tilespmem:v18+s26+$0x0], $0xffff;
	[tilespmem:s25+$0xFFFFFE90] =	vst v40  }
0x58f: {  	v17 =	vld.idx.msk [tilespmem:v17+s26+$0x0], $0xffff  }
0x590: {  	v13 =	vor.u32 v2, v13;
	v2 =	vld [tilespmem:$0x1F5C0]  }
0x591: {  	v52 =	vand.u32 $0xFFFFFC00, v52;
	v22 =	vld.idx.msk [tilespmem:v43+s26+$0x0], $0xffff  }
0x592: {  	v47 =	vor.u32 v47, v52;
	v16 =	vld.idx.msk [tilespmem:v16+s26+$0x0], $0xffff  }
0x593: {  	v51 =	vadd.s32 v1, v51;
	v53 =	vadd.s32 v1, v47;
	v25 =	vadd.s32 v1, v25;
	v1 =	vld [tilespmem:$0x1FFB0]  }
0x594: {  	[tilespmem:s25+$0xFFFFFF10] =	vst v18;
	v6 =	vor.u32 v6, v14;
	v14 =	vld.idx.msk [tilespmem:v58+s26+$0x0], $0xffff  }
0x595: {  	v18 =	vadd.s32 s29, v57;
	[tilespmem:s25+$0xFFFFFEA0] =	vst v17;
	v17 =	vor.u32 v2, v33;
	v2 =	vld [tilespmem:$0x1F600]  }
0x596: {  	v60 =	vshll.u32 v18, $0x3;
	[tilespmem:s25+$0xFFFFFFA0] =	vst v22  }
0x597: {  	[tilespmem:s25+$0xFFFFFC10] =	vst v16;
	v18 =	vand.u32 $0x7F, v18;
	v16 =	vld.idx.msk [tilespmem:v30+s26+$0x0], $0xffff;
	v30 =	vand.u32 $0xFFFFFC00, v60  }
0x598: {  	v18 =	vor.u32 v18, v30  }
0x599: {  	v18 =	vadd.s32 v1, v18  }
0x59a: {  	[tilespmem:s25+$0xFFFFFDB0] =	vst v14;
	v14 =	vand.u32 $0xFFFFFC00, v2;
	v2 =	vld [tilespmem:$0x1F230];
	_ =	sdelay $0x1  }
0x59b: {  	v7 =	vor.u32 v7, v46;
	v8 =	vand.u32 $0xFFFFFC00, v8;
	v52 =	vld.idx.msk [tilespmem:v51+s26+$0x0], $0xffff  }
0x59c: {  	v4 =	vor.u32 v4, v8;
	v25 =	vld.idx.msk [tilespmem:v25+s26+$0x0], $0xffff;
	v7 =	vadd.s32 v1, v7;
	[tilespmem:s25+$0xFFFFFFB0] =	vst v16  }
0x59d: {  	v5 =	vadd.s32 v1, v5;
	v4 =	vadd.s32 v1, v4;
	v6 =	vadd.s32 v1, v6;
	v16 =	vld.idx.msk [tilespmem:v18+s26+$0x0], $0xffff  }
0x59e: {  	v3 =	vadd.s32 v1, v3;
	v13 =	vadd.s32 v1, v13;
	v18 =	vadd.s32 v1, v2;
	v1 =	vld [tilespmem:$0x1F5D0];
	_ =	sdelay $0x2  }
0x59f: {  	[tilespmem:s25+$0xFFFFFC20] =	vst v25  }
0x5a0: {  	v0 =	vld.idx.msk [tilespmem:v0+s26+$0x0], $0xffff  }
0x5a1: {  	[tilespmem:s25+$0xFFFFFCA0] =	vst v52;
	v15 =	vor.u32 v1, v15;
	v1 =	vld [tilespmem:$0x1F5F0]  }
0x5a2: {  	v30 =	vld.idx.msk [tilespmem:v56+s26+$0x0], $0xffff  }
0x5a3: {  	v19 =	vld [tilespmem:$0x1FFC0]  }
0x5a4: {  	v27 =	vld [tilespmem:$0x1F570]  }
0x5a5: {  	v59 =	vld.idx.msk [tilespmem:v53+s26+$0x0], $0xffff  }
0x5a6: {  	[tilespmem:s25+$0xFFFFFC30] =	vst v0;
	v14 =	vor.u32 v1, v14;
	v1 =	vld [tilespmem:$0x1F620]  }
0x5a7: {  	v0 =	vld [tilespmem:$0x1F610];
	[tilespmem:s25+$0xFFFFFCB0] =	vst v30  }
0x5a8: {  	v7 =	vld.idx.msk [tilespmem:v7+s26+$0x0], $0xffff  }
0x5a9: {  	v8 =	vld.idx.msk [tilespmem:v34+s26+$0x0], $0xffff;
	v12 =	vadd.s32 v19, v12  }
0x5aa: {  	[tilespmem:s25+$0xFFFFFF20] =	vst v59;
	v22 =	vld [tilespmem:$0x1F4B0]  }
0x5ab: {  	v11 =	vld.idx.msk [tilespmem:v11+s26+$0x0], $0xffff;
	[tilespmem:s25+$0xFFFFFE30] =	vst v9;
	v1 =	vand.u32 $0xFFFFFC00, v1  }
0x5ac: {  	[tilespmem:s25+$0xFFFFFFC0] =	vst v16;
	v0 =	vor.u32 v0, v1;
	v1 =	vld [tilespmem:$0x1F650]  }
0x5ad: {  	v9 =	vadd.s32 s29, v27;
	[tilespmem:s25+$0xFFFFFCC0] =	vst v7;
	v7 =	vld [tilespmem:$0x1F640]  }
0x5ae: {  	[tilespmem:s25+$0xFFFFFEB0] =	vst v8;
	v16 =	vshll.u32 v9, $0x3;
	v8 =	vld.idx.msk [tilespmem:v12+s26+$0x0], $0xffff  }
0x5af: {  	v12 =	vand.u32 $0xFFFFFC00, v16;
	v16 =	vld [tilespmem:$0x1FFD0]  }
0x5b0: {  	v4 =	vld.idx.msk [tilespmem:v4+s26+$0x0], $0xffff;
	[tilespmem:s25+$0xFFFFFF30] =	vst v11  }
0x5b1: {  	v2 =	vld.idx.msk [tilespmem:v13+s26+$0x0], $0xffff;
	v1 =	vand.u32 $0xFFFFFC00, v1  }
0x5b2: {  	v9 =	vand.u32 $0x7F, v9;
	v1 =	vor.u32 v7, v1;
	v7 =	vld [tilespmem:$0x1F670]  }
0x5b3: {  	v9 =	vor.u32 v9, v12;
	v13 =	vld [tilespmem:$0x1F660]  }
0x5b4: {  	v5 =	vld.idx.msk [tilespmem:v5+s26+$0x0], $0xffff;
	v9 =	vadd.s32 v16, v9  }
0x5b5: {  	v17 =	vadd.s32 v19, v17  }
0x5b6: {  	v20 =	vld [tilespmem:$0x1F7C0]  }
0x5b7: {  	v3 =	vld.idx.msk [tilespmem:v3+s26+$0x0], $0xffff;
	[tilespmem:s25+$0xFFFFFE40] =	vst v4;
	v7 =	vand.u32 $0xFFFFFC00, v7  }
0x5b8: {  	v6 =	vld.idx.msk [tilespmem:v6+s26+$0x0], $0xffff;
	[tilespmem:s25+$0xFFFFFFD0] =	vst v8;
	v7 =	vor.u32 v13, v7  }
0x5b9: {  	[tilespmem:s25+$0xFFFFFDC0] =	vst v5;
	v4 =	vld.idx.msk [tilespmem:v9+s26+$0x0], $0xffff;
	v5 =	vadd.s32 v19, v7;
	v7 =	vadd.s32 s29, v22  }
0x5ba: {  	v12 =	vld.idx.msk [tilespmem:v17+s26+$0x0], $0xffff;
	v8 =	vshll.u32 v7, $0x3  }
0x5bb: {  	v9 =	vld [tilespmem:$0x1F540];
	v7 =	vand.u32 $0x7F, v7;
	v8 =	vand.u32 $0xFFFFFC00, v8  }
0x5bc: {  	[tilespmem:s25+$0xFFFFFEC0] =	vst v3;
	v3 =	vor.u32 v7, v8;
	v7 =	vld [tilespmem:$0x1F530]  }
0x5bd: {  	[tilespmem:s25+$0xFFFFFD40] =	vst v6;
	v6 =	vld [tilespmem:$0x1F520]  }
0x5be: {  	v17 =	vld [tilespmem:$0x1F510];
	v14 =	vadd.s32 v19, v14  }
0x5bf: {  	[tilespmem:s25+$0xFFFFFCD0] =	vst v12;
	v12 =	vld [tilespmem:$0x1F5A0]  }
0x5c0: {  	v9 =	vand.u32 $0xFFFFFC00, v9;
	v11 =	vld.idx.msk [tilespmem:v18+s26+$0x0], $0xffff  }
0x5c1: {  	v8 =	vld [tilespmem:$0x1F560];
	v7 =	vor.u32 v7, v9  }
0x5c2: {  	[tilespmem:s25+$0xFFFFFF40] =	vst v2;
	v2 =	vadd.s32 v24, v3;
	v3 =	vadd.s32 v16, v7;
	v7 =	vld [tilespmem:$0x1F550]  }
0x5c3: {  	v14 =	vld.idx.msk [tilespmem:v14+s26+$0x0], $0xffff  }
0x5c4: {  	v6 =	vand.u32 $0xFFFFFC00, v6;
	v15 =	vadd.s32 v19, v15;
	v13 =	vld [tilespmem:$0x1F500]  }
0x5c5: {  	v6 =	vor.u32 v17, v6;
	v17 =	vld [tilespmem:$0x1FFF0]  }
0x5c6: {  	[tilespmem:s25+$0xFFFFFC40] =	vst v11;
	v11 =	vld [tilespmem:$0x1F580];
	v0 =	vadd.s32 v19, v0;
	v8 =	vand.u32 $0xFFFFFC00, v8  }
0x5c7: {  	v1 =	vadd.s32 v19, v1;
	v7 =	vor.u32 v7, v8;
	v8 =	vld [tilespmem:$0x1F590]  }
0x5c8: {  	[tilespmem:s25+$0xFFFFFDD0] =	vst v14;
	v14 =	vld [tilespmem:$0x1F460]  }
0x5c9: {  	v10 =	vor.u32 v13, v10;
	v13 =	vld.idx.msk [tilespmem:v15+s26+$0x0], $0xffff  }
0x5ca: {  	v15 =	vld [tilespmem:$0x1F240]  }
0x5cb: {  	v0 =	vld.idx.msk [tilespmem:v0+s26+$0x0], $0xffff  }
0x5cc: {  	v1 =	vld.idx.msk [tilespmem:v1+s26+$0x0], $0xffff;
	v10 =	vadd.s32 v16, v10;
	v8 =	vand.u32 $0xFFFFFC00, v8  }
0x5cd: {  	v6 =	vadd.s32 v16, v6;
	v8 =	vor.u32 v11, v8;
	v11 =	vld [tilespmem:$0x1F5B0]  }
0x5ce: {  	[tilespmem:s25+$0xFFFFFFE0] =	vst v4;
	v5 =	vld.idx.msk [tilespmem:v5+s26+$0x0], $0xffff  }
0x5cf: {  	v15 =	vadd.s32 v19, v15;
	[tilespmem:s25+$0xFFFFFD50] =	vst v13;
	v13 =	vld [tilespmem:$0x1F440]  }
0x5d0: {  	v2 =	vld.idx.msk [tilespmem:v2+s26+$0x0], $0xffff  }
0x5d1: {  	v10 =	vld.idx.msk [tilespmem:v10+s26+$0x0], $0xffff  }
0x5d2: {  	v6 =	vld.idx.msk [tilespmem:v6+s26+$0x0], $0xffff;
	v11 =	vand.u32 $0xFFFFFC00, v11  }
0x5d3: {  	[tilespmem:s25+$0xFFFFFF50] =	vst v5;
	v5 =	vld [tilespmem:$0x1F490];
	v11 =	vor.u32 v12, v11;
	v12 =	vadd.s32 s29, v20  }
0x5d4: {  	v9 =	vld.idx.msk [tilespmem:v15+s26+$0x0], $0xffff;
	v4 =	vshll.u32 v12, $0x3  }
0x5d5: {  	v15 =	vld [tilespmem:$0x1F220];
	v12 =	vand.u32 $0x7F, v12;
	v4 =	vand.u32 $0xFFFFFC00, v4  }
0x5d6: {  	[tilespmem:s25+$0xFFFFFE50] =	vst v0;
	v0 =	vor.u32 v12, v4;
	v4 =	vld [tilespmem:$0x1F450]  }
0x5d7: {  	v3 =	vld.idx.msk [tilespmem:v3+s26+$0x0], $0xffff  }
0x5d8: {  	[tilespmem:s25+$0xFFFFFFF0] =	vst v2;
	v2 =	vld [tilespmem:$0x1F3C0]  }
0x5d9: {  	v7 =	vadd.s32 v16, v7;
	[tilespmem:s25+$0xFFFFFCE0] =	vst v10;
	v10 =	vld [tilespmem:$0x1F4C0]  }
0x5da: {  	v14 =	vand.u32 $0xFFFFFC00, v14;
	v13 =	vor.u32 v13, v21;
	[tilespmem:s25+$0xFFFFFC50] =	vst v9;
	v9 =	vld [tilespmem:$0x1F4D0]  }
0x5db: {  	v13 =	vadd.s32 v24, v13;
	v12 =	vld [tilespmem:$0x1F480];
	v4 =	vor.u32 v4, v14  }
0x5dc: {  	[tilespmem:s25+$0xFFFFFED0] =	vst v1;
	v1 =	vadd.s32 v24, v4;
	v4 =	vld [tilespmem:$0x1F470]  }
0x5dd: {  	[tilespmem:s25+$0xFFFFFD60] =	vst v6;
	v6 =	vld [tilespmem:$0x1F7D0]  }
0x5de: {  	v7 =	vld.idx.msk [tilespmem:v7+s26+$0x0], $0xffff  }
0x5df: {  	[tilespmem:s25+$0xFFFFFDE0] =	vst v3;
	v3 =	vld [tilespmem:$0x1F7F0];
	v8 =	vadd.s32 v16, v8  }
0x5e0: {  	v13 =	vld.idx.msk [tilespmem:v13+s26+$0x0], $0xffff;
	v12 =	vand.u32 $0xFFFFFC00, v12  }
0x5e1: {  	v9 =	vand.u32 $0xFFFFFC00, v9;
	v4 =	vor.u32 v4, v12;
	v12 =	vld [tilespmem:$0x1F4A0]  }
0x5e2: {  	v15 =	vadd.s32 v16, v15;
	v9 =	vor.u32 v10, v9;
	v10 =	vld [tilespmem:$0x1F4F0]  }
0x5e3: {  	[tilespmem:s25+$0xFFFFFE60] =	vst v7;
	v7 =	vld [tilespmem:$0x1F810]  }
0x5e4: {  	v8 =	vld.idx.msk [tilespmem:v8+s26+$0x0], $0xffff;
	v11 =	vadd.s32 v16, v11  }
0x5e5: {  	[tilespmem:s25+$0xFFFFFCF0] =	vst v13;
	v13 =	vld [tilespmem:$0x1F3A0];
	v9 =	vadd.s32 v24, v9  }
0x5e6: {  	v0 =	vadd.s32 v17, v0;
	v14 =	vld [tilespmem:$0x1F3D0];
	v12 =	vand.u32 $0xFFFFFC00, v12  }
0x5e7: {  	v5 =	vor.u32 v5, v12;
	v12 =	vld.idx.msk [tilespmem:v15+s26+$0x0], $0xffff  }
0x5e8: {  	v15 =	vld [tilespmem:$0x1F4E0]  }
0x5e9: {  	[tilespmem:s25+$0xFFFFFEE0] =	vst v8;
	v11 =	vld.idx.msk [tilespmem:v11+s26+$0x0], $0xffff  }
0x5ea: {  	v9 =	vld.idx.msk [tilespmem:v9+s26+$0x0], $0xffff  }
0x5eb: {  	v0 =	vld.idx.msk [tilespmem:v0+s26+$0x0], $0xffff;
	v14 =	vand.u32 $0xFFFFFC00, v14  }
0x5ec: {  	v10 =	vand.u32 $0xFFFFFC00, v10;
	v2 =	vor.u32 v2, v14;
	v14 =	vld [tilespmem:$0x1F3F0];
	v4 =	vadd.s32 v24, v4  }
0x5ed: {  	v10 =	vor.u32 v15, v10;
	v15 =	vld [tilespmem:$0x1F3E0]  }
0x5ee: {  	[tilespmem:s25+$0xFFFFFC60] =	vst v12;
	v12 =	vld [tilespmem:$0x1F7E0]  }
0x5ef: {  	s7 =	sadd.s32 $0x4, s28;
	s30 =	sadd.s32 $0x5, s28;
	v1 =	vld.idx.msk [tilespmem:v1+s26+$0x0], $0xffff  }
0x5f0: {  	v45 =	vadd.s32 s30, v20;
	v51 =	vadd.s32 s7, v20;
	[tilespmem:s25+$0x0] =	vst v0;
	v0 =	vld [tilespmem:$0x1F3B0];
	v5 =	vadd.s32 v24, v5  }
0x5f1: {  	v6 =	vshll.u32 v6, $0x3;
	v2 =	vadd.s32 v24, v2;
	v14 =	vand.u32 $0xFFFFFC00, v14;
	v4 =	vld.idx.msk [tilespmem:v4+s26+$0x0], $0xffff  }
0x5f2: {  	s4 =	sadd.s32 $0x6, s28;
	[tilespmem:$0x1F7D0] =	vst v51;
	v6 =	vand.u32 $0xFFFFFC00, v6;
	v10 =	vadd.s32 v24, v10;
	v14 =	vor.u32 v15, v14;
	v15 =	vld [tilespmem:$0x1F410]  }
0x5f3: {  	s2 =	sadd.s32 $0x2, s28;
	v44 =	vadd.s32 s4, v20;
	v39 =	vadd.s32 s4, v57;
	[tilespmem:$0x1F7F0] =	vst v45;
	v6 =	vor.u32 v12, v6;
	v12 =	vld [tilespmem:$0x1F800]  }
0x5f4: {  	s0 =	sadd.s32 $0x1, s28;
	v35 =	vadd.s32 s2, v57;
	v37 =	vadd.s32 s7, v57;
	v3 =	vshll.u32 v3, $0x3;
	[tilespmem:$0x1F810] =	vst v44;
	v16 =	vld [tilespmem:$0x1F400]  }
0x5f5: {  	v18 =	vadd.s32 s0, v20;
	v3 =	vand.u32 $0xFFFFFC00, v3;
	[tilespmem:s25+$0xFFFFFF60] =	vst v11;
	v5 =	vld.idx.msk [tilespmem:v5+s26+$0x0], $0xffff;
	v14 =	vadd.s32 v17, v14  }
0x5f6: {  	v0 =	vand.u32 $0xFFFFFC00, v0;
	[tilespmem:s25+$0xFFFFFDF0] =	vst v4;
	v4 =	vadd.s32 s28, v50;
	v2 =	vld.idx.msk [tilespmem:v2+s26+$0x0], $0xffff;
	v6 =	vadd.s32 v17, v6  }
0x5f7: {  	[tilespmem:s25+$0xFFFFFEF0] =	vst v9;
	v0 =	vor.u32 v13, v0;
	v46 =	vand.u32 $0x7F, v4;
	v40 =	vshll.u32 v4, $0x3;
	v10 =	vld.idx.msk [tilespmem:v10+s26+$0x0], $0xffff  }
0x5f8: {  	[tilespmem:s25+$0xFFFFFD70] =	vst v1;
	v4 =	vand.u32 $0x7F, v18;
	v15 =	vand.u32 $0xFFFFFC00, v15;
	v3 =	vor.u32 v12, v3;
	v12 =	vld [tilespmem:$0x1F820]  }
0x5f9: {  	v34 =	vadd.s32 s0, v57;
	s29 =	sadd.s32 $0x3, s28;
	v0 =	vadd.s32 v17, v0;
	[tilespmem:$0x1F3E0] =	vst v4;
	v15 =	vor.u32 v16, v15;
	v16 =	vld [tilespmem:$0x1F430]  }
0x5fa: {  	v38 =	vadd.s32 s30, v57;
	v56 =	vadd.s32 s30, v63;
	v19 =	vadd.s32 s29, v20;
	[tilespmem:s25+$0xFFFFFE70] =	vst v5;
	v13 =	vld.idx.msk [tilespmem:v14+s26+$0x0], $0xffff  }
0x5fb: {  	v36 =	vadd.s32 s29, v57;
	v54 =	vadd.s32 s29, v63;
	[tilespmem:s25+$0xFFFFFC70] =	vst v2;
	v14 =	vadd.s32 s28, v22;
	v6 =	vld.idx.msk [tilespmem:v6+s26+$0x0], $0xffff  }
0x5fc: {  	v7 =	vshll.u32 v7, $0x3;
	[tilespmem:s25+$0xFFFFFF70] =	vst v10;
	v8 =	vadd.s32 v17, v15;
	v15 =	vld [tilespmem:$0x1F420];
	v2 =	vand.u32 $0x7F, v14  }
0x5fd: {  	v7 =	vand.u32 $0xFFFFFC00, v7;
	v3 =	vadd.s32 v17, v3;
	[tilespmem:$0x1F3C0] =	vst v2;
	v2 =	vshll.u32 v14, $0x3  }
0x5fe: {  	v24 =	vadd.s32 s2, v63;
	v5 =	vadd.s32 s28, v63;
	v14 =	vadd.s32 s4, v63;
	[tilespmem:$0x1F3D0] =	vst v2;
	v2 =	vld.idx.msk [tilespmem:v0+s26+$0x0], $0xffff  }
0x5ff: {  	v7 =	vor.u32 v12, v7;
	v12 =	vadd.s32 s28, v20;
	v16 =	vand.u32 $0xFFFFFC00, v16;
	[tilespmem:s25+$0xFFFFFD00] =	vst v13  }
0x600: {  	v1 =	vadd.s32 v17, v7;
	v7 =	vadd.s32 s28, v27;
	v9 =	vand.u32 $0x7F, v12;
	[tilespmem:s25+$0xFFFFFE80] =	vst v6  }
0x601: {  	v10 =	vshll.u32 v12, $0x3;
	v15 =	vor.u32 v15, v16;
	[tilespmem:$0x1F3A0] =	vst v9;
	v9 =	vadd.s32 s2, v20  }
0x602: {  	v3 =	vld.idx.msk [tilespmem:v3+s26+$0x0], $0xffff;
	[tilespmem:$0x1F3B0] =	vst v10;
	v0 =	vand.u32 $0x7F, v7;
	v7 =	vshll.u32 v7, $0x3;
	v10 =	vadd.s32 s0, v63  }
0x603: {  	v11 =	vadd.s32 v17, v15;
	v15 =	vadd.s32 s28, v57;
	v4 =	vand.u32 $0x7F, v9;
	[tilespmem:s25+$0xFFFFFC80] =	vst v2  }
0x604: {  	v8 =	vld.idx.msk [tilespmem:v8+s26+$0x0], $0xffff;
	v57 =	vadd.s32 s7, v63;
	v63 =	vand.u32 $0xFFFFFC00, v7;
	[tilespmem:$0x1F400] =	vst v4;
	v4 =	vand.u32 $0x7F, v19  }
0x605: {  	v0 =	vor.u32 v0, v63;
	[tilespmem:$0x1F420] =	vst v4  }
0x606: {  	[tilespmem:$0x1F220] =	vst v0  }
0x607: {  	v4 =	vand.u32 $0x7F, v51;
	[tilespmem:s25+$0xFFFFFF00] =	vst v3  }
0x608: {  	v26 =	vadd.s32 s7, v27;
	[tilespmem:$0x1F7E0] =	vst v4  }
0x609: {  	v41 =	vadd.s32 s0, v50;
	v48 =	vadd.s32 s30, v50;
	v1 =	vld.idx.msk [tilespmem:v1+s26+$0x0], $0xffff;
	v4 =	vand.u32 $0x7F, v45;
	[tilespmem:s25+$0xFFFFFD80] =	vst v8  }
0x60a: {  	v49 =	vadd.s32 s4, v50;
	v47 =	vadd.s32 s7, v50;
	[tilespmem:$0x1F800] =	vst v4;
	v4 =	vand.u32 $0x7F, v44  }
0x60b: {  	v42 =	vadd.s32 s2, v50;
	v28 =	vadd.s32 s2, v62;
	[tilespmem:$0x1F820] =	vst v4;
	v4 =	vshll.u32 v18, $0x3  }
0x60c: {  	v31 =	vadd.s32 s30, v62;
	v32 =	vadd.s32 s4, v62;
	v11 =	vld.idx.msk [tilespmem:v11+s26+$0x0], $0xffff;
	[tilespmem:$0x1F3F0] =	vst v4;
	v4 =	vshll.u32 v9, $0x3  }
0x60d: {  	v52 =	vadd.s32 s2, v61;
	v59 =	vadd.s32 s30, v61;
	v29 =	vadd.s32 s7, v62;
	[tilespmem:$0x1F410] =	vst v4  }
0x60e: {  	v58 =	vadd.s32 s7, v61;
	v12 =	vadd.s32 s0, v22;
	v4 =	vshll.u32 v19, $0x3;
	[tilespmem:s25+$0xFFFFFF80] =	vst v1  }
0x60f: {  	v21 =	vadd.s32 s30, v22;
	v23 =	vadd.s32 s29, v27;
	[tilespmem:$0x1F430] =	vst v4;
	v4 =	vand.u32 $0x7F, v12  }
0x610: {  	v43 =	vadd.s32 s29, v50;
	v53 =	vadd.s32 s29, v61;
	v13 =	vadd.s32 s2, v22;
	[tilespmem:$0x1F440] =	vst v4  }
0x611: {  	v50 =	vadd.s32 s0, v61;
	v20 =	vadd.s32 s29, v22;
	v4 =	vand.u32 $0x7F, v13;
	[tilespmem:s25+$0xFFFFFE00] =	vst v11  }
0x612: {  	v30 =	vand.u32 $0x7F, v5;
	v8 =	vadd.s32 s7, v22;
	[tilespmem:$0x1F450] =	vst v4;
	v4 =	vand.u32 $0x7F, v20  }
0x613: {  	v60 =	vshll.u32 v5, $0x3;
	v5 =	vand.u32 $0x7F, v36;
	[tilespmem:$0x1F470] =	vst v4;
	v4 =	vand.u32 $0x7F, v8  }
0x614: {  	v6 =	vadd.s32 s2, v27;
	v22 =	vadd.s32 s4, v22;
	[tilespmem:$0x1F490] =	vst v4;
	v4 =	vand.u32 $0x7F, v21  }
0x615: {  	v16 =	vadd.s32 s28, v62;
	v17 =	vadd.s32 s28, v61;
	[tilespmem:$0x1F4C0] =	vst v4;
	v4 =	vand.u32 $0x7F, v22  }
0x616: {  	v25 =	vand.u32 $0x7F, v16;
	v61 =	vadd.s32 s4, v61;
	[tilespmem:$0x1F4E0] =	vst v4;
	v4 =	vshll.u32 v13, $0x3  }
0x617: {  	v7 =	vand.u32 $0x7F, v34;
	v2 =	vadd.s32 s29, v62;
	[tilespmem:$0x1F460] =	vst v4;
	v4 =	vshll.u32 v20, $0x3  }
0x618: {  	v33 =	vand.u32 $0x7F, v15;
	v15 =	vshll.u32 v15, $0x3;
	[tilespmem:$0x1F480] =	vst v4;
	v4 =	vshll.u32 v8, $0x3  }
0x619: {  	v55 =	vand.u32 $0x7F, v17;
	v17 =	vshll.u32 v17, $0x3;
	[tilespmem:$0x1F4A0] =	vst v4;
	v4 =	vshll.u32 v21, $0x3  }
0x61a: {  	v51 =	vand.u32 $0x7F, v50;
	v11 =	vadd.s32 s0, v27;
	[tilespmem:$0x1F4D0] =	vst v4;
	v4 =	vshll.u32 v22, $0x3  }
0x61b: {  	v3 =	vadd.s32 s30, v27;
	v45 =	vshll.u32 v42, $0x3;
	[tilespmem:$0x1F4F0] =	vst v4;
	v4 =	vand.u32 $0x7F, v11  }
0x61c: {  	v44 =	vshll.u32 v43, $0x3;
	v19 =	vshll.u32 v11, $0x3;
	v11 =	vshll.u32 v39, $0x3;
	[tilespmem:$0x1F500] =	vst v4  }
0x61d: {  	v18 =	vshll.u32 v24, $0x3;
	v9 =	vshll.u32 v36, $0x3;
	v4 =	vand.u32 $0x7F, v6;
	[tilespmem:$0x1F6D0] =	vst v11  }
0x61e: {  	v36 =	vand.u32 $0x7F, v43;
	v43 =	vand.u32 $0x7F, v56;
	[tilespmem:$0x1F510] =	vst v4;
	v4 =	vand.u32 $0x7F, v23  }
0x61f: {  	v1 =	vshll.u32 v16, $0x3;
	v16 =	vadd.s32 s0, v62;
	[tilespmem:$0x1F530] =	vst v4;
	v4 =	vand.u32 $0x7F, v26  }
0x620: {  	v62 =	vshll.u32 v12, $0x3;
	v12 =	vshll.u32 v58, $0x3;
	[tilespmem:$0x1F550] =	vst v4;
	v4 =	vand.u32 $0x7F, v3  }
0x621: {  	v1 =	vand.u32 $0xFFFFFC00, v1;
	v63 =	vand.u32 $0xFFFFFC00, v62;
	v3 =	vshll.u32 v3, $0x3;
	[tilespmem:$0x1F580] =	vst v4  }
0x622: {  	v27 =	vadd.s32 s4, v27;
	v13 =	vshll.u32 v53, $0x3;
	v4 =	vshll.u32 v6, $0x3;
	[tilespmem:$0x1F590] =	vst v3  }
0x623: {  	v20 =	vshll.u32 v16, $0x3;
	v8 =	vshll.u32 v37, $0x3;
	v3 =	vand.u32 $0x7F, v16;
	[tilespmem:$0x1F520] =	vst v4  }
0x624: {  	v21 =	vshll.u32 v34, $0x3;
	v34 =	vand.u32 $0x7F, v48;
	v4 =	vand.u32 $0x7F, v27;
	[tilespmem:$0x1F5C0] =	vst v3  }
0x625: {  	v22 =	vand.u32 $0xFFFFFC00, v40;
	v40 =	vand.u32 $0x7F, v10;
	v3 =	vshll.u32 v27, $0x3;
	[tilespmem:$0x1F5A0] =	vst v4  }
0x626: {  	v11 =	vand.u32 $0x7F, v53;
	v53 =	vshll.u32 v59, $0x3;
	v4 =	vshll.u32 v23, $0x3;
	[tilespmem:$0x1F5B0] =	vst v3  }
0x627: {  	v6 =	vand.u32 $0x7F, v35;
	v16 =	vand.u32 $0xFFFFFC00, v60;
	v3 =	vand.u32 $0x7F, v28;
	[tilespmem:$0x1F540] =	vst v4  }
0x628: {  	v60 =	vshll.u32 v54, $0x3;
	v27 =	vshll.u32 v50, $0x3;
	v4 =	vshll.u32 v26, $0x3;
	[tilespmem:$0x1F5D0] =	vst v3  }
0x629: {  	v50 =	vand.u32 $0x7F, v59;
	v59 =	vand.u32 $0x7F, v54;
	v3 =	vand.u32 $0x7F, v2;
	[tilespmem:$0x1F560] =	vst v4  }
0x62a: {  	v23 =	vshll.u32 v41, $0x3;
	v2 =	vshll.u32 v2, $0x3;
	v26 =	vand.u32 $0xFFFFFC00, v17;
	[tilespmem:$0x1F5F0] =	vst v3  }
0x62b: {  	v17 =	vshll.u32 v10, $0x3;
	v10 =	vand.u32 $0xFFFFFC00, v19;
	v3 =	vand.u32 $0x7F, v29;
	[tilespmem:$0x1F600] =	vst v2  }
0x62c: {  	v54 =	vand.u32 $0xFFFFFC00, v23;
	v2 =	vshll.u32 v29, $0x3;
	v4 =	vand.u32 $0x7F, v37;
	[tilespmem:$0x1F610] =	vst v3  }
0x62d: {  	v29 =	vshll.u32 v35, $0x3;
	v37 =	vand.u32 $0x7F, v42;
	v3 =	vand.u32 $0x7F, v31;
	[tilespmem:$0x1F620] =	vst v2  }
0x62e: {  	v35 =	vand.u32 $0x7F, v47;
	v2 =	vand.u32 $0xFFFFFC00, v15;
	[tilespmem:$0x1F640] =	vst v3;
	v3 =	vand.u32 $0x7F, v32  }
0x62f: {  	v42 =	vshll.u32 v47, $0x3;
	v47 =	vand.u32 $0x7F, v61;
	v0 =	vor.u32 v33, v2;
	[tilespmem:$0x1F660] =	vst v3  }
0x630: {  	v15 =	vand.u32 $0x7F, v24;
	v33 =	vand.u32 $0xFFFFFC00, v20;
	v3 =	vshll.u32 v28, $0x3;
	[tilespmem:$0x1F230] =	vst v0  }
0x631: {  	v28 =	vshll.u32 v52, $0x3;
	v0 =	vor.u32 v25, v1;
	v25 =	vor.u32 v55, v26;
	[tilespmem:$0x1F5E0] =	vst v3  }
0x632: {  	v55 =	vand.u32 $0xFFFFFC00, v27;
	v3 =	vshll.u32 v31, $0x3;
	v31 =	vand.u32 $0x7F, v49;
	[tilespmem:$0x1F240] =	vst v0  }
0x633: {  	p0 =	slt.u32 s28, $0x38;
	v0 =	vor.u32 v46, v22;
	v46 =	vand.u32 $0xFFFFFC00, v21;
	[tilespmem:$0x1F650] =	vst v3;
	v3 =	vshll.u32 v32, $0x3  }
.Ltmp2:
0x634: {  	v32 =	vshll.u32 v49, $0x3;
	v49 =	vand.u32 $0x7F, v52;
	[tilespmem:$0x1F670] =	vst v3;
	v3 =	vand.u32 $0x7F, v38;
	(pc) =	sbr.rel @p0 .LBB2_7-.Ltmp2, $4  }
0x635: {  	v52 =	vshll.u32 v61, $0x3;
	v61 =	vshll.u32 v57, $0x3;
	[tilespmem:$0x1F6B0] =	vst v3;
	v3 =	vand.u32 $0x7F, v39  }
0x636: {  	v39 =	vand.u32 $0x7F, v41;
	v41 =	vand.u32 $0x7F, v57;
	v57 =	vshll.u32 v56, $0x3  }
0x637: {  	v56 =	vshll.u32 v14, $0x3;
	[tilespmem:$0x1F6C0] =	vst v3;
	v3 =	vshll.u32 v38, $0x3;
	v38 =	vshll.u32 v48, $0x3  }
0x638: {  	s29 =	sadd.s32 $0x7, s28;
	s28 =	sadd.s32 $0x8, s28;
	v24 =	vld [tilespmem:$0x1FFE0];
	v48 =	vand.u32 $0x7F, v58;
	v58 =	vand.u32 $0x7F, v14;
	v14 =	vand.u32 $0xFFFFFC00, v28  }
0x639: {  	v1 =	vld [tilespmem:$0x1F7A0]  }
0x63a: {  	v28 =	vld [tilespmem:$0x1FF80];
	_ =	sdelay $0x1  }
0x63b: {  	v17 =	vand.u32 $0xFFFFFC00, v17  }
0x63c: {  	v2 =	vor.u32 v30, v16;
	v23 =	vand.u32 $0xFFFFFC00, v18;
	v62 =	vor.u32 v40, v17  }
0x63d: {  	v15 =	vor.u32 v15, v23;
	v40 =	vand.u32 $0xFFFFFC00, v61;
	v1 =	vadd.s32 s29, v1  }
0x63e: {  	v18 =	vor.u32 v41, v40;
	v15 =	vadd.s32 v28, v15;
	v26 =	vshll.u32 v1, $0x3  }
0x63f: {  	v18 =	vadd.s32 v28, v18;
	v1 =	vand.u32 $0x7F, v1;
	v16 =	vand.u32 $0xFFFFFC00, v26  }
0x640: {  	v20 =	vld [tilespmem:$0x1F740];
	v26 =	vand.u32 $0xFFFFFC00, v60;
	v1 =	vor.u32 v1, v16;
	v16 =	vadd.s32 v28, v62  }
0x641: {  	v30 =	vld [tilespmem:$0x1FF90];
	v17 =	vor.u32 v59, v26;
	v1 =	vadd.s32 v28, v1  }
0x642: {  	v26 =	vld [tilespmem:$0x1F700];
	v17 =	vadd.s32 v28, v17  }
0x643: {  	v19 =	vand.u32 $0xFFFFFC00, v57;
	v15 =	vld.idx.msk [tilespmem:v15+s26+$0x0], $0xffff  }
0x644: {  	v21 =	vand.u32 $0xFFFFFC00, v56;
	v19 =	vor.u32 v43, v19;
	v18 =	vld.idx.msk [tilespmem:v18+s26+$0x0], $0xffff  }
0x645: {  	v21 =	vor.u32 v58, v21;
	v58 =	vadd.s32 v28, v19;
	v16 =	vld.idx.msk [tilespmem:v16+s26+$0x0], $0xffff  }
0x646: {  	v59 =	vadd.s32 v28, v21;
	v1 =	vld.idx.msk [tilespmem:v1+s26+$0x0], $0xffff  }
0x647: {  	v13 =	vand.u32 $0xFFFFFC00, v13;
	s0 =	sadd.s32 $0x400, s25;
	v20 =	vadd.s32 s29, v20;
	v17 =	vld.idx.msk [tilespmem:v17+s26+$0x0], $0xffff  }
0x648: {  	v57 =	vor.u32 v51, v55;
	v11 =	vor.u32 v11, v13;
	v22 =	vshll.u32 v20, $0x3;
	[tilespmem:s0+$0xFFFFFD10] =	vst v15  }
0x649: {  	v2 =	vadd.s32 v28, v2;
	v20 =	vand.u32 $0x7F, v20;
	v22 =	vand.u32 $0xFFFFFC00, v22;
	[tilespmem:s0+$0xFFFFFE10] =	vst v18  }
0x64a: {  	v20 =	vor.u32 v20, v22;
	v22 =	vadd.s32 v30, v57;
	v13 =	vld.idx.msk [tilespmem:v58+s26+$0x0], $0xffff;
	[tilespmem:s0+$0xFFFFFC90] =	vst v16  }
0x64b: {  	v20 =	vadd.s32 v30, v20;
	v41 =	vld.idx.msk [tilespmem:v59+s26+$0x0], $0xffff;
	[tilespmem:s0+$0xFFFFFF90] =	vst v1  }
0x64c: {  	v14 =	vor.u32 v49, v14;
	v12 =	vand.u32 $0xFFFFFC00, v12;
	v26 =	vadd.s32 s29, v26;
	[tilespmem:s0+$0xFFFFFD90] =	vst v17  }
0x64d: {  	v61 =	vadd.s32 v30, v14;
	v27 =	vshll.u32 v26, $0x3;
	v62 =	vand.u32 $0x7F, v26;
	v26 =	vld [tilespmem:$0x1FFA0]  }
0x64e: {  	v12 =	vor.u32 v48, v12;
	v11 =	vadd.s32 v30, v11;
	v60 =	vand.u32 $0xFFFFFC00, v53;
	v2 =	vld.idx.msk [tilespmem:v2+s26+$0x0], $0xffff  }
0x64f: {  	v23 =	vand.u32 $0xFFFFFC00, v52;
	v12 =	vadd.s32 v30, v12;
	v21 =	vor.u32 v50, v60;
	v53 =	vld.idx.msk [tilespmem:v22+s26+$0x0], $0xffff;
	[tilespmem:s0+$0xFFFFFE90] =	vst v13  }
0x650: {  	v23 =	vor.u32 v47, v23;
	v50 =	vadd.s32 v30, v21;
	v40 =	vand.u32 $0xFFFFFC00, v27;
	v47 =	vld.idx.msk [tilespmem:v20+s26+$0x0], $0xffff;
	[tilespmem:s0+$0xFFFFFF10] =	vst v41  }
0x651: {  	v56 =	vadd.s32 v30, v23;
	v14 =	vor.u32 v62, v40;
	v59 =	vld [tilespmem:$0x1F690]  }
0x652: {  	v1 =	vld.idx.msk [tilespmem:v61+s26+$0x0], $0xffff;
	v14 =	vadd.s32 v26, v14  }
0x653: {  	v51 =	vand.u32 $0xFFFFFC00, v44;
	v57 =	vadd.s32 v30, v25;
	v11 =	vld.idx.msk [tilespmem:v11+s26+$0x0], $0xffff  }
0x654: {  	v43 =	vor.u32 v39, v54;
	v48 =	vand.u32 $0xFFFFFC00, v45;
	v52 =	vor.u32 v36, v51;
	v12 =	vld.idx.msk [tilespmem:v12+s26+$0x0], $0xffff;
	[tilespmem:s0+$0xFFFFFC10] =	vst v2  }
0x655: {  	v49 =	vor.u32 v37, v48;
	v62 =	vld.idx.msk [tilespmem:v50+s26+$0x0], $0xffff;
	[tilespmem:s0+$0xFFFFFCA0] =	vst v53;
	v15 =	vadd.s32 v26, v43  }
0x656: {  	v58 =	vand.u32 $0xFFFFFC00, v38;
	v38 =	vld.idx.msk [tilespmem:v56+s26+$0x0], $0xffff;
	[tilespmem:s0+$0xFFFFFFA0] =	vst v47;
	v61 =	vadd.s32 v26, v49;
	v25 =	vadd.s32 s29, v59  }
0x657: {  	v54 =	vand.u32 $0xFFFFFC00, v42;
	[tilespmem:s0+$0xFFFFFD20] =	vst v1;
	v18 =	vadd.s32 v26, v52;
	v60 =	vshll.u32 v25, $0x3;
	v14 =	vld.idx.msk [tilespmem:v14+s26+$0x0], $0xffff  }
0x658: {  	v55 =	vor.u32 v35, v54;
	[tilespmem:s0+$0xFFFFFDA0] =	vst v11;
	v11 =	vld.idx.msk [tilespmem:v57+s26+$0x0], $0xffff;
	v35 =	vand.u32 $0x7F, v25;
	v19 =	vand.u32 $0xFFFFFC00, v60  }
0x659: {  	v23 =	vor.u32 v34, v58;
	v13 =	vadd.s32 v26, v55;
	v19 =	vor.u32 v35, v19;
	v35 =	vld [tilespmem:$0x1FFB0]  }
0x65a: {  	v40 =	vadd.s32 v26, v23;
	[tilespmem:s0+$0xFFFFFE20] =	vst v12;
	v15 =	vld.idx.msk [tilespmem:v15+s26+$0x0], $0xffff  }
0x65b: {  	v8 =	vand.u32 $0xFFFFFC00, v8;
	v36 =	vand.u32 $0xFFFFFC00, v32;
	[tilespmem:s0+$0xFFFFFEA0] =	vst v62;
	v2 =	vld.idx.msk [tilespmem:v61+s26+$0x0], $0xffff  }
0x65c: {  	v9 =	vand.u32 $0xFFFFFC00, v9;
	v4 =	vor.u32 v4, v8;
	v37 =	vor.u32 v31, v36;
	v8 =	vld.idx.msk [tilespmem:v18+s26+$0x0], $0xffff;
	[tilespmem:s0+$0xFFFFFFB0] =	vst v14  }
0x65d: {  	v5 =	vor.u32 v5, v9;
	v1 =	vadd.s32 v26, v37;
	v9 =	vld [tilespmem:$0x1F630];
	[tilespmem:s0+$0xFFFFFF20] =	vst v38  }
0x65e: {  	v0 =	vadd.s32 v26, v0;
	v13 =	vld.idx.msk [tilespmem:v13+s26+$0x0], $0xffff;
	[tilespmem:s0+$0xFFFFFC20] =	vst v11  }
0x65f: {  	v12 =	vld.idx.msk [tilespmem:v40+s26+$0x0], $0xffff;
	[tilespmem:s0+$0xFFFFFCB0] =	vst v15  }
0x660: {  	v42 =	vld [tilespmem:$0x1F6B0]  }
0x661: {  	v43 =	vld [tilespmem:$0x1F6D0]  }
0x662: {  	v19 =	vadd.s32 v35, v19;
	v1 =	vld.idx.msk [tilespmem:v1+s26+$0x0], $0xffff  }
0x663: {  	v7 =	vor.u32 v7, v46;
	v39 =	vand.u32 $0xFFFFFC00, v29;
	[tilespmem:s0+$0xFFFFFD30] =	vst v2;
	v0 =	vld.idx.msk [tilespmem:v0+s26+$0x0], $0xffff  }
0x664: {  	v6 =	vor.u32 v6, v39;
	v7 =	vadd.s32 v35, v7;
	v2 =	vld [tilespmem:$0x1F6C0]  }
0x665: {  	v6 =	vadd.s32 v35, v6;
	v44 =	vld [tilespmem:$0x1F5C0];
	[tilespmem:s0+$0xFFFFFDB0] =	vst v8  }
0x666: {  	v37 =	vld [tilespmem:$0x1FFC0]  }
0x667: {  	v5 =	vadd.s32 v35, v5;
	v11 =	vld.idx.msk [tilespmem:v19+s26+$0x0], $0xffff;
	v9 =	vadd.s32 s29, v9  }
0x668: {  	v45 =	vld [tilespmem:$0x1F5D0];
	v41 =	vshll.u32 v9, $0x3  }
0x669: {  	v7 =	vld.idx.msk [tilespmem:v7+s26+$0x0], $0xffff;
	v9 =	vand.u32 $0x7F, v9;
	v14 =	vand.u32 $0xFFFFFC00, v41  }
0x66a: {  	v6 =	vld.idx.msk [tilespmem:v6+s26+$0x0], $0xffff;
	v9 =	vor.u32 v9, v14  }
0x66b: {  	v4 =	vadd.s32 v35, v4;
	v8 =	vadd.s32 v37, v9;
	v9 =	vld [tilespmem:$0x1F5E0];
	[tilespmem:s0+$0xFFFFFE30] =	vst v13  }
0x66c: {  	v5 =	vld.idx.msk [tilespmem:v5+s26+$0x0], $0xffff;
	[tilespmem:s0+$0xFFFFFFC0] =	vst v11  }
0x66d: {  	v3 =	vand.u32 $0xFFFFFC00, v3;
	v11 =	vld [tilespmem:$0x1F600]  }
0x66e: {  	v3 =	vor.u32 v42, v3;
	v13 =	vld [tilespmem:$0x1F570]  }
0x66f: {  	v3 =	vadd.s32 v35, v3;
	v46 =	vld [tilespmem:$0x1F5F0];
	[tilespmem:s0+$0xFFFFFEB0] =	vst v12  }
0x670: {  	v14 =	vand.u32 $0xFFFFFC00, v43;
	[tilespmem:s0+$0xFFFFFF30] =	vst v1;
	v4 =	vld.idx.msk [tilespmem:v4+s26+$0x0], $0xffff  }
0x671: {  	v2 =	vor.u32 v2, v14;
	v1 =	vld [tilespmem:$0x1F230];
	[tilespmem:s0+$0xFFFFFC30] =	vst v0  }
0x672: {  	v2 =	vadd.s32 v35, v2;
	v49 =	vld [tilespmem:$0x1F620]  }
0x673: {  	v50 =	vld [tilespmem:$0x1F610]  }
0x674: {  	[tilespmem:s0+$0xFFFFFCC0] =	vst v7;
	v3 =	vld.idx.msk [tilespmem:v3+s26+$0x0], $0xffff  }
0x675: {  	v52 =	vld [tilespmem:$0x1F640]  }
0x676: {  	v9 =	vand.u32 $0xFFFFFC00, v9;
	v8 =	vld.idx.msk [tilespmem:v8+s26+$0x0], $0xffff  }
0x677: {  	v9 =	vor.u32 v45, v9;
	v2 =	vld.idx.msk [tilespmem:v2+s26+$0x0], $0xffff  }
0x678: {  	v51 =	vadd.s32 v37, v9;
	v9 =	vld [tilespmem:$0x1F650];
	[tilespmem:s0+$0xFFFFFD40] =	vst v6  }
0x679: {  	v39 =	vld [tilespmem:$0x1FFD0]  }
0x67a: {  	v14 =	vor.u32 v44, v33;
	v54 =	vld [tilespmem:$0x1F670]  }
0x67b: {  	v48 =	vadd.s32 v37, v14;
	v55 =	vld [tilespmem:$0x1F660]  }
0x67c: {  	v11 =	vand.u32 $0xFFFFFC00, v11;
	v1 =	vadd.s32 v35, v1;
	v56 =	vld [tilespmem:$0x1F500];
	[tilespmem:s0+$0xFFFFFDC0] =	vst v5  }
0x67d: {  	v13 =	vadd.s32 s29, v13;
	v11 =	vor.u32 v46, v11;
	v59 =	vld [tilespmem:$0x1F4B0]  }
0x67e: {  	v47 =	vshll.u32 v13, $0x3;
	v11 =	vadd.s32 v37, v11;
	v58 =	vld [tilespmem:$0x1F520]  }
0x67f: {  	v13 =	vand.u32 $0x7F, v13;
	v12 =	vand.u32 $0xFFFFFC00, v47;
	v17 =	vld [tilespmem:$0x1F510];
	[tilespmem:s0+$0xFFFFFE40] =	vst v4  }
0x680: {  	v0 =	vld.idx.msk [tilespmem:v48+s26+$0x0], $0xffff;
	v12 =	vor.u32 v13, v12;
	v13 =	vand.u32 $0xFFFFFC00, v49;
	[tilespmem:s0+$0xFFFFFEC0] =	vst v3  }
0x681: {  	v13 =	vor.u32 v50, v13;
	[tilespmem:s0+$0xFFFFFFD0] =	vst v8;
	v1 =	vld.idx.msk [tilespmem:v1+s26+$0x0], $0xffff  }
0x682: {  	v57 =	vadd.s32 v37, v13;
	v18 =	vld [tilespmem:$0x1F530];
	v14 =	vadd.s32 s29, v59  }
0x683: {  	v9 =	vand.u32 $0xFFFFFC00, v9;
	v19 =	vld.idx.msk [tilespmem:v11+s26+$0x0], $0xffff;
	v13 =	vand.u32 $0xFFFFFC00, v58;
	v8 =	vshll.u32 v14, $0x3  }
0x684: {  	v13 =	vor.u32 v17, v13;
	v62 =	vand.u32 $0x7F, v14;
	v17 =	vld [tilespmem:$0x1F540];
	v8 =	vand.u32 $0xFFFFFC00, v8  }
0x685: {  	v9 =	vor.u32 v52, v9;
	v53 =	vadd.s32 v39, v12;
	v16 =	vor.u32 v62, v8;
	v8 =	vld [tilespmem:$0x1F240];
	[tilespmem:s0+$0xFFFFFF40] =	vst v2  }
0x686: {  	v9 =	vadd.s32 v37, v9;
	v11 =	vld [tilespmem:$0x1F560];
	[tilespmem:s0+$0xFFFFFC40] =	vst v1  }
0x687: {  	v1 =	vld [tilespmem:$0x1F550]  }
0x688: {  	v60 =	vld.idx.msk [tilespmem:v51+s26+$0x0], $0xffff  }
0x689: {  	v5 =	vld.idx.msk [tilespmem:v57+s26+$0x0], $0xffff  }
0x68a: {  	v12 =	vand.u32 $0xFFFFFC00, v54;
	v6 =	vld.idx.msk [tilespmem:v53+s26+$0x0], $0xffff  }
0x68b: {  	v12 =	vor.u32 v55, v12;
	v9 =	vld.idx.msk [tilespmem:v9+s26+$0x0], $0xffff;
	v11 =	vand.u32 $0xFFFFFC00, v11  }
0x68c: {  	v10 =	vor.u32 v56, v10;
	v61 =	vadd.s32 v37, v12;
	v1 =	vor.u32 v1, v11;
	v11 =	vld [tilespmem:$0x1F590];
	[tilespmem:s0+$0xFFFFFCD0] =	vst v0  }
0x68d: {  	v10 =	vadd.s32 v39, v10;
	v0 =	vld [tilespmem:$0x1F580]  }
0x68e: {  	v20 =	vld [tilespmem:$0x1F5B0];
	[tilespmem:s0+$0xFFFFFD50] =	vst v60  }
0x68f: {  	v8 =	vadd.s32 v37, v8;
	v4 =	vld [tilespmem:$0x1F5A0]  }
0x690: {  	v3 =	vadd.s32 v24, v16;
	v12 =	vand.u32 $0xFFFFFC00, v17;
	v21 =	vld [tilespmem:$0x1F7C0]  }
0x691: {  	v7 =	vld.idx.msk [tilespmem:v61+s26+$0x0], $0xffff;
	v12 =	vor.u32 v18, v12  }
0x692: {  	v12 =	vadd.s32 v39, v12;
	v25 =	vld.idx.msk [tilespmem:v10+s26+$0x0], $0xffff  }
0x693: {  	v1 =	vadd.s32 v39, v1;
	v22 =	vld [tilespmem:$0x1F440];
	[tilespmem:s0+$0xFFFFFFE0] =	vst v6;
	v11 =	vand.u32 $0xFFFFFC00, v11  }
0x694: {  	[tilespmem:s0+$0xFFFFFDD0] =	vst v19;
	v8 =	vld.idx.msk [tilespmem:v8+s26+$0x0], $0xffff;
	v0 =	vor.u32 v0, v11;
	v11 =	vadd.s32 v39, v13;
	v13 =	vand.u32 $0xFFFFFC00, v20  }
0x695: {  	[tilespmem:s0+$0xFFFFFE50] =	vst v5;
	v3 =	vld.idx.msk [tilespmem:v3+s26+$0x0], $0xffff;
	v4 =	vor.u32 v4, v13;
	v13 =	vadd.s32 s29, v21  }
0x696: {  	v33 =	vld [tilespmem:$0x1F460];
	v23 =	vshll.u32 v13, $0x3  }
0x697: {  	v36 =	vld.idx.msk [tilespmem:v12+s26+$0x0], $0xffff;
	v10 =	vand.u32 $0x7F, v13;
	v6 =	vand.u32 $0xFFFFFC00, v23  }
0x698: {  	v32 =	vor.u32 v10, v6;
	v10 =	vld [tilespmem:$0x1F450]  }
0x699: {  	v1 =	vld.idx.msk [tilespmem:v1+s26+$0x0], $0xffff  }
0x69a: {  	[tilespmem:s0+$0xFFFFFED0] =	vst v9;
	v9 =	vld.idx.msk [tilespmem:v11+s26+$0x0], $0xffff  }
0x69b: {  	v11 =	vld [tilespmem:$0x1F480]  }
0x69c: {  	v6 =	vand.u32 $0xFFFFFC00, v33;
	v34 =	vld [tilespmem:$0x1F470]  }
0x69d: {  	v6 =	vor.u32 v10, v6;
	v10 =	vld [tilespmem:$0x1F220];
	[tilespmem:s0+$0xFFFFFF50] =	vst v7  }
0x69e: {  	v41 =	vld [tilespmem:$0x1FFF0]  }
0x69f: {  	v38 =	vld [tilespmem:$0x1F4A0];
	[tilespmem:s0+$0xFFFFFC50] =	vst v8  }
0x6a0: {  	v8 =	vld [tilespmem:$0x1F490]  }
0x6a1: {  	v42 =	vld [tilespmem:$0x1F4D0];
	[tilespmem:s0+$0xFFFFFCE0] =	vst v25  }
0x6a2: {  	v2 =	vld [tilespmem:$0x1F4C0];
	v10 =	vadd.s32 v39, v10  }
0x6a3: {  	v11 =	vand.u32 $0xFFFFFC00, v11;
	v43 =	vld [tilespmem:$0x1F4F0]  }
0x6a4: {  	v11 =	vor.u32 v34, v11;
	v44 =	vld [tilespmem:$0x1F4E0];
	[tilespmem:s0+$0xFFFFFFF0] =	vst v3  }
0x6a5: {  	v0 =	vadd.s32 v39, v0;
	v45 =	vadd.s32 v24, v11;
	v11 =	vld [tilespmem:$0x1F3D0]  }
0x6a6: {  	v4 =	vadd.s32 v39, v4;
	v46 =	vld [tilespmem:$0x1F3C0]  }
0x6a7: {  	v6 =	vadd.s32 v24, v6;
	[tilespmem:s0+$0xFFFFFD60] =	vst v9;
	v9 =	vld.idx.msk [tilespmem:v10+s26+$0x0], $0xffff  }
0x6a8: {  	v5 =	vadd.s32 v41, v32;
	v10 =	vld [tilespmem:$0x1F3F0];
	[tilespmem:s0+$0xFFFFFDE0] =	vst v36  }
0x6a9: {  	v7 =	vld [tilespmem:$0x1F3E0]  }
0x6aa: {  	v0 =	vld.idx.msk [tilespmem:v0+s26+$0x0], $0xffff  }
0x6ab: {  	v4 =	vld.idx.msk [tilespmem:v4+s26+$0x0], $0xffff  }
0x6ac: {  	v6 =	vld.idx.msk [tilespmem:v6+s26+$0x0], $0xffff  }
0x6ad: {  	v5 =	vld.idx.msk [tilespmem:v5+s26+$0x0], $0xffff;
	v10 =	vand.u32 $0xFFFFFC00, v10  }
0x6ae: {  	v14 =	vor.u32 v22, v63;
	v7 =	vor.u32 v7, v10;
	v10 =	vld [tilespmem:$0x1F410];
	[tilespmem:s0+$0xFFFFFE60] =	vst v1  }
0x6af: {  	v40 =	vadd.s32 v24, v14;
	v1 =	vld [tilespmem:$0x1F400]  }
0x6b0: {  	v11 =	vand.u32 $0xFFFFFC00, v11;
	v3 =	vld.idx.msk [tilespmem:v45+s26+$0x0], $0xffff;
	[tilespmem:s0+$0xFFFFFEE0] =	vst v0  }
0x6b1: {  	v11 =	vor.u32 v46, v11;
	v0 =	vld [tilespmem:$0x1F7D0]  }
0x6b2: {  	v11 =	vadd.s32 v24, v11;
	v48 =	vld [tilespmem:$0x1F430]  }
0x6b3: {  	v49 =	vld [tilespmem:$0x1F420];
	[tilespmem:s0+$0xFFFFFF60] =	vst v4;
	v10 =	vand.u32 $0xFFFFFC00, v10  }
0x6b4: {  	[tilespmem:s0+$0xFFFFFC60] =	vst v9;
	v1 =	vor.u32 v1, v10;
	v10 =	vld.idx.msk [tilespmem:v40+s26+$0x0], $0xffff  }
0x6b5: {  	v51 =	vld [tilespmem:$0x1F7E0]  }
0x6b6: {  	v12 =	vand.u32 $0xFFFFFC00, v38;
	v52 =	vld [tilespmem:$0x1F7F0]  }
0x6b7: {  	v8 =	vor.u32 v8, v12;
	v13 =	vand.u32 $0xFFFFFC00, v42;
	[tilespmem:s0+$0x0] =	vst v5;
	v55 =	vld.idx.msk [tilespmem:v11+s26+$0x0], $0xffff  }
0x6b8: {  	v2 =	vor.u32 v2, v13;
	v8 =	vadd.s32 v24, v8;
	v5 =	vld [tilespmem:$0x1F810]  }
0x6b9: {  	v13 =	vand.u32 $0xFFFFFC00, v43;
	v2 =	vadd.s32 v24, v2;
	v53 =	vld [tilespmem:$0x1F800];
	[tilespmem:s0+$0xFFFFFCF0] =	vst v10  }
0x6ba: {  	v13 =	vor.u32 v44, v13;
	v54 =	vld [tilespmem:$0x1F820];
	[tilespmem:s0+$0xFFFFFD70] =	vst v6  }
0x6bb: {  	v47 =	vadd.s32 v24, v13;
	v50 =	vadd.s32 v41, v7;
	v0 =	vshll.u32 v0, $0x3;
	v11 =	vld [tilespmem:$0x1F3B0]  }
0x6bc: {  	v13 =	vand.u32 $0xFFFFFC00, v48;
	v1 =	vadd.s32 v41, v1;
	v0 =	vand.u32 $0xFFFFFC00, v0;
	v56 =	vld [tilespmem:$0x1F3A0]  }
0x6bd: {  	v8 =	vld.idx.msk [tilespmem:v8+s26+$0x0], $0xffff;
	v13 =	vor.u32 v49, v13;
	v7 =	vshll.u32 v52, $0x3;
	v0 =	vor.u32 v51, v0  }
0x6be: {  	v2 =	vld.idx.msk [tilespmem:v2+s26+$0x0], $0xffff;
	v5 =	vshll.u32 v5, $0x3;
	v9 =	vadd.s32 v41, v13;
	v7 =	vand.u32 $0xFFFFFC00, v7  }
0x6bf: {  	v7 =	vor.u32 v53, v7;
	v0 =	vadd.s32 v41, v0;
	v5 =	vand.u32 $0xFFFFFC00, v5  }
0x6c0: {  	v10 =	vld.idx.msk [tilespmem:v47+s26+$0x0], $0xffff;
	v7 =	vadd.s32 v41, v7;
	v5 =	vor.u32 v54, v5;
	v11 =	vand.u32 $0xFFFFFC00, v11  }
0x6c1: {  	v57 =	vld.idx.msk [tilespmem:v50+s26+$0x0], $0xffff;
	[tilespmem:s0+$0xFFFFFDF0] =	vst v3;
	v58 =	vadd.s32 v41, v5;
	v11 =	vor.u32 v56, v11  }
0x6c2: {  	[tilespmem:s0+$0xFFFFFE70] =	vst v8;
	v1 =	vld.idx.msk [tilespmem:v1+s26+$0x0], $0xffff;
	v59 =	vadd.s32 v41, v11  }
0x6c3: {  	[tilespmem:s0+$0xFFFFFEF0] =	vst v2;
	v60 =	vld.idx.msk [tilespmem:v9+s26+$0x0], $0xffff  }
0x6c4: {  	[tilespmem:s0+$0xFFFFFC70] =	vst v55;
	v0 =	vld.idx.msk [tilespmem:v0+s26+$0x0], $0xffff  }
0x6c5: {  	[tilespmem:s0+$0xFFFFFF70] =	vst v10;
	v61 =	vld.idx.msk [tilespmem:v7+s26+$0x0], $0xffff  }
0x6c6: {  	[tilespmem:s0+$0xFFFFFD00] =	vst v57;
	v62 =	vld.idx.msk [tilespmem:v58+s26+$0x0], $0xffff  }
0x6c7: {  	s22 =	sadd.s32 $0x1, s22;
	[tilespmem:s0+$0xFFFFFD80] =	vst v1;
	v63 =	vld.idx.msk [tilespmem:v59+s26+$0x0], $0xffff  }
0x6c8: {  	p0 =	sne.s32 s22, $0x64;
	[tilespmem:s0+$0xFFFFFE00] =	vst v60  }
.Ltmp3:
0x6c9: {  	[tilespmem:s0+$0xFFFFFE80] =	vst v0;
	(pc) =	sbr.rel @p0 .LBB2_2-.Ltmp3, $4  }
0x6ca: {  	[tilespmem:s0+$0xFFFFFF00] =	vst v61  }
0x6cb: {  	s2 =	sor.u32 s23, s24;
	[tilespmem:s0+$0xFFFFFF80] =	vst v62  }
0x6cc: {  	s31 =	sadd.s32 s2, s5;
	[tilespmem:s0+$0xFFFFFC80] =	vst v63  }
0x6cd: {  	v11 =	vmov v30;
	v30 =	vmov v26;
	[hbm4b:s31+s17] =	stream.strided.scatter [tilespmem:s21], [sflag:$0x4], $0x2000, s8, s17, $0x38;
	[tilespmem:$0x1B200] =	vst v63  }
0x6ce: {  	s2 =	simm.s32 $0x4  }
0x6cf: {  	_ =	swait.ge [sflag:s2], $0x2000  }
0x6d0: {  	s4 =	rddreg [dreg:$0x6]  }
0x6d1: {  	s0 =	rddreg [dreg:$0x5];
	s4 =	sadd.s32 $0x1, s4  }
0x6d2: {  	p0 =	sne.s32 s4, s0  }
.Ltmp4:
0x6d3: {  	_ = 	snop;
	(pc) =	sbr.rel @p0 .LBB2_1-.Ltmp4, $3  }
0x6d4: {  	_ =	sdelay $0x1  }
0x6d5: {  	[sflag:s2] =	ssyncset.done $0x0  }
0x6d6: {  	[sflag:s2] =	ssyncadd.s32 $0xFFFFE000  }
0x6d7: {  	_ =	sfence.sel $0x180000  }
0x6d8: {  	[bflag:$0x0] =	sbarrier.arrive $0xFFFF  }
0x6d9: {  	_ =	strace $0x90000047  }
0x6da: {  	s0 =	stileid.u32;
	[bflag:$0x2] =	sbarrier.arrive $0xFFFF  }
0x6db: {  	p0 =	sne.s32 s0, $0x0;
	s0 =	rddreg [dreg:$0x3]  }
0x6dc: {  	s0 =	sadd.s32 @!p0 $0x100000, s0  }
0x6dd: {  	[sflag:s0] =	ssyncadd.tile.s32 @!p0 $0x1;
	_ =	shalt  }
.Lfunc_end2:
_tile_overlayer_lowered:
.L_overlay_start_2:
0x6de: {  	(tag) =	ssettag $0x2  }
0x6df: {  	s0 =	rddreg [dreg:$0x0];
	s2 =	stileid.u32  }
0x6e0: {  	s1 =	rddreg [dreg:$0x1];
	p0 =	sne.s32 s2, $0x0  }
0x6e1: {  	s3 =	rddreg [dreg:$0x2];
	[bflag:$0x3] =	sbarrier.arrive $0xFFFF;
	s2 =	simm.s32 @!p0 $0x1C05  }
0x6e2: {  	[timem:s3], [sflag:s2] =	dma.local @!p0 [hbm:s0], s1  }
0x6e3: {  	s0 =	simm.s32 @!p0 $0x5  }
0x6e4: {  	_ =	swait.ge @!p0 [sflag:s0], s1  }
0x6e5: {  	s1 =	ssub.s32 @!p0 $0x0, s1;
	[sflag:s0] =	ssyncset.done @!p0 $0x0  }
0x6e6: {  	[sflag:s0] =	ssyncadd.s32 @!p0 s1  }
0x6e7: {  	[bflag:$0x3] =	sbarrier.arrive $0xFFFF  }
0x6e8: {  	_ =	shalt  }

</sc_bundles>
